<compile_context>
chip_gen: v7x
topology: tpu7x:2x2x1
jax: 0.10.2.dev20260603
libtpu: 0.0.44.dev20260713+nightly
codegen_flags: <defaults>
</compile_context>

<pallas_src>
import functools

import jax
import jax.numpy as jnp
from jax import lax
from jax.experimental import pallas as pl
from jax.experimental.pallas import tpu as pltpu
from jax.experimental.pallas import tpu_sc as plsc

B = 16384
D = 64
W = 128
G = 32768
H = G // 2
NC, NS = 2, 16
NW = NC * NS
BPW = B // NW
BK = 2048


def _repack_body(t_ref, out_ref):
    x = t_ref[...]
    xx = jnp.concatenate([x[:, :H], x[:, H:]], axis=0)
    out_ref[...] = xx.T


def _repack(tab_t):
    n = tab_t.shape[1]
    ng = (n + G - 1) // G
    return pl.pallas_call(
        _repack_body,
        grid=(ng,),
        in_specs=[pl.BlockSpec((D, G), lambda j: (0, j))],
        out_specs=pl.BlockSpec((H, W), lambda j: (j, 0)),
        out_shape=jax.ShapeDtypeStruct((ng * H, W), jnp.float32),
    )(tab_t)


CH = 256


def _remap(idx_v):
    for k in range(CH // 16):
        sl = pl.ds(k * 16, 16)
        v = idx_v[sl]
        idx_v[sl] = lax.bitwise_or(
            lax.shift_left(lax.shift_right_logical(v, 15), 14),
            lax.bitwise_and(v, H - 1))


def _pipe_gather(units, base, idx2, rows2, gsem2, ssem2):
    n = len(units)
    handles = [None] * n
    for k in range(n + 1):
        if k < n:
            ih, tab, out, c = units[k]
            b = k % 2
            if k >= 2:
                handles[k - 2][3].wait()
            sl = pl.ds(base + c * CH, CH)
            pltpu.sync_copy(ih.at[sl], idx2[b])
            _remap(idx2[b])
            g = pltpu.async_copy(tab.at[idx2[b]], rows2[b], gsem2[b])
            handles[k] = [g, out, sl, None, b]
        if 1 <= k <= n:
            h = handles[k - 1]
            h[0].wait()
            h[3] = pltpu.async_copy(rows2[h[4]], h[1].at[h[2]], ssem2[h[4]])
    handles[n - 1][3].wait()
    if n >= 2:
        handles[n - 2][3].wait()


def _gather3_body(item_idx, pos_idx, neg_idx, item_tab, tag_tab,
                  i_out, p_out, n_out,
                  idx_a, idx_b, rows_a, rows_b, gsem_a, gsem_b,
                  ssem_a, ssem_b):
    wid = lax.axis_index("s") * NC + lax.axis_index("c")
    base = wid * BPW
    jobs = ((item_idx, item_tab, i_out),
            (pos_idx, tag_tab, p_out),
            (neg_idx, tag_tab, n_out))
    units = [(ih, tab, out, c) for ih, tab, out in jobs
             for c in range(BPW // CH)]
    _pipe_gather(units, base, (idx_a, idx_b), (rows_a, rows_b),
                 (gsem_a, gsem_b), (ssem_a, ssem_b))


def _gather1_body(user_idx, user_tab, u_out,
                  idx_a, idx_b, rows_a, rows_b, gsem_a, gsem_b,
                  ssem_a, ssem_b):
    wid = lax.axis_index("s") * NC + lax.axis_index("c")
    base = wid * BPW
    units = [(user_idx, user_tab, u_out, c) for c in range(BPW // CH)]
    _pipe_gather(units, base, (idx_a, idx_b), (rows_a, rows_b),
                 (gsem_a, gsem_b), (ssem_a, ssem_b))


def _sc_mesh():
    return plsc.VectorSubcoreMesh(core_axis_name="c", subcore_axis_name="s",
                                  num_cores=NC, num_subcores=NS)


_SC_SCRATCH = lambda: [
    pltpu.VMEM((CH,), jnp.int32),
    pltpu.VMEM((CH,), jnp.int32),
    pltpu.VMEM((CH, W), jnp.float32),
    pltpu.VMEM((CH, W), jnp.float32),
    pltpu.SemaphoreType.DMA,
    pltpu.SemaphoreType.DMA,
    pltpu.SemaphoreType.DMA,
    pltpu.SemaphoreType.DMA,
]


def _gather3(item, pos_tag, neg_tag, item_tab2, tag_tab2):
    emb = jax.ShapeDtypeStruct((B, W), jnp.float32)
    run = pl.kernel(
        _gather3_body,
        out_type=(emb, emb, emb),
        mesh=_sc_mesh(),
        scratch_types=_SC_SCRATCH(),
    )
    return run(item, pos_tag, neg_tag, item_tab2, tag_tab2)


def _gather1(user, user_tab2):
    emb = jax.ShapeDtypeStruct((B, W), jnp.float32)
    run = pl.kernel(
        _gather1_body,
        out_type=emb,
        mesh=_sc_mesh(),
        scratch_types=_SC_SCRATCH(),
    )
    return run(user, user_tab2)


def _sel(x2, idx):
    par = lax.bitwise_and(lax.shift_right_logical(idx, 14), 1) == 1
    return jnp.where(par, x2[:, D:], x2[:, :D])


def _score_body(u_ref, i_ref, p_ref, n_ref, ui_ref, ii_ref, pi_ref, ni_ref,
                e_ref, c_ref, out_ref):
    u_emb = _sel(u_ref[...], ui_ref[...])
    i_emb = _sel(i_ref[...], ii_ref[...])
    u_bf = u_emb.astype(jnp.bfloat16)
    i_bf = i_emb.astype(jnp.bfloat16)
    u_exp = jnp.dot(u_bf, e_ref[...],
                    preferred_element_type=jnp.float32).astype(jnp.bfloat16)
    i_tiled = pltpu.repeat(i_bf, D, axis=1)
    p_outer = u_exp * i_tiled
    w = jnp.dot(p_outer, c_ref[...], preferred_element_type=jnp.float32)
    d = _sel(p_ref[...], pi_ref[...]) - _sel(n_ref[...], ni_ref[...])
    s = jnp.sum(w * d, axis=1)
    ls = jnp.minimum(s, 0.0) - jnp.log(1.0 + jnp.exp(-jnp.abs(s)))
    part = jnp.sum(ls)

    @pl.when(pl.program_id(0) == 0)
    def _init():
        out_ref[0, 0] = 0.0

    out_ref[0, 0] += part

    @pl.when(pl.program_id(0) == pl.num_programs(0) - 1)
    def _fin():
        out_ref[0, 0] = out_ref[0, 0] * (-1.0 / B)


def _score(u2, i2, p2, n2, ui, ii, pi, ni, core_tensor):
    e_mat = jnp.repeat(jnp.eye(D, dtype=jnp.bfloat16), D, axis=1)
    c_mat = core_tensor.reshape(D * D, D).astype(jnp.bfloat16)
    row = pl.BlockSpec((BK, W), lambda i: (i, 0))
    col = pl.BlockSpec((BK, 1), lambda i: (i, 0))
    loss = pl.pallas_call(
        _score_body,
        grid=(B // BK,),
        in_specs=[
            row, row, row, row,
            col, col, col, col,
            pl.BlockSpec((D, D * D), lambda i: (0, 0)),
            pl.BlockSpec((D * D, D), lambda i: (0, 0)),
        ],
        out_specs=pl.BlockSpec((1, 1), lambda i: (0, 0),
                               memory_space=pltpu.SMEM),
        out_shape=jax.ShapeDtypeStruct((1, 1), jnp.float32),
    )(u2, i2, p2, n2, ui, ii, pi, ni, e_mat, c_mat)
    return loss[0, 0]


def kernel(user, item, pos_tag, neg_tag, user_table, item_table,
           good_tag_table, core_tensor):
    it2 = _repack(item_table.T)
    tt2 = _repack(good_tag_table.T)
    i2, p2, n2 = _gather3(item, pos_tag, neg_tag, it2, tt2)
    ut_t, _, _ = lax.optimization_barrier((user_table.T, it2, tt2))
    ut2 = _repack(ut_t)
    u2 = _gather1(user, ut2)
    col = lambda idx: idx.reshape(B, 1)
    return _score(u2, i2, p2, n2, col(user), col(item), col(pos_tag),
                  col(neg_tag), core_tensor)

# --- scband reference (transcript-rebuilt; emitter-appended) ---
"""Pipeline reference for scband-two-tag-mter-88467736363517 (READ-ONLY COPY).

The authoritative reference and input builder live on the scoring server;
editing this copy changes nothing except your own understanding.
"""

import jax, jax.numpy as jnp
import numpy as np

B = 16384
USER_NUM = 1000000
ITEM_NUM = 100000
TAG_NUM = 1000
DU = 64
DI = 64
DT = 64


def setup_inputs(seed: int = 0) -> dict:
    key = jax.random.key(seed)
    ks = jax.random.split(key, 8)
    user = jax.random.randint(ks[0], (B,), 0, USER_NUM, dtype=jnp.int32)
    item = jax.random.randint(ks[1], (B,), 0, ITEM_NUM, dtype=jnp.int32)
    pos_tag = jax.random.randint(ks[2], (B,), 0, TAG_NUM, dtype=jnp.int32)
    neg_tag = jax.random.randint(ks[3], (B,), 0, TAG_NUM, dtype=jnp.int32)
    user_table = jax.random.normal(ks[4], (USER_NUM, DU), dtype=jnp.float32) * 0.01
    item_table = jax.random.normal(ks[5], (ITEM_NUM, DI), dtype=jnp.float32) * 0.01
    good_tag_table = jax.random.normal(ks[6], (TAG_NUM, DT), dtype=jnp.float32) * 0.01
    core_tensor = jax.random.normal(ks[7], (DU, DI, DT), dtype=jnp.float32) * 0.01
    return {"user": user, "item": item, "pos_tag": pos_tag, "neg_tag": neg_tag,
            "user_table": user_table, "item_table": item_table,
            "good_tag_table": good_tag_table, "core_tensor": core_tensor}


def _predict_tag_score(u_emb, i_emb, t_emb, core_tensor):
    # torch: matmul(core[1,du,di,dt], t_emb[B,1,dt,1]) -> [B,du,di];
    #        matmul([B,du,di], i_emb[B,di,1]) -> [B,du]; mul u_emb, sum(-1) -> [B]
    t_score = jnp.einsum('uit,bt->bui', core_tensor, t_emb)
    t_score = jnp.einsum('bui,bi->bu', t_score, i_emb)
    t_score = jnp.sum(t_score * u_emb, axis=-1)
    return t_score


def reference(user, item, pos_tag, neg_tag, user_table, item_table, good_tag_table, core_tensor):
    # calculate_good_aspect_loss path (embedding gathers + tensor-factorization scoring + BPR loss)
    u_emb = jnp.take(user_table, user, axis=0)
    i_emb = jnp.take(item_table, item, axis=0)
    pos_emb = jnp.take(good_tag_table, pos_tag, axis=0)
    neg_emb = jnp.take(good_tag_table, neg_tag, axis=0)
    pos_score = _predict_tag_score(u_emb, i_emb, pos_emb, core_tensor)
    neg_score = _predict_tag_score(u_emb, i_emb, neg_emb, core_tensor)
    # BPRLoss: -mean(log(sigmoid(pos - neg)))
    loss = -jnp.mean(jax.nn.log_sigmoid(pos_score - neg_score))
    return loss

if __name__ == "__main__":
    import jax
    _d = setup_inputs()
    print(jax.jit(kernel)(*tuple(_d.values())))

</pallas_src>

<mosaic_0001>
#map = affine_map<(d0, d1) -> (0)>
#map1 = affine_map<(d0, d1) -> (0, 0)>
module attributes {stable_mosaic.version = 14 : i64} {
  func.func @_gather1_body(%arg0: i32, %arg1: i32, %arg2: memref<16384xi32, #tpu.memory_space<hbm>>, %arg3: memref<507904x128xf32, #tpu.memory_space<hbm>>, %arg4: memref<16384x128xf32, #tpu.memory_space<hbm>>, %arg5: memref<256xi32, #tpu.memory_space<vmem>>, %arg6: memref<256xi32, #tpu.memory_space<vmem>>, %arg7: memref<256x128xf32, #tpu.memory_space<vmem>>, %arg8: memref<256x128xf32, #tpu.memory_space<vmem>>, %arg9: memref<!tpu.dma_semaphore, #tpu.memory_space<semaphore_mem>>, %arg10: memref<!tpu.dma_semaphore, #tpu.memory_space<semaphore_mem>>, %arg11: memref<!tpu.dma_semaphore, #tpu.memory_space<semaphore_mem>>, %arg12: memref<!tpu.dma_semaphore, #tpu.memory_space<semaphore_mem>>) attributes {dimension_semantics = [#tpu.dimension_semantics<core_parallel>, #tpu.dimension_semantics<subcore_parallel>], iteration_bounds = array<i64: 2, 16>, scalar_prefetch = 0 : i64, scratch_operands = 8 : i64, tpu.core_type = #tpu.core_type<sc_vector_subcore>, window_params = [{transform_indices = #map}, {transform_indices = #map1}, {transform_indices = #map1}]} {
    %mul3A = arith.constant 2 : i32
    %mul3A_0 = arith.muli %arg1, %mul3A : i32
    %add3A = arith.addi %mul3A_0, %arg0 : i32
    %mul3A_1 = arith.constant 512 : i32
    %mul3A_2 = arith.muli %add3A, %mul3A_1 : i32
    %add3A_3 = arith.constant 0 : i32
    %add3A_4 = arith.addi %mul3A_2, %add3A_3 : i32
    "tpu.region"() ({
      %run_scoped3A = tpu.sem_alloc : memref<!tpu.dma_semaphore, #tpu.memory_space<semaphore_mem>>
      %dma_start3A_571 = tpu.memref_slice %arg2[%add3A_4] : memref<16384xi32, #tpu.memory_space<hbm>> -> memref<256xi32, #tpu.memory_space<hbm>>
      %dma_start3A_572 = tpu.memref_slice %arg2[%add3A_4] : memref<16384xi32, #tpu.memory_space<hbm>> -> memref<256xi32, #tpu.memory_space<hbm>>
      tpu.enqueue_dma source(%dma_start3A_572 : memref<256xi32, #tpu.memory_space<hbm>>) target(%arg5 : memref<256xi32, #tpu.memory_space<vmem>>) target_semaphore(%run_scoped3A : memref<!tpu.dma_semaphore, #tpu.memory_space<semaphore_mem>>)
      %dma_wait3A_573 = tpu.memref_slice %arg2[%add3A_4] : memref<16384xi32, #tpu.memory_space<hbm>> -> memref<256xi32, #tpu.memory_space<hbm>>
      %dma_wait3A_574 = tpu.memref_slice %arg2[%add3A_4] : memref<16384xi32, #tpu.memory_space<hbm>> -> memref<256xi32, #tpu.memory_space<hbm>>
      tpu.wait_dma2 semaphore(%run_scoped3A : memref<!tpu.dma_semaphore, #tpu.memory_space<semaphore_mem>>) src(%dma_wait3A_574 : memref<256xi32, #tpu.memory_space<hbm>>) dst(%arg5 : memref<256xi32, #tpu.memory_space<vmem>>)
      tpu.yield
    }) : () -> ()
    %get3A = arith.constant 0 : index
    %get3A_5 = tpu.vector_load %arg5[%get3A] {strides = array<i32>} : memref<256xi32, #tpu.memory_space<vmem>>, vector<16xi32>,
    %get3A_6 = vector.shape_cast %get3A_5 : vector<16xi32> to vector<16xi32>
    %shift_right_logical3A = arith.constant 15 : i32
    %shift_right_logical3A_7 = vector.broadcast %shift_right_logical3A : i32 to vector<16xi32>
    %shift_right_logical3A_8 = arith.shrui %get3A_6, %shift_right_logical3A_7 : vector<16xi32>
    %shift_left3A = arith.constant 14 : i32
    %shift_left3A_9 = vector.broadcast %shift_left3A : i32 to vector<16xi32>
    %shift_left3A_10 = arith.shli %shift_right_logical3A_8, %shift_left3A_9 : vector<16xi32>
    %and3A = arith.constant 16383 : i32
    %and3A_11 = vector.broadcast %and3A : i32 to vector<16xi32>
    %and3A_12 = arith.andi %get3A_6, %and3A_11 : vector<16xi32>
    %or3A = arith.ori %shift_left3A_10, %and3A_12 : vector<16xi32>
    %swap3A = arith.constant 0 : index
    %swap3A_13 = tpu.vector_load %arg5[%swap3A] {strides = array<i32>} : memref<256xi32, #tpu.memory_space<vmem>>, vector<16xi32>,
    %swap3A_14 = vector.shape_cast %swap3A_13 : vector<16xi32> to vector<16xi32>
    %swap3A_15 = vector.shape_cast %or3A : vector<16xi32> to vector<16xi32>
    tpu.vector_store %arg5[%swap3A], %swap3A_15 {strides = array<i32>} : memref<256xi32, #tpu.memory_space<vmem>>, vector<16xi32>,
    %get3A_16 = arith.constant 16 : index
    %get3A_17 = tpu.vector_load %arg5[%get3A_16] {strides = array<i32>} : memref<256xi32, #tpu.memory_space<vmem>>, vector<16xi32>,
    %get3A_18 = vector.shape_cast %get3A_17 : vector<16xi32> to vector<16xi32>
    %shift_right_logical3A_19 = arith.constant 15 : i32
    %shift_right_logical3A_20 = vector.broadcast %shift_right_logical3A_19 : i32 to vector<16xi32>
    %shift_right_logical3A_21 = arith.shrui %get3A_18, %shift_right_logical3A_20 : vector<16xi32>
    %shift_left3A_22 = arith.constant 14 : i32
    %shift_left3A_23 = vector.broadcast %shift_left3A_22 : i32 to vector<16xi32>
    %shift_left3A_24 = arith.shli %shift_right_logical3A_21, %shift_left3A_23 : vector<16xi32>
    %and3A_25 = arith.constant 16383 : i32
    %and3A_26 = vector.broadcast %and3A_25 : i32 to vector<16xi32>
    %and3A_27 = arith.andi %get3A_18, %and3A_26 : vector<16xi32>
    %or3A_28 = arith.ori %shift_left3A_24, %and3A_27 : vector<16xi32>
    %swap3A_29 = arith.constant 16 : index
    %swap3A_30 = tpu.vector_load %arg5[%swap3A_29] {strides = array<i32>} : memref<256xi32, #tpu.memory_space<vmem>>, vector<16xi32>,
    %swap3A_31 = vector.shape_cast %swap3A_30 : vector<16xi32> to vector<16xi32>
    %swap3A_32 = vector.shape_cast %or3A_28 : vector<16xi32> to vector<16xi32>
    tpu.vector_store %arg5[%swap3A_29], %swap3A_32 {strides = array<i32>} : memref<256xi32, #tpu.memory_space<vmem>>, vector<16xi32>,
    %get3A_33 = arith.constant 32 : index
    %get3A_34 = tpu.vector_load %arg5[%get3A_33] {strides = array<i32>} : memref<256xi32, #tpu.memory_space<vmem>>, vector<16xi32>,
    %get3A_35 = vector.shape_cast %get3A_34 : vector<16xi32> to vector<16xi32>
    %shift_right_logical3A_36 = arith.constant 15 : i32
    %shift_right_logical3A_37 = vector.broadcast %shift_right_logical3A_36 : i32 to vector<16xi32>
    %shift_right_logical3A_38 = arith.shrui %get3A_35, %shift_right_logical3A_37 : vector<16xi32>
    %shift_left3A_39 = arith.constant 14 : i32
    %shift_left3A_40 = vector.broadcast %shift_left3A_39 : i32 to vector<16xi32>
    %shift_left3A_41 = arith.shli %shift_right_logical3A_38, %shift_left3A_40 : vector<16xi32>
    %and3A_42 = arith.constant 16383 : i32
    %and3A_43 = vector.broadcast %and3A_42 : i32 to vector<16xi32>
    %and3A_44 = arith.andi %get3A_35, %and3A_43 : vector<16xi32>
    %or3A_45 = arith.ori %shift_left3A_41, %and3A_44 : vector<16xi32>
    %swap3A_46 = arith.constant 32 : index
    %swap3A_47 = tpu.vector_load %arg5[%swap3A_46] {strides = array<i32>} : memref<256xi32, #tpu.memory_space<vmem>>, vector<16xi32>,
    %swap3A_48 = vector.shape_cast %swap3A_47 : vector<16xi32> to vector<16xi32>
    %swap3A_49 = vector.shape_cast %or3A_45 : vector<16xi32> to vector<16xi32>
    tpu.vector_store %arg5[%swap3A_46], %swap3A_49 {strides = array<i32>} : memref<256xi32, #tpu.memory_space<vmem>>, vector<16xi32>,
    %get3A_50 = arith.constant 48 : index
    %get3A_51 = tpu.vector_load %arg5[%get3A_50] {strides = array<i32>} : memref<256xi32, #tpu.memory_space<vmem>>, vector<16xi32>,
    %get3A_52 = vector.shape_cast %get3A_51 : vector<16xi32> to vector<16xi32>
    %shift_right_logical3A_53 = arith.constant 15 : i32
    %shift_right_logical3A_54 = vector.broadcast %shift_right_logical3A_53 : i32 to vector<16xi32>
    %shift_right_logical3A_55 = arith.shrui %get3A_52, %shift_right_logical3A_54 : vector<16xi32>
    %shift_left3A_56 = arith.constant 14 : i32
    %shift_left3A_57 = vector.broadcast %shift_left3A_56 : i32 to vector<16xi32>
    %shift_left3A_58 = arith.shli %shift_right_logical3A_55, %shift_left3A_57 : vector<16xi32>
    %and3A_59 = arith.constant 16383 : i32
    %and3A_60 = vector.broadcast %and3A_59 : i32 to vector<16xi32>
    %and3A_61 = arith.andi %get3A_52, %and3A_60 : vector<16xi32>
    %or3A_62 = arith.ori %shift_left3A_58, %and3A_61 : vector<16xi32>
    %swap3A_63 = arith.constant 48 : index
    %swap3A_64 = tpu.vector_load %arg5[%swap3A_63] {strides = array<i32>} : memref<256xi32, #tpu.memory_space<vmem>>, vector<16xi32>,
    %swap3A_65 = vector.shape_cast %swap3A_64 : vector<16xi32> to vector<16xi32>
    %swap3A_66 = vector.shape_cast %or3A_62 : vector<16xi32> to vector<16xi32>
    tpu.vector_store %arg5[%swap3A_63], %swap3A_66 {strides = array<i32>} : memref<256xi32, #tpu.memory_space<vmem>>, vector<16xi32>,
    %get3A_67 = arith.constant 64 : index
    %get3A_68 = tpu.vector_load %arg5[%get3A_67] {strides = array<i32>} : memref<256xi32, #tpu.memory_space<vmem>>, vector<16xi32>,
    %get3A_69 = vector.shape_cast %get3A_68 : vector<16xi32> to vector<16xi32>
    %shift_right_logical3A_70 = arith.constant 15 : i32
    %shift_right_logical3A_71 = vector.broadcast %shift_right_logical3A_70 : i32 to vector<16xi32>
    %shift_right_logical3A_72 = arith.shrui %get3A_69, %shift_right_logical3A_71 : vector<16xi32>
    %shift_left3A_73 = arith.constant 14 : i32
    %shift_left3A_74 = vector.broadcast %shift_left3A_73 : i32 to vector<16xi32>
    %shift_left3A_75 = arith.shli %shift_right_logical3A_72, %shift_left3A_74 : vector<16xi32>
    %and3A_76 = arith.constant 16383 : i32
    %and3A_77 = vector.broadcast %and3A_76 : i32 to vector<16xi32>
    %and3A_78 = arith.andi %get3A_69, %and3A_77 : vector<16xi32>
    %or3A_79 = arith.ori %shift_left3A_75, %and3A_78 : vector<16xi32>
    %swap3A_80 = arith.constant 64 : index
    %swap3A_81 = tpu.vector_load %arg5[%swap3A_80] {strides = array<i32>} : memref<256xi32, #tpu.memory_space<vmem>>, vector<16xi32>,
    %swap3A_82 = vector.shape_cast %swap3A_81 : vector<16xi32> to vector<16xi32>
    %swap3A_83 = vector.shape_cast %or3A_79 : vector<16xi32> to vector<16xi32>
    tpu.vector_store %arg5[%swap3A_80], %swap3A_83 {strides = array<i32>} : memref<256xi32, #tpu.memory_space<vmem>>, vector<16xi32>,
    %get3A_84 = arith.constant 80 : index
    %get3A_85 = tpu.vector_load %arg5[%get3A_84] {strides = array<i32>} : memref<256xi32, #tpu.memory_space<vmem>>, vector<16xi32>,
    %get3A_86 = vector.shape_cast %get3A_85 : vector<16xi32> to vector<16xi32>
    %shift_right_logical3A_87 = arith.constant 15 : i32
    %shift_right_logical3A_88 = vector.broadcast %shift_right_logical3A_87 : i32 to vector<16xi32>
    %shift_right_logical3A_89 = arith.shrui %get3A_86, %shift_right_logical3A_88 : vector<16xi32>
    %shift_left3A_90 = arith.constant 14 : i32
    %shift_left3A_91 = vector.broadcast %shift_left3A_90 : i32 to vector<16xi32>
    %shift_left3A_92 = arith.shli %shift_right_logical3A_89, %shift_left3A_91 : vector<16xi32>
    %and3A_93 = arith.constant 16383 : i32
    %and3A_94 = vector.broadcast %and3A_93 : i32 to vector<16xi32>
    %and3A_95 = arith.andi %get3A_86, %and3A_94 : vector<16xi32>
    %or3A_96 = arith.ori %shift_left3A_92, %and3A_95 : vector<16xi32>
    %swap3A_97 = arith.constant 80 : index
    %swap3A_98 = tpu.vector_load %arg5[%swap3A_97] {strides = array<i32>} : memref<256xi32, #tpu.memory_space<vmem>>, vector<16xi32>,
    %swap3A_99 = vector.shape_cast %swap3A_98 : vector<16xi32> to vector<16xi32>
    %swap3A_100 = vector.shape_cast %or3A_96 : vector<16xi32> to vector<16xi32>
    tpu.vector_store %arg5[%swap3A_97], %swap3A_100 {strides = array<i32>} : memref<256xi32, #tpu.memory_space<vmem>>, vector<16xi32>,
    %get3A_101 = arith.constant 96 : index
    %get3A_102 = tpu.vector_load %arg5[%get3A_101] {strides = array<i32>} : memref<256xi32, #tpu.memory_space<vmem>>, vector<16xi32>,
    %get3A_103 = vector.shape_cast %get3A_102 : vector<16xi32> to vector<16xi32>
    %shift_right_logical3A_104 = arith.constant 15 : i32
    %shift_right_logical3A_105 = vector.broadcast %shift_right_logical3A_104 : i32 to vector<16xi32>
    %shift_right_logical3A_106 = arith.shrui %get3A_103, %shift_right_logical3A_105 : vector<16xi32>
    %shift_left3A_107 = arith.constant 14 : i32
    %shift_left3A_108 = vector.broadcast %shift_left3A_107 : i32 to vector<16xi32>
    %shift_left3A_109 = arith.shli %shift_right_logical3A_106, %shift_left3A_108 : vector<16xi32>
    %and3A_110 = arith.constant 16383 : i32
    %and3A_111 = vector.broadcast %and3A_110 : i32 to vector<16xi32>
    %and3A_112 = arith.andi %get3A_103, %and3A_111 : vector<16xi32>
    %or3A_113 = arith.ori %shift_left3A_109, %and3A_112 : vector<16xi32>
    %swap3A_114 = arith.constant 96 : index
    %swap3A_115 = tpu.vector_load %arg5[%swap3A_114] {strides = array<i32>} : memref<256xi32, #tpu.memory_space<vmem>>, vector<16xi32>,
    %swap3A_116 = vector.shape_cast %swap3A_115 : vector<16xi32> to vector<16xi32>
    %swap3A_117 = vector.shape_cast %or3A_113 : vector<16xi32> to vector<16xi32>
    tpu.vector_store %arg5[%swap3A_114], %swap3A_117 {strides = array<i32>} : memref<256xi32, #tpu.memory_space<vmem>>, vector<16xi32>,
    %get3A_118 = arith.constant 112 : index
    %get3A_119 = tpu.vector_load %arg5[%get3A_118] {strides = array<i32>} : memref<256xi32, #tpu.memory_space<vmem>>, vector<16xi32>,
    %get3A_120 = vector.shape_cast %get3A_119 : vector<16xi32> to vector<16xi32>
    %shift_right_logical3A_121 = arith.constant 15 : i32
    %shift_right_logical3A_122 = vector.broadcast %shift_right_logical3A_121 : i32 to vector<16xi32>
    %shift_right_logical3A_123 = arith.shrui %get3A_120, %shift_right_logical3A_122 : vector<16xi32>
    %shift_left3A_124 = arith.constant 14 : i32
    %shift_left3A_125 = vector.broadcast %shift_left3A_124 : i32 to vector<16xi32>
    %shift_left3A_126 = arith.shli %shift_right_logical3A_123, %shift_left3A_125 : vector<16xi32>
    %and3A_127 = arith.constant 16383 : i32
    %and3A_128 = vector.broadcast %and3A_127 : i32 to vector<16xi32>
    %and3A_129 = arith.andi %get3A_120, %and3A_128 : vector<16xi32>
    %or3A_130 = arith.ori %shift_left3A_126, %and3A_129 : vector<16xi32>
    %swap3A_131 = arith.constant 112 : index
    %swap3A_132 = tpu.vector_load %arg5[%swap3A_131] {strides = array<i32>} : memref<256xi32, #tpu.memory_space<vmem>>, vector<16xi32>,
    %swap3A_133 = vector.shape_cast %swap3A_132 : vector<16xi32> to vector<16xi32>
    %swap3A_134 = vector.shape_cast %or3A_130 : vector<16xi32> to vector<16xi32>
    tpu.vector_store %arg5[%swap3A_131], %swap3A_134 {strides = array<i32>} : memref<256xi32, #tpu.memory_space<vmem>>, vector<16xi32>,
    %get3A_135 = arith.constant 128 : index
    %get3A_136 = tpu.vector_load %arg5[%get3A_135] {strides = array<i32>} : memref<256xi32, #tpu.memory_space<vmem>>, vector<16xi32>,
    %get3A_137 = vector.shape_cast %get3A_136 : vector<16xi32> to vector<16xi32>
    %shift_right_logical3A_138 = arith.constant 15 : i32
    %shift_right_logical3A_139 = vector.broadcast %shift_right_logical3A_138 : i32 to vector<16xi32>
    %shift_right_logical3A_140 = arith.shrui %get3A_137, %shift_right_logical3A_139 : vector<16xi32>
    %shift_left3A_141 = arith.constant 14 : i32
    %shift_left3A_142 = vector.broadcast %shift_left3A_141 : i32 to vector<16xi32>
    %shift_left3A_143 = arith.shli %shift_right_logical3A_140, %shift_left3A_142 : vector<16xi32>
    %and3A_144 = arith.constant 16383 : i32
    %and3A_145 = vector.broadcast %and3A_144 : i32 to vector<16xi32>
    %and3A_146 = arith.andi %get3A_137, %and3A_145 : vector<16xi32>
    %or3A_147 = arith.ori %shift_left3A_143, %and3A_146 : vector<16xi32>
    %swap3A_148 = arith.constant 128 : index
    %swap3A_149 = tpu.vector_load %arg5[%swap3A_148] {strides = array<i32>} : memref<256xi32, #tpu.memory_space<vmem>>, vector<16xi32>,
    %swap3A_150 = vector.shape_cast %swap3A_149 : vector<16xi32> to vector<16xi32>
    %swap3A_151 = vector.shape_cast %or3A_147 : vector<16xi32> to vector<16xi32>
    tpu.vector_store %arg5[%swap3A_148], %swap3A_151 {strides = array<i32>} : memref<256xi32, #tpu.memory_space<vmem>>, vector<16xi32>,
    %get3A_152 = arith.constant 144 : index
    %get3A_153 = tpu.vector_load %arg5[%get3A_152] {strides = array<i32>} : memref<256xi32, #tpu.memory_space<vmem>>, vector<16xi32>,
    %get3A_154 = vector.shape_cast %get3A_153 : vector<16xi32> to vector<16xi32>
    %shift_right_logical3A_155 = arith.constant 15 : i32
    %shift_right_logical3A_156 = vector.broadcast %shift_right_logical3A_155 : i32 to vector<16xi32>
    %shift_right_logical3A_157 = arith.shrui %get3A_154, %shift_right_logical3A_156 : vector<16xi32>
    %shift_left3A_158 = arith.constant 14 : i32
    %shift_left3A_159 = vector.broadcast %shift_left3A_158 : i32 to vector<16xi32>
    %shift_left3A_160 = arith.shli %shift_right_logical3A_157, %shift_left3A_159 : vector<16xi32>
    %and3A_161 = arith.constant 16383 : i32
    %and3A_162 = vector.broadcast %and3A_161 : i32 to vector<16xi32>
    %and3A_163 = arith.andi %get3A_154, %and3A_162 : vector<16xi32>
    %or3A_164 = arith.ori %shift_left3A_160, %and3A_163 : vector<16xi32>
    %swap3A_165 = arith.constant 144 : index
    %swap3A_166 = tpu.vector_load %arg5[%swap3A_165] {strides = array<i32>} : memref<256xi32, #tpu.memory_space<vmem>>, vector<16xi32>,
    %swap3A_167 = vector.shape_cast %swap3A_166 : vector<16xi32> to vector<16xi32>
    %swap3A_168 = vector.shape_cast %or3A_164 : vector<16xi32> to vector<16xi32>
    tpu.vector_store %arg5[%swap3A_165], %swap3A_168 {strides = array<i32>} : memref<256xi32, #tpu.memory_space<vmem>>, vector<16xi32>,
    %get3A_169 = arith.constant 160 : index
    %get3A_170 = tpu.vector_load %arg5[%get3A_169] {strides = array<i32>} : memref<256xi32, #tpu.memory_space<vmem>>, vector<16xi32>,
    %get3A_171 = vector.shape_cast %get3A_170 : vector<16xi32> to vector<16xi32>
    %shift_right_logical3A_172 = arith.constant 15 : i32
    %shift_right_logical3A_173 = vector.broadcast %shift_right_logical3A_172 : i32 to vector<16xi32>
    %shift_right_logical3A_174 = arith.shrui %get3A_171, %shift_right_logical3A_173 : vector<16xi32>
    %shift_left3A_175 = arith.constant 14 : i32
    %shift_left3A_176 = vector.broadcast %shift_left3A_175 : i32 to vector<16xi32>
    %shift_left3A_177 = arith.shli %shift_right_logical3A_174, %shift_left3A_176 : vector<16xi32>
    %and3A_178 = arith.constant 16383 : i32
    %and3A_179 = vector.broadcast %and3A_178 : i32 to vector<16xi32>
    %and3A_180 = arith.andi %get3A_171, %and3A_179 : vector<16xi32>
    %or3A_181 = arith.ori %shift_left3A_177, %and3A_180 : vector<16xi32>
    %swap3A_182 = arith.constant 160 : index
    %swap3A_183 = tpu.vector_load %arg5[%swap3A_182] {strides = array<i32>} : memref<256xi32, #tpu.memory_space<vmem>>, vector<16xi32>,
    %swap3A_184 = vector.shape_cast %swap3A_183 : vector<16xi32> to vector<16xi32>
    %swap3A_185 = vector.shape_cast %or3A_181 : vector<16xi32> to vector<16xi32>
    tpu.vector_store %arg5[%swap3A_182], %swap3A_185 {strides = array<i32>} : memref<256xi32, #tpu.memory_space<vmem>>, vector<16xi32>,
    %get3A_186 = arith.constant 176 : index
    %get3A_187 = tpu.vector_load %arg5[%get3A_186] {strides = array<i32>} : memref<256xi32, #tpu.memory_space<vmem>>, vector<16xi32>,
    %get3A_188 = vector.shape_cast %get3A_187 : vector<16xi32> to vector<16xi32>
    %shift_right_logical3A_189 = arith.constant 15 : i32
    %shift_right_logical3A_190 = vector.broadcast %shift_right_logical3A_189 : i32 to vector<16xi32>
    %shift_right_logical3A_191 = arith.shrui %get3A_188, %shift_right_logical3A_190 : vector<16xi32>
    %shift_left3A_192 = arith.constant 14 : i32
    %shift_left3A_193 = vector.broadcast %shift_left3A_192 : i32 to vector<16xi32>
    %shift_left3A_194 = arith.shli %shift_right_logical3A_191, %shift_left3A_193 : vector<16xi32>
    %and3A_195 = arith.constant 16383 : i32
    %and3A_196 = vector.broadcast %and3A_195 : i32 to vector<16xi32>
    %and3A_197 = arith.andi %get3A_188, %and3A_196 : vector<16xi32>
    %or3A_198 = arith.ori %shift_left3A_194, %and3A_197 : vector<16xi32>
    %swap3A_199 = arith.constant 176 : index
    %swap3A_200 = tpu.vector_load %arg5[%swap3A_199] {strides = array<i32>} : memref<256xi32, #tpu.memory_space<vmem>>, vector<16xi32>,
    %swap3A_201 = vector.shape_cast %swap3A_200 : vector<16xi32> to vector<16xi32>
    %swap3A_202 = vector.shape_cast %or3A_198 : vector<16xi32> to vector<16xi32>
    tpu.vector_store %arg5[%swap3A_199], %swap3A_202 {strides = array<i32>} : memref<256xi32, #tpu.memory_space<vmem>>, vector<16xi32>,
    %get3A_203 = arith.constant 192 : index
    %get3A_204 = tpu.vector_load %arg5[%get3A_203] {strides = array<i32>} : memref<256xi32, #tpu.memory_space<vmem>>, vector<16xi32>,
    %get3A_205 = vector.shape_cast %get3A_204 : vector<16xi32> to vector<16xi32>
    %shift_right_logical3A_206 = arith.constant 15 : i32
    %shift_right_logical3A_207 = vector.broadcast %shift_right_logical3A_206 : i32 to vector<16xi32>
    %shift_right_logical3A_208 = arith.shrui %get3A_205, %shift_right_logical3A_207 : vector<16xi32>
    %shift_left3A_209 = arith.constant 14 : i32
    %shift_left3A_210 = vector.broadcast %shift_left3A_209 : i32 to vector<16xi32>
    %shift_left3A_211 = arith.shli %shift_right_logical3A_208, %shift_left3A_210 : vector<16xi32>
    %and3A_212 = arith.constant 16383 : i32
    %and3A_213 = vector.broadcast %and3A_212 : i32 to vector<16xi32>
    %and3A_214 = arith.andi %get3A_205, %and3A_213 : vector<16xi32>
    %or3A_215 = arith.ori %shift_left3A_211, %and3A_214 : vector<16xi32>
    %swap3A_216 = arith.constant 192 : index
    %swap3A_217 = tpu.vector_load %arg5[%swap3A_216] {strides = array<i32>} : memref<256xi32, #tpu.memory_space<vmem>>, vector<16xi32>,
    %swap3A_218 = vector.shape_cast %swap3A_217 : vector<16xi32> to vector<16xi32>
    %swap3A_219 = vector.shape_cast %or3A_215 : vector<16xi32> to vector<16xi32>
    tpu.vector_store %arg5[%swap3A_216], %swap3A_219 {strides = array<i32>} : memref<256xi32, #tpu.memory_space<vmem>>, vector<16xi32>,
    %get3A_220 = arith.constant 208 : index
    %get3A_221 = tpu.vector_load %arg5[%get3A_220] {strides = array<i32>} : memref<256xi32, #tpu.memory_space<vmem>>, vector<16xi32>,
    %get3A_222 = vector.shape_cast %get3A_221 : vector<16xi32> to vector<16xi32>
    %shift_right_logical3A_223 = arith.constant 15 : i32
    %shift_right_logical3A_224 = vector.broadcast %shift_right_logical3A_223 : i32 to vector<16xi32>
    %shift_right_logical3A_225 = arith.shrui %get3A_222, %shift_right_logical3A_224 : vector<16xi32>
    %shift_left3A_226 = arith.constant 14 : i32
    %shift_left3A_227 = vector.broadcast %shift_left3A_226 : i32 to vector<16xi32>
    %shift_left3A_228 = arith.shli %shift_right_logical3A_225, %shift_left3A_227 : vector<16xi32>
    %and3A_229 = arith.constant 16383 : i32
    %and3A_230 = vector.broadcast %and3A_229 : i32 to vector<16xi32>
    %and3A_231 = arith.andi %get3A_222, %and3A_230 : vector<16xi32>
    %or3A_232 = arith.ori %shift_left3A_228, %and3A_231 : vector<16xi32>
    %swap3A_233 = arith.constant 208 : index
    %swap3A_234 = tpu.vector_load %arg5[%swap3A_233] {strides = array<i32>} : memref<256xi32, #tpu.memory_space<vmem>>, vector<16xi32>,
    %swap3A_235 = vector.shape_cast %swap3A_234 : vector<16xi32> to vector<16xi32>
    %swap3A_236 = vector.shape_cast %or3A_232 : vector<16xi32> to vector<16xi32>
    tpu.vector_store %arg5[%swap3A_233], %swap3A_236 {strides = array<i32>} : memref<256xi32, #tpu.memory_space<vmem>>, vector<16xi32>,
    %get3A_237 = arith.constant 224 : index
    %get3A_238 = tpu.vector_load %arg5[%get3A_237] {strides = array<i32>} : memref<256xi32, #tpu.memory_space<vmem>>, vector<16xi32>,
    %get3A_239 = vector.shape_cast %get3A_238 : vector<16xi32> to vector<16xi32>
    %shift_right_logical3A_240 = arith.constant 15 : i32
    %shift_right_logical3A_241 = vector.broadcast %shift_right_logical3A_240 : i32 to vector<16xi32>
    %shift_right_logical3A_242 = arith.shrui %get3A_239, %shift_right_logical3A_241 : vector<16xi32>
    %shift_left3A_243 = arith.constant 14 : i32
    %shift_left3A_244 = vector.broadcast %shift_left3A_243 : i32 to vector<16xi32>
    %shift_left3A_245 = arith.shli %shift_right_logical3A_242, %shift_left3A_244 : vector<16xi32>
    %and3A_246 = arith.constant 16383 : i32
    %and3A_247 = vector.broadcast %and3A_246 : i32 to vector<16xi32>
    %and3A_248 = arith.andi %get3A_239, %and3A_247 : vector<16xi32>
    %or3A_249 = arith.ori %shift_left3A_245, %and3A_248 : vector<16xi32>
    %swap3A_250 = arith.constant 224 : index
    %swap3A_251 = tpu.vector_load %arg5[%swap3A_250] {strides = array<i32>} : memref<256xi32, #tpu.memory_space<vmem>>, vector<16xi32>,
    %swap3A_252 = vector.shape_cast %swap3A_251 : vector<16xi32> to vector<16xi32>
    %swap3A_253 = vector.shape_cast %or3A_249 : vector<16xi32> to vector<16xi32>
    tpu.vector_store %arg5[%swap3A_250], %swap3A_253 {strides = array<i32>} : memref<256xi32, #tpu.memory_space<vmem>>, vector<16xi32>,
    %get3A_254 = arith.constant 240 : index
    %get3A_255 = tpu.vector_load %arg5[%get3A_254] {strides = array<i32>} : memref<256xi32, #tpu.memory_space<vmem>>, vector<16xi32>,
    %get3A_256 = vector.shape_cast %get3A_255 : vector<16xi32> to vector<16xi32>
    %shift_right_logical3A_257 = arith.constant 15 : i32
    %shift_right_logical3A_258 = vector.broadcast %shift_right_logical3A_257 : i32 to vector<16xi32>
    %shift_right_logical3A_259 = arith.shrui %get3A_256, %shift_right_logical3A_258 : vector<16xi32>
    %shift_left3A_260 = arith.constant 14 : i32
    %shift_left3A_261 = vector.broadcast %shift_left3A_260 : i32 to vector<16xi32>
    %shift_left3A_262 = arith.shli %shift_right_logical3A_259, %shift_left3A_261 : vector<16xi32>
    %and3A_263 = arith.constant 16383 : i32
    %and3A_264 = vector.broadcast %and3A_263 : i32 to vector<16xi32>
    %and3A_265 = arith.andi %get3A_256, %and3A_264 : vector<16xi32>
    %or3A_266 = arith.ori %shift_left3A_262, %and3A_265 : vector<16xi32>
    %swap3A_267 = arith.constant 240 : index
    %swap3A_268 = tpu.vector_load %arg5[%swap3A_267] {strides = array<i32>} : memref<256xi32, #tpu.memory_space<vmem>>, vector<16xi32>,
    %swap3A_269 = vector.shape_cast %swap3A_268 : vector<16xi32> to vector<16xi32>
    %swap3A_270 = vector.shape_cast %or3A_266 : vector<16xi32> to vector<16xi32>
    tpu.vector_store %arg5[%swap3A_267], %swap3A_270 {strides = array<i32>} : memref<256xi32, #tpu.memory_space<vmem>>, vector<16xi32>,
    %dma_start3A = arith.constant 0 : i32
    %dma_start3A_271 = arith.constant 0 : i32
    %dma_start3A_272 = tpu.memref_slice %arg3[%dma_start3A, %dma_start3A_271] : memref<507904x128xf32, #tpu.memory_space<hbm>> -> memref<507904x128xf32, #tpu.memory_space<hbm>>
    tpu.enqueue_indirect_dma source(%dma_start3A_272 : memref<507904x128xf32, #tpu.memory_space<hbm>>) target(%arg7 : memref<256x128xf32, #tpu.memory_space<vmem>>) offsets(%arg5 : memref<256xi32, #tpu.memory_space<vmem>>) semaphore(%arg9 : memref<!tpu.dma_semaphore, #tpu.memory_space<semaphore_mem>>)
    %add3A_273 = arith.constant 256 : i32
    %add3A_274 = arith.addi %mul3A_2, %add3A_273 : i32
    "tpu.region"() ({
      %run_scoped3A = tpu.sem_alloc : memref<!tpu.dma_semaphore, #tpu.memory_space<semaphore_mem>>
      %dma_start3A_571 = tpu.memref_slice %arg2[%add3A_274] : memref<16384xi32, #tpu.memory_space<hbm>> -> memref<256xi32, #tpu.memory_space<hbm>>
      %dma_start3A_572 = tpu.memref_slice %arg2[%add3A_274] : memref<16384xi32, #tpu.memory_space<hbm>> -> memref<256xi32, #tpu.memory_space<hbm>>
      tpu.enqueue_dma source(%dma_start3A_572 : memref<256xi32, #tpu.memory_space<hbm>>) target(%arg6 : memref<256xi32, #tpu.memory_space<vmem>>) target_semaphore(%run_scoped3A : memref<!tpu.dma_semaphore, #tpu.memory_space<semaphore_mem>>)
      %dma_wait3A_573 = tpu.memref_slice %arg2[%add3A_274] : memref<16384xi32, #tpu.memory_space<hbm>> -> memref<256xi32, #tpu.memory_space<hbm>>
      %dma_wait3A_574 = tpu.memref_slice %arg2[%add3A_274] : memref<16384xi32, #tpu.memory_space<hbm>> -> memref<256xi32, #tpu.memory_space<hbm>>
      tpu.wait_dma2 semaphore(%run_scoped3A : memref<!tpu.dma_semaphore, #tpu.memory_space<semaphore_mem>>) src(%dma_wait3A_574 : memref<256xi32, #tpu.memory_space<hbm>>) dst(%arg6 : memref<256xi32, #tpu.memory_space<vmem>>)
      tpu.yield
    }) : () -> ()
    %get3A_275 = arith.constant 0 : index
    %get3A_276 = tpu.vector_load %arg6[%get3A_275] {strides = array<i32>} : memref<256xi32, #tpu.memory_space<vmem>>, vector<16xi32>,
    %get3A_277 = vector.shape_cast %get3A_276 : vector<16xi32> to vector<16xi32>
    %shift_right_logical3A_278 = arith.constant 15 : i32
    %shift_right_logical3A_279 = vector.broadcast %shift_right_logical3A_278 : i32 to vector<16xi32>
    %shift_right_logical3A_280 = arith.shrui %get3A_277, %shift_right_logical3A_279 : vector<16xi32>
    %shift_left3A_281 = arith.constant 14 : i32
    %shift_left3A_282 = vector.broadcast %shift_left3A_281 : i32 to vector<16xi32>
    %shift_left3A_283 = arith.shli %shift_right_logical3A_280, %shift_left3A_282 : vector<16xi32>
    %and3A_284 = arith.constant 16383 : i32
    %and3A_285 = vector.broadcast %and3A_284 : i32 to vector<16xi32>
    %and3A_286 = arith.andi %get3A_277, %and3A_285 : vector<16xi32>
    %or3A_287 = arith.ori %shift_left3A_283, %and3A_286 : vector<16xi32>
    %swap3A_288 = arith.constant 0 : index
    %swap3A_289 = tpu.vector_load %arg6[%swap3A_288] {strides = array<i32>} : memref<256xi32, #tpu.memory_space<vmem>>, vector<16xi32>,
    %swap3A_290 = vector.shape_cast %swap3A_289 : vector<16xi32> to vector<16xi32>
    %swap3A_291 = vector.shape_cast %or3A_287 : vector<16xi32> to vector<16xi32>
    tpu.vector_store %arg6[%swap3A_288], %swap3A_291 {strides = array<i32>} : memref<256xi32, #tpu.memory_space<vmem>>, vector<16xi32>,
    %get3A_292 = arith.constant 16 : index
    %get3A_293 = tpu.vector_load %arg6[%get3A_292] {strides = array<i32>} : memref<256xi32, #tpu.memory_space<vmem>>, vector<16xi32>,
    %get3A_294 = vector.shape_cast %get3A_293 : vector<16xi32> to vector<16xi32>
    %shift_right_logical3A_295 = arith.constant 15 : i32
    %shift_right_logical3A_296 = vector.broadcast %shift_right_logical3A_295 : i32 to vector<16xi32>
    %shift_right_logical3A_297 = arith.shrui %get3A_294, %shift_right_logical3A_296 : vector<16xi32>
    %shift_left3A_298 = arith.constant 14 : i32
    %shift_left3A_299 = vector.broadcast %shift_left3A_298 : i32 to vector<16xi32>
    %shift_left3A_300 = arith.shli %shift_right_logical3A_297, %shift_left3A_299 : vector<16xi32>
    %and3A_301 = arith.constant 16383 : i32
    %and3A_302 = vector.broadcast %and3A_301 : i32 to vector<16xi32>
    %and3A_303 = arith.andi %get3A_294, %and3A_302 : vector<16xi32>
    %or3A_304 = arith.ori %shift_left3A_300, %and3A_303 : vector<16xi32>
    %swap3A_305 = arith.constant 16 : index
    %swap3A_306 = tpu.vector_load %arg6[%swap3A_305] {strides = array<i32>} : memref<256xi32, #tpu.memory_space<vmem>>, vector<16xi32>,
    %swap3A_307 = vector.shape_cast %swap3A_306 : vector<16xi32> to vector<16xi32>
    %swap3A_308 = vector.shape_cast %or3A_304 : vector<16xi32> to vector<16xi32>
    tpu.vector_store %arg6[%swap3A_305], %swap3A_308 {strides = array<i32>} : memref<256xi32, #tpu.memory_space<vmem>>, vector<16xi32>,
    %get3A_309 = arith.constant 32 : index
    %get3A_310 = tpu.vector_load %arg6[%get3A_309] {strides = array<i32>} : memref<256xi32, #tpu.memory_space<vmem>>, vector<16xi32>,
    %get3A_311 = vector.shape_cast %get3A_310 : vector<16xi32> to vector<16xi32>
    %shift_right_logical3A_312 = arith.constant 15 : i32
    %shift_right_logical3A_313 = vector.broadcast %shift_right_logical3A_312 : i32 to vector<16xi32>
    %shift_right_logical3A_314 = arith.shrui %get3A_311, %shift_right_logical3A_313 : vector<16xi32>
    %shift_left3A_315 = arith.constant 14 : i32
    %shift_left3A_316 = vector.broadcast %shift_left3A_315 : i32 to vector<16xi32>
    %shift_left3A_317 = arith.shli %shift_right_logical3A_314, %shift_left3A_316 : vector<16xi32>
    %and3A_318 = arith.constant 16383 : i32
    %and3A_319 = vector.broadcast %and3A_318 : i32 to vector<16xi32>
    %and3A_320 = arith.andi %get3A_311, %and3A_319 : vector<16xi32>
    %or3A_321 = arith.ori %shift_left3A_317, %and3A_320 : vector<16xi32>
    %swap3A_322 = arith.constant 32 : index
    %swap3A_323 = tpu.vector_load %arg6[%swap3A_322] {strides = array<i32>} : memref<256xi32, #tpu.memory_space<vmem>>, vector<16xi32>,
    %swap3A_324 = vector.shape_cast %swap3A_323 : vector<16xi32> to vector<16xi32>
    %swap3A_325 = vector.shape_cast %or3A_321 : vector<16xi32> to vector<16xi32>
    tpu.vector_store %arg6[%swap3A_322], %swap3A_325 {strides = array<i32>} : memref<256xi32, #tpu.memory_space<vmem>>, vector<16xi32>,
    %get3A_326 = arith.constant 48 : index
    %get3A_327 = tpu.vector_load %arg6[%get3A_326] {strides = array<i32>} : memref<256xi32, #tpu.memory_space<vmem>>, vector<16xi32>,
    %get3A_328 = vector.shape_cast %get3A_327 : vector<16xi32> to vector<16xi32>
    %shift_right_logical3A_329 = arith.constant 15 : i32
    %shift_right_logical3A_330 = vector.broadcast %shift_right_logical3A_329 : i32 to vector<16xi32>
    %shift_right_logical3A_331 = arith.shrui %get3A_328, %shift_right_logical3A_330 : vector<16xi32>
    %shift_left3A_332 = arith.constant 14 : i32
    %shift_left3A_333 = vector.broadcast %shift_left3A_332 : i32 to vector<16xi32>
    %shift_left3A_334 = arith.shli %shift_right_logical3A_331, %shift_left3A_333 : vector<16xi32>
    %and3A_335 = arith.constant 16383 : i32
    %and3A_336 = vector.broadcast %and3A_335 : i32 to vector<16xi32>
    %and3A_337 = arith.andi %get3A_328, %and3A_336 : vector<16xi32>
    %or3A_338 = arith.ori %shift_left3A_334, %and3A_337 : vector<16xi32>
    %swap3A_339 = arith.constant 48 : index
    %swap3A_340 = tpu.vector_load %arg6[%swap3A_339] {strides = array<i32>} : memref<256xi32, #tpu.memory_space<vmem>>, vector<16xi32>,
    %swap3A_341 = vector.shape_cast %swap3A_340 : vector<16xi32> to vector<16xi32>
    %swap3A_342 = vector.shape_cast %or3A_338 : vector<16xi32> to vector<16xi32>
    tpu.vector_store %arg6[%swap3A_339], %swap3A_342 {strides = array<i32>} : memref<256xi32, #tpu.memory_space<vmem>>, vector<16xi32>,
    %get3A_343 = arith.constant 64 : index
    %get3A_344 = tpu.vector_load %arg6[%get3A_343] {strides = array<i32>} : memref<256xi32, #tpu.memory_space<vmem>>, vector<16xi32>,
    %get3A_345 = vector.shape_cast %get3A_344 : vector<16xi32> to vector<16xi32>
    %shift_right_logical3A_346 = arith.constant 15 : i32
    %shift_right_logical3A_347 = vector.broadcast %shift_right_logical3A_346 : i32 to vector<16xi32>
    %shift_right_logical3A_348 = arith.shrui %get3A_345, %shift_right_logical3A_347 : vector<16xi32>
    %shift_left3A_349 = arith.constant 14 : i32
    %shift_left3A_350 = vector.broadcast %shift_left3A_349 : i32 to vector<16xi32>
    %shift_left3A_351 = arith.shli %shift_right_logical3A_348, %shift_left3A_350 : vector<16xi32>
    %and3A_352 = arith.constant 16383 : i32
    %and3A_353 = vector.broadcast %and3A_352 : i32 to vector<16xi32>
    %and3A_354 = arith.andi %get3A_345, %and3A_353 : vector<16xi32>
    %or3A_355 = arith.ori %shift_left3A_351, %and3A_354 : vector<16xi32>
    %swap3A_356 = arith.constant 64 : index
    %swap3A_357 = tpu.vector_load %arg6[%swap3A_356] {strides = array<i32>} : memref<256xi32, #tpu.memory_space<vmem>>, vector<16xi32>,
    %swap3A_358 = vector.shape_cast %swap3A_357 : vector<16xi32> to vector<16xi32>
    %swap3A_359 = vector.shape_cast %or3A_355 : vector<16xi32> to vector<16xi32>
    tpu.vector_store %arg6[%swap3A_356], %swap3A_359 {strides = array<i32>} : memref<256xi32, #tpu.memory_space<vmem>>, vector<16xi32>,
    %get3A_360 = arith.constant 80 : index
    %get3A_361 = tpu.vector_load %arg6[%get3A_360] {strides = array<i32>} : memref<256xi32, #tpu.memory_space<vmem>>, vector<16xi32>,
    %get3A_362 = vector.shape_cast %get3A_361 : vector<16xi32> to vector<16xi32>
    %shift_right_logical3A_363 = arith.constant 15 : i32
    %shift_right_logical3A_364 = vector.broadcast %shift_right_logical3A_363 : i32 to vector<16xi32>
    %shift_right_logical3A_365 = arith.shrui %get3A_362, %shift_right_logical3A_364 : vector<16xi32>
    %shift_left3A_366 = arith.constant 14 : i32
    %shift_left3A_367 = vector.broadcast %shift_left3A_366 : i32 to vector<16xi32>
    %shift_left3A_368 = arith.shli %shift_right_logical3A_365, %shift_left3A_367 : vector<16xi32>
    %and3A_369 = arith.constant 16383 : i32
    %and3A_370 = vector.broadcast %and3A_369 : i32 to vector<16xi32>
    %and3A_371 = arith.andi %get3A_362, %and3A_370 : vector<16xi32>
    %or3A_372 = arith.ori %shift_left3A_368, %and3A_371 : vector<16xi32>
    %swap3A_373 = arith.constant 80 : index
    %swap3A_374 = tpu.vector_load %arg6[%swap3A_373] {strides = array<i32>} : memref<256xi32, #tpu.memory_space<vmem>>, vector<16xi32>,
    %swap3A_375 = vector.shape_cast %swap3A_374 : vector<16xi32> to vector<16xi32>
    %swap3A_376 = vector.shape_cast %or3A_372 : vector<16xi32> to vector<16xi32>
    tpu.vector_store %arg6[%swap3A_373], %swap3A_376 {strides = array<i32>} : memref<256xi32, #tpu.memory_space<vmem>>, vector<16xi32>,
    %get3A_377 = arith.constant 96 : index
    %get3A_378 = tpu.vector_load %arg6[%get3A_377] {strides = array<i32>} : memref<256xi32, #tpu.memory_space<vmem>>, vector<16xi32>,
    %get3A_379 = vector.shape_cast %get3A_378 : vector<16xi32> to vector<16xi32>
    %shift_right_logical3A_380 = arith.constant 15 : i32
    %shift_right_logical3A_381 = vector.broadcast %shift_right_logical3A_380 : i32 to vector<16xi32>
    %shift_right_logical3A_382 = arith.shrui %get3A_379, %shift_right_logical3A_381 : vector<16xi32>
    %shift_left3A_383 = arith.constant 14 : i32
    %shift_left3A_384 = vector.broadcast %shift_left3A_383 : i32 to vector<16xi32>
    %shift_left3A_385 = arith.shli %shift_right_logical3A_382, %shift_left3A_384 : vector<16xi32>
    %and3A_386 = arith.constant 16383 : i32
    %and3A_387 = vector.broadcast %and3A_386 : i32 to vector<16xi32>
    %and3A_388 = arith.andi %get3A_379, %and3A_387 : vector<16xi32>
    %or3A_389 = arith.ori %shift_left3A_385, %and3A_388 : vector<16xi32>
    %swap3A_390 = arith.constant 96 : index
    %swap3A_391 = tpu.vector_load %arg6[%swap3A_390] {strides = array<i32>} : memref<256xi32, #tpu.memory_space<vmem>>, vector<16xi32>,
    %swap3A_392 = vector.shape_cast %swap3A_391 : vector<16xi32> to vector<16xi32>
    %swap3A_393 = vector.shape_cast %or3A_389 : vector<16xi32> to vector<16xi32>
    tpu.vector_store %arg6[%swap3A_390], %swap3A_393 {strides = array<i32>} : memref<256xi32, #tpu.memory_space<vmem>>, vector<16xi32>,
    %get3A_394 = arith.constant 112 : index
    %get3A_395 = tpu.vector_load %arg6[%get3A_394] {strides = array<i32>} : memref<256xi32, #tpu.memory_space<vmem>>, vector<16xi32>,
    %get3A_396 = vector.shape_cast %get3A_395 : vector<16xi32> to vector<16xi32>
    %shift_right_logical3A_397 = arith.constant 15 : i32
    %shift_right_logical3A_398 = vector.broadcast %shift_right_logical3A_397 : i32 to vector<16xi32>
    %shift_right_logical3A_399 = arith.shrui %get3A_396, %shift_right_logical3A_398 : vector<16xi32>
    %shift_left3A_400 = arith.constant 14 : i32
    %shift_left3A_401 = vector.broadcast %shift_left3A_400 : i32 to vector<16xi32>
    %shift_left3A_402 = arith.shli %shift_right_logical3A_399, %shift_left3A_401 : vector<16xi32>
    %and3A_403 = arith.constant 16383 : i32
    %and3A_404 = vector.broadcast %and3A_403 : i32 to vector<16xi32>
    %and3A_405 = arith.andi %get3A_396, %and3A_404 : vector<16xi32>
    %or3A_406 = arith.ori %shift_left3A_402, %and3A_405 : vector<16xi32>
    %swap3A_407 = arith.constant 112 : index
    %swap3A_408 = tpu.vector_load %arg6[%swap3A_407] {strides = array<i32>} : memref<256xi32, #tpu.memory_space<vmem>>, vector<16xi32>,
    %swap3A_409 = vector.shape_cast %swap3A_408 : vector<16xi32> to vector<16xi32>
    %swap3A_410 = vector.shape_cast %or3A_406 : vector<16xi32> to vector<16xi32>
    tpu.vector_store %arg6[%swap3A_407], %swap3A_410 {strides = array<i32>} : memref<256xi32, #tpu.memory_space<vmem>>, vector<16xi32>,
    %get3A_411 = arith.constant 128 : index
    %get3A_412 = tpu.vector_load %arg6[%get3A_411] {strides = array<i32>} : memref<256xi32, #tpu.memory_space<vmem>>, vector<16xi32>,
    %get3A_413 = vector.shape_cast %get3A_412 : vector<16xi32> to vector<16xi32>
    %shift_right_logical3A_414 = arith.constant 15 : i32
    %shift_right_logical3A_415 = vector.broadcast %shift_right_logical3A_414 : i32 to vector<16xi32>
    %shift_right_logical3A_416 = arith.shrui %get3A_413, %shift_right_logical3A_415 : vector<16xi32>
    %shift_left3A_417 = arith.constant 14 : i32
    %shift_left3A_418 = vector.broadcast %shift_left3A_417 : i32 to vector<16xi32>
    %shift_left3A_419 = arith.shli %shift_right_logical3A_416, %shift_left3A_418 : vector<16xi32>
    %and3A_420 = arith.constant 16383 : i32
    %and3A_421 = vector.broadcast %and3A_420 : i32 to vector<16xi32>
    %and3A_422 = arith.andi %get3A_413, %and3A_421 : vector<16xi32>
    %or3A_423 = arith.ori %shift_left3A_419, %and3A_422 : vector<16xi32>
    %swap3A_424 = arith.constant 128 : index
    %swap3A_425 = tpu.vector_load %arg6[%swap3A_424] {strides = array<i32>} : memref<256xi32, #tpu.memory_space<vmem>>, vector<16xi32>,
    %swap3A_426 = vector.shape_cast %swap3A_425 : vector<16xi32> to vector<16xi32>
    %swap3A_427 = vector.shape_cast %or3A_423 : vector<16xi32> to vector<16xi32>
    tpu.vector_store %arg6[%swap3A_424], %swap3A_427 {strides = array<i32>} : memref<256xi32, #tpu.memory_space<vmem>>, vector<16xi32>,
    %get3A_428 = arith.constant 144 : index
    %get3A_429 = tpu.vector_load %arg6[%get3A_428] {strides = array<i32>} : memref<256xi32, #tpu.memory_space<vmem>>, vector<16xi32>,
    %get3A_430 = vector.shape_cast %get3A_429 : vector<16xi32> to vector<16xi32>
    %shift_right_logical3A_431 = arith.constant 15 : i32
    %shift_right_logical3A_432 = vector.broadcast %shift_right_logical3A_431 : i32 to vector<16xi32>
    %shift_right_logical3A_433 = arith.shrui %get3A_430, %shift_right_logical3A_432 : vector<16xi32>
    %shift_left3A_434 = arith.constant 14 : i32
    %shift_left3A_435 = vector.broadcast %shift_left3A_434 : i32 to vector<16xi32>
    %shift_left3A_436 = arith.shli %shift_right_logical3A_433, %shift_left3A_435 : vector<16xi32>
    %and3A_437 = arith.constant 16383 : i32
    %and3A_438 = vector.broadcast %and3A_437 : i32 to vector<16xi32>
    %and3A_439 = arith.andi %get3A_430, %and3A_438 : vector<16xi32>
    %or3A_440 = arith.ori %shift_left3A_436, %and3A_439 : vector<16xi32>
    %swap3A_441 = arith.constant 144 : index
    %swap3A_442 = tpu.vector_load %arg6[%swap3A_441] {strides = array<i32>} : memref<256xi32, #tpu.memory_space<vmem>>, vector<16xi32>,
    %swap3A_443 = vector.shape_cast %swap3A_442 : vector<16xi32> to vector<16xi32>
    %swap3A_444 = vector.shape_cast %or3A_440 : vector<16xi32> to vector<16xi32>
    tpu.vector_store %arg6[%swap3A_441], %swap3A_444 {strides = array<i32>} : memref<256xi32, #tpu.memory_space<vmem>>, vector<16xi32>,
    %get3A_445 = arith.constant 160 : index
    %get3A_446 = tpu.vector_load %arg6[%get3A_445] {strides = array<i32>} : memref<256xi32, #tpu.memory_space<vmem>>, vector<16xi32>,
    %get3A_447 = vector.shape_cast %get3A_446 : vector<16xi32> to vector<16xi32>
    %shift_right_logical3A_448 = arith.constant 15 : i32
    %shift_right_logical3A_449 = vector.broadcast %shift_right_logical3A_448 : i32 to vector<16xi32>
    %shift_right_logical3A_450 = arith.shrui %get3A_447, %shift_right_logical3A_449 : vector<16xi32>
    %shift_left3A_451 = arith.constant 14 : i32
    %shift_left3A_452 = vector.broadcast %shift_left3A_451 : i32 to vector<16xi32>
    %shift_left3A_453 = arith.shli %shift_right_logical3A_450, %shift_left3A_452 : vector<16xi32>
    %and3A_454 = arith.constant 16383 : i32
    %and3A_455 = vector.broadcast %and3A_454 : i32 to vector<16xi32>
    %and3A_456 = arith.andi %get3A_447, %and3A_455 : vector<16xi32>
    %or3A_457 = arith.ori %shift_left3A_453, %and3A_456 : vector<16xi32>
    %swap3A_458 = arith.constant 160 : index
    %swap3A_459 = tpu.vector_load %arg6[%swap3A_458] {strides = array<i32>} : memref<256xi32, #tpu.memory_space<vmem>>, vector<16xi32>,
    %swap3A_460 = vector.shape_cast %swap3A_459 : vector<16xi32> to vector<16xi32>
    %swap3A_461 = vector.shape_cast %or3A_457 : vector<16xi32> to vector<16xi32>
    tpu.vector_store %arg6[%swap3A_458], %swap3A_461 {strides = array<i32>} : memref<256xi32, #tpu.memory_space<vmem>>, vector<16xi32>,
    %get3A_462 = arith.constant 176 : index
    %get3A_463 = tpu.vector_load %arg6[%get3A_462] {strides = array<i32>} : memref<256xi32, #tpu.memory_space<vmem>>, vector<16xi32>,
    %get3A_464 = vector.shape_cast %get3A_463 : vector<16xi32> to vector<16xi32>
    %shift_right_logical3A_465 = arith.constant 15 : i32
    %shift_right_logical3A_466 = vector.broadcast %shift_right_logical3A_465 : i32 to vector<16xi32>
    %shift_right_logical3A_467 = arith.shrui %get3A_464, %shift_right_logical3A_466 : vector<16xi32>
    %shift_left3A_468 = arith.constant 14 : i32
    %shift_left3A_469 = vector.broadcast %shift_left3A_468 : i32 to vector<16xi32>
    %shift_left3A_470 = arith.shli %shift_right_logical3A_467, %shift_left3A_469 : vector<16xi32>
    %and3A_471 = arith.constant 16383 : i32
    %and3A_472 = vector.broadcast %and3A_471 : i32 to vector<16xi32>
    %and3A_473 = arith.andi %get3A_464, %and3A_472 : vector<16xi32>
    %or3A_474 = arith.ori %shift_left3A_470, %and3A_473 : vector<16xi32>
    %swap3A_475 = arith.constant 176 : index
    %swap3A_476 = tpu.vector_load %arg6[%swap3A_475] {strides = array<i32>} : memref<256xi32, #tpu.memory_space<vmem>>, vector<16xi32>,
    %swap3A_477 = vector.shape_cast %swap3A_476 : vector<16xi32> to vector<16xi32>
    %swap3A_478 = vector.shape_cast %or3A_474 : vector<16xi32> to vector<16xi32>
    tpu.vector_store %arg6[%swap3A_475], %swap3A_478 {strides = array<i32>} : memref<256xi32, #tpu.memory_space<vmem>>, vector<16xi32>,
    %get3A_479 = arith.constant 192 : index
    %get3A_480 = tpu.vector_load %arg6[%get3A_479] {strides = array<i32>} : memref<256xi32, #tpu.memory_space<vmem>>, vector<16xi32>,
    %get3A_481 = vector.shape_cast %get3A_480 : vector<16xi32> to vector<16xi32>
    %shift_right_logical3A_482 = arith.constant 15 : i32
    %shift_right_logical3A_483 = vector.broadcast %shift_right_logical3A_482 : i32 to vector<16xi32>
    %shift_right_logical3A_484 = arith.shrui %get3A_481, %shift_right_logical3A_483 : vector<16xi32>
    %shift_left3A_485 = arith.constant 14 : i32
    %shift_left3A_486 = vector.broadcast %shift_left3A_485 : i32 to vector<16xi32>
    %shift_left3A_487 = arith.shli %shift_right_logical3A_484, %shift_left3A_486 : vector<16xi32>
    %and3A_488 = arith.constant 16383 : i32
    %and3A_489 = vector.broadcast %and3A_488 : i32 to vector<16xi32>
    %and3A_490 = arith.andi %get3A_481, %and3A_489 : vector<16xi32>
    %or3A_491 = arith.ori %shift_left3A_487, %and3A_490 : vector<16xi32>
    %swap3A_492 = arith.constant 192 : index
    %swap3A_493 = tpu.vector_load %arg6[%swap3A_492] {strides = array<i32>} : memref<256xi32, #tpu.memory_space<vmem>>, vector<16xi32>,
    %swap3A_494 = vector.shape_cast %swap3A_493 : vector<16xi32> to vector<16xi32>
    %swap3A_495 = vector.shape_cast %or3A_491 : vector<16xi32> to vector<16xi32>
    tpu.vector_store %arg6[%swap3A_492], %swap3A_495 {strides = array<i32>} : memref<256xi32, #tpu.memory_space<vmem>>, vector<16xi32>,
    %get3A_496 = arith.constant 208 : index
    %get3A_497 = tpu.vector_load %arg6[%get3A_496] {strides = array<i32>} : memref<256xi32, #tpu.memory_space<vmem>>, vector<16xi32>,
    %get3A_498 = vector.shape_cast %get3A_497 : vector<16xi32> to vector<16xi32>
    %shift_right_logical3A_499 = arith.constant 15 : i32
    %shift_right_logical3A_500 = vector.broadcast %shift_right_logical3A_499 : i32 to vector<16xi32>
    %shift_right_logical3A_501 = arith.shrui %get3A_498, %shift_right_logical3A_500 : vector<16xi32>
    %shift_left3A_502 = arith.constant 14 : i32
    %shift_left3A_503 = vector.broadcast %shift_left3A_502 : i32 to vector<16xi32>
    %shift_left3A_504 = arith.shli %shift_right_logical3A_501, %shift_left3A_503 : vector<16xi32>
    %and3A_505 = arith.constant 16383 : i32
    %and3A_506 = vector.broadcast %and3A_505 : i32 to vector<16xi32>
    %and3A_507 = arith.andi %get3A_498, %and3A_506 : vector<16xi32>
    %or3A_508 = arith.ori %shift_left3A_504, %and3A_507 : vector<16xi32>
    %swap3A_509 = arith.constant 208 : index
    %swap3A_510 = tpu.vector_load %arg6[%swap3A_509] {strides = array<i32>} : memref<256xi32, #tpu.memory_space<vmem>>, vector<16xi32>,
    %swap3A_511 = vector.shape_cast %swap3A_510 : vector<16xi32> to vector<16xi32>
    %swap3A_512 = vector.shape_cast %or3A_508 : vector<16xi32> to vector<16xi32>
    tpu.vector_store %arg6[%swap3A_509], %swap3A_512 {strides = array<i32>} : memref<256xi32, #tpu.memory_space<vmem>>, vector<16xi32>,
    %get3A_513 = arith.constant 224 : index
    %get3A_514 = tpu.vector_load %arg6[%get3A_513] {strides = array<i32>} : memref<256xi32, #tpu.memory_space<vmem>>, vector<16xi32>,
    %get3A_515 = vector.shape_cast %get3A_514 : vector<16xi32> to vector<16xi32>
    %shift_right_logical3A_516 = arith.constant 15 : i32
    %shift_right_logical3A_517 = vector.broadcast %shift_right_logical3A_516 : i32 to vector<16xi32>
    %shift_right_logical3A_518 = arith.shrui %get3A_515, %shift_right_logical3A_517 : vector<16xi32>
    %shift_left3A_519 = arith.constant 14 : i32
    %shift_left3A_520 = vector.broadcast %shift_left3A_519 : i32 to vector<16xi32>
    %shift_left3A_521 = arith.shli %shift_right_logical3A_518, %shift_left3A_520 : vector<16xi32>
    %and3A_522 = arith.constant 16383 : i32
    %and3A_523 = vector.broadcast %and3A_522 : i32 to vector<16xi32>
    %and3A_524 = arith.andi %get3A_515, %and3A_523 : vector<16xi32>
    %or3A_525 = arith.ori %shift_left3A_521, %and3A_524 : vector<16xi32>
    %swap3A_526 = arith.constant 224 : index
    %swap3A_527 = tpu.vector_load %arg6[%swap3A_526] {strides = array<i32>} : memref<256xi32, #tpu.memory_space<vmem>>, vector<16xi32>,
    %swap3A_528 = vector.shape_cast %swap3A_527 : vector<16xi32> to vector<16xi32>
    %swap3A_529 = vector.shape_cast %or3A_525 : vector<16xi32> to vector<16xi32>
    tpu.vector_store %arg6[%swap3A_526], %swap3A_529 {strides = array<i32>} : memref<256xi32, #tpu.memory_space<vmem>>, vector<16xi32>,
    %get3A_530 = arith.constant 240 : index
    %get3A_531 = tpu.vector_load %arg6[%get3A_530] {strides = array<i32>} : memref<256xi32, #tpu.memory_space<vmem>>, vector<16xi32>,
    %get3A_532 = vector.shape_cast %get3A_531 : vector<16xi32> to vector<16xi32>
    %shift_right_logical3A_533 = arith.constant 15 : i32
    %shift_right_logical3A_534 = vector.broadcast %shift_right_logical3A_533 : i32 to vector<16xi32>
    %shift_right_logical3A_535 = arith.shrui %get3A_532, %shift_right_logical3A_534 : vector<16xi32>
    %shift_left3A_536 = arith.constant 14 : i32
    %shift_left3A_537 = vector.broadcast %shift_left3A_536 : i32 to vector<16xi32>
    %shift_left3A_538 = arith.shli %shift_right_logical3A_535, %shift_left3A_537 : vector<16xi32>
    %and3A_539 = arith.constant 16383 : i32
    %and3A_540 = vector.broadcast %and3A_539 : i32 to vector<16xi32>
    %and3A_541 = arith.andi %get3A_532, %and3A_540 : vector<16xi32>
    %or3A_542 = arith.ori %shift_left3A_538, %and3A_541 : vector<16xi32>
    %swap3A_543 = arith.constant 240 : index
    %swap3A_544 = tpu.vector_load %arg6[%swap3A_543] {strides = array<i32>} : memref<256xi32, #tpu.memory_space<vmem>>, vector<16xi32>,
    %swap3A_545 = vector.shape_cast %swap3A_544 : vector<16xi32> to vector<16xi32>
    %swap3A_546 = vector.shape_cast %or3A_542 : vector<16xi32> to vector<16xi32>
    tpu.vector_store %arg6[%swap3A_543], %swap3A_546 {strides = array<i32>} : memref<256xi32, #tpu.memory_space<vmem>>, vector<16xi32>,
    %dma_start3A_547 = arith.constant 0 : i32
    %dma_start3A_548 = arith.constant 0 : i32
    %dma_start3A_549 = tpu.memref_slice %arg3[%dma_start3A_547, %dma_start3A_548] : memref<507904x128xf32, #tpu.memory_space<hbm>> -> memref<507904x128xf32, #tpu.memory_space<hbm>>
    tpu.enqueue_indirect_dma source(%dma_start3A_549 : memref<507904x128xf32, #tpu.memory_space<hbm>>) target(%arg8 : memref<256x128xf32, #tpu.memory_space<vmem>>) offsets(%arg6 : memref<256xi32, #tpu.memory_space<vmem>>) semaphore(%arg10 : memref<!tpu.dma_semaphore, #tpu.memory_space<semaphore_mem>>)
    %dma_wait3A = arith.constant 0 : i32
    %dma_wait3A_550 = arith.constant 0 : i32
    %dma_wait3A_551 = tpu.memref_slice %arg3[%dma_wait3A, %dma_wait3A_550] : memref<507904x128xf32, #tpu.memory_space<hbm>> -> memref<507904x128xf32, #tpu.memory_space<hbm>>
    tpu.wait_indirect_dma semaphore(%arg9 : memref<!tpu.dma_semaphore, #tpu.memory_space<semaphore_mem>>) src(%dma_wait3A_551 : memref<507904x128xf32, #tpu.memory_space<hbm>>) dst(%arg7 : memref<256x128xf32, #tpu.memory_space<vmem>>)
    %dma_start3A_552 = arith.constant 0 : i32
    %dma_start3A_553 = tpu.memref_slice %arg4[%add3A_4, %dma_start3A_552] : memref<16384x128xf32, #tpu.memory_space<hbm>> -> memref<256x128xf32, #tpu.memory_space<hbm>>
    %dma_start3A_554 = arith.constant 0 : i32
    %dma_start3A_555 = tpu.memref_slice %arg4[%add3A_4, %dma_start3A_554] : memref<16384x128xf32, #tpu.memory_space<hbm>> -> memref<256x128xf32, #tpu.memory_space<hbm>>
    tpu.enqueue_dma source(%arg7 : memref<256x128xf32, #tpu.memory_space<vmem>>) target(%dma_start3A_555 : memref<256x128xf32, #tpu.memory_space<hbm>>) target_semaphore(%arg11 : memref<!tpu.dma_semaphore, #tpu.memory_space<semaphore_mem>>)
    %dma_wait3A_556 = arith.constant 0 : i32
    %dma_wait3A_557 = arith.constant 0 : i32
    %dma_wait3A_558 = tpu.memref_slice %arg3[%dma_wait3A_556, %dma_wait3A_557] : memref<507904x128xf32, #tpu.memory_space<hbm>> -> memref<507904x128xf32, #tpu.memory_space<hbm>>
    tpu.wait_indirect_dma semaphore(%arg10 : memref<!tpu.dma_semaphore, #tpu.memory_space<semaphore_mem>>) src(%dma_wait3A_558 : memref<507904x128xf32, #tpu.memory_space<hbm>>) dst(%arg8 : memref<256x128xf32, #tpu.memory_space<vmem>>)
    %dma_start3A_559 = arith.constant 0 : i32
    %dma_start3A_560 = tpu.memref_slice %arg4[%add3A_274, %dma_start3A_559] : memref<16384x128xf32, #tpu.memory_space<hbm>> -> memref<256x128xf32, #tpu.memory_space<hbm>>
    %dma_start3A_561 = arith.constant 0 : i32
    %dma_start3A_562 = tpu.memref_slice %arg4[%add3A_274, %dma_start3A_561] : memref<16384x128xf32, #tpu.memory_space<hbm>> -> memref<256x128xf32, #tpu.memory_space<hbm>>
    tpu.enqueue_dma source(%arg8 : memref<256x128xf32, #tpu.memory_space<vmem>>) target(%dma_start3A_562 : memref<256x128xf32, #tpu.memory_space<hbm>>) target_semaphore(%arg12 : memref<!tpu.dma_semaphore, #tpu.memory_space<semaphore_mem>>)
    %dma_wait3A_563 = arith.constant 0 : i32
    %dma_wait3A_564 = tpu.memref_slice %arg4[%add3A_274, %dma_wait3A_563] : memref<16384x128xf32, #tpu.memory_space<hbm>> -> memref<256x128xf32, #tpu.memory_space<hbm>>
    %dma_wait3A_565 = arith.constant 0 : i32
    %dma_wait3A_566 = tpu.memref_slice %arg4[%add3A_274, %dma_wait3A_565] : memref<16384x128xf32, #tpu.memory_space<hbm>> -> memref<256x128xf32, #tpu.memory_space<hbm>>
    tpu.wait_dma2 semaphore(%arg12 : memref<!tpu.dma_semaphore, #tpu.memory_space<semaphore_mem>>) src(%arg8 : memref<256x128xf32, #tpu.memory_space<vmem>>) dst(%dma_wait3A_566 : memref<256x128xf32, #tpu.memory_space<hbm>>)
    %dma_wait3A_567 = arith.constant 0 : i32
    %dma_wait3A_568 = tpu.memref_slice %arg4[%add3A_4, %dma_wait3A_567] : memref<16384x128xf32, #tpu.memory_space<hbm>> -> memref<256x128xf32, #tpu.memory_space<hbm>>
    %dma_wait3A_569 = arith.constant 0 : i32
    %dma_wait3A_570 = tpu.memref_slice %arg4[%add3A_4, %dma_wait3A_569] : memref<16384x128xf32, #tpu.memory_space<hbm>> -> memref<256x128xf32, #tpu.memory_space<hbm>>
    tpu.wait_dma2 semaphore(%arg11 : memref<!tpu.dma_semaphore, #tpu.memory_space<semaphore_mem>>) src(%arg7 : memref<256x128xf32, #tpu.memory_space<vmem>>) dst(%dma_wait3A_570 : memref<256x128xf32, #tpu.memory_space<hbm>>)
    return
  }
}

#map = affine_map<(d0, d1) -> (0)>
#map1 = affine_map<(d0, d1) -> (0, 0)>
module attributes {stable_mosaic.version = 14 : i64} {
  func.func @_gather3_body(%arg0: i32, %arg1: i32, %arg2: memref<16384xi32, #tpu.memory_space<hbm>>, %arg3: memref<16384xi32, #tpu.memory_space<hbm>>, %arg4: memref<16384xi32, #tpu.memory_space<hbm>>, %arg5: memref<65536x128xf32, #tpu.memory_space<hbm>>, %arg6: memref<16384x128xf32, #tpu.memory_space<hbm>>, %arg7: memref<16384x128xf32, #tpu.memory_space<hbm>>, %arg8: memref<16384x128xf32, #tpu.memory_space<hbm>>, %arg9: memref<16384x128xf32, #tpu.memory_space<hbm>>, %arg10: memref<256xi32, #tpu.memory_space<vmem>>, %arg11: memref<256xi32, #tpu.memory_space<vmem>>, %arg12: memref<256x128xf32, #tpu.memory_space<vmem>>, %arg13: memref<256x128xf32, #tpu.memory_space<vmem>>, %arg14: memref<!tpu.dma_semaphore, #tpu.memory_space<semaphore_mem>>, %arg15: memref<!tpu.dma_semaphore, #tpu.memory_space<semaphore_mem>>, %arg16: memref<!tpu.dma_semaphore, #tpu.memory_space<semaphore_mem>>, %arg17: memref<!tpu.dma_semaphore, #tpu.memory_space<semaphore_mem>>) attributes {dimension_semantics = [#tpu.dimension_semantics<core_parallel>, #tpu.dimension_semantics<subcore_parallel>], iteration_bounds = array<i64: 2, 16>, scalar_prefetch = 0 : i64, scratch_operands = 8 : i64, tpu.core_type = #tpu.core_type<sc_vector_subcore>, window_params = [{transform_indices = #map}, {transform_indices = #map}, {transform_indices = #map}, {transform_indices = #map1}, {transform_indices = #map1}, {transform_indices = #map1}, {transform_indices = #map1}, {transform_indices = #map1}]} {
    %mul3A = arith.constant 2 : i32
    %mul3A_0 = arith.muli %arg1, %mul3A : i32
    %add3A = arith.addi %mul3A_0, %arg0 : i32
    %mul3A_1 = arith.constant 512 : i32
    %mul3A_2 = arith.muli %add3A, %mul3A_1 : i32
    %add3A_3 = arith.constant 0 : i32
    %add3A_4 = arith.addi %mul3A_2, %add3A_3 : i32
    "tpu.region"() ({
      %run_scoped3A = tpu.sem_alloc : memref<!tpu.dma_semaphore, #tpu.memory_space<semaphore_mem>>
      %dma_start3A_1723 = tpu.memref_slice %arg2[%add3A_4] : memref<16384xi32, #tpu.memory_space<hbm>> -> memref<256xi32, #tpu.memory_space<hbm>>
      %dma_start3A_1724 = tpu.memref_slice %arg2[%add3A_4] : memref<16384xi32, #tpu.memory_space<hbm>> -> memref<256xi32, #tpu.memory_space<hbm>>
      tpu.enqueue_dma source(%dma_start3A_1724 : memref<256xi32, #tpu.memory_space<hbm>>) target(%arg10 : memref<256xi32, #tpu.memory_space<vmem>>) target_semaphore(%run_scoped3A : memref<!tpu.dma_semaphore, #tpu.memory_space<semaphore_mem>>)
      %dma_wait3A_1725 = tpu.memref_slice %arg2[%add3A_4] : memref<16384xi32, #tpu.memory_space<hbm>> -> memref<256xi32, #tpu.memory_space<hbm>>
      %dma_wait3A_1726 = tpu.memref_slice %arg2[%add3A_4] : memref<16384xi32, #tpu.memory_space<hbm>> -> memref<256xi32, #tpu.memory_space<hbm>>
      tpu.wait_dma2 semaphore(%run_scoped3A : memref<!tpu.dma_semaphore, #tpu.memory_space<semaphore_mem>>) src(%dma_wait3A_1726 : memref<256xi32, #tpu.memory_space<hbm>>) dst(%arg10 : memref<256xi32, #tpu.memory_space<vmem>>)
      tpu.yield
    }) : () -> ()
    %get3A = arith.constant 0 : index
    %get3A_5 = tpu.vector_load %arg10[%get3A] {strides = array<i32>} : memref<256xi32, #tpu.memory_space<vmem>>, vector<16xi32>,
    %get3A_6 = vector.shape_cast %get3A_5 : vector<16xi32> to vector<16xi32>
    %shift_right_logical3A = arith.constant 15 : i32
    %shift_right_logical3A_7 = vector.broadcast %shift_right_logical3A : i32 to vector<16xi32>
    %shift_right_logical3A_8 = arith.shrui %get3A_6, %shift_right_logical3A_7 : vector<16xi32>
    %shift_left3A = arith.constant 14 : i32
    %shift_left3A_9 = vector.broadcast %shift_left3A : i32 to vector<16xi32>
    %shift_left3A_10 = arith.shli %shift_right_logical3A_8, %shift_left3A_9 : vector<16xi32>
    %and3A = arith.constant 16383 : i32
    %and3A_11 = vector.broadcast %and3A : i32 to vector<16xi32>
    %and3A_12 = arith.andi %get3A_6, %and3A_11 : vector<16xi32>
    %or3A = arith.ori %shift_left3A_10, %and3A_12 : vector<16xi32>
    %swap3A = arith.constant 0 : index
    %swap3A_13 = tpu.vector_load %arg10[%swap3A] {strides = array<i32>} : memref<256xi32, #tpu.memory_space<vmem>>, vector<16xi32>,
    %swap3A_14 = vector.shape_cast %swap3A_13 : vector<16xi32> to vector<16xi32>
    %swap3A_15 = vector.shape_cast %or3A : vector<16xi32> to vector<16xi32>
    tpu.vector_store %arg10[%swap3A], %swap3A_15 {strides = array<i32>} : memref<256xi32, #tpu.memory_space<vmem>>, vector<16xi32>,
    %get3A_16 = arith.constant 16 : index
    %get3A_17 = tpu.vector_load %arg10[%get3A_16] {strides = array<i32>} : memref<256xi32, #tpu.memory_space<vmem>>, vector<16xi32>,
    %get3A_18 = vector.shape_cast %get3A_17 : vector<16xi32> to vector<16xi32>
    %shift_right_logical3A_19 = arith.constant 15 : i32
    %shift_right_logical3A_20 = vector.broadcast %shift_right_logical3A_19 : i32 to vector<16xi32>
    %shift_right_logical3A_21 = arith.shrui %get3A_18, %shift_right_logical3A_20 : vector<16xi32>
    %shift_left3A_22 = arith.constant 14 : i32
    %shift_left3A_23 = vector.broadcast %shift_left3A_22 : i32 to vector<16xi32>
    %shift_left3A_24 = arith.shli %shift_right_logical3A_21, %shift_left3A_23 : vector<16xi32>
    %and3A_25 = arith.constant 16383 : i32
    %and3A_26 = vector.broadcast %and3A_25 : i32 to vector<16xi32>
    %and3A_27 = arith.andi %get3A_18, %and3A_26 : vector<16xi32>
    %or3A_28 = arith.ori %shift_left3A_24, %and3A_27 : vector<16xi32>
    %swap3A_29 = arith.constant 16 : index
    %swap3A_30 = tpu.vector_load %arg10[%swap3A_29] {strides = array<i32>} : memref<256xi32, #tpu.memory_space<vmem>>, vector<16xi32>,
    %swap3A_31 = vector.shape_cast %swap3A_30 : vector<16xi32> to vector<16xi32>
    %swap3A_32 = vector.shape_cast %or3A_28 : vector<16xi32> to vector<16xi32>
    tpu.vector_store %arg10[%swap3A_29], %swap3A_32 {strides = array<i32>} : memref<256xi32, #tpu.memory_space<vmem>>, vector<16xi32>,
    %get3A_33 = arith.constant 32 : index
    %get3A_34 = tpu.vector_load %arg10[%get3A_33] {strides = array<i32>} : memref<256xi32, #tpu.memory_space<vmem>>, vector<16xi32>,
    %get3A_35 = vector.shape_cast %get3A_34 : vector<16xi32> to vector<16xi32>
    %shift_right_logical3A_36 = arith.constant 15 : i32
    %shift_right_logical3A_37 = vector.broadcast %shift_right_logical3A_36 : i32 to vector<16xi32>
    %shift_right_logical3A_38 = arith.shrui %get3A_35, %shift_right_logical3A_37 : vector<16xi32>
    %shift_left3A_39 = arith.constant 14 : i32
    %shift_left3A_40 = vector.broadcast %shift_left3A_39 : i32 to vector<16xi32>
    %shift_left3A_41 = arith.shli %shift_right_logical3A_38, %shift_left3A_40 : vector<16xi32>
    %and3A_42 = arith.constant 16383 : i32
    %and3A_43 = vector.broadcast %and3A_42 : i32 to vector<16xi32>
    %and3A_44 = arith.andi %get3A_35, %and3A_43 : vector<16xi32>
    %or3A_45 = arith.ori %shift_left3A_41, %and3A_44 : vector<16xi32>
    %swap3A_46 = arith.constant 32 : index
    %swap3A_47 = tpu.vector_load %arg10[%swap3A_46] {strides = array<i32>} : memref<256xi32, #tpu.memory_space<vmem>>, vector<16xi32>,
    %swap3A_48 = vector.shape_cast %swap3A_47 : vector<16xi32> to vector<16xi32>
    %swap3A_49 = vector.shape_cast %or3A_45 : vector<16xi32> to vector<16xi32>
    tpu.vector_store %arg10[%swap3A_46], %swap3A_49 {strides = array<i32>} : memref<256xi32, #tpu.memory_space<vmem>>, vector<16xi32>,
    %get3A_50 = arith.constant 48 : index
    %get3A_51 = tpu.vector_load %arg10[%get3A_50] {strides = array<i32>} : memref<256xi32, #tpu.memory_space<vmem>>, vector<16xi32>,
    %get3A_52 = vector.shape_cast %get3A_51 : vector<16xi32> to vector<16xi32>
    %shift_right_logical3A_53 = arith.constant 15 : i32
    %shift_right_logical3A_54 = vector.broadcast %shift_right_logical3A_53 : i32 to vector<16xi32>
    %shift_right_logical3A_55 = arith.shrui %get3A_52, %shift_right_logical3A_54 : vector<16xi32>
    %shift_left3A_56 = arith.constant 14 : i32
    %shift_left3A_57 = vector.broadcast %shift_left3A_56 : i32 to vector<16xi32>
    %shift_left3A_58 = arith.shli %shift_right_logical3A_55, %shift_left3A_57 : vector<16xi32>
    %and3A_59 = arith.constant 16383 : i32
    %and3A_60 = vector.broadcast %and3A_59 : i32 to vector<16xi32>
    %and3A_61 = arith.andi %get3A_52, %and3A_60 : vector<16xi32>
    %or3A_62 = arith.ori %shift_left3A_58, %and3A_61 : vector<16xi32>
    %swap3A_63 = arith.constant 48 : index
    %swap3A_64 = tpu.vector_load %arg10[%swap3A_63] {strides = array<i32>} : memref<256xi32, #tpu.memory_space<vmem>>, vector<16xi32>,
    %swap3A_65 = vector.shape_cast %swap3A_64 : vector<16xi32> to vector<16xi32>
    %swap3A_66 = vector.shape_cast %or3A_62 : vector<16xi32> to vector<16xi32>
    tpu.vector_store %arg10[%swap3A_63], %swap3A_66 {strides = array<i32>} : memref<256xi32, #tpu.memory_space<vmem>>, vector<16xi32>,
    %get3A_67 = arith.constant 64 : index
    %get3A_68 = tpu.vector_load %arg10[%get3A_67] {strides = array<i32>} : memref<256xi32, #tpu.memory_space<vmem>>, vector<16xi32>,
    %get3A_69 = vector.shape_cast %get3A_68 : vector<16xi32> to vector<16xi32>
    %shift_right_logical3A_70 = arith.constant 15 : i32
    %shift_right_logical3A_71 = vector.broadcast %shift_right_logical3A_70 : i32 to vector<16xi32>
    %shift_right_logical3A_72 = arith.shrui %get3A_69, %shift_right_logical3A_71 : vector<16xi32>
    %shift_left3A_73 = arith.constant 14 : i32
    %shift_left3A_74 = vector.broadcast %shift_left3A_73 : i32 to vector<16xi32>
    %shift_left3A_75 = arith.shli %shift_right_logical3A_72, %shift_left3A_74 : vector<16xi32>
    %and3A_76 = arith.constant 16383 : i32
    %and3A_77 = vector.broadcast %and3A_76 : i32 to vector<16xi32>
    %and3A_78 = arith.andi %get3A_69, %and3A_77 : vector<16xi32>
    %or3A_79 = arith.ori %shift_left3A_75, %and3A_78 : vector<16xi32>
    %swap3A_80 = arith.constant 64 : index
    %swap3A_81 = tpu.vector_load %arg10[%swap3A_80] {strides = array<i32>} : memref<256xi32, #tpu.memory_space<vmem>>, vector<16xi32>,
    %swap3A_82 = vector.shape_cast %swap3A_81 : vector<16xi32> to vector<16xi32>
    %swap3A_83 = vector.shape_cast %or3A_79 : vector<16xi32> to vector<16xi32>
    tpu.vector_store %arg10[%swap3A_80], %swap3A_83 {strides = array<i32>} : memref<256xi32, #tpu.memory_space<vmem>>, vector<16xi32>,
    %get3A_84 = arith.constant 80 : index
    %get3A_85 = tpu.vector_load %arg10[%get3A_84] {strides = array<i32>} : memref<256xi32, #tpu.memory_space<vmem>>, vector<16xi32>,
    %get3A_86 = vector.shape_cast %get3A_85 : vector<16xi32> to vector<16xi32>
    %shift_right_logical3A_87 = arith.constant 15 : i32
    %shift_right_logical3A_88 = vector.broadcast %shift_right_logical3A_87 : i32 to vector<16xi32>
    %shift_right_logical3A_89 = arith.shrui %get3A_86, %shift_right_logical3A_88 : vector<16xi32>
    %shift_left3A_90 = arith.constant 14 : i32
    %shift_left3A_91 = vector.broadcast %shift_left3A_90 : i32 to vector<16xi32>
    %shift_left3A_92 = arith.shli %shift_right_logical3A_89, %shift_left3A_91 : vector<16xi32>
    %and3A_93 = arith.constant 16383 : i32
    %and3A_94 = vector.broadcast %and3A_93 : i32 to vector<16xi32>
    %and3A_95 = arith.andi %get3A_86, %and3A_94 : vector<16xi32>
    %or3A_96 = arith.ori %shift_left3A_92, %and3A_95 : vector<16xi32>
    %swap3A_97 = arith.constant 80 : index
    %swap3A_98 = tpu.vector_load %arg10[%swap3A_97] {strides = array<i32>} : memref<256xi32, #tpu.memory_space<vmem>>, vector<16xi32>,
    %swap3A_99 = vector.shape_cast %swap3A_98 : vector<16xi32> to vector<16xi32>
    %swap3A_100 = vector.shape_cast %or3A_96 : vector<16xi32> to vector<16xi32>
    tpu.vector_store %arg10[%swap3A_97], %swap3A_100 {strides = array<i32>} : memref<256xi32, #tpu.memory_space<vmem>>, vector<16xi32>,
    %get3A_101 = arith.constant 96 : index
    %get3A_102 = tpu.vector_load %arg10[%get3A_101] {strides = array<i32>} : memref<256xi32, #tpu.memory_space<vmem>>, vector<16xi32>,
    %get3A_103 = vector.shape_cast %get3A_102 : vector<16xi32> to vector<16xi32>
    %shift_right_logical3A_104 = arith.constant 15 : i32
    %shift_right_logical3A_105 = vector.broadcast %shift_right_logical3A_104 : i32 to vector<16xi32>
    %shift_right_logical3A_106 = arith.shrui %get3A_103, %shift_right_logical3A_105 : vector<16xi32>
    %shift_left3A_107 = arith.constant 14 : i32
    %shift_left3A_108 = vector.broadcast %shift_left3A_107 : i32 to vector<16xi32>
    %shift_left3A_109 = arith.shli %shift_right_logical3A_106, %shift_left3A_108 : vector<16xi32>
    %and3A_110 = arith.constant 16383 : i32
    %and3A_111 = vector.broadcast %and3A_110 : i32 to vector<16xi32>
    %and3A_112 = arith.andi %get3A_103, %and3A_111 : vector<16xi32>
    %or3A_113 = arith.ori %shift_left3A_109, %and3A_112 : vector<16xi32>
    %swap3A_114 = arith.constant 96 : index
    %swap3A_115 = tpu.vector_load %arg10[%swap3A_114] {strides = array<i32>} : memref<256xi32, #tpu.memory_space<vmem>>, vector<16xi32>,
    %swap3A_116 = vector.shape_cast %swap3A_115 : vector<16xi32> to vector<16xi32>
    %swap3A_117 = vector.shape_cast %or3A_113 : vector<16xi32> to vector<16xi32>
    tpu.vector_store %arg10[%swap3A_114], %swap3A_117 {strides = array<i32>} : memref<256xi32, #tpu.memory_space<vmem>>, vector<16xi32>,
    %get3A_118 = arith.constant 112 : index
    %get3A_119 = tpu.vector_load %arg10[%get3A_118] {strides = array<i32>} : memref<256xi32, #tpu.memory_space<vmem>>, vector<16xi32>,
    %get3A_120 = vector.shape_cast %get3A_119 : vector<16xi32> to vector<16xi32>
    %shift_right_logical3A_121 = arith.constant 15 : i32
    %shift_right_logical3A_122 = vector.broadcast %shift_right_logical3A_121 : i32 to vector<16xi32>
    %shift_right_logical3A_123 = arith.shrui %get3A_120, %shift_right_logical3A_122 : vector<16xi32>
    %shift_left3A_124 = arith.constant 14 : i32
    %shift_left3A_125 = vector.broadcast %shift_left3A_124 : i32 to vector<16xi32>
    %shift_left3A_126 = arith.shli %shift_right_logical3A_123, %shift_left3A_125 : vector<16xi32>
    %and3A_127 = arith.constant 16383 : i32
    %and3A_128 = vector.broadcast %and3A_127 : i32 to vector<16xi32>
    %and3A_129 = arith.andi %get3A_120, %and3A_128 : vector<16xi32>
    %or3A_130 = arith.ori %shift_left3A_126, %and3A_129 : vector<16xi32>
    %swap3A_131 = arith.constant 112 : index
    %swap3A_132 = tpu.vector_load %arg10[%swap3A_131] {strides = array<i32>} : memref<256xi32, #tpu.memory_space<vmem>>, vector<16xi32>,
    %swap3A_133 = vector.shape_cast %swap3A_132 : vector<16xi32> to vector<16xi32>
    %swap3A_134 = vector.shape_cast %or3A_130 : vector<16xi32> to vector<16xi32>
    tpu.vector_store %arg10[%swap3A_131], %swap3A_134 {strides = array<i32>} : memref<256xi32, #tpu.memory_space<vmem>>, vector<16xi32>,
    %get3A_135 = arith.constant 128 : index
    %get3A_136 = tpu.vector_load %arg10[%get3A_135] {strides = array<i32>} : memref<256xi32, #tpu.memory_space<vmem>>, vector<16xi32>,
    %get3A_137 = vector.shape_cast %get3A_136 : vector<16xi32> to vector<16xi32>
    %shift_right_logical3A_138 = arith.constant 15 : i32
    %shift_right_logical3A_139 = vector.broadcast %shift_right_logical3A_138 : i32 to vector<16xi32>
    %shift_right_logical3A_140 = arith.shrui %get3A_137, %shift_right_logical3A_139 : vector<16xi32>
    %shift_left3A_141 = arith.constant 14 : i32
    %shift_left3A_142 = vector.broadcast %shift_left3A_141 : i32 to vector<16xi32>
    %shift_left3A_143 = arith.shli %shift_right_logical3A_140, %shift_left3A_142 : vector<16xi32>
    %and3A_144 = arith.constant 16383 : i32
    %and3A_145 = vector.broadcast %and3A_144 : i32 to vector<16xi32>
    %and3A_146 = arith.andi %get3A_137, %and3A_145 : vector<16xi32>
    %or3A_147 = arith.ori %shift_left3A_143, %and3A_146 : vector<16xi32>
    %swap3A_148 = arith.constant 128 : index
    %swap3A_149 = tpu.vector_load %arg10[%swap3A_148] {strides = array<i32>} : memref<256xi32, #tpu.memory_space<vmem>>, vector<16xi32>,
    %swap3A_150 = vector.shape_cast %swap3A_149 : vector<16xi32> to vector<16xi32>
    %swap3A_151 = vector.shape_cast %or3A_147 : vector<16xi32> to vector<16xi32>
    tpu.vector_store %arg10[%swap3A_148], %swap3A_151 {strides = array<i32>} : memref<256xi32, #tpu.memory_space<vmem>>, vector<16xi32>,
    %get3A_152 = arith.constant 144 : index
    %get3A_153 = tpu.vector_load %arg10[%get3A_152] {strides = array<i32>} : memref<256xi32, #tpu.memory_space<vmem>>, vector<16xi32>,
    %get3A_154 = vector.shape_cast %get3A_153 : vector<16xi32> to vector<16xi32>
    %shift_right_logical3A_155 = arith.constant 15 : i32
    %shift_right_logical3A_156 = vector.broadcast %shift_right_logical3A_155 : i32 to vector<16xi32>
    %shift_right_logical3A_157 = arith.shrui %get3A_154, %shift_right_logical3A_156 : vector<16xi32>
    %shift_left3A_158 = arith.constant 14 : i32
    %shift_left3A_159 = vector.broadcast %shift_left3A_158 : i32 to vector<16xi32>
    %shift_left3A_160 = arith.shli %shift_right_logical3A_157, %shift_left3A_159 : vector<16xi32>
    %and3A_161 = arith.constant 16383 : i32
    %and3A_162 = vector.broadcast %and3A_161 : i32 to vector<16xi32>
    %and3A_163 = arith.andi %get3A_154, %and3A_162 : vector<16xi32>
    %or3A_164 = arith.ori %shift_left3A_160, %and3A_163 : vector<16xi32>
    %swap3A_165 = arith.constant 144 : index
    %swap3A_166 = tpu.vector_load %arg10[%swap3A_165] {strides = array<i32>} : memref<256xi32, #tpu.memory_space<vmem>>, vector<16xi32>,
    %swap3A_167 = vector.shape_cast %swap3A_166 : vector<16xi32> to vector<16xi32>
    %swap3A_168 = vector.shape_cast %or3A_164 : vector<16xi32> to vector<16xi32>
    tpu.vector_store %arg10[%swap3A_165], %swap3A_168 {strides = array<i32>} : memref<256xi32, #tpu.memory_space<vmem>>, vector<16xi32>,
    %get3A_169 = arith.constant 160 : index
    %get3A_170 = tpu.vector_load %arg10[%get3A_169] {strides = array<i32>} : memref<256xi32, #tpu.memory_space<vmem>>, vector<16xi32>,
    %get3A_171 = vector.shape_cast %get3A_170 : vector<16xi32> to vector<16xi32>
    %shift_right_logical3A_172 = arith.constant 15 : i32
    %shift_right_logical3A_173 = vector.broadcast %shift_right_logical3A_172 : i32 to vector<16xi32>
    %shift_right_logical3A_174 = arith.shrui %get3A_171, %shift_right_logical3A_173 : vector<16xi32>
    %shift_left3A_175 = arith.constant 14 : i32
    %shift_left3A_176 = vector.broadcast %shift_left3A_175 : i32 to vector<16xi32>
    %shift_left3A_177 = arith.shli %shift_right_logical3A_174, %shift_left3A_176 : vector<16xi32>
    %and3A_178 = arith.constant 16383 : i32
    %and3A_179 = vector.broadcast %and3A_178 : i32 to vector<16xi32>
    %and3A_180 = arith.andi %get3A_171, %and3A_179 : vector<16xi32>
    %or3A_181 = arith.ori %shift_left3A_177, %and3A_180 : vector<16xi32>
    %swap3A_182 = arith.constant 160 : index
    %swap3A_183 = tpu.vector_load %arg10[%swap3A_182] {strides = array<i32>} : memref<256xi32, #tpu.memory_space<vmem>>, vector<16xi32>,
    %swap3A_184 = vector.shape_cast %swap3A_183 : vector<16xi32> to vector<16xi32>
    %swap3A_185 = vector.shape_cast %or3A_181 : vector<16xi32> to vector<16xi32>
    tpu.vector_store %arg10[%swap3A_182], %swap3A_185 {strides = array<i32>} : memref<256xi32, #tpu.memory_space<vmem>>, vector<16xi32>,
    %get3A_186 = arith.constant 176 : index
    %get3A_187 = tpu.vector_load %arg10[%get3A_186] {strides = array<i32>} : memref<256xi32, #tpu.memory_space<vmem>>, vector<16xi32>,
    %get3A_188 = vector.shape_cast %get3A_187 : vector<16xi32> to vector<16xi32>
    %shift_right_logical3A_189 = arith.constant 15 : i32
    %shift_right_logical3A_190 = vector.broadcast %shift_right_logical3A_189 : i32 to vector<16xi32>
    %shift_right_logical3A_191 = arith.shrui %get3A_188, %shift_right_logical3A_190 : vector<16xi32>
    %shift_left3A_192 = arith.constant 14 : i32
    %shift_left3A_193 = vector.broadcast %shift_left3A_192 : i32 to vector<16xi32>
    %shift_left3A_194 = arith.shli %shift_right_logical3A_191, %shift_left3A_193 : vector<16xi32>
    %and3A_195 = arith.constant 16383 : i32
    %and3A_196 = vector.broadcast %and3A_195 : i32 to vector<16xi32>
    %and3A_197 = arith.andi %get3A_188, %and3A_196 : vector<16xi32>
    %or3A_198 = arith.ori %shift_left3A_194, %and3A_197 : vector<16xi32>
    %swap3A_199 = arith.constant 176 : index
    %swap3A_200 = tpu.vector_load %arg10[%swap3A_199] {strides = array<i32>} : memref<256xi32, #tpu.memory_space<vmem>>, vector<16xi32>,
    %swap3A_201 = vector.shape_cast %swap3A_200 : vector<16xi32> to vector<16xi32>
    %swap3A_202 = vector.shape_cast %or3A_198 : vector<16xi32> to vector<16xi32>
    tpu.vector_store %arg10[%swap3A_199], %swap3A_202 {strides = array<i32>} : memref<256xi32, #tpu.memory_space<vmem>>, vector<16xi32>,
    %get3A_203 = arith.constant 192 : index
    %get3A_204 = tpu.vector_load %arg10[%get3A_203] {strides = array<i32>} : memref<256xi32, #tpu.memory_space<vmem>>, vector<16xi32>,
    %get3A_205 = vector.shape_cast %get3A_204 : vector<16xi32> to vector<16xi32>
    %shift_right_logical3A_206 = arith.constant 15 : i32
    %shift_right_logical3A_207 = vector.broadcast %shift_right_logical3A_206 : i32 to vector<16xi32>
    %shift_right_logical3A_208 = arith.shrui %get3A_205, %shift_right_logical3A_207 : vector<16xi32>
    %shift_left3A_209 = arith.constant 14 : i32
    %shift_left3A_210 = vector.broadcast %shift_left3A_209 : i32 to vector<16xi32>
    %shift_left3A_211 = arith.shli %shift_right_logical3A_208, %shift_left3A_210 : vector<16xi32>
    %and3A_212 = arith.constant 16383 : i32
    %and3A_213 = vector.broadcast %and3A_212 : i32 to vector<16xi32>
    %and3A_214 = arith.andi %get3A_205, %and3A_213 : vector<16xi32>
    %or3A_215 = arith.ori %shift_left3A_211, %and3A_214 : vector<16xi32>
    %swap3A_216 = arith.constant 192 : index
    %swap3A_217 = tpu.vector_load %arg10[%swap3A_216] {strides = array<i32>} : memref<256xi32, #tpu.memory_space<vmem>>, vector<16xi32>,
    %swap3A_218 = vector.shape_cast %swap3A_217 : vector<16xi32> to vector<16xi32>
    %swap3A_219 = vector.shape_cast %or3A_215 : vector<16xi32> to vector<16xi32>
    tpu.vector_store %arg10[%swap3A_216], %swap3A_219 {strides = array<i32>} : memref<256xi32, #tpu.memory_space<vmem>>, vector<16xi32>,
    %get3A_220 = arith.constant 208 : index
    %get3A_221 = tpu.vector_load %arg10[%get3A_220] {strides = array<i32>} : memref<256xi32, #tpu.memory_space<vmem>>, vector<16xi32>,
    %get3A_222 = vector.shape_cast %get3A_221 : vector<16xi32> to vector<16xi32>
    %shift_right_logical3A_223 = arith.constant 15 : i32
    %shift_right_logical3A_224 = vector.broadcast %shift_right_logical3A_223 : i32 to vector<16xi32>
    %shift_right_logical3A_225 = arith.shrui %get3A_222, %shift_right_logical3A_224 : vector<16xi32>
    %shift_left3A_226 = arith.constant 14 : i32
    %shift_left3A_227 = vector.broadcast %shift_left3A_226 : i32 to vector<16xi32>
    %shift_left3A_228 = arith.shli %shift_right_logical3A_225, %shift_left3A_227 : vector<16xi32>
    %and3A_229 = arith.constant 16383 : i32
    %and3A_230 = vector.broadcast %and3A_229 : i32 to vector<16xi32>
    %and3A_231 = arith.andi %get3A_222, %and3A_230 : vector<16xi32>
    %or3A_232 = arith.ori %shift_left3A_228, %and3A_231 : vector<16xi32>
    %swap3A_233 = arith.constant 208 : index
    %swap3A_234 = tpu.vector_load %arg10[%swap3A_233] {strides = array<i32>} : memref<256xi32, #tpu.memory_space<vmem>>, vector<16xi32>,
    %swap3A_235 = vector.shape_cast %swap3A_234 : vector<16xi32> to vector<16xi32>
    %swap3A_236 = vector.shape_cast %or3A_232 : vector<16xi32> to vector<16xi32>
    tpu.vector_store %arg10[%swap3A_233], %swap3A_236 {strides = array<i32>} : memref<256xi32, #tpu.memory_space<vmem>>, vector<16xi32>,
    %get3A_237 = arith.constant 224 : index
    %get3A_238 = tpu.vector_load %arg10[%get3A_237] {strides = array<i32>} : memref<256xi32, #tpu.memory_space<vmem>>, vector<16xi32>,
    %get3A_239 = vector.shape_cast %get3A_238 : vector<16xi32> to vector<16xi32>
    %shift_right_logical3A_240 = arith.constant 15 : i32
    %shift_right_logical3A_241 = vector.broadcast %shift_right_logical3A_240 : i32 to vector<16xi32>
    %shift_right_logical3A_242 = arith.shrui %get3A_239, %shift_right_logical3A_241 : vector<16xi32>
    %shift_left3A_243 = arith.constant 14 : i32
    %shift_left3A_244 = vector.broadcast %shift_left3A_243 : i32 to vector<16xi32>
    %shift_left3A_245 = arith.shli %shift_right_logical3A_242, %shift_left3A_244 : vector<16xi32>
    %and3A_246 = arith.constant 16383 : i32
    %and3A_247 = vector.broadcast %and3A_246 : i32 to vector<16xi32>
    %and3A_248 = arith.andi %get3A_239, %and3A_247 : vector<16xi32>
    %or3A_249 = arith.ori %shift_left3A_245, %and3A_248 : vector<16xi32>
    %swap3A_250 = arith.constant 224 : index
    %swap3A_251 = tpu.vector_load %arg10[%swap3A_250] {strides = array<i32>} : memref<256xi32, #tpu.memory_space<vmem>>, vector<16xi32>,
    %swap3A_252 = vector.shape_cast %swap3A_251 : vector<16xi32> to vector<16xi32>
    %swap3A_253 = vector.shape_cast %or3A_249 : vector<16xi32> to vector<16xi32>
    tpu.vector_store %arg10[%swap3A_250], %swap3A_253 {strides = array<i32>} : memref<256xi32, #tpu.memory_space<vmem>>, vector<16xi32>,
    %get3A_254 = arith.constant 240 : index
    %get3A_255 = tpu.vector_load %arg10[%get3A_254] {strides = array<i32>} : memref<256xi32, #tpu.memory_space<vmem>>, vector<16xi32>,
    %get3A_256 = vector.shape_cast %get3A_255 : vector<16xi32> to vector<16xi32>
    %shift_right_logical3A_257 = arith.constant 15 : i32
    %shift_right_logical3A_258 = vector.broadcast %shift_right_logical3A_257 : i32 to vector<16xi32>
    %shift_right_logical3A_259 = arith.shrui %get3A_256, %shift_right_logical3A_258 : vector<16xi32>
    %shift_left3A_260 = arith.constant 14 : i32
    %shift_left3A_261 = vector.broadcast %shift_left3A_260 : i32 to vector<16xi32>
    %shift_left3A_262 = arith.shli %shift_right_logical3A_259, %shift_left3A_261 : vector<16xi32>
    %and3A_263 = arith.constant 16383 : i32
    %and3A_264 = vector.broadcast %and3A_263 : i32 to vector<16xi32>
    %and3A_265 = arith.andi %get3A_256, %and3A_264 : vector<16xi32>
    %or3A_266 = arith.ori %shift_left3A_262, %and3A_265 : vector<16xi32>
    %swap3A_267 = arith.constant 240 : index
    %swap3A_268 = tpu.vector_load %arg10[%swap3A_267] {strides = array<i32>} : memref<256xi32, #tpu.memory_space<vmem>>, vector<16xi32>,
    %swap3A_269 = vector.shape_cast %swap3A_268 : vector<16xi32> to vector<16xi32>
    %swap3A_270 = vector.shape_cast %or3A_266 : vector<16xi32> to vector<16xi32>
    tpu.vector_store %arg10[%swap3A_267], %swap3A_270 {strides = array<i32>} : memref<256xi32, #tpu.memory_space<vmem>>, vector<16xi32>,
    %dma_start3A = arith.constant 0 : i32
    %dma_start3A_271 = arith.constant 0 : i32
    %dma_start3A_272 = tpu.memref_slice %arg5[%dma_start3A, %dma_start3A_271] : memref<65536x128xf32, #tpu.memory_space<hbm>> -> memref<65536x128xf32, #tpu.memory_space<hbm>>
    tpu.enqueue_indirect_dma source(%dma_start3A_272 : memref<65536x128xf32, #tpu.memory_space<hbm>>) target(%arg12 : memref<256x128xf32, #tpu.memory_space<vmem>>) offsets(%arg10 : memref<256xi32, #tpu.memory_space<vmem>>) semaphore(%arg14 : memref<!tpu.dma_semaphore, #tpu.memory_space<semaphore_mem>>)
    %add3A_273 = arith.constant 256 : i32
    %add3A_274 = arith.addi %mul3A_2, %add3A_273 : i32
    "tpu.region"() ({
      %run_scoped3A = tpu.sem_alloc : memref<!tpu.dma_semaphore, #tpu.memory_space<semaphore_mem>>
      %dma_start3A_1723 = tpu.memref_slice %arg2[%add3A_274] : memref<16384xi32, #tpu.memory_space<hbm>> -> memref<256xi32, #tpu.memory_space<hbm>>
      %dma_start3A_1724 = tpu.memref_slice %arg2[%add3A_274] : memref<16384xi32, #tpu.memory_space<hbm>> -> memref<256xi32, #tpu.memory_space<hbm>>
      tpu.enqueue_dma source(%dma_start3A_1724 : memref<256xi32, #tpu.memory_space<hbm>>) target(%arg11 : memref<256xi32, #tpu.memory_space<vmem>>) target_semaphore(%run_scoped3A : memref<!tpu.dma_semaphore, #tpu.memory_space<semaphore_mem>>)
      %dma_wait3A_1725 = tpu.memref_slice %arg2[%add3A_274] : memref<16384xi32, #tpu.memory_space<hbm>> -> memref<256xi32, #tpu.memory_space<hbm>>
      %dma_wait3A_1726 = tpu.memref_slice %arg2[%add3A_274] : memref<16384xi32, #tpu.memory_space<hbm>> -> memref<256xi32, #tpu.memory_space<hbm>>
      tpu.wait_dma2 semaphore(%run_scoped3A : memref<!tpu.dma_semaphore, #tpu.memory_space<semaphore_mem>>) src(%dma_wait3A_1726 : memref<256xi32, #tpu.memory_space<hbm>>) dst(%arg11 : memref<256xi32, #tpu.memory_space<vmem>>)
      tpu.yield
    }) : () -> ()
    %get3A_275 = arith.constant 0 : index
    %get3A_276 = tpu.vector_load %arg11[%get3A_275] {strides = array<i32>} : memref<256xi32, #tpu.memory_space<vmem>>, vector<16xi32>,
    %get3A_277 = vector.shape_cast %get3A_276 : vector<16xi32> to vector<16xi32>
    %shift_right_logical3A_278 = arith.constant 15 : i32
    %shift_right_logical3A_279 = vector.broadcast %shift_right_logical3A_278 : i32 to vector<16xi32>
    %shift_right_logical3A_280 = arith.shrui %get3A_277, %shift_right_logical3A_279 : vector<16xi32>
    %shift_left3A_281 = arith.constant 14 : i32
    %shift_left3A_282 = vector.broadcast %shift_left3A_281 : i32 to vector<16xi32>
    %shift_left3A_283 = arith.shli %shift_right_logical3A_280, %shift_left3A_282 : vector<16xi32>
    %and3A_284 = arith.constant 16383 : i32
    %and3A_285 = vector.broadcast %and3A_284 : i32 to vector<16xi32>
    %and3A_286 = arith.andi %get3A_277, %and3A_285 : vector<16xi32>
    %or3A_287 = arith.ori %shift_left3A_283, %and3A_286 : vector<16xi32>
    %swap3A_288 = arith.constant 0 : index
    %swap3A_289 = tpu.vector_load %arg11[%swap3A_288] {strides = array<i32>} : memref<256xi32, #tpu.memory_space<vmem>>, vector<16xi32>,
    %swap3A_290 = vector.shape_cast %swap3A_289 : vector<16xi32> to vector<16xi32>
    %swap3A_291 = vector.shape_cast %or3A_287 : vector<16xi32> to vector<16xi32>
    tpu.vector_store %arg11[%swap3A_288], %swap3A_291 {strides = array<i32>} : memref<256xi32, #tpu.memory_space<vmem>>, vector<16xi32>,
    %get3A_292 = arith.constant 16 : index
    %get3A_293 = tpu.vector_load %arg11[%get3A_292] {strides = array<i32>} : memref<256xi32, #tpu.memory_space<vmem>>, vector<16xi32>,
    %get3A_294 = vector.shape_cast %get3A_293 : vector<16xi32> to vector<16xi32>
    %shift_right_logical3A_295 = arith.constant 15 : i32
    %shift_right_logical3A_296 = vector.broadcast %shift_right_logical3A_295 : i32 to vector<16xi32>
    %shift_right_logical3A_297 = arith.shrui %get3A_294, %shift_right_logical3A_296 : vector<16xi32>
    %shift_left3A_298 = arith.constant 14 : i32
    %shift_left3A_299 = vector.broadcast %shift_left3A_298 : i32 to vector<16xi32>
    %shift_left3A_300 = arith.shli %shift_right_logical3A_297, %shift_left3A_299 : vector<16xi32>
    %and3A_301 = arith.constant 16383 : i32
    %and3A_302 = vector.broadcast %and3A_301 : i32 to vector<16xi32>
    %and3A_303 = arith.andi %get3A_294, %and3A_302 : vector<16xi32>
    %or3A_304 = arith.ori %shift_left3A_300, %and3A_303 : vector<16xi32>
    %swap3A_305 = arith.constant 16 : index
    %swap3A_306 = tpu.vector_load %arg11[%swap3A_305] {strides = array<i32>} : memref<256xi32, #tpu.memory_space<vmem>>, vector<16xi32>,
    %swap3A_307 = vector.shape_cast %swap3A_306 : vector<16xi32> to vector<16xi32>
    %swap3A_308 = vector.shape_cast %or3A_304 : vector<16xi32> to vector<16xi32>
    tpu.vector_store %arg11[%swap3A_305], %swap3A_308 {strides = array<i32>} : memref<256xi32, #tpu.memory_space<vmem>>, vector<16xi32>,
    %get3A_309 = arith.constant 32 : index
    %get3A_310 = tpu.vector_load %arg11[%get3A_309] {strides = array<i32>} : memref<256xi32, #tpu.memory_space<vmem>>, vector<16xi32>,
    %get3A_311 = vector.shape_cast %get3A_310 : vector<16xi32> to vector<16xi32>
    %shift_right_logical3A_312 = arith.constant 15 : i32
    %shift_right_logical3A_313 = vector.broadcast %shift_right_logical3A_312 : i32 to vector<16xi32>
    %shift_right_logical3A_314 = arith.shrui %get3A_311, %shift_right_logical3A_313 : vector<16xi32>
    %shift_left3A_315 = arith.constant 14 : i32
    %shift_left3A_316 = vector.broadcast %shift_left3A_315 : i32 to vector<16xi32>
    %shift_left3A_317 = arith.shli %shift_right_logical3A_314, %shift_left3A_316 : vector<16xi32>
    %and3A_318 = arith.constant 16383 : i32
    %and3A_319 = vector.broadcast %and3A_318 : i32 to vector<16xi32>
    %and3A_320 = arith.andi %get3A_311, %and3A_319 : vector<16xi32>
    %or3A_321 = arith.ori %shift_left3A_317, %and3A_320 : vector<16xi32>
    %swap3A_322 = arith.constant 32 : index
    %swap3A_323 = tpu.vector_load %arg11[%swap3A_322] {strides = array<i32>} : memref<256xi32, #tpu.memory_space<vmem>>, vector<16xi32>,
    %swap3A_324 = vector.shape_cast %swap3A_323 : vector<16xi32> to vector<16xi32>
    %swap3A_325 = vector.shape_cast %or3A_321 : vector<16xi32> to vector<16xi32>
    tpu.vector_store %arg11[%swap3A_322], %swap3A_325 {strides = array<i32>} : memref<256xi32, #tpu.memory_space<vmem>>, vector<16xi32>,
    %get3A_326 = arith.constant 48 : index
    %get3A_327 = tpu.vector_load %arg11[%get3A_326] {strides = array<i32>} : memref<256xi32, #tpu.memory_space<vmem>>, vector<16xi32>,
    %get3A_328 = vector.shape_cast %get3A_327 : vector<16xi32> to vector<16xi32>
    %shift_right_logical3A_329 = arith.constant 15 : i32
    %shift_right_logical3A_330 = vector.broadcast %shift_right_logical3A_329 : i32 to vector<16xi32>
    %shift_right_logical3A_331 = arith.shrui %get3A_328, %shift_right_logical3A_330 : vector<16xi32>
    %shift_left3A_332 = arith.constant 14 : i32
    %shift_left3A_333 = vector.broadcast %shift_left3A_332 : i32 to vector<16xi32>
    %shift_left3A_334 = arith.shli %shift_right_logical3A_331, %shift_left3A_333 : vector<16xi32>
    %and3A_335 = arith.constant 16383 : i32
    %and3A_336 = vector.broadcast %and3A_335 : i32 to vector<16xi32>
    %and3A_337 = arith.andi %get3A_328, %and3A_336 : vector<16xi32>
    %or3A_338 = arith.ori %shift_left3A_334, %and3A_337 : vector<16xi32>
    %swap3A_339 = arith.constant 48 : index
    %swap3A_340 = tpu.vector_load %arg11[%swap3A_339] {strides = array<i32>} : memref<256xi32, #tpu.memory_space<vmem>>, vector<16xi32>,
    %swap3A_341 = vector.shape_cast %swap3A_340 : vector<16xi32> to vector<16xi32>
    %swap3A_342 = vector.shape_cast %or3A_338 : vector<16xi32> to vector<16xi32>
    tpu.vector_store %arg11[%swap3A_339], %swap3A_342 {strides = array<i32>} : memref<256xi32, #tpu.memory_space<vmem>>, vector<16xi32>,
    %get3A_343 = arith.constant 64 : index
    %get3A_344 = tpu.vector_load %arg11[%get3A_343] {strides = array<i32>} : memref<256xi32, #tpu.memory_space<vmem>>, vector<16xi32>,
    %get3A_345 = vector.shape_cast %get3A_344 : vector<16xi32> to vector<16xi32>
    %shift_right_logical3A_346 = arith.constant 15 : i32
    %shift_right_logical3A_347 = vector.broadcast %shift_right_logical3A_346 : i32 to vector<16xi32>
    %shift_right_logical3A_348 = arith.shrui %get3A_345, %shift_right_logical3A_347 : vector<16xi32>
    %shift_left3A_349 = arith.constant 14 : i32
    %shift_left3A_350 = vector.broadcast %shift_left3A_349 : i32 to vector<16xi32>
    %shift_left3A_351 = arith.shli %shift_right_logical3A_348, %shift_left3A_350 : vector<16xi32>
    %and3A_352 = arith.constant 16383 : i32
    %and3A_353 = vector.broadcast %and3A_352 : i32 to vector<16xi32>
    %and3A_354 = arith.andi %get3A_345, %and3A_353 : vector<16xi32>
    %or3A_355 = arith.ori %shift_left3A_351, %and3A_354 : vector<16xi32>
    %swap3A_356 = arith.constant 64 : index
    %swap3A_357 = tpu.vector_load %arg11[%swap3A_356] {strides = array<i32>} : memref<256xi32, #tpu.memory_space<vmem>>, vector<16xi32>,
    %swap3A_358 = vector.shape_cast %swap3A_357 : vector<16xi32> to vector<16xi32>
    %swap3A_359 = vector.shape_cast %or3A_355 : vector<16xi32> to vector<16xi32>
    tpu.vector_store %arg11[%swap3A_356], %swap3A_359 {strides = array<i32>} : memref<256xi32, #tpu.memory_space<vmem>>, vector<16xi32>,
    %get3A_360 = arith.constant 80 : index
    %get3A_361 = tpu.vector_load %arg11[%get3A_360] {strides = array<i32>} : memref<256xi32, #tpu.memory_space<vmem>>, vector<16xi32>,
    %get3A_362 = vector.shape_cast %get3A_361 : vector<16xi32> to vector<16xi32>
    %shift_right_logical3A_363 = arith.constant 15 : i32
    %shift_right_logical3A_364 = vector.broadcast %shift_right_logical3A_363 : i32 to vector<16xi32>
    %shift_right_logical3A_365 = arith.shrui %get3A_362, %shift_right_logical3A_364 : vector<16xi32>
    %shift_left3A_366 = arith.constant 14 : i32
    %shift_left3A_367 = vector.broadcast %shift_left3A_366 : i32 to vector<16xi32>
    %shift_left3A_368 = arith.shli %shift_right_logical3A_365, %shift_left3A_367 : vector<16xi32>
    %and3A_369 = arith.constant 16383 : i32
    %and3A_370 = vector.broadcast %and3A_369 : i32 to vector<16xi32>
    %and3A_371 = arith.andi %get3A_362, %and3A_370 : vector<16xi32>
    %or3A_372 = arith.ori %shift_left3A_368, %and3A_371 : vector<16xi32>
    %swap3A_373 = arith.constant 80 : index
    %swap3A_374 = tpu.vector_load %arg11[%swap3A_373] {strides = array<i32>} : memref<256xi32, #tpu.memory_space<vmem>>, vector<16xi32>,
    %swap3A_375 = vector.shape_cast %swap3A_374 : vector<16xi32> to vector<16xi32>
    %swap3A_376 = vector.shape_cast %or3A_372 : vector<16xi32> to vector<16xi32>
    tpu.vector_store %arg11[%swap3A_373], %swap3A_376 {strides = array<i32>} : memref<256xi32, #tpu.memory_space<vmem>>, vector<16xi32>,
    %get3A_377 = arith.constant 96 : index
    %get3A_378 = tpu.vector_load %arg11[%get3A_377] {strides = array<i32>} : memref<256xi32, #tpu.memory_space<vmem>>, vector<16xi32>,
    %get3A_379 = vector.shape_cast %get3A_378 : vector<16xi32> to vector<16xi32>
    %shift_right_logical3A_380 = arith.constant 15 : i32
    %shift_right_logical3A_381 = vector.broadcast %shift_right_logical3A_380 : i32 to vector<16xi32>
    %shift_right_logical3A_382 = arith.shrui %get3A_379, %shift_right_logical3A_381 : vector<16xi32>
    %shift_left3A_383 = arith.constant 14 : i32
    %shift_left3A_384 = vector.broadcast %shift_left3A_383 : i32 to vector<16xi32>
    %shift_left3A_385 = arith.shli %shift_right_logical3A_382, %shift_left3A_384 : vector<16xi32>
    %and3A_386 = arith.constant 16383 : i32
    %and3A_387 = vector.broadcast %and3A_386 : i32 to vector<16xi32>
    %and3A_388 = arith.andi %get3A_379, %and3A_387 : vector<16xi32>
    %or3A_389 = arith.ori %shift_left3A_385, %and3A_388 : vector<16xi32>
    %swap3A_390 = arith.constant 96 : index
    %swap3A_391 = tpu.vector_load %arg11[%swap3A_390] {strides = array<i32>} : memref<256xi32, #tpu.memory_space<vmem>>, vector<16xi32>,
    %swap3A_392 = vector.shape_cast %swap3A_391 : vector<16xi32> to vector<16xi32>
    %swap3A_393 = vector.shape_cast %or3A_389 : vector<16xi32> to vector<16xi32>
    tpu.vector_store %arg11[%swap3A_390], %swap3A_393 {strides = array<i32>} : memref<256xi32, #tpu.memory_space<vmem>>, vector<16xi32>,
    %get3A_394 = arith.constant 112 : index
    %get3A_395 = tpu.vector_load %arg11[%get3A_394] {strides = array<i32>} : memref<256xi32, #tpu.memory_space<vmem>>, vector<16xi32>,
    %get3A_396 = vector.shape_cast %get3A_395 : vector<16xi32> to vector<16xi32>
    %shift_right_logical3A_397 = arith.constant 15 : i32
    %shift_right_logical3A_398 = vector.broadcast %shift_right_logical3A_397 : i32 to vector<16xi32>
    %shift_right_logical3A_399 = arith.shrui %get3A_396, %shift_right_logical3A_398 : vector<16xi32>
    %shift_left3A_400 = arith.constant 14 : i32
    %shift_left3A_401 = vector.broadcast %shift_left3A_400 : i32 to vector<16xi32>
    %shift_left3A_402 = arith.shli %shift_right_logical3A_399, %shift_left3A_401 : vector<16xi32>
    %and3A_403 = arith.constant 16383 : i32
    %and3A_404 = vector.broadcast %and3A_403 : i32 to vector<16xi32>
    %and3A_405 = arith.andi %get3A_396, %and3A_404 : vector<16xi32>
    %or3A_406 = arith.ori %shift_left3A_402, %and3A_405 : vector<16xi32>
    %swap3A_407 = arith.constant 112 : index
    %swap3A_408 = tpu.vector_load %arg11[%swap3A_407] {strides = array<i32>} : memref<256xi32, #tpu.memory_space<vmem>>, vector<16xi32>,
    %swap3A_409 = vector.shape_cast %swap3A_408 : vector<16xi32> to vector<16xi32>
    %swap3A_410 = vector.shape_cast %or3A_406 : vector<16xi32> to vector<16xi32>
    tpu.vector_store %arg11[%swap3A_407], %swap3A_410 {strides = array<i32>} : memref<256xi32, #tpu.memory_space<vmem>>, vector<16xi32>,
    %get3A_411 = arith.constant 128 : index
    %get3A_412 = tpu.vector_load %arg11[%get3A_411] {strides = array<i32>} : memref<256xi32, #tpu.memory_space<vmem>>, vector<16xi32>,
    %get3A_413 = vector.shape_cast %get3A_412 : vector<16xi32> to vector<16xi32>
    %shift_right_logical3A_414 = arith.constant 15 : i32
    %shift_right_logical3A_415 = vector.broadcast %shift_right_logical3A_414 : i32 to vector<16xi32>
    %shift_right_logical3A_416 = arith.shrui %get3A_413, %shift_right_logical3A_415 : vector<16xi32>
    %shift_left3A_417 = arith.constant 14 : i32
    %shift_left3A_418 = vector.broadcast %shift_left3A_417 : i32 to vector<16xi32>
    %shift_left3A_419 = arith.shli %shift_right_logical3A_416, %shift_left3A_418 : vector<16xi32>
    %and3A_420 = arith.constant 16383 : i32
    %and3A_421 = vector.broadcast %and3A_420 : i32 to vector<16xi32>
    %and3A_422 = arith.andi %get3A_413, %and3A_421 : vector<16xi32>
    %or3A_423 = arith.ori %shift_left3A_419, %and3A_422 : vector<16xi32>
    %swap3A_424 = arith.constant 128 : index
    %swap3A_425 = tpu.vector_load %arg11[%swap3A_424] {strides = array<i32>} : memref<256xi32, #tpu.memory_space<vmem>>, vector<16xi32>,
    %swap3A_426 = vector.shape_cast %swap3A_425 : vector<16xi32> to vector<16xi32>
    %swap3A_427 = vector.shape_cast %or3A_423 : vector<16xi32> to vector<16xi32>
    tpu.vector_store %arg11[%swap3A_424], %swap3A_427 {strides = array<i32>} : memref<256xi32, #tpu.memory_space<vmem>>, vector<16xi32>,
    %get3A_428 = arith.constant 144 : index
    %get3A_429 = tpu.vector_load %arg11[%get3A_428] {strides = array<i32>} : memref<256xi32, #tpu.memory_space<vmem>>, vector<16xi32>,
    %get3A_430 = vector.shape_cast %get3A_429 : vector<16xi32> to vector<16xi32>
    %shift_right_logical3A_431 = arith.constant 15 : i32
    %shift_right_logical3A_432 = vector.broadcast %shift_right_logical3A_431 : i32 to vector<16xi32>
    %shift_right_logical3A_433 = arith.shrui %get3A_430, %shift_right_logical3A_432 : vector<16xi32>
    %shift_left3A_434 = arith.constant 14 : i32
    %shift_left3A_435 = vector.broadcast %shift_left3A_434 : i32 to vector<16xi32>
    %shift_left3A_436 = arith.shli %shift_right_logical3A_433, %shift_left3A_435 : vector<16xi32>
    %and3A_437 = arith.constant 16383 : i32
    %and3A_438 = vector.broadcast %and3A_437 : i32 to vector<16xi32>
    %and3A_439 = arith.andi %get3A_430, %and3A_438 : vector<16xi32>
    %or3A_440 = arith.ori %shift_left3A_436, %and3A_439 : vector<16xi32>
    %swap3A_441 = arith.constant 144 : index
    %swap3A_442 = tpu.vector_load %arg11[%swap3A_441] {strides = array<i32>} : memref<256xi32, #tpu.memory_space<vmem>>, vector<16xi32>,
    %swap3A_443 = vector.shape_cast %swap3A_442 : vector<16xi32> to vector<16xi32>
    %swap3A_444 = vector.shape_cast %or3A_440 : vector<16xi32> to vector<16xi32>
    tpu.vector_store %arg11[%swap3A_441], %swap3A_444 {strides = array<i32>} : memref<256xi32, #tpu.memory_space<vmem>>, vector<16xi32>,
    %get3A_445 = arith.constant 160 : index
    %get3A_446 = tpu.vector_load %arg11[%get3A_445] {strides = array<i32>} : memref<256xi32, #tpu.memory_space<vmem>>, vector<16xi32>,
    %get3A_447 = vector.shape_cast %get3A_446 : vector<16xi32> to vector<16xi32>
    %shift_right_logical3A_448 = arith.constant 15 : i32
    %shift_right_logical3A_449 = vector.broadcast %shift_right_logical3A_448 : i32 to vector<16xi32>
    %shift_right_logical3A_450 = arith.shrui %get3A_447, %shift_right_logical3A_449 : vector<16xi32>
    %shift_left3A_451 = arith.constant 14 : i32
    %shift_left3A_452 = vector.broadcast %shift_left3A_451 : i32 to vector<16xi32>
    %shift_left3A_453 = arith.shli %shift_right_logical3A_450, %shift_left3A_452 : vector<16xi32>
    %and3A_454 = arith.constant 16383 : i32
    %and3A_455 = vector.broadcast %and3A_454 : i32 to vector<16xi32>
    %and3A_456 = arith.andi %get3A_447, %and3A_455 : vector<16xi32>
    %or3A_457 = arith.ori %shift_left3A_453, %and3A_456 : vector<16xi32>
    %swap3A_458 = arith.constant 160 : index
    %swap3A_459 = tpu.vector_load %arg11[%swap3A_458] {strides = array<i32>} : memref<256xi32, #tpu.memory_space<vmem>>, vector<16xi32>,
    %swap3A_460 = vector.shape_cast %swap3A_459 : vector<16xi32> to vector<16xi32>
    %swap3A_461 = vector.shape_cast %or3A_457 : vector<16xi32> to vector<16xi32>
    tpu.vector_store %arg11[%swap3A_458], %swap3A_461 {strides = array<i32>} : memref<256xi32, #tpu.memory_space<vmem>>, vector<16xi32>,
    %get3A_462 = arith.constant 176 : index
    %get3A_463 = tpu.vector_load %arg11[%get3A_462] {strides = array<i32>} : memref<256xi32, #tpu.memory_space<vmem>>, vector<16xi32>,
    %get3A_464 = vector.shape_cast %get3A_463 : vector<16xi32> to vector<16xi32>
    %shift_right_logical3A_465 = arith.constant 15 : i32
    %shift_right_logical3A_466 = vector.broadcast %shift_right_logical3A_465 : i32 to vector<16xi32>
    %shift_right_logical3A_467 = arith.shrui %get3A_464, %shift_right_logical3A_466 : vector<16xi32>
    %shift_left3A_468 = arith.constant 14 : i32
    %shift_left3A_469 = vector.broadcast %shift_left3A_468 : i32 to vector<16xi32>
    %shift_left3A_470 = arith.shli %shift_right_logical3A_467, %shift_left3A_469 : vector<16xi32>
    %and3A_471 = arith.constant 16383 : i32
    %and3A_472 = vector.broadcast %and3A_471 : i32 to vector<16xi32>
    %and3A_473 = arith.andi %get3A_464, %and3A_472 : vector<16xi32>
    %or3A_474 = arith.ori %shift_left3A_470, %and3A_473 : vector<16xi32>
    %swap3A_475 = arith.constant 176 : index
    %swap3A_476 = tpu.vector_load %arg11[%swap3A_475] {strides = array<i32>} : memref<256xi32, #tpu.memory_space<vmem>>, vector<16xi32>,
    %swap3A_477 = vector.shape_cast %swap3A_476 : vector<16xi32> to vector<16xi32>
    %swap3A_478 = vector.shape_cast %or3A_474 : vector<16xi32> to vector<16xi32>
    tpu.vector_store %arg11[%swap3A_475], %swap3A_478 {strides = array<i32>} : memref<256xi32, #tpu.memory_space<vmem>>, vector<16xi32>,
    %get3A_479 = arith.constant 192 : index
    %get3A_480 = tpu.vector_load %arg11[%get3A_479] {strides = array<i32>} : memref<256xi32, #tpu.memory_space<vmem>>, vector<16xi32>,
    %get3A_481 = vector.shape_cast %get3A_480 : vector<16xi32> to vector<16xi32>
    %shift_right_logical3A_482 = arith.constant 15 : i32
    %shift_right_logical3A_483 = vector.broadcast %shift_right_logical3A_482 : i32 to vector<16xi32>
    %shift_right_logical3A_484 = arith.shrui %get3A_481, %shift_right_logical3A_483 : vector<16xi32>
    %shift_left3A_485 = arith.constant 14 : i32
    %shift_left3A_486 = vector.broadcast %shift_left3A_485 : i32 to vector<16xi32>
    %shift_left3A_487 = arith.shli %shift_right_logical3A_484, %shift_left3A_486 : vector<16xi32>
    %and3A_488 = arith.constant 16383 : i32
    %and3A_489 = vector.broadcast %and3A_488 : i32 to vector<16xi32>
    %and3A_490 = arith.andi %get3A_481, %and3A_489 : vector<16xi32>
    %or3A_491 = arith.ori %shift_left3A_487, %and3A_490 : vector<16xi32>
    %swap3A_492 = arith.constant 192 : index
    %swap3A_493 = tpu.vector_load %arg11[%swap3A_492] {strides = array<i32>} : memref<256xi32, #tpu.memory_space<vmem>>, vector<16xi32>,
    %swap3A_494 = vector.shape_cast %swap3A_493 : vector<16xi32> to vector<16xi32>
    %swap3A_495 = vector.shape_cast %or3A_491 : vector<16xi32> to vector<16xi32>
    tpu.vector_store %arg11[%swap3A_492], %swap3A_495 {strides = array<i32>} : memref<256xi32, #tpu.memory_space<vmem>>, vector<16xi32>,
    %get3A_496 = arith.constant 208 : index
    %get3A_497 = tpu.vector_load %arg11[%get3A_496] {strides = array<i32>} : memref<256xi32, #tpu.memory_space<vmem>>, vector<16xi32>,
    %get3A_498 = vector.shape_cast %get3A_497 : vector<16xi32> to vector<16xi32>
    %shift_right_logical3A_499 = arith.constant 15 : i32
    %shift_right_logical3A_500 = vector.broadcast %shift_right_logical3A_499 : i32 to vector<16xi32>
    %shift_right_logical3A_501 = arith.shrui %get3A_498, %shift_right_logical3A_500 : vector<16xi32>
    %shift_left3A_502 = arith.constant 14 : i32
    %shift_left3A_503 = vector.broadcast %shift_left3A_502 : i32 to vector<16xi32>
    %shift_left3A_504 = arith.shli %shift_right_logical3A_501, %shift_left3A_503 : vector<16xi32>
    %and3A_505 = arith.constant 16383 : i32
    %and3A_506 = vector.broadcast %and3A_505 : i32 to vector<16xi32>
    %and3A_507 = arith.andi %get3A_498, %and3A_506 : vector<16xi32>
    %or3A_508 = arith.ori %shift_left3A_504, %and3A_507 : vector<16xi32>
    %swap3A_509 = arith.constant 208 : index
    %swap3A_510 = tpu.vector_load %arg11[%swap3A_509] {strides = array<i32>} : memref<256xi32, #tpu.memory_space<vmem>>, vector<16xi32>,
    %swap3A_511 = vector.shape_cast %swap3A_510 : vector<16xi32> to vector<16xi32>
    %swap3A_512 = vector.shape_cast %or3A_508 : vector<16xi32> to vector<16xi32>
    tpu.vector_store %arg11[%swap3A_509], %swap3A_512 {strides = array<i32>} : memref<256xi32, #tpu.memory_space<vmem>>, vector<16xi32>,
    %get3A_513 = arith.constant 224 : index
    %get3A_514 = tpu.vector_load %arg11[%get3A_513] {strides = array<i32>} : memref<256xi32, #tpu.memory_space<vmem>>, vector<16xi32>,
    %get3A_515 = vector.shape_cast %get3A_514 : vector<16xi32> to vector<16xi32>
    %shift_right_logical3A_516 = arith.constant 15 : i32
    %shift_right_logical3A_517 = vector.broadcast %shift_right_logical3A_516 : i32 to vector<16xi32>
    %shift_right_logical3A_518 = arith.shrui %get3A_515, %shift_right_logical3A_517 : vector<16xi32>
    %shift_left3A_519 = arith.constant 14 : i32
    %shift_left3A_520 = vector.broadcast %shift_left3A_519 : i32 to vector<16xi32>
    %shift_left3A_521 = arith.shli %shift_right_logical3A_518, %shift_left3A_520 : vector<16xi32>
    %and3A_522 = arith.constant 16383 : i32
    %and3A_523 = vector.broadcast %and3A_522 : i32 to vector<16xi32>
    %and3A_524 = arith.andi %get3A_515, %and3A_523 : vector<16xi32>
    %or3A_525 = arith.ori %shift_left3A_521, %and3A_524 : vector<16xi32>
    %swap3A_526 = arith.constant 224 : index
    %swap3A_527 = tpu.vector_load %arg11[%swap3A_526] {strides = array<i32>} : memref<256xi32, #tpu.memory_space<vmem>>, vector<16xi32>,
    %swap3A_528 = vector.shape_cast %swap3A_527 : vector<16xi32> to vector<16xi32>
    %swap3A_529 = vector.shape_cast %or3A_525 : vector<16xi32> to vector<16xi32>
    tpu.vector_store %arg11[%swap3A_526], %swap3A_529 {strides = array<i32>} : memref<256xi32, #tpu.memory_space<vmem>>, vector<16xi32>,
    %get3A_530 = arith.constant 240 : index
    %get3A_531 = tpu.vector_load %arg11[%get3A_530] {strides = array<i32>} : memref<256xi32, #tpu.memory_space<vmem>>, vector<16xi32>,
    %get3A_532 = vector.shape_cast %get3A_531 : vector<16xi32> to vector<16xi32>
    %shift_right_logical3A_533 = arith.constant 15 : i32
    %shift_right_logical3A_534 = vector.broadcast %shift_right_logical3A_533 : i32 to vector<16xi32>
    %shift_right_logical3A_535 = arith.shrui %get3A_532, %shift_right_logical3A_534 : vector<16xi32>
    %shift_left3A_536 = arith.constant 14 : i32
    %shift_left3A_537 = vector.broadcast %shift_left3A_536 : i32 to vector<16xi32>
    %shift_left3A_538 = arith.shli %shift_right_logical3A_535, %shift_left3A_537 : vector<16xi32>
    %and3A_539 = arith.constant 16383 : i32
    %and3A_540 = vector.broadcast %and3A_539 : i32 to vector<16xi32>
    %and3A_541 = arith.andi %get3A_532, %and3A_540 : vector<16xi32>
    %or3A_542 = arith.ori %shift_left3A_538, %and3A_541 : vector<16xi32>
    %swap3A_543 = arith.constant 240 : index
    %swap3A_544 = tpu.vector_load %arg11[%swap3A_543] {strides = array<i32>} : memref<256xi32, #tpu.memory_space<vmem>>, vector<16xi32>,
    %swap3A_545 = vector.shape_cast %swap3A_544 : vector<16xi32> to vector<16xi32>
    %swap3A_546 = vector.shape_cast %or3A_542 : vector<16xi32> to vector<16xi32>
    tpu.vector_store %arg11[%swap3A_543], %swap3A_546 {strides = array<i32>} : memref<256xi32, #tpu.memory_space<vmem>>, vector<16xi32>,
    %dma_start3A_547 = arith.constant 0 : i32
    %dma_start3A_548 = arith.constant 0 : i32
    %dma_start3A_549 = tpu.memref_slice %arg5[%dma_start3A_547, %dma_start3A_548] : memref<65536x128xf32, #tpu.memory_space<hbm>> -> memref<65536x128xf32, #tpu.memory_space<hbm>>
    tpu.enqueue_indirect_dma source(%dma_start3A_549 : memref<65536x128xf32, #tpu.memory_space<hbm>>) target(%arg13 : memref<256x128xf32, #tpu.memory_space<vmem>>) offsets(%arg11 : memref<256xi32, #tpu.memory_space<vmem>>) semaphore(%arg15 : memref<!tpu.dma_semaphore, #tpu.memory_space<semaphore_mem>>)
    %dma_wait3A = arith.constant 0 : i32
    %dma_wait3A_550 = arith.constant 0 : i32
    %dma_wait3A_551 = tpu.memref_slice %arg5[%dma_wait3A, %dma_wait3A_550] : memref<65536x128xf32, #tpu.memory_space<hbm>> -> memref<65536x128xf32, #tpu.memory_space<hbm>>
    tpu.wait_indirect_dma semaphore(%arg14 : memref<!tpu.dma_semaphore, #tpu.memory_space<semaphore_mem>>) src(%dma_wait3A_551 : memref<65536x128xf32, #tpu.memory_space<hbm>>) dst(%arg12 : memref<256x128xf32, #tpu.memory_space<vmem>>)
    %dma_start3A_552 = arith.constant 0 : i32
    %dma_start3A_553 = tpu.memref_slice %arg7[%add3A_4, %dma_start3A_552] : memref<16384x128xf32, #tpu.memory_space<hbm>> -> memref<256x128xf32, #tpu.memory_space<hbm>>
    %dma_start3A_554 = arith.constant 0 : i32
    %dma_start3A_555 = tpu.memref_slice %arg7[%add3A_4, %dma_start3A_554] : memref<16384x128xf32, #tpu.memory_space<hbm>> -> memref<256x128xf32, #tpu.memory_space<hbm>>
    tpu.enqueue_dma source(%arg12 : memref<256x128xf32, #tpu.memory_space<vmem>>) target(%dma_start3A_555 : memref<256x128xf32, #tpu.memory_space<hbm>>) target_semaphore(%arg16 : memref<!tpu.dma_semaphore, #tpu.memory_space<semaphore_mem>>)
    %dma_wait3A_556 = arith.constant 0 : i32
    %dma_wait3A_557 = tpu.memref_slice %arg7[%add3A_4, %dma_wait3A_556] : memref<16384x128xf32, #tpu.memory_space<hbm>> -> memref<256x128xf32, #tpu.memory_space<hbm>>
    %dma_wait3A_558 = arith.constant 0 : i32
    %dma_wait3A_559 = tpu.memref_slice %arg7[%add3A_4, %dma_wait3A_558] : memref<16384x128xf32, #tpu.memory_space<hbm>> -> memref<256x128xf32, #tpu.memory_space<hbm>>
    tpu.wait_dma2 semaphore(%arg16 : memref<!tpu.dma_semaphore, #tpu.memory_space<semaphore_mem>>) src(%arg12 : memref<256x128xf32, #tpu.memory_space<vmem>>) dst(%dma_wait3A_559 : memref<256x128xf32, #tpu.memory_space<hbm>>)
    %add3A_560 = arith.constant 0 : i32
    %add3A_561 = arith.addi %mul3A_2, %add3A_560 : i32
    "tpu.region"() ({
      %run_scoped3A = tpu.sem_alloc : memref<!tpu.dma_semaphore, #tpu.memory_space<semaphore_mem>>
      %dma_start3A_1723 = tpu.memref_slice %arg3[%add3A_561] : memref<16384xi32, #tpu.memory_space<hbm>> -> memref<256xi32, #tpu.memory_space<hbm>>
      %dma_start3A_1724 = tpu.memref_slice %arg3[%add3A_561] : memref<16384xi32, #tpu.memory_space<hbm>> -> memref<256xi32, #tpu.memory_space<hbm>>
      tpu.enqueue_dma source(%dma_start3A_1724 : memref<256xi32, #tpu.memory_space<hbm>>) target(%arg10 : memref<256xi32, #tpu.memory_space<vmem>>) target_semaphore(%run_scoped3A : memref<!tpu.dma_semaphore, #tpu.memory_space<semaphore_mem>>)
      %dma_wait3A_1725 = tpu.memref_slice %arg3[%add3A_561] : memref<16384xi32, #tpu.memory_space<hbm>> -> memref<256xi32, #tpu.memory_space<hbm>>
      %dma_wait3A_1726 = tpu.memref_slice %arg3[%add3A_561] : memref<16384xi32, #tpu.memory_space<hbm>> -> memref<256xi32, #tpu.memory_space<hbm>>
      tpu.wait_dma2 semaphore(%run_scoped3A : memref<!tpu.dma_semaphore, #tpu.memory_space<semaphore_mem>>) src(%dma_wait3A_1726 : memref<256xi32, #tpu.memory_space<hbm>>) dst(%arg10 : memref<256xi32, #tpu.memory_space<vmem>>)
      tpu.yield
    }) : () -> ()
    %get3A_562 = arith.constant 0 : index
    %get3A_563 = tpu.vector_load %arg10[%get3A_562] {strides = array<i32>} : memref<256xi32, #tpu.memory_space<vmem>>, vector<16xi32>,
    %get3A_564 = vector.shape_cast %get3A_563 : vector<16xi32> to vector<16xi32>
    %shift_right_logical3A_565 = arith.constant 15 : i32
    %shift_right_logical3A_566 = vector.broadcast %shift_right_logical3A_565 : i32 to vector<16xi32>
    %shift_right_logical3A_567 = arith.shrui %get3A_564, %shift_right_logical3A_566 : vector<16xi32>
    %shift_left3A_568 = arith.constant 14 : i32
    %shift_left3A_569 = vector.broadcast %shift_left3A_568 : i32 to vector<16xi32>
    %shift_left3A_570 = arith.shli %shift_right_logical3A_567, %shift_left3A_569 : vector<16xi32>
    %and3A_571 = arith.constant 16383 : i32
    %and3A_572 = vector.broadcast %and3A_571 : i32 to vector<16xi32>
    %and3A_573 = arith.andi %get3A_564, %and3A_572 : vector<16xi32>
    %or3A_574 = arith.ori %shift_left3A_570, %and3A_573 : vector<16xi32>
    %swap3A_575 = arith.constant 0 : index
    %swap3A_576 = tpu.vector_load %arg10[%swap3A_575] {strides = array<i32>} : memref<256xi32, #tpu.memory_space<vmem>>, vector<16xi32>,
    %swap3A_577 = vector.shape_cast %swap3A_576 : vector<16xi32> to vector<16xi32>
    %swap3A_578 = vector.shape_cast %or3A_574 : vector<16xi32> to vector<16xi32>
    tpu.vector_store %arg10[%swap3A_575], %swap3A_578 {strides = array<i32>} : memref<256xi32, #tpu.memory_space<vmem>>, vector<16xi32>,
    %get3A_579 = arith.constant 16 : index
    %get3A_580 = tpu.vector_load %arg10[%get3A_579] {strides = array<i32>} : memref<256xi32, #tpu.memory_space<vmem>>, vector<16xi32>,
    %get3A_581 = vector.shape_cast %get3A_580 : vector<16xi32> to vector<16xi32>
    %shift_right_logical3A_582 = arith.constant 15 : i32
    %shift_right_logical3A_583 = vector.broadcast %shift_right_logical3A_582 : i32 to vector<16xi32>
    %shift_right_logical3A_584 = arith.shrui %get3A_581, %shift_right_logical3A_583 : vector<16xi32>
    %shift_left3A_585 = arith.constant 14 : i32
    %shift_left3A_586 = vector.broadcast %shift_left3A_585 : i32 to vector<16xi32>
    %shift_left3A_587 = arith.shli %shift_right_logical3A_584, %shift_left3A_586 : vector<16xi32>
    %and3A_588 = arith.constant 16383 : i32
    %and3A_589 = vector.broadcast %and3A_588 : i32 to vector<16xi32>
    %and3A_590 = arith.andi %get3A_581, %and3A_589 : vector<16xi32>
    %or3A_591 = arith.ori %shift_left3A_587, %and3A_590 : vector<16xi32>
    %swap3A_592 = arith.constant 16 : index
    %swap3A_593 = tpu.vector_load %arg10[%swap3A_592] {strides = array<i32>} : memref<256xi32, #tpu.memory_space<vmem>>, vector<16xi32>,
    %swap3A_594 = vector.shape_cast %swap3A_593 : vector<16xi32> to vector<16xi32>
    %swap3A_595 = vector.shape_cast %or3A_591 : vector<16xi32> to vector<16xi32>
    tpu.vector_store %arg10[%swap3A_592], %swap3A_595 {strides = array<i32>} : memref<256xi32, #tpu.memory_space<vmem>>, vector<16xi32>,
    %get3A_596 = arith.constant 32 : index
    %get3A_597 = tpu.vector_load %arg10[%get3A_596] {strides = array<i32>} : memref<256xi32, #tpu.memory_space<vmem>>, vector<16xi32>,
    %get3A_598 = vector.shape_cast %get3A_597 : vector<16xi32> to vector<16xi32>
    %shift_right_logical3A_599 = arith.constant 15 : i32
    %shift_right_logical3A_600 = vector.broadcast %shift_right_logical3A_599 : i32 to vector<16xi32>
    %shift_right_logical3A_601 = arith.shrui %get3A_598, %shift_right_logical3A_600 : vector<16xi32>
    %shift_left3A_602 = arith.constant 14 : i32
    %shift_left3A_603 = vector.broadcast %shift_left3A_602 : i32 to vector<16xi32>
    %shift_left3A_604 = arith.shli %shift_right_logical3A_601, %shift_left3A_603 : vector<16xi32>
    %and3A_605 = arith.constant 16383 : i32
    %and3A_606 = vector.broadcast %and3A_605 : i32 to vector<16xi32>
    %and3A_607 = arith.andi %get3A_598, %and3A_606 : vector<16xi32>
    %or3A_608 = arith.ori %shift_left3A_604, %and3A_607 : vector<16xi32>
    %swap3A_609 = arith.constant 32 : index
    %swap3A_610 = tpu.vector_load %arg10[%swap3A_609] {strides = array<i32>} : memref<256xi32, #tpu.memory_space<vmem>>, vector<16xi32>,
    %swap3A_611 = vector.shape_cast %swap3A_610 : vector<16xi32> to vector<16xi32>
    %swap3A_612 = vector.shape_cast %or3A_608 : vector<16xi32> to vector<16xi32>
    tpu.vector_store %arg10[%swap3A_609], %swap3A_612 {strides = array<i32>} : memref<256xi32, #tpu.memory_space<vmem>>, vector<16xi32>,
    %get3A_613 = arith.constant 48 : index
    %get3A_614 = tpu.vector_load %arg10[%get3A_613] {strides = array<i32>} : memref<256xi32, #tpu.memory_space<vmem>>, vector<16xi32>,
    %get3A_615 = vector.shape_cast %get3A_614 : vector<16xi32> to vector<16xi32>
    %shift_right_logical3A_616 = arith.constant 15 : i32
    %shift_right_logical3A_617 = vector.broadcast %shift_right_logical3A_616 : i32 to vector<16xi32>
    %shift_right_logical3A_618 = arith.shrui %get3A_615, %shift_right_logical3A_617 : vector<16xi32>
    %shift_left3A_619 = arith.constant 14 : i32
    %shift_left3A_620 = vector.broadcast %shift_left3A_619 : i32 to vector<16xi32>
    %shift_left3A_621 = arith.shli %shift_right_logical3A_618, %shift_left3A_620 : vector<16xi32>
    %and3A_622 = arith.constant 16383 : i32
    %and3A_623 = vector.broadcast %and3A_622 : i32 to vector<16xi32>
    %and3A_624 = arith.andi %get3A_615, %and3A_623 : vector<16xi32>
    %or3A_625 = arith.ori %shift_left3A_621, %and3A_624 : vector<16xi32>
    %swap3A_626 = arith.constant 48 : index
    %swap3A_627 = tpu.vector_load %arg10[%swap3A_626] {strides = array<i32>} : memref<256xi32, #tpu.memory_space<vmem>>, vector<16xi32>,
    %swap3A_628 = vector.shape_cast %swap3A_627 : vector<16xi32> to vector<16xi32>
    %swap3A_629 = vector.shape_cast %or3A_625 : vector<16xi32> to vector<16xi32>
    tpu.vector_store %arg10[%swap3A_626], %swap3A_629 {strides = array<i32>} : memref<256xi32, #tpu.memory_space<vmem>>, vector<16xi32>,
    %get3A_630 = arith.constant 64 : index
    %get3A_631 = tpu.vector_load %arg10[%get3A_630] {strides = array<i32>} : memref<256xi32, #tpu.memory_space<vmem>>, vector<16xi32>,
    %get3A_632 = vector.shape_cast %get3A_631 : vector<16xi32> to vector<16xi32>
    %shift_right_logical3A_633 = arith.constant 15 : i32
    %shift_right_logical3A_634 = vector.broadcast %shift_right_logical3A_633 : i32 to vector<16xi32>
    %shift_right_logical3A_635 = arith.shrui %get3A_632, %shift_right_logical3A_634 : vector<16xi32>
    %shift_left3A_636 = arith.constant 14 : i32
    %shift_left3A_637 = vector.broadcast %shift_left3A_636 : i32 to vector<16xi32>
    %shift_left3A_638 = arith.shli %shift_right_logical3A_635, %shift_left3A_637 : vector<16xi32>
    %and3A_639 = arith.constant 16383 : i32
    %and3A_640 = vector.broadcast %and3A_639 : i32 to vector<16xi32>
    %and3A_641 = arith.andi %get3A_632, %and3A_640 : vector<16xi32>
    %or3A_642 = arith.ori %shift_left3A_638, %and3A_641 : vector<16xi32>
    %swap3A_643 = arith.constant 64 : index
    %swap3A_644 = tpu.vector_load %arg10[%swap3A_643] {strides = array<i32>} : memref<256xi32, #tpu.memory_space<vmem>>, vector<16xi32>,
    %swap3A_645 = vector.shape_cast %swap3A_644 : vector<16xi32> to vector<16xi32>
    %swap3A_646 = vector.shape_cast %or3A_642 : vector<16xi32> to vector<16xi32>
    tpu.vector_store %arg10[%swap3A_643], %swap3A_646 {strides = array<i32>} : memref<256xi32, #tpu.memory_space<vmem>>, vector<16xi32>,
    %get3A_647 = arith.constant 80 : index
    %get3A_648 = tpu.vector_load %arg10[%get3A_647] {strides = array<i32>} : memref<256xi32, #tpu.memory_space<vmem>>, vector<16xi32>,
    %get3A_649 = vector.shape_cast %get3A_648 : vector<16xi32> to vector<16xi32>
    %shift_right_logical3A_650 = arith.constant 15 : i32
    %shift_right_logical3A_651 = vector.broadcast %shift_right_logical3A_650 : i32 to vector<16xi32>
    %shift_right_logical3A_652 = arith.shrui %get3A_649, %shift_right_logical3A_651 : vector<16xi32>
    %shift_left3A_653 = arith.constant 14 : i32
    %shift_left3A_654 = vector.broadcast %shift_left3A_653 : i32 to vector<16xi32>
    %shift_left3A_655 = arith.shli %shift_right_logical3A_652, %shift_left3A_654 : vector<16xi32>
    %and3A_656 = arith.constant 16383 : i32
    %and3A_657 = vector.broadcast %and3A_656 : i32 to vector<16xi32>
    %and3A_658 = arith.andi %get3A_649, %and3A_657 : vector<16xi32>
    %or3A_659 = arith.ori %shift_left3A_655, %and3A_658 : vector<16xi32>
    %swap3A_660 = arith.constant 80 : index
    %swap3A_661 = tpu.vector_load %arg10[%swap3A_660] {strides = array<i32>} : memref<256xi32, #tpu.memory_space<vmem>>, vector<16xi32>,
    %swap3A_662 = vector.shape_cast %swap3A_661 : vector<16xi32> to vector<16xi32>
    %swap3A_663 = vector.shape_cast %or3A_659 : vector<16xi32> to vector<16xi32>
    tpu.vector_store %arg10[%swap3A_660], %swap3A_663 {strides = array<i32>} : memref<256xi32, #tpu.memory_space<vmem>>, vector<16xi32>,
    %get3A_664 = arith.constant 96 : index
    %get3A_665 = tpu.vector_load %arg10[%get3A_664] {strides = array<i32>} : memref<256xi32, #tpu.memory_space<vmem>>, vector<16xi32>,
    %get3A_666 = vector.shape_cast %get3A_665 : vector<16xi32> to vector<16xi32>
    %shift_right_logical3A_667 = arith.constant 15 : i32
    %shift_right_logical3A_668 = vector.broadcast %shift_right_logical3A_667 : i32 to vector<16xi32>
    %shift_right_logical3A_669 = arith.shrui %get3A_666, %shift_right_logical3A_668 : vector<16xi32>
    %shift_left3A_670 = arith.constant 14 : i32
    %shift_left3A_671 = vector.broadcast %shift_left3A_670 : i32 to vector<16xi32>
    %shift_left3A_672 = arith.shli %shift_right_logical3A_669, %shift_left3A_671 : vector<16xi32>
    %and3A_673 = arith.constant 16383 : i32
    %and3A_674 = vector.broadcast %and3A_673 : i32 to vector<16xi32>
    %and3A_675 = arith.andi %get3A_666, %and3A_674 : vector<16xi32>
    %or3A_676 = arith.ori %shift_left3A_672, %and3A_675 : vector<16xi32>
    %swap3A_677 = arith.constant 96 : index
    %swap3A_678 = tpu.vector_load %arg10[%swap3A_677] {strides = array<i32>} : memref<256xi32, #tpu.memory_space<vmem>>, vector<16xi32>,
    %swap3A_679 = vector.shape_cast %swap3A_678 : vector<16xi32> to vector<16xi32>
    %swap3A_680 = vector.shape_cast %or3A_676 : vector<16xi32> to vector<16xi32>
    tpu.vector_store %arg10[%swap3A_677], %swap3A_680 {strides = array<i32>} : memref<256xi32, #tpu.memory_space<vmem>>, vector<16xi32>,
    %get3A_681 = arith.constant 112 : index
    %get3A_682 = tpu.vector_load %arg10[%get3A_681] {strides = array<i32>} : memref<256xi32, #tpu.memory_space<vmem>>, vector<16xi32>,
    %get3A_683 = vector.shape_cast %get3A_682 : vector<16xi32> to vector<16xi32>
    %shift_right_logical3A_684 = arith.constant 15 : i32
    %shift_right_logical3A_685 = vector.broadcast %shift_right_logical3A_684 : i32 to vector<16xi32>
    %shift_right_logical3A_686 = arith.shrui %get3A_683, %shift_right_logical3A_685 : vector<16xi32>
    %shift_left3A_687 = arith.constant 14 : i32
    %shift_left3A_688 = vector.broadcast %shift_left3A_687 : i32 to vector<16xi32>
    %shift_left3A_689 = arith.shli %shift_right_logical3A_686, %shift_left3A_688 : vector<16xi32>
    %and3A_690 = arith.constant 16383 : i32
    %and3A_691 = vector.broadcast %and3A_690 : i32 to vector<16xi32>
    %and3A_692 = arith.andi %get3A_683, %and3A_691 : vector<16xi32>
    %or3A_693 = arith.ori %shift_left3A_689, %and3A_692 : vector<16xi32>
    %swap3A_694 = arith.constant 112 : index
    %swap3A_695 = tpu.vector_load %arg10[%swap3A_694] {strides = array<i32>} : memref<256xi32, #tpu.memory_space<vmem>>, vector<16xi32>,
    %swap3A_696 = vector.shape_cast %swap3A_695 : vector<16xi32> to vector<16xi32>
    %swap3A_697 = vector.shape_cast %or3A_693 : vector<16xi32> to vector<16xi32>
    tpu.vector_store %arg10[%swap3A_694], %swap3A_697 {strides = array<i32>} : memref<256xi32, #tpu.memory_space<vmem>>, vector<16xi32>,
    %get3A_698 = arith.constant 128 : index
    %get3A_699 = tpu.vector_load %arg10[%get3A_698] {strides = array<i32>} : memref<256xi32, #tpu.memory_space<vmem>>, vector<16xi32>,
    %get3A_700 = vector.shape_cast %get3A_699 : vector<16xi32> to vector<16xi32>
    %shift_right_logical3A_701 = arith.constant 15 : i32
    %shift_right_logical3A_702 = vector.broadcast %shift_right_logical3A_701 : i32 to vector<16xi32>
    %shift_right_logical3A_703 = arith.shrui %get3A_700, %shift_right_logical3A_702 : vector<16xi32>
    %shift_left3A_704 = arith.constant 14 : i32
    %shift_left3A_705 = vector.broadcast %shift_left3A_704 : i32 to vector<16xi32>
    %shift_left3A_706 = arith.shli %shift_right_logical3A_703, %shift_left3A_705 : vector<16xi32>
    %and3A_707 = arith.constant 16383 : i32
    %and3A_708 = vector.broadcast %and3A_707 : i32 to vector<16xi32>
    %and3A_709 = arith.andi %get3A_700, %and3A_708 : vector<16xi32>
    %or3A_710 = arith.ori %shift_left3A_706, %and3A_709 : vector<16xi32>
    %swap3A_711 = arith.constant 128 : index
    %swap3A_712 = tpu.vector_load %arg10[%swap3A_711] {strides = array<i32>} : memref<256xi32, #tpu.memory_space<vmem>>, vector<16xi32>,
    %swap3A_713 = vector.shape_cast %swap3A_712 : vector<16xi32> to vector<16xi32>
    %swap3A_714 = vector.shape_cast %or3A_710 : vector<16xi32> to vector<16xi32>
    tpu.vector_store %arg10[%swap3A_711], %swap3A_714 {strides = array<i32>} : memref<256xi32, #tpu.memory_space<vmem>>, vector<16xi32>,
    %get3A_715 = arith.constant 144 : index
    %get3A_716 = tpu.vector_load %arg10[%get3A_715] {strides = array<i32>} : memref<256xi32, #tpu.memory_space<vmem>>, vector<16xi32>,
    %get3A_717 = vector.shape_cast %get3A_716 : vector<16xi32> to vector<16xi32>
    %shift_right_logical3A_718 = arith.constant 15 : i32
    %shift_right_logical3A_719 = vector.broadcast %shift_right_logical3A_718 : i32 to vector<16xi32>
    %shift_right_logical3A_720 = arith.shrui %get3A_717, %shift_right_logical3A_719 : vector<16xi32>
    %shift_left3A_721 = arith.constant 14 : i32
    %shift_left3A_722 = vector.broadcast %shift_left3A_721 : i32 to vector<16xi32>
    %shift_left3A_723 = arith.shli %shift_right_logical3A_720, %shift_left3A_722 : vector<16xi32>
    %and3A_724 = arith.constant 16383 : i32
    %and3A_725 = vector.broadcast %and3A_724 : i32 to vector<16xi32>
    %and3A_726 = arith.andi %get3A_717, %and3A_725 : vector<16xi32>
    %or3A_727 = arith.ori %shift_left3A_723, %and3A_726 : vector<16xi32>
    %swap3A_728 = arith.constant 144 : index
    %swap3A_729 = tpu.vector_load %arg10[%swap3A_728] {strides = array<i32>} : memref<256xi32, #tpu.memory_space<vmem>>, vector<16xi32>,
    %swap3A_730 = vector.shape_cast %swap3A_729 : vector<16xi32> to vector<16xi32>
    %swap3A_731 = vector.shape_cast %or3A_727 : vector<16xi32> to vector<16xi32>
    tpu.vector_store %arg10[%swap3A_728], %swap3A_731 {strides = array<i32>} : memref<256xi32, #tpu.memory_space<vmem>>, vector<16xi32>,
    %get3A_732 = arith.constant 160 : index
    %get3A_733 = tpu.vector_load %arg10[%get3A_732] {strides = array<i32>} : memref<256xi32, #tpu.memory_space<vmem>>, vector<16xi32>,
    %get3A_734 = vector.shape_cast %get3A_733 : vector<16xi32> to vector<16xi32>
    %shift_right_logical3A_735 = arith.constant 15 : i32
    %shift_right_logical3A_736 = vector.broadcast %shift_right_logical3A_735 : i32 to vector<16xi32>
    %shift_right_logical3A_737 = arith.shrui %get3A_734, %shift_right_logical3A_736 : vector<16xi32>
    %shift_left3A_738 = arith.constant 14 : i32
    %shift_left3A_739 = vector.broadcast %shift_left3A_738 : i32 to vector<16xi32>
    %shift_left3A_740 = arith.shli %shift_right_logical3A_737, %shift_left3A_739 : vector<16xi32>
    %and3A_741 = arith.constant 16383 : i32
    %and3A_742 = vector.broadcast %and3A_741 : i32 to vector<16xi32>
    %and3A_743 = arith.andi %get3A_734, %and3A_742 : vector<16xi32>
    %or3A_744 = arith.ori %shift_left3A_740, %and3A_743 : vector<16xi32>
    %swap3A_745 = arith.constant 160 : index
    %swap3A_746 = tpu.vector_load %arg10[%swap3A_745] {strides = array<i32>} : memref<256xi32, #tpu.memory_space<vmem>>, vector<16xi32>,
    %swap3A_747 = vector.shape_cast %swap3A_746 : vector<16xi32> to vector<16xi32>
    %swap3A_748 = vector.shape_cast %or3A_744 : vector<16xi32> to vector<16xi32>
    tpu.vector_store %arg10[%swap3A_745], %swap3A_748 {strides = array<i32>} : memref<256xi32, #tpu.memory_space<vmem>>, vector<16xi32>,
    %get3A_749 = arith.constant 176 : index
    %get3A_750 = tpu.vector_load %arg10[%get3A_749] {strides = array<i32>} : memref<256xi32, #tpu.memory_space<vmem>>, vector<16xi32>,
    %get3A_751 = vector.shape_cast %get3A_750 : vector<16xi32> to vector<16xi32>
    %shift_right_logical3A_752 = arith.constant 15 : i32
    %shift_right_logical3A_753 = vector.broadcast %shift_right_logical3A_752 : i32 to vector<16xi32>
    %shift_right_logical3A_754 = arith.shrui %get3A_751, %shift_right_logical3A_753 : vector<16xi32>
    %shift_left3A_755 = arith.constant 14 : i32
    %shift_left3A_756 = vector.broadcast %shift_left3A_755 : i32 to vector<16xi32>
    %shift_left3A_757 = arith.shli %shift_right_logical3A_754, %shift_left3A_756 : vector<16xi32>
    %and3A_758 = arith.constant 16383 : i32
    %and3A_759 = vector.broadcast %and3A_758 : i32 to vector<16xi32>
    %and3A_760 = arith.andi %get3A_751, %and3A_759 : vector<16xi32>
    %or3A_761 = arith.ori %shift_left3A_757, %and3A_760 : vector<16xi32>
    %swap3A_762 = arith.constant 176 : index
    %swap3A_763 = tpu.vector_load %arg10[%swap3A_762] {strides = array<i32>} : memref<256xi32, #tpu.memory_space<vmem>>, vector<16xi32>,
    %swap3A_764 = vector.shape_cast %swap3A_763 : vector<16xi32> to vector<16xi32>
    %swap3A_765 = vector.shape_cast %or3A_761 : vector<16xi32> to vector<16xi32>
    tpu.vector_store %arg10[%swap3A_762], %swap3A_765 {strides = array<i32>} : memref<256xi32, #tpu.memory_space<vmem>>, vector<16xi32>,
    %get3A_766 = arith.constant 192 : index
    %get3A_767 = tpu.vector_load %arg10[%get3A_766] {strides = array<i32>} : memref<256xi32, #tpu.memory_space<vmem>>, vector<16xi32>,
    %get3A_768 = vector.shape_cast %get3A_767 : vector<16xi32> to vector<16xi32>
    %shift_right_logical3A_769 = arith.constant 15 : i32
    %shift_right_logical3A_770 = vector.broadcast %shift_right_logical3A_769 : i32 to vector<16xi32>
    %shift_right_logical3A_771 = arith.shrui %get3A_768, %shift_right_logical3A_770 : vector<16xi32>
    %shift_left3A_772 = arith.constant 14 : i32
    %shift_left3A_773 = vector.broadcast %shift_left3A_772 : i32 to vector<16xi32>
    %shift_left3A_774 = arith.shli %shift_right_logical3A_771, %shift_left3A_773 : vector<16xi32>
    %and3A_775 = arith.constant 16383 : i32
    %and3A_776 = vector.broadcast %and3A_775 : i32 to vector<16xi32>
    %and3A_777 = arith.andi %get3A_768, %and3A_776 : vector<16xi32>
    %or3A_778 = arith.ori %shift_left3A_774, %and3A_777 : vector<16xi32>
    %swap3A_779 = arith.constant 192 : index
    %swap3A_780 = tpu.vector_load %arg10[%swap3A_779] {strides = array<i32>} : memref<256xi32, #tpu.memory_space<vmem>>, vector<16xi32>,
    %swap3A_781 = vector.shape_cast %swap3A_780 : vector<16xi32> to vector<16xi32>
    %swap3A_782 = vector.shape_cast %or3A_778 : vector<16xi32> to vector<16xi32>
    tpu.vector_store %arg10[%swap3A_779], %swap3A_782 {strides = array<i32>} : memref<256xi32, #tpu.memory_space<vmem>>, vector<16xi32>,
    %get3A_783 = arith.constant 208 : index
    %get3A_784 = tpu.vector_load %arg10[%get3A_783] {strides = array<i32>} : memref<256xi32, #tpu.memory_space<vmem>>, vector<16xi32>,
    %get3A_785 = vector.shape_cast %get3A_784 : vector<16xi32> to vector<16xi32>
    %shift_right_logical3A_786 = arith.constant 15 : i32
    %shift_right_logical3A_787 = vector.broadcast %shift_right_logical3A_786 : i32 to vector<16xi32>
    %shift_right_logical3A_788 = arith.shrui %get3A_785, %shift_right_logical3A_787 : vector<16xi32>
    %shift_left3A_789 = arith.constant 14 : i32
    %shift_left3A_790 = vector.broadcast %shift_left3A_789 : i32 to vector<16xi32>
    %shift_left3A_791 = arith.shli %shift_right_logical3A_788, %shift_left3A_790 : vector<16xi32>
    %and3A_792 = arith.constant 16383 : i32
    %and3A_793 = vector.broadcast %and3A_792 : i32 to vector<16xi32>
    %and3A_794 = arith.andi %get3A_785, %and3A_793 : vector<16xi32>
    %or3A_795 = arith.ori %shift_left3A_791, %and3A_794 : vector<16xi32>
    %swap3A_796 = arith.constant 208 : index
    %swap3A_797 = tpu.vector_load %arg10[%swap3A_796] {strides = array<i32>} : memref<256xi32, #tpu.memory_space<vmem>>, vector<16xi32>,
    %swap3A_798 = vector.shape_cast %swap3A_797 : vector<16xi32> to vector<16xi32>
    %swap3A_799 = vector.shape_cast %or3A_795 : vector<16xi32> to vector<16xi32>
    tpu.vector_store %arg10[%swap3A_796], %swap3A_799 {strides = array<i32>} : memref<256xi32, #tpu.memory_space<vmem>>, vector<16xi32>,
    %get3A_800 = arith.constant 224 : index
    %get3A_801 = tpu.vector_load %arg10[%get3A_800] {strides = array<i32>} : memref<256xi32, #tpu.memory_space<vmem>>, vector<16xi32>,
    %get3A_802 = vector.shape_cast %get3A_801 : vector<16xi32> to vector<16xi32>
    %shift_right_logical3A_803 = arith.constant 15 : i32
    %shift_right_logical3A_804 = vector.broadcast %shift_right_logical3A_803 : i32 to vector<16xi32>
    %shift_right_logical3A_805 = arith.shrui %get3A_802, %shift_right_logical3A_804 : vector<16xi32>
    %shift_left3A_806 = arith.constant 14 : i32
    %shift_left3A_807 = vector.broadcast %shift_left3A_806 : i32 to vector<16xi32>
    %shift_left3A_808 = arith.shli %shift_right_logical3A_805, %shift_left3A_807 : vector<16xi32>
    %and3A_809 = arith.constant 16383 : i32
    %and3A_810 = vector.broadcast %and3A_809 : i32 to vector<16xi32>
    %and3A_811 = arith.andi %get3A_802, %and3A_810 : vector<16xi32>
    %or3A_812 = arith.ori %shift_left3A_808, %and3A_811 : vector<16xi32>
    %swap3A_813 = arith.constant 224 : index
    %swap3A_814 = tpu.vector_load %arg10[%swap3A_813] {strides = array<i32>} : memref<256xi32, #tpu.memory_space<vmem>>, vector<16xi32>,
    %swap3A_815 = vector.shape_cast %swap3A_814 : vector<16xi32> to vector<16xi32>
    %swap3A_816 = vector.shape_cast %or3A_812 : vector<16xi32> to vector<16xi32>
    tpu.vector_store %arg10[%swap3A_813], %swap3A_816 {strides = array<i32>} : memref<256xi32, #tpu.memory_space<vmem>>, vector<16xi32>,
    %get3A_817 = arith.constant 240 : index
    %get3A_818 = tpu.vector_load %arg10[%get3A_817] {strides = array<i32>} : memref<256xi32, #tpu.memory_space<vmem>>, vector<16xi32>,
    %get3A_819 = vector.shape_cast %get3A_818 : vector<16xi32> to vector<16xi32>
    %shift_right_logical3A_820 = arith.constant 15 : i32
    %shift_right_logical3A_821 = vector.broadcast %shift_right_logical3A_820 : i32 to vector<16xi32>
    %shift_right_logical3A_822 = arith.shrui %get3A_819, %shift_right_logical3A_821 : vector<16xi32>
    %shift_left3A_823 = arith.constant 14 : i32
    %shift_left3A_824 = vector.broadcast %shift_left3A_823 : i32 to vector<16xi32>
    %shift_left3A_825 = arith.shli %shift_right_logical3A_822, %shift_left3A_824 : vector<16xi32>
    %and3A_826 = arith.constant 16383 : i32
    %and3A_827 = vector.broadcast %and3A_826 : i32 to vector<16xi32>
    %and3A_828 = arith.andi %get3A_819, %and3A_827 : vector<16xi32>
    %or3A_829 = arith.ori %shift_left3A_825, %and3A_828 : vector<16xi32>
    %swap3A_830 = arith.constant 240 : index
    %swap3A_831 = tpu.vector_load %arg10[%swap3A_830] {strides = array<i32>} : memref<256xi32, #tpu.memory_space<vmem>>, vector<16xi32>,
    %swap3A_832 = vector.shape_cast %swap3A_831 : vector<16xi32> to vector<16xi32>
    %swap3A_833 = vector.shape_cast %or3A_829 : vector<16xi32> to vector<16xi32>
    tpu.vector_store %arg10[%swap3A_830], %swap3A_833 {strides = array<i32>} : memref<256xi32, #tpu.memory_space<vmem>>, vector<16xi32>,
    %dma_start3A_834 = arith.constant 0 : i32
    %dma_start3A_835 = arith.constant 0 : i32
    %dma_start3A_836 = tpu.memref_slice %arg6[%dma_start3A_834, %dma_start3A_835] : memref<16384x128xf32, #tpu.memory_space<hbm>> -> memref<16384x128xf32, #tpu.memory_space<hbm>>
    tpu.enqueue_indirect_dma source(%dma_start3A_836 : memref<16384x128xf32, #tpu.memory_space<hbm>>) target(%arg12 : memref<256x128xf32, #tpu.memory_space<vmem>>) offsets(%arg10 : memref<256xi32, #tpu.memory_space<vmem>>) semaphore(%arg14 : memref<!tpu.dma_semaphore, #tpu.memory_space<semaphore_mem>>)
    %dma_wait3A_837 = arith.constant 0 : i32
    %dma_wait3A_838 = arith.constant 0 : i32
    %dma_wait3A_839 = tpu.memref_slice %arg5[%dma_wait3A_837, %dma_wait3A_838] : memref<65536x128xf32, #tpu.memory_space<hbm>> -> memref<65536x128xf32, #tpu.memory_space<hbm>>
    tpu.wait_indirect_dma semaphore(%arg15 : memref<!tpu.dma_semaphore, #tpu.memory_space<semaphore_mem>>) src(%dma_wait3A_839 : memref<65536x128xf32, #tpu.memory_space<hbm>>) dst(%arg13 : memref<256x128xf32, #tpu.memory_space<vmem>>)
    %dma_start3A_840 = arith.constant 0 : i32
    %dma_start3A_841 = tpu.memref_slice %arg7[%add3A_274, %dma_start3A_840] : memref<16384x128xf32, #tpu.memory_space<hbm>> -> memref<256x128xf32, #tpu.memory_space<hbm>>
    %dma_start3A_842 = arith.constant 0 : i32
    %dma_start3A_843 = tpu.memref_slice %arg7[%add3A_274, %dma_start3A_842] : memref<16384x128xf32, #tpu.memory_space<hbm>> -> memref<256x128xf32, #tpu.memory_space<hbm>>
    tpu.enqueue_dma source(%arg13 : memref<256x128xf32, #tpu.memory_space<vmem>>) target(%dma_start3A_843 : memref<256x128xf32, #tpu.memory_space<hbm>>) target_semaphore(%arg17 : memref<!tpu.dma_semaphore, #tpu.memory_space<semaphore_mem>>)
    %dma_wait3A_844 = arith.constant 0 : i32
    %dma_wait3A_845 = tpu.memref_slice %arg7[%add3A_274, %dma_wait3A_844] : memref<16384x128xf32, #tpu.memory_space<hbm>> -> memref<256x128xf32, #tpu.memory_space<hbm>>
    %dma_wait3A_846 = arith.constant 0 : i32
    %dma_wait3A_847 = tpu.memref_slice %arg7[%add3A_274, %dma_wait3A_846] : memref<16384x128xf32, #tpu.memory_space<hbm>> -> memref<256x128xf32, #tpu.memory_space<hbm>>
    tpu.wait_dma2 semaphore(%arg17 : memref<!tpu.dma_semaphore, #tpu.memory_space<semaphore_mem>>) src(%arg13 : memref<256x128xf32, #tpu.memory_space<vmem>>) dst(%dma_wait3A_847 : memref<256x128xf32, #tpu.memory_space<hbm>>)
    %add3A_848 = arith.constant 256 : i32
    %add3A_849 = arith.addi %mul3A_2, %add3A_848 : i32
    "tpu.region"() ({
      %run_scoped3A = tpu.sem_alloc : memref<!tpu.dma_semaphore, #tpu.memory_space<semaphore_mem>>
      %dma_start3A_1723 = tpu.memref_slice %arg3[%add3A_849] : memref<16384xi32, #tpu.memory_space<hbm>> -> memref<256xi32, #tpu.memory_space<hbm>>
      %dma_start3A_1724 = tpu.memref_slice %arg3[%add3A_849] : memref<16384xi32, #tpu.memory_space<hbm>> -> memref<256xi32, #tpu.memory_space<hbm>>
      tpu.enqueue_dma source(%dma_start3A_1724 : memref<256xi32, #tpu.memory_space<hbm>>) target(%arg11 : memref<256xi32, #tpu.memory_space<vmem>>) target_semaphore(%run_scoped3A : memref<!tpu.dma_semaphore, #tpu.memory_space<semaphore_mem>>)
      %dma_wait3A_1725 = tpu.memref_slice %arg3[%add3A_849] : memref<16384xi32, #tpu.memory_space<hbm>> -> memref<256xi32, #tpu.memory_space<hbm>>
      %dma_wait3A_1726 = tpu.memref_slice %arg3[%add3A_849] : memref<16384xi32, #tpu.memory_space<hbm>> -> memref<256xi32, #tpu.memory_space<hbm>>
      tpu.wait_dma2 semaphore(%run_scoped3A : memref<!tpu.dma_semaphore, #tpu.memory_space<semaphore_mem>>) src(%dma_wait3A_1726 : memref<256xi32, #tpu.memory_space<hbm>>) dst(%arg11 : memref<256xi32, #tpu.memory_space<vmem>>)
      tpu.yield
    }) : () -> ()
    %get3A_850 = arith.constant 0 : index
    %get3A_851 = tpu.vector_load %arg11[%get3A_850] {strides = array<i32>} : memref<256xi32, #tpu.memory_space<vmem>>, vector<16xi32>,
    %get3A_852 = vector.shape_cast %get3A_851 : vector<16xi32> to vector<16xi32>
    %shift_right_logical3A_853 = arith.constant 15 : i32
    %shift_right_logical3A_854 = vector.broadcast %shift_right_logical3A_853 : i32 to vector<16xi32>
    %shift_right_logical3A_855 = arith.shrui %get3A_852, %shift_right_logical3A_854 : vector<16xi32>
    %shift_left3A_856 = arith.constant 14 : i32
    %shift_left3A_857 = vector.broadcast %shift_left3A_856 : i32 to vector<16xi32>
    %shift_left3A_858 = arith.shli %shift_right_logical3A_855, %shift_left3A_857 : vector<16xi32>
    %and3A_859 = arith.constant 16383 : i32
    %and3A_860 = vector.broadcast %and3A_859 : i32 to vector<16xi32>
    %and3A_861 = arith.andi %get3A_852, %and3A_860 : vector<16xi32>
    %or3A_862 = arith.ori %shift_left3A_858, %and3A_861 : vector<16xi32>
    %swap3A_863 = arith.constant 0 : index
    %swap3A_864 = tpu.vector_load %arg11[%swap3A_863] {strides = array<i32>} : memref<256xi32, #tpu.memory_space<vmem>>, vector<16xi32>,
    %swap3A_865 = vector.shape_cast %swap3A_864 : vector<16xi32> to vector<16xi32>
    %swap3A_866 = vector.shape_cast %or3A_862 : vector<16xi32> to vector<16xi32>
    tpu.vector_store %arg11[%swap3A_863], %swap3A_866 {strides = array<i32>} : memref<256xi32, #tpu.memory_space<vmem>>, vector<16xi32>,
    %get3A_867 = arith.constant 16 : index
    %get3A_868 = tpu.vector_load %arg11[%get3A_867] {strides = array<i32>} : memref<256xi32, #tpu.memory_space<vmem>>, vector<16xi32>,
    %get3A_869 = vector.shape_cast %get3A_868 : vector<16xi32> to vector<16xi32>
    %shift_right_logical3A_870 = arith.constant 15 : i32
    %shift_right_logical3A_871 = vector.broadcast %shift_right_logical3A_870 : i32 to vector<16xi32>
    %shift_right_logical3A_872 = arith.shrui %get3A_869, %shift_right_logical3A_871 : vector<16xi32>
    %shift_left3A_873 = arith.constant 14 : i32
    %shift_left3A_874 = vector.broadcast %shift_left3A_873 : i32 to vector<16xi32>
    %shift_left3A_875 = arith.shli %shift_right_logical3A_872, %shift_left3A_874 : vector<16xi32>
    %and3A_876 = arith.constant 16383 : i32
    %and3A_877 = vector.broadcast %and3A_876 : i32 to vector<16xi32>
    %and3A_878 = arith.andi %get3A_869, %and3A_877 : vector<16xi32>
    %or3A_879 = arith.ori %shift_left3A_875, %and3A_878 : vector<16xi32>
    %swap3A_880 = arith.constant 16 : index
    %swap3A_881 = tpu.vector_load %arg11[%swap3A_880] {strides = array<i32>} : memref<256xi32, #tpu.memory_space<vmem>>, vector<16xi32>,
    %swap3A_882 = vector.shape_cast %swap3A_881 : vector<16xi32> to vector<16xi32>
    %swap3A_883 = vector.shape_cast %or3A_879 : vector<16xi32> to vector<16xi32>
    tpu.vector_store %arg11[%swap3A_880], %swap3A_883 {strides = array<i32>} : memref<256xi32, #tpu.memory_space<vmem>>, vector<16xi32>,
    %get3A_884 = arith.constant 32 : index
    %get3A_885 = tpu.vector_load %arg11[%get3A_884] {strides = array<i32>} : memref<256xi32, #tpu.memory_space<vmem>>, vector<16xi32>,
    %get3A_886 = vector.shape_cast %get3A_885 : vector<16xi32> to vector<16xi32>
    %shift_right_logical3A_887 = arith.constant 15 : i32
    %shift_right_logical3A_888 = vector.broadcast %shift_right_logical3A_887 : i32 to vector<16xi32>
    %shift_right_logical3A_889 = arith.shrui %get3A_886, %shift_right_logical3A_888 : vector<16xi32>
    %shift_left3A_890 = arith.constant 14 : i32
    %shift_left3A_891 = vector.broadcast %shift_left3A_890 : i32 to vector<16xi32>
    %shift_left3A_892 = arith.shli %shift_right_logical3A_889, %shift_left3A_891 : vector<16xi32>
    %and3A_893 = arith.constant 16383 : i32
    %and3A_894 = vector.broadcast %and3A_893 : i32 to vector<16xi32>
    %and3A_895 = arith.andi %get3A_886, %and3A_894 : vector<16xi32>
    %or3A_896 = arith.ori %shift_left3A_892, %and3A_895 : vector<16xi32>
    %swap3A_897 = arith.constant 32 : index
    %swap3A_898 = tpu.vector_load %arg11[%swap3A_897] {strides = array<i32>} : memref<256xi32, #tpu.memory_space<vmem>>, vector<16xi32>,
    %swap3A_899 = vector.shape_cast %swap3A_898 : vector<16xi32> to vector<16xi32>
    %swap3A_900 = vector.shape_cast %or3A_896 : vector<16xi32> to vector<16xi32>
    tpu.vector_store %arg11[%swap3A_897], %swap3A_900 {strides = array<i32>} : memref<256xi32, #tpu.memory_space<vmem>>, vector<16xi32>,
    %get3A_901 = arith.constant 48 : index
    %get3A_902 = tpu.vector_load %arg11[%get3A_901] {strides = array<i32>} : memref<256xi32, #tpu.memory_space<vmem>>, vector<16xi32>,
    %get3A_903 = vector.shape_cast %get3A_902 : vector<16xi32> to vector<16xi32>
    %shift_right_logical3A_904 = arith.constant 15 : i32
    %shift_right_logical3A_905 = vector.broadcast %shift_right_logical3A_904 : i32 to vector<16xi32>
    %shift_right_logical3A_906 = arith.shrui %get3A_903, %shift_right_logical3A_905 : vector<16xi32>
    %shift_left3A_907 = arith.constant 14 : i32
    %shift_left3A_908 = vector.broadcast %shift_left3A_907 : i32 to vector<16xi32>
    %shift_left3A_909 = arith.shli %shift_right_logical3A_906, %shift_left3A_908 : vector<16xi32>
    %and3A_910 = arith.constant 16383 : i32
    %and3A_911 = vector.broadcast %and3A_910 : i32 to vector<16xi32>
    %and3A_912 = arith.andi %get3A_903, %and3A_911 : vector<16xi32>
    %or3A_913 = arith.ori %shift_left3A_909, %and3A_912 : vector<16xi32>
    %swap3A_914 = arith.constant 48 : index
    %swap3A_915 = tpu.vector_load %arg11[%swap3A_914] {strides = array<i32>} : memref<256xi32, #tpu.memory_space<vmem>>, vector<16xi32>,
    %swap3A_916 = vector.shape_cast %swap3A_915 : vector<16xi32> to vector<16xi32>
    %swap3A_917 = vector.shape_cast %or3A_913 : vector<16xi32> to vector<16xi32>
    tpu.vector_store %arg11[%swap3A_914], %swap3A_917 {strides = array<i32>} : memref<256xi32, #tpu.memory_space<vmem>>, vector<16xi32>,
    %get3A_918 = arith.constant 64 : index
    %get3A_919 = tpu.vector_load %arg11[%get3A_918] {strides = array<i32>} : memref<256xi32, #tpu.memory_space<vmem>>, vector<16xi32>,
    %get3A_920 = vector.shape_cast %get3A_919 : vector<16xi32> to vector<16xi32>
    %shift_right_logical3A_921 = arith.constant 15 : i32
    %shift_right_logical3A_922 = vector.broadcast %shift_right_logical3A_921 : i32 to vector<16xi32>
    %shift_right_logical3A_923 = arith.shrui %get3A_920, %shift_right_logical3A_922 : vector<16xi32>
    %shift_left3A_924 = arith.constant 14 : i32
    %shift_left3A_925 = vector.broadcast %shift_left3A_924 : i32 to vector<16xi32>
    %shift_left3A_926 = arith.shli %shift_right_logical3A_923, %shift_left3A_925 : vector<16xi32>
    %and3A_927 = arith.constant 16383 : i32
    %and3A_928 = vector.broadcast %and3A_927 : i32 to vector<16xi32>
    %and3A_929 = arith.andi %get3A_920, %and3A_928 : vector<16xi32>
    %or3A_930 = arith.ori %shift_left3A_926, %and3A_929 : vector<16xi32>
    %swap3A_931 = arith.constant 64 : index
    %swap3A_932 = tpu.vector_load %arg11[%swap3A_931] {strides = array<i32>} : memref<256xi32, #tpu.memory_space<vmem>>, vector<16xi32>,
    %swap3A_933 = vector.shape_cast %swap3A_932 : vector<16xi32> to vector<16xi32>
    %swap3A_934 = vector.shape_cast %or3A_930 : vector<16xi32> to vector<16xi32>
    tpu.vector_store %arg11[%swap3A_931], %swap3A_934 {strides = array<i32>} : memref<256xi32, #tpu.memory_space<vmem>>, vector<16xi32>,
    %get3A_935 = arith.constant 80 : index
    %get3A_936 = tpu.vector_load %arg11[%get3A_935] {strides = array<i32>} : memref<256xi32, #tpu.memory_space<vmem>>, vector<16xi32>,
    %get3A_937 = vector.shape_cast %get3A_936 : vector<16xi32> to vector<16xi32>
    %shift_right_logical3A_938 = arith.constant 15 : i32
    %shift_right_logical3A_939 = vector.broadcast %shift_right_logical3A_938 : i32 to vector<16xi32>
    %shift_right_logical3A_940 = arith.shrui %get3A_937, %shift_right_logical3A_939 : vector<16xi32>
    %shift_left3A_941 = arith.constant 14 : i32
    %shift_left3A_942 = vector.broadcast %shift_left3A_941 : i32 to vector<16xi32>
    %shift_left3A_943 = arith.shli %shift_right_logical3A_940, %shift_left3A_942 : vector<16xi32>
    %and3A_944 = arith.constant 16383 : i32
    %and3A_945 = vector.broadcast %and3A_944 : i32 to vector<16xi32>
    %and3A_946 = arith.andi %get3A_937, %and3A_945 : vector<16xi32>
    %or3A_947 = arith.ori %shift_left3A_943, %and3A_946 : vector<16xi32>
    %swap3A_948 = arith.constant 80 : index
    %swap3A_949 = tpu.vector_load %arg11[%swap3A_948] {strides = array<i32>} : memref<256xi32, #tpu.memory_space<vmem>>, vector<16xi32>,
    %swap3A_950 = vector.shape_cast %swap3A_949 : vector<16xi32> to vector<16xi32>
    %swap3A_951 = vector.shape_cast %or3A_947 : vector<16xi32> to vector<16xi32>
    tpu.vector_store %arg11[%swap3A_948], %swap3A_951 {strides = array<i32>} : memref<256xi32, #tpu.memory_space<vmem>>, vector<16xi32>,
    %get3A_952 = arith.constant 96 : index
    %get3A_953 = tpu.vector_load %arg11[%get3A_952] {strides = array<i32>} : memref<256xi32, #tpu.memory_space<vmem>>, vector<16xi32>,
    %get3A_954 = vector.shape_cast %get3A_953 : vector<16xi32> to vector<16xi32>
    %shift_right_logical3A_955 = arith.constant 15 : i32
    %shift_right_logical3A_956 = vector.broadcast %shift_right_logical3A_955 : i32 to vector<16xi32>
    %shift_right_logical3A_957 = arith.shrui %get3A_954, %shift_right_logical3A_956 : vector<16xi32>
    %shift_left3A_958 = arith.constant 14 : i32
    %shift_left3A_959 = vector.broadcast %shift_left3A_958 : i32 to vector<16xi32>
    %shift_left3A_960 = arith.shli %shift_right_logical3A_957, %shift_left3A_959 : vector<16xi32>
    %and3A_961 = arith.constant 16383 : i32
    %and3A_962 = vector.broadcast %and3A_961 : i32 to vector<16xi32>
    %and3A_963 = arith.andi %get3A_954, %and3A_962 : vector<16xi32>
    %or3A_964 = arith.ori %shift_left3A_960, %and3A_963 : vector<16xi32>
    %swap3A_965 = arith.constant 96 : index
    %swap3A_966 = tpu.vector_load %arg11[%swap3A_965] {strides = array<i32>} : memref<256xi32, #tpu.memory_space<vmem>>, vector<16xi32>,
    %swap3A_967 = vector.shape_cast %swap3A_966 : vector<16xi32> to vector<16xi32>
    %swap3A_968 = vector.shape_cast %or3A_964 : vector<16xi32> to vector<16xi32>
    tpu.vector_store %arg11[%swap3A_965], %swap3A_968 {strides = array<i32>} : memref<256xi32, #tpu.memory_space<vmem>>, vector<16xi32>,
    %get3A_969 = arith.constant 112 : index
    %get3A_970 = tpu.vector_load %arg11[%get3A_969] {strides = array<i32>} : memref<256xi32, #tpu.memory_space<vmem>>, vector<16xi32>,
    %get3A_971 = vector.shape_cast %get3A_970 : vector<16xi32> to vector<16xi32>
    %shift_right_logical3A_972 = arith.constant 15 : i32
    %shift_right_logical3A_973 = vector.broadcast %shift_right_logical3A_972 : i32 to vector<16xi32>
    %shift_right_logical3A_974 = arith.shrui %get3A_971, %shift_right_logical3A_973 : vector<16xi32>
    %shift_left3A_975 = arith.constant 14 : i32
    %shift_left3A_976 = vector.broadcast %shift_left3A_975 : i32 to vector<16xi32>
    %shift_left3A_977 = arith.shli %shift_right_logical3A_974, %shift_left3A_976 : vector<16xi32>
    %and3A_978 = arith.constant 16383 : i32
    %and3A_979 = vector.broadcast %and3A_978 : i32 to vector<16xi32>
    %and3A_980 = arith.andi %get3A_971, %and3A_979 : vector<16xi32>
    %or3A_981 = arith.ori %shift_left3A_977, %and3A_980 : vector<16xi32>
    %swap3A_982 = arith.constant 112 : index
    %swap3A_983 = tpu.vector_load %arg11[%swap3A_982] {strides = array<i32>} : memref<256xi32, #tpu.memory_space<vmem>>, vector<16xi32>,
    %swap3A_984 = vector.shape_cast %swap3A_983 : vector<16xi32> to vector<16xi32>
    %swap3A_985 = vector.shape_cast %or3A_981 : vector<16xi32> to vector<16xi32>
    tpu.vector_store %arg11[%swap3A_982], %swap3A_985 {strides = array<i32>} : memref<256xi32, #tpu.memory_space<vmem>>, vector<16xi32>,
    %get3A_986 = arith.constant 128 : index
    %get3A_987 = tpu.vector_load %arg11[%get3A_986] {strides = array<i32>} : memref<256xi32, #tpu.memory_space<vmem>>, vector<16xi32>,
    %get3A_988 = vector.shape_cast %get3A_987 : vector<16xi32> to vector<16xi32>
    %shift_right_logical3A_989 = arith.constant 15 : i32
    %shift_right_logical3A_990 = vector.broadcast %shift_right_logical3A_989 : i32 to vector<16xi32>
    %shift_right_logical3A_991 = arith.shrui %get3A_988, %shift_right_logical3A_990 : vector<16xi32>
    %shift_left3A_992 = arith.constant 14 : i32
    %shift_left3A_993 = vector.broadcast %shift_left3A_992 : i32 to vector<16xi32>
    %shift_left3A_994 = arith.shli %shift_right_logical3A_991, %shift_left3A_993 : vector<16xi32>
    %and3A_995 = arith.constant 16383 : i32
    %and3A_996 = vector.broadcast %and3A_995 : i32 to vector<16xi32>
    %and3A_997 = arith.andi %get3A_988, %and3A_996 : vector<16xi32>
    %or3A_998 = arith.ori %shift_left3A_994, %and3A_997 : vector<16xi32>
    %swap3A_999 = arith.constant 128 : index
    %swap3A_1000 = tpu.vector_load %arg11[%swap3A_999] {strides = array<i32>} : memref<256xi32, #tpu.memory_space<vmem>>, vector<16xi32>,
    %swap3A_1001 = vector.shape_cast %swap3A_1000 : vector<16xi32> to vector<16xi32>
    %swap3A_1002 = vector.shape_cast %or3A_998 : vector<16xi32> to vector<16xi32>
    tpu.vector_store %arg11[%swap3A_999], %swap3A_1002 {strides = array<i32>} : memref<256xi32, #tpu.memory_space<vmem>>, vector<16xi32>,
    %get3A_1003 = arith.constant 144 : index
    %get3A_1004 = tpu.vector_load %arg11[%get3A_1003] {strides = array<i32>} : memref<256xi32, #tpu.memory_space<vmem>>, vector<16xi32>,
    %get3A_1005 = vector.shape_cast %get3A_1004 : vector<16xi32> to vector<16xi32>
    %shift_right_logical3A_1006 = arith.constant 15 : i32
    %shift_right_logical3A_1007 = vector.broadcast %shift_right_logical3A_1006 : i32 to vector<16xi32>
    %shift_right_logical3A_1008 = arith.shrui %get3A_1005, %shift_right_logical3A_1007 : vector<16xi32>
    %shift_left3A_1009 = arith.constant 14 : i32
    %shift_left3A_1010 = vector.broadcast %shift_left3A_1009 : i32 to vector<16xi32>
    %shift_left3A_1011 = arith.shli %shift_right_logical3A_1008, %shift_left3A_1010 : vector<16xi32>
    %and3A_1012 = arith.constant 16383 : i32
    %and3A_1013 = vector.broadcast %and3A_1012 : i32 to vector<16xi32>
    %and3A_1014 = arith.andi %get3A_1005, %and3A_1013 : vector<16xi32>
    %or3A_1015 = arith.ori %shift_left3A_1011, %and3A_1014 : vector<16xi32>
    %swap3A_1016 = arith.constant 144 : index
    %swap3A_1017 = tpu.vector_load %arg11[%swap3A_1016] {strides = array<i32>} : memref<256xi32, #tpu.memory_space<vmem>>, vector<16xi32>,
    %swap3A_1018 = vector.shape_cast %swap3A_1017 : vector<16xi32> to vector<16xi32>
    %swap3A_1019 = vector.shape_cast %or3A_1015 : vector<16xi32> to vector<16xi32>
    tpu.vector_store %arg11[%swap3A_1016], %swap3A_1019 {strides = array<i32>} : memref<256xi32, #tpu.memory_space<vmem>>, vector<16xi32>,
    %get3A_1020 = arith.constant 160 : index
    %get3A_1021 = tpu.vector_load %arg11[%get3A_1020] {strides = array<i32>} : memref<256xi32, #tpu.memory_space<vmem>>, vector<16xi32>,
    %get3A_1022 = vector.shape_cast %get3A_1021 : vector<16xi32> to vector<16xi32>
    %shift_right_logical3A_1023 = arith.constant 15 : i32
    %shift_right_logical3A_1024 = vector.broadcast %shift_right_logical3A_1023 : i32 to vector<16xi32>
    %shift_right_logical3A_1025 = arith.shrui %get3A_1022, %shift_right_logical3A_1024 : vector<16xi32>
    %shift_left3A_1026 = arith.constant 14 : i32
    %shift_left3A_1027 = vector.broadcast %shift_left3A_1026 : i32 to vector<16xi32>
    %shift_left3A_1028 = arith.shli %shift_right_logical3A_1025, %shift_left3A_1027 : vector<16xi32>
    %and3A_1029 = arith.constant 16383 : i32
    %and3A_1030 = vector.broadcast %and3A_1029 : i32 to vector<16xi32>
    %and3A_1031 = arith.andi %get3A_1022, %and3A_1030 : vector<16xi32>
    %or3A_1032 = arith.ori %shift_left3A_1028, %and3A_1031 : vector<16xi32>
    %swap3A_1033 = arith.constant 160 : index
    %swap3A_1034 = tpu.vector_load %arg11[%swap3A_1033] {strides = array<i32>} : memref<256xi32, #tpu.memory_space<vmem>>, vector<16xi32>,
    %swap3A_1035 = vector.shape_cast %swap3A_1034 : vector<16xi32> to vector<16xi32>
    %swap3A_1036 = vector.shape_cast %or3A_1032 : vector<16xi32> to vector<16xi32>
    tpu.vector_store %arg11[%swap3A_1033], %swap3A_1036 {strides = array<i32>} : memref<256xi32, #tpu.memory_space<vmem>>, vector<16xi32>,
    %get3A_1037 = arith.constant 176 : index
    %get3A_1038 = tpu.vector_load %arg11[%get3A_1037] {strides = array<i32>} : memref<256xi32, #tpu.memory_space<vmem>>, vector<16xi32>,
    %get3A_1039 = vector.shape_cast %get3A_1038 : vector<16xi32> to vector<16xi32>
    %shift_right_logical3A_1040 = arith.constant 15 : i32
    %shift_right_logical3A_1041 = vector.broadcast %shift_right_logical3A_1040 : i32 to vector<16xi32>
    %shift_right_logical3A_1042 = arith.shrui %get3A_1039, %shift_right_logical3A_1041 : vector<16xi32>
    %shift_left3A_1043 = arith.constant 14 : i32
    %shift_left3A_1044 = vector.broadcast %shift_left3A_1043 : i32 to vector<16xi32>
    %shift_left3A_1045 = arith.shli %shift_right_logical3A_1042, %shift_left3A_1044 : vector<16xi32>
    %and3A_1046 = arith.constant 16383 : i32
    %and3A_1047 = vector.broadcast %and3A_1046 : i32 to vector<16xi32>
    %and3A_1048 = arith.andi %get3A_1039, %and3A_1047 : vector<16xi32>
    %or3A_1049 = arith.ori %shift_left3A_1045, %and3A_1048 : vector<16xi32>
    %swap3A_1050 = arith.constant 176 : index
    %swap3A_1051 = tpu.vector_load %arg11[%swap3A_1050] {strides = array<i32>} : memref<256xi32, #tpu.memory_space<vmem>>, vector<16xi32>,
    %swap3A_1052 = vector.shape_cast %swap3A_1051 : vector<16xi32> to vector<16xi32>
    %swap3A_1053 = vector.shape_cast %or3A_1049 : vector<16xi32> to vector<16xi32>
    tpu.vector_store %arg11[%swap3A_1050], %swap3A_1053 {strides = array<i32>} : memref<256xi32, #tpu.memory_space<vmem>>, vector<16xi32>,
    %get3A_1054 = arith.constant 192 : index
    %get3A_1055 = tpu.vector_load %arg11[%get3A_1054] {strides = array<i32>} : memref<256xi32, #tpu.memory_space<vmem>>, vector<16xi32>,
    %get3A_1056 = vector.shape_cast %get3A_1055 : vector<16xi32> to vector<16xi32>
    %shift_right_logical3A_1057 = arith.constant 15 : i32
    %shift_right_logical3A_1058 = vector.broadcast %shift_right_logical3A_1057 : i32 to vector<16xi32>
    %shift_right_logical3A_1059 = arith.shrui %get3A_1056, %shift_right_logical3A_1058 : vector<16xi32>
    %shift_left3A_1060 = arith.constant 14 : i32
    %shift_left3A_1061 = vector.broadcast %shift_left3A_1060 : i32 to vector<16xi32>
    %shift_left3A_1062 = arith.shli %shift_right_logical3A_1059, %shift_left3A_1061 : vector<16xi32>
    %and3A_1063 = arith.constant 16383 : i32
    %and3A_1064 = vector.broadcast %and3A_1063 : i32 to vector<16xi32>
    %and3A_1065 = arith.andi %get3A_1056, %and3A_1064 : vector<16xi32>
    %or3A_1066 = arith.ori %shift_left3A_1062, %and3A_1065 : vector<16xi32>
    %swap3A_1067 = arith.constant 192 : index
    %swap3A_1068 = tpu.vector_load %arg11[%swap3A_1067] {strides = array<i32>} : memref<256xi32, #tpu.memory_space<vmem>>, vector<16xi32>,
    %swap3A_1069 = vector.shape_cast %swap3A_1068 : vector<16xi32> to vector<16xi32>
    %swap3A_1070 = vector.shape_cast %or3A_1066 : vector<16xi32> to vector<16xi32>
    tpu.vector_store %arg11[%swap3A_1067], %swap3A_1070 {strides = array<i32>} : memref<256xi32, #tpu.memory_space<vmem>>, vector<16xi32>,
    %get3A_1071 = arith.constant 208 : index
    %get3A_1072 = tpu.vector_load %arg11[%get3A_1071] {strides = array<i32>} : memref<256xi32, #tpu.memory_space<vmem>>, vector<16xi32>,
    %get3A_1073 = vector.shape_cast %get3A_1072 : vector<16xi32> to vector<16xi32>
    %shift_right_logical3A_1074 = arith.constant 15 : i32
    %shift_right_logical3A_1075 = vector.broadcast %shift_right_logical3A_1074 : i32 to vector<16xi32>
    %shift_right_logical3A_1076 = arith.shrui %get3A_1073, %shift_right_logical3A_1075 : vector<16xi32>
    %shift_left3A_1077 = arith.constant 14 : i32
    %shift_left3A_1078 = vector.broadcast %shift_left3A_1077 : i32 to vector<16xi32>
    %shift_left3A_1079 = arith.shli %shift_right_logical3A_1076, %shift_left3A_1078 : vector<16xi32>
    %and3A_1080 = arith.constant 16383 : i32
    %and3A_1081 = vector.broadcast %and3A_1080 : i32 to vector<16xi32>
    %and3A_1082 = arith.andi %get3A_1073, %and3A_1081 : vector<16xi32>
    %or3A_1083 = arith.ori %shift_left3A_1079, %and3A_1082 : vector<16xi32>
    %swap3A_1084 = arith.constant 208 : index
    %swap3A_1085 = tpu.vector_load %arg11[%swap3A_1084] {strides = array<i32>} : memref<256xi32, #tpu.memory_space<vmem>>, vector<16xi32>,
    %swap3A_1086 = vector.shape_cast %swap3A_1085 : vector<16xi32> to vector<16xi32>
    %swap3A_1087 = vector.shape_cast %or3A_1083 : vector<16xi32> to vector<16xi32>
    tpu.vector_store %arg11[%swap3A_1084], %swap3A_1087 {strides = array<i32>} : memref<256xi32, #tpu.memory_space<vmem>>, vector<16xi32>,
    %get3A_1088 = arith.constant 224 : index
    %get3A_1089 = tpu.vector_load %arg11[%get3A_1088] {strides = array<i32>} : memref<256xi32, #tpu.memory_space<vmem>>, vector<16xi32>,
    %get3A_1090 = vector.shape_cast %get3A_1089 : vector<16xi32> to vector<16xi32>
    %shift_right_logical3A_1091 = arith.constant 15 : i32
    %shift_right_logical3A_1092 = vector.broadcast %shift_right_logical3A_1091 : i32 to vector<16xi32>
    %shift_right_logical3A_1093 = arith.shrui %get3A_1090, %shift_right_logical3A_1092 : vector<16xi32>
    %shift_left3A_1094 = arith.constant 14 : i32
    %shift_left3A_1095 = vector.broadcast %shift_left3A_1094 : i32 to vector<16xi32>
    %shift_left3A_1096 = arith.shli %shift_right_logical3A_1093, %shift_left3A_1095 : vector<16xi32>
    %and3A_1097 = arith.constant 16383 : i32
    %and3A_1098 = vector.broadcast %and3A_1097 : i32 to vector<16xi32>
    %and3A_1099 = arith.andi %get3A_1090, %and3A_1098 : vector<16xi32>
    %or3A_1100 = arith.ori %shift_left3A_1096, %and3A_1099 : vector<16xi32>
    %swap3A_1101 = arith.constant 224 : index
    %swap3A_1102 = tpu.vector_load %arg11[%swap3A_1101] {strides = array<i32>} : memref<256xi32, #tpu.memory_space<vmem>>, vector<16xi32>,
    %swap3A_1103 = vector.shape_cast %swap3A_1102 : vector<16xi32> to vector<16xi32>
    %swap3A_1104 = vector.shape_cast %or3A_1100 : vector<16xi32> to vector<16xi32>
    tpu.vector_store %arg11[%swap3A_1101], %swap3A_1104 {strides = array<i32>} : memref<256xi32, #tpu.memory_space<vmem>>, vector<16xi32>,
    %get3A_1105 = arith.constant 240 : index
    %get3A_1106 = tpu.vector_load %arg11[%get3A_1105] {strides = array<i32>} : memref<256xi32, #tpu.memory_space<vmem>>, vector<16xi32>,
    %get3A_1107 = vector.shape_cast %get3A_1106 : vector<16xi32> to vector<16xi32>
    %shift_right_logical3A_1108 = arith.constant 15 : i32
    %shift_right_logical3A_1109 = vector.broadcast %shift_right_logical3A_1108 : i32 to vector<16xi32>
    %shift_right_logical3A_1110 = arith.shrui %get3A_1107, %shift_right_logical3A_1109 : vector<16xi32>
    %shift_left3A_1111 = arith.constant 14 : i32
    %shift_left3A_1112 = vector.broadcast %shift_left3A_1111 : i32 to vector<16xi32>
    %shift_left3A_1113 = arith.shli %shift_right_logical3A_1110, %shift_left3A_1112 : vector<16xi32>
    %and3A_1114 = arith.constant 16383 : i32
    %and3A_1115 = vector.broadcast %and3A_1114 : i32 to vector<16xi32>
    %and3A_1116 = arith.andi %get3A_1107, %and3A_1115 : vector<16xi32>
    %or3A_1117 = arith.ori %shift_left3A_1113, %and3A_1116 : vector<16xi32>
    %swap3A_1118 = arith.constant 240 : index
    %swap3A_1119 = tpu.vector_load %arg11[%swap3A_1118] {strides = array<i32>} : memref<256xi32, #tpu.memory_space<vmem>>, vector<16xi32>,
    %swap3A_1120 = vector.shape_cast %swap3A_1119 : vector<16xi32> to vector<16xi32>
    %swap3A_1121 = vector.shape_cast %or3A_1117 : vector<16xi32> to vector<16xi32>
    tpu.vector_store %arg11[%swap3A_1118], %swap3A_1121 {strides = array<i32>} : memref<256xi32, #tpu.memory_space<vmem>>, vector<16xi32>,
    %dma_start3A_1122 = arith.constant 0 : i32
    %dma_start3A_1123 = arith.constant 0 : i32
    %dma_start3A_1124 = tpu.memref_slice %arg6[%dma_start3A_1122, %dma_start3A_1123] : memref<16384x128xf32, #tpu.memory_space<hbm>> -> memref<16384x128xf32, #tpu.memory_space<hbm>>
    tpu.enqueue_indirect_dma source(%dma_start3A_1124 : memref<16384x128xf32, #tpu.memory_space<hbm>>) target(%arg13 : memref<256x128xf32, #tpu.memory_space<vmem>>) offsets(%arg11 : memref<256xi32, #tpu.memory_space<vmem>>) semaphore(%arg15 : memref<!tpu.dma_semaphore, #tpu.memory_space<semaphore_mem>>)
    %dma_wait3A_1125 = arith.constant 0 : i32
    %dma_wait3A_1126 = arith.constant 0 : i32
    %dma_wait3A_1127 = tpu.memref_slice %arg6[%dma_wait3A_1125, %dma_wait3A_1126] : memref<16384x128xf32, #tpu.memory_space<hbm>> -> memref<16384x128xf32, #tpu.memory_space<hbm>>
    tpu.wait_indirect_dma semaphore(%arg14 : memref<!tpu.dma_semaphore, #tpu.memory_space<semaphore_mem>>) src(%dma_wait3A_1127 : memref<16384x128xf32, #tpu.memory_space<hbm>>) dst(%arg12 : memref<256x128xf32, #tpu.memory_space<vmem>>)
    %dma_start3A_1128 = arith.constant 0 : i32
    %dma_start3A_1129 = tpu.memref_slice %arg8[%add3A_561, %dma_start3A_1128] : memref<16384x128xf32, #tpu.memory_space<hbm>> -> memref<256x128xf32, #tpu.memory_space<hbm>>
    %dma_start3A_1130 = arith.constant 0 : i32
    %dma_start3A_1131 = tpu.memref_slice %arg8[%add3A_561, %dma_start3A_1130] : memref<16384x128xf32, #tpu.memory_space<hbm>> -> memref<256x128xf32, #tpu.memory_space<hbm>>
    tpu.enqueue_dma source(%arg12 : memref<256x128xf32, #tpu.memory_space<vmem>>) target(%dma_start3A_1131 : memref<256x128xf32, #tpu.memory_space<hbm>>) target_semaphore(%arg16 : memref<!tpu.dma_semaphore, #tpu.memory_space<semaphore_mem>>)
    %dma_wait3A_1132 = arith.constant 0 : i32
    %dma_wait3A_1133 = tpu.memref_slice %arg8[%add3A_561, %dma_wait3A_1132] : memref<16384x128xf32, #tpu.memory_space<hbm>> -> memref<256x128xf32, #tpu.memory_space<hbm>>
    %dma_wait3A_1134 = arith.constant 0 : i32
    %dma_wait3A_1135 = tpu.memref_slice %arg8[%add3A_561, %dma_wait3A_1134] : memref<16384x128xf32, #tpu.memory_space<hbm>> -> memref<256x128xf32, #tpu.memory_space<hbm>>
    tpu.wait_dma2 semaphore(%arg16 : memref<!tpu.dma_semaphore, #tpu.memory_space<semaphore_mem>>) src(%arg12 : memref<256x128xf32, #tpu.memory_space<vmem>>) dst(%dma_wait3A_1135 : memref<256x128xf32, #tpu.memory_space<hbm>>)
    %add3A_1136 = arith.constant 0 : i32
    %add3A_1137 = arith.addi %mul3A_2, %add3A_1136 : i32
    "tpu.region"() ({
      %run_scoped3A = tpu.sem_alloc : memref<!tpu.dma_semaphore, #tpu.memory_space<semaphore_mem>>
      %dma_start3A_1723 = tpu.memref_slice %arg4[%add3A_1137] : memref<16384xi32, #tpu.memory_space<hbm>> -> memref<256xi32, #tpu.memory_space<hbm>>
      %dma_start3A_1724 = tpu.memref_slice %arg4[%add3A_1137] : memref<16384xi32, #tpu.memory_space<hbm>> -> memref<256xi32, #tpu.memory_space<hbm>>
      tpu.enqueue_dma source(%dma_start3A_1724 : memref<256xi32, #tpu.memory_space<hbm>>) target(%arg10 : memref<256xi32, #tpu.memory_space<vmem>>) target_semaphore(%run_scoped3A : memref<!tpu.dma_semaphore, #tpu.memory_space<semaphore_mem>>)
      %dma_wait3A_1725 = tpu.memref_slice %arg4[%add3A_1137] : memref<16384xi32, #tpu.memory_space<hbm>> -> memref<256xi32, #tpu.memory_space<hbm>>
      %dma_wait3A_1726 = tpu.memref_slice %arg4[%add3A_1137] : memref<16384xi32, #tpu.memory_space<hbm>> -> memref<256xi32, #tpu.memory_space<hbm>>
      tpu.wait_dma2 semaphore(%run_scoped3A : memref<!tpu.dma_semaphore, #tpu.memory_space<semaphore_mem>>) src(%dma_wait3A_1726 : memref<256xi32, #tpu.memory_space<hbm>>) dst(%arg10 : memref<256xi32, #tpu.memory_space<vmem>>)
      tpu.yield
    }) : () -> ()
    %get3A_1138 = arith.constant 0 : index
    %get3A_1139 = tpu.vector_load %arg10[%get3A_1138] {strides = array<i32>} : memref<256xi32, #tpu.memory_space<vmem>>, vector<16xi32>,
    %get3A_1140 = vector.shape_cast %get3A_1139 : vector<16xi32> to vector<16xi32>
    %shift_right_logical3A_1141 = arith.constant 15 : i32
    %shift_right_logical3A_1142 = vector.broadcast %shift_right_logical3A_1141 : i32 to vector<16xi32>
    %shift_right_logical3A_1143 = arith.shrui %get3A_1140, %shift_right_logical3A_1142 : vector<16xi32>
    %shift_left3A_1144 = arith.constant 14 : i32
    %shift_left3A_1145 = vector.broadcast %shift_left3A_1144 : i32 to vector<16xi32>
    %shift_left3A_1146 = arith.shli %shift_right_logical3A_1143, %shift_left3A_1145 : vector<16xi32>
    %and3A_1147 = arith.constant 16383 : i32
    %and3A_1148 = vector.broadcast %and3A_1147 : i32 to vector<16xi32>
    %and3A_1149 = arith.andi %get3A_1140, %and3A_1148 : vector<16xi32>
    %or3A_1150 = arith.ori %shift_left3A_1146, %and3A_1149 : vector<16xi32>
    %swap3A_1151 = arith.constant 0 : index
    %swap3A_1152 = tpu.vector_load %arg10[%swap3A_1151] {strides = array<i32>} : memref<256xi32, #tpu.memory_space<vmem>>, vector<16xi32>,
    %swap3A_1153 = vector.shape_cast %swap3A_1152 : vector<16xi32> to vector<16xi32>
    %swap3A_1154 = vector.shape_cast %or3A_1150 : vector<16xi32> to vector<16xi32>
    tpu.vector_store %arg10[%swap3A_1151], %swap3A_1154 {strides = array<i32>} : memref<256xi32, #tpu.memory_space<vmem>>, vector<16xi32>,
    %get3A_1155 = arith.constant 16 : index
    %get3A_1156 = tpu.vector_load %arg10[%get3A_1155] {strides = array<i32>} : memref<256xi32, #tpu.memory_space<vmem>>, vector<16xi32>,
    %get3A_1157 = vector.shape_cast %get3A_1156 : vector<16xi32> to vector<16xi32>
    %shift_right_logical3A_1158 = arith.constant 15 : i32
    %shift_right_logical3A_1159 = vector.broadcast %shift_right_logical3A_1158 : i32 to vector<16xi32>
    %shift_right_logical3A_1160 = arith.shrui %get3A_1157, %shift_right_logical3A_1159 : vector<16xi32>
    %shift_left3A_1161 = arith.constant 14 : i32
    %shift_left3A_1162 = vector.broadcast %shift_left3A_1161 : i32 to vector<16xi32>
    %shift_left3A_1163 = arith.shli %shift_right_logical3A_1160, %shift_left3A_1162 : vector<16xi32>
    %and3A_1164 = arith.constant 16383 : i32
    %and3A_1165 = vector.broadcast %and3A_1164 : i32 to vector<16xi32>
    %and3A_1166 = arith.andi %get3A_1157, %and3A_1165 : vector<16xi32>
    %or3A_1167 = arith.ori %shift_left3A_1163, %and3A_1166 : vector<16xi32>
    %swap3A_1168 = arith.constant 16 : index
    %swap3A_1169 = tpu.vector_load %arg10[%swap3A_1168] {strides = array<i32>} : memref<256xi32, #tpu.memory_space<vmem>>, vector<16xi32>,
    %swap3A_1170 = vector.shape_cast %swap3A_1169 : vector<16xi32> to vector<16xi32>
    %swap3A_1171 = vector.shape_cast %or3A_1167 : vector<16xi32> to vector<16xi32>
    tpu.vector_store %arg10[%swap3A_1168], %swap3A_1171 {strides = array<i32>} : memref<256xi32, #tpu.memory_space<vmem>>, vector<16xi32>,
    %get3A_1172 = arith.constant 32 : index
    %get3A_1173 = tpu.vector_load %arg10[%get3A_1172] {strides = array<i32>} : memref<256xi32, #tpu.memory_space<vmem>>, vector<16xi32>,
    %get3A_1174 = vector.shape_cast %get3A_1173 : vector<16xi32> to vector<16xi32>
    %shift_right_logical3A_1175 = arith.constant 15 : i32
    %shift_right_logical3A_1176 = vector.broadcast %shift_right_logical3A_1175 : i32 to vector<16xi32>
    %shift_right_logical3A_1177 = arith.shrui %get3A_1174, %shift_right_logical3A_1176 : vector<16xi32>
    %shift_left3A_1178 = arith.constant 14 : i32
    %shift_left3A_1179 = vector.broadcast %shift_left3A_1178 : i32 to vector<16xi32>
    %shift_left3A_1180 = arith.shli %shift_right_logical3A_1177, %shift_left3A_1179 : vector<16xi32>
    %and3A_1181 = arith.constant 16383 : i32
    %and3A_1182 = vector.broadcast %and3A_1181 : i32 to vector<16xi32>
    %and3A_1183 = arith.andi %get3A_1174, %and3A_1182 : vector<16xi32>
    %or3A_1184 = arith.ori %shift_left3A_1180, %and3A_1183 : vector<16xi32>
    %swap3A_1185 = arith.constant 32 : index
    %swap3A_1186 = tpu.vector_load %arg10[%swap3A_1185] {strides = array<i32>} : memref<256xi32, #tpu.memory_space<vmem>>, vector<16xi32>,
    %swap3A_1187 = vector.shape_cast %swap3A_1186 : vector<16xi32> to vector<16xi32>
    %swap3A_1188 = vector.shape_cast %or3A_1184 : vector<16xi32> to vector<16xi32>
    tpu.vector_store %arg10[%swap3A_1185], %swap3A_1188 {strides = array<i32>} : memref<256xi32, #tpu.memory_space<vmem>>, vector<16xi32>,
    %get3A_1189 = arith.constant 48 : index
    %get3A_1190 = tpu.vector_load %arg10[%get3A_1189] {strides = array<i32>} : memref<256xi32, #tpu.memory_space<vmem>>, vector<16xi32>,
    %get3A_1191 = vector.shape_cast %get3A_1190 : vector<16xi32> to vector<16xi32>
    %shift_right_logical3A_1192 = arith.constant 15 : i32
    %shift_right_logical3A_1193 = vector.broadcast %shift_right_logical3A_1192 : i32 to vector<16xi32>
    %shift_right_logical3A_1194 = arith.shrui %get3A_1191, %shift_right_logical3A_1193 : vector<16xi32>
    %shift_left3A_1195 = arith.constant 14 : i32
    %shift_left3A_1196 = vector.broadcast %shift_left3A_1195 : i32 to vector<16xi32>
    %shift_left3A_1197 = arith.shli %shift_right_logical3A_1194, %shift_left3A_1196 : vector<16xi32>
    %and3A_1198 = arith.constant 16383 : i32
    %and3A_1199 = vector.broadcast %and3A_1198 : i32 to vector<16xi32>
    %and3A_1200 = arith.andi %get3A_1191, %and3A_1199 : vector<16xi32>
    %or3A_1201 = arith.ori %shift_left3A_1197, %and3A_1200 : vector<16xi32>
    %swap3A_1202 = arith.constant 48 : index
    %swap3A_1203 = tpu.vector_load %arg10[%swap3A_1202] {strides = array<i32>} : memref<256xi32, #tpu.memory_space<vmem>>, vector<16xi32>,
    %swap3A_1204 = vector.shape_cast %swap3A_1203 : vector<16xi32> to vector<16xi32>
    %swap3A_1205 = vector.shape_cast %or3A_1201 : vector<16xi32> to vector<16xi32>
    tpu.vector_store %arg10[%swap3A_1202], %swap3A_1205 {strides = array<i32>} : memref<256xi32, #tpu.memory_space<vmem>>, vector<16xi32>,
    %get3A_1206 = arith.constant 64 : index
    %get3A_1207 = tpu.vector_load %arg10[%get3A_1206] {strides = array<i32>} : memref<256xi32, #tpu.memory_space<vmem>>, vector<16xi32>,
    %get3A_1208 = vector.shape_cast %get3A_1207 : vector<16xi32> to vector<16xi32>
    %shift_right_logical3A_1209 = arith.constant 15 : i32
    %shift_right_logical3A_1210 = vector.broadcast %shift_right_logical3A_1209 : i32 to vector<16xi32>
    %shift_right_logical3A_1211 = arith.shrui %get3A_1208, %shift_right_logical3A_1210 : vector<16xi32>
    %shift_left3A_1212 = arith.constant 14 : i32
    %shift_left3A_1213 = vector.broadcast %shift_left3A_1212 : i32 to vector<16xi32>
    %shift_left3A_1214 = arith.shli %shift_right_logical3A_1211, %shift_left3A_1213 : vector<16xi32>
    %and3A_1215 = arith.constant 16383 : i32
    %and3A_1216 = vector.broadcast %and3A_1215 : i32 to vector<16xi32>
    %and3A_1217 = arith.andi %get3A_1208, %and3A_1216 : vector<16xi32>
    %or3A_1218 = arith.ori %shift_left3A_1214, %and3A_1217 : vector<16xi32>
    %swap3A_1219 = arith.constant 64 : index
    %swap3A_1220 = tpu.vector_load %arg10[%swap3A_1219] {strides = array<i32>} : memref<256xi32, #tpu.memory_space<vmem>>, vector<16xi32>,
    %swap3A_1221 = vector.shape_cast %swap3A_1220 : vector<16xi32> to vector<16xi32>
    %swap3A_1222 = vector.shape_cast %or3A_1218 : vector<16xi32> to vector<16xi32>
    tpu.vector_store %arg10[%swap3A_1219], %swap3A_1222 {strides = array<i32>} : memref<256xi32, #tpu.memory_space<vmem>>, vector<16xi32>,
    %get3A_1223 = arith.constant 80 : index
    %get3A_1224 = tpu.vector_load %arg10[%get3A_1223] {strides = array<i32>} : memref<256xi32, #tpu.memory_space<vmem>>, vector<16xi32>,
    %get3A_1225 = vector.shape_cast %get3A_1224 : vector<16xi32> to vector<16xi32>
    %shift_right_logical3A_1226 = arith.constant 15 : i32
    %shift_right_logical3A_1227 = vector.broadcast %shift_right_logical3A_1226 : i32 to vector<16xi32>
    %shift_right_logical3A_1228 = arith.shrui %get3A_1225, %shift_right_logical3A_1227 : vector<16xi32>
    %shift_left3A_1229 = arith.constant 14 : i32
    %shift_left3A_1230 = vector.broadcast %shift_left3A_1229 : i32 to vector<16xi32>
    %shift_left3A_1231 = arith.shli %shift_right_logical3A_1228, %shift_left3A_1230 : vector<16xi32>
    %and3A_1232 = arith.constant 16383 : i32
    %and3A_1233 = vector.broadcast %and3A_1232 : i32 to vector<16xi32>
    %and3A_1234 = arith.andi %get3A_1225, %and3A_1233 : vector<16xi32>
    %or3A_1235 = arith.ori %shift_left3A_1231, %and3A_1234 : vector<16xi32>
    %swap3A_1236 = arith.constant 80 : index
    %swap3A_1237 = tpu.vector_load %arg10[%swap3A_1236] {strides = array<i32>} : memref<256xi32, #tpu.memory_space<vmem>>, vector<16xi32>,
    %swap3A_1238 = vector.shape_cast %swap3A_1237 : vector<16xi32> to vector<16xi32>
    %swap3A_1239 = vector.shape_cast %or3A_1235 : vector<16xi32> to vector<16xi32>
    tpu.vector_store %arg10[%swap3A_1236], %swap3A_1239 {strides = array<i32>} : memref<256xi32, #tpu.memory_space<vmem>>, vector<16xi32>,
    %get3A_1240 = arith.constant 96 : index
    %get3A_1241 = tpu.vector_load %arg10[%get3A_1240] {strides = array<i32>} : memref<256xi32, #tpu.memory_space<vmem>>, vector<16xi32>,
    %get3A_1242 = vector.shape_cast %get3A_1241 : vector<16xi32> to vector<16xi32>
    %shift_right_logical3A_1243 = arith.constant 15 : i32
    %shift_right_logical3A_1244 = vector.broadcast %shift_right_logical3A_1243 : i32 to vector<16xi32>
    %shift_right_logical3A_1245 = arith.shrui %get3A_1242, %shift_right_logical3A_1244 : vector<16xi32>
    %shift_left3A_1246 = arith.constant 14 : i32
    %shift_left3A_1247 = vector.broadcast %shift_left3A_1246 : i32 to vector<16xi32>
    %shift_left3A_1248 = arith.shli %shift_right_logical3A_1245, %shift_left3A_1247 : vector<16xi32>
    %and3A_1249 = arith.constant 16383 : i32
    %and3A_1250 = vector.broadcast %and3A_1249 : i32 to vector<16xi32>
    %and3A_1251 = arith.andi %get3A_1242, %and3A_1250 : vector<16xi32>
    %or3A_1252 = arith.ori %shift_left3A_1248, %and3A_1251 : vector<16xi32>
    %swap3A_1253 = arith.constant 96 : index
    %swap3A_1254 = tpu.vector_load %arg10[%swap3A_1253] {strides = array<i32>} : memref<256xi32, #tpu.memory_space<vmem>>, vector<16xi32>,
    %swap3A_1255 = vector.shape_cast %swap3A_1254 : vector<16xi32> to vector<16xi32>
    %swap3A_1256 = vector.shape_cast %or3A_1252 : vector<16xi32> to vector<16xi32>
    tpu.vector_store %arg10[%swap3A_1253], %swap3A_1256 {strides = array<i32>} : memref<256xi32, #tpu.memory_space<vmem>>, vector<16xi32>,
    %get3A_1257 = arith.constant 112 : index
    %get3A_1258 = tpu.vector_load %arg10[%get3A_1257] {strides = array<i32>} : memref<256xi32, #tpu.memory_space<vmem>>, vector<16xi32>,
    %get3A_1259 = vector.shape_cast %get3A_1258 : vector<16xi32> to vector<16xi32>
    %shift_right_logical3A_1260 = arith.constant 15 : i32
    %shift_right_logical3A_1261 = vector.broadcast %shift_right_logical3A_1260 : i32 to vector<16xi32>
    %shift_right_logical3A_1262 = arith.shrui %get3A_1259, %shift_right_logical3A_1261 : vector<16xi32>
    %shift_left3A_1263 = arith.constant 14 : i32
    %shift_left3A_1264 = vector.broadcast %shift_left3A_1263 : i32 to vector<16xi32>
    %shift_left3A_1265 = arith.shli %shift_right_logical3A_1262, %shift_left3A_1264 : vector<16xi32>
    %and3A_1266 = arith.constant 16383 : i32
    %and3A_1267 = vector.broadcast %and3A_1266 : i32 to vector<16xi32>
    %and3A_1268 = arith.andi %get3A_1259, %and3A_1267 : vector<16xi32>
    %or3A_1269 = arith.ori %shift_left3A_1265, %and3A_1268 : vector<16xi32>
    %swap3A_1270 = arith.constant 112 : index
    %swap3A_1271 = tpu.vector_load %arg10[%swap3A_1270] {strides = array<i32>} : memref<256xi32, #tpu.memory_space<vmem>>, vector<16xi32>,
    %swap3A_1272 = vector.shape_cast %swap3A_1271 : vector<16xi32> to vector<16xi32>
    %swap3A_1273 = vector.shape_cast %or3A_1269 : vector<16xi32> to vector<16xi32>
    tpu.vector_store %arg10[%swap3A_1270], %swap3A_1273 {strides = array<i32>} : memref<256xi32, #tpu.memory_space<vmem>>, vector<16xi32>,
    %get3A_1274 = arith.constant 128 : index
    %get3A_1275 = tpu.vector_load %arg10[%get3A_1274] {strides = array<i32>} : memref<256xi32, #tpu.memory_space<vmem>>, vector<16xi32>,
    %get3A_1276 = vector.shape_cast %get3A_1275 : vector<16xi32> to vector<16xi32>
    %shift_right_logical3A_1277 = arith.constant 15 : i32
    %shift_right_logical3A_1278 = vector.broadcast %shift_right_logical3A_1277 : i32 to vector<16xi32>
    %shift_right_logical3A_1279 = arith.shrui %get3A_1276, %shift_right_logical3A_1278 : vector<16xi32>
    %shift_left3A_1280 = arith.constant 14 : i32
    %shift_left3A_1281 = vector.broadcast %shift_left3A_1280 : i32 to vector<16xi32>
    %shift_left3A_1282 = arith.shli %shift_right_logical3A_1279, %shift_left3A_1281 : vector<16xi32>
    %and3A_1283 = arith.constant 16383 : i32
    %and3A_1284 = vector.broadcast %and3A_1283 : i32 to vector<16xi32>
    %and3A_1285 = arith.andi %get3A_1276, %and3A_1284 : vector<16xi32>
    %or3A_1286 = arith.ori %shift_left3A_1282, %and3A_1285 : vector<16xi32>
    %swap3A_1287 = arith.constant 128 : index
    %swap3A_1288 = tpu.vector_load %arg10[%swap3A_1287] {strides = array<i32>} : memref<256xi32, #tpu.memory_space<vmem>>, vector<16xi32>,
    %swap3A_1289 = vector.shape_cast %swap3A_1288 : vector<16xi32> to vector<16xi32>
    %swap3A_1290 = vector.shape_cast %or3A_1286 : vector<16xi32> to vector<16xi32>
    tpu.vector_store %arg10[%swap3A_1287], %swap3A_1290 {strides = array<i32>} : memref<256xi32, #tpu.memory_space<vmem>>, vector<16xi32>,
    %get3A_1291 = arith.constant 144 : index
    %get3A_1292 = tpu.vector_load %arg10[%get3A_1291] {strides = array<i32>} : memref<256xi32, #tpu.memory_space<vmem>>, vector<16xi32>,
    %get3A_1293 = vector.shape_cast %get3A_1292 : vector<16xi32> to vector<16xi32>
    %shift_right_logical3A_1294 = arith.constant 15 : i32
    %shift_right_logical3A_1295 = vector.broadcast %shift_right_logical3A_1294 : i32 to vector<16xi32>
    %shift_right_logical3A_1296 = arith.shrui %get3A_1293, %shift_right_logical3A_1295 : vector<16xi32>
    %shift_left3A_1297 = arith.constant 14 : i32
    %shift_left3A_1298 = vector.broadcast %shift_left3A_1297 : i32 to vector<16xi32>
    %shift_left3A_1299 = arith.shli %shift_right_logical3A_1296, %shift_left3A_1298 : vector<16xi32>
    %and3A_1300 = arith.constant 16383 : i32
    %and3A_1301 = vector.broadcast %and3A_1300 : i32 to vector<16xi32>
    %and3A_1302 = arith.andi %get3A_1293, %and3A_1301 : vector<16xi32>
    %or3A_1303 = arith.ori %shift_left3A_1299, %and3A_1302 : vector<16xi32>
    %swap3A_1304 = arith.constant 144 : index
    %swap3A_1305 = tpu.vector_load %arg10[%swap3A_1304] {strides = array<i32>} : memref<256xi32, #tpu.memory_space<vmem>>, vector<16xi32>,
    %swap3A_1306 = vector.shape_cast %swap3A_1305 : vector<16xi32> to vector<16xi32>
    %swap3A_1307 = vector.shape_cast %or3A_1303 : vector<16xi32> to vector<16xi32>
    tpu.vector_store %arg10[%swap3A_1304], %swap3A_1307 {strides = array<i32>} : memref<256xi32, #tpu.memory_space<vmem>>, vector<16xi32>,
    %get3A_1308 = arith.constant 160 : index
    %get3A_1309 = tpu.vector_load %arg10[%get3A_1308] {strides = array<i32>} : memref<256xi32, #tpu.memory_space<vmem>>, vector<16xi32>,
    %get3A_1310 = vector.shape_cast %get3A_1309 : vector<16xi32> to vector<16xi32>
    %shift_right_logical3A_1311 = arith.constant 15 : i32
    %shift_right_logical3A_1312 = vector.broadcast %shift_right_logical3A_1311 : i32 to vector<16xi32>
    %shift_right_logical3A_1313 = arith.shrui %get3A_1310, %shift_right_logical3A_1312 : vector<16xi32>
    %shift_left3A_1314 = arith.constant 14 : i32
    %shift_left3A_1315 = vector.broadcast %shift_left3A_1314 : i32 to vector<16xi32>
    %shift_left3A_1316 = arith.shli %shift_right_logical3A_1313, %shift_left3A_1315 : vector<16xi32>
    %and3A_1317 = arith.constant 16383 : i32
    %and3A_1318 = vector.broadcast %and3A_1317 : i32 to vector<16xi32>
    %and3A_1319 = arith.andi %get3A_1310, %and3A_1318 : vector<16xi32>
    %or3A_1320 = arith.ori %shift_left3A_1316, %and3A_1319 : vector<16xi32>
    %swap3A_1321 = arith.constant 160 : index
    %swap3A_1322 = tpu.vector_load %arg10[%swap3A_1321] {strides = array<i32>} : memref<256xi32, #tpu.memory_space<vmem>>, vector<16xi32>,
    %swap3A_1323 = vector.shape_cast %swap3A_1322 : vector<16xi32> to vector<16xi32>
    %swap3A_1324 = vector.shape_cast %or3A_1320 : vector<16xi32> to vector<16xi32>
    tpu.vector_store %arg10[%swap3A_1321], %swap3A_1324 {strides = array<i32>} : memref<256xi32, #tpu.memory_space<vmem>>, vector<16xi32>,
    %get3A_1325 = arith.constant 176 : index
    %get3A_1326 = tpu.vector_load %arg10[%get3A_1325] {strides = array<i32>} : memref<256xi32, #tpu.memory_space<vmem>>, vector<16xi32>,
    %get3A_1327 = vector.shape_cast %get3A_1326 : vector<16xi32> to vector<16xi32>
    %shift_right_logical3A_1328 = arith.constant 15 : i32
    %shift_right_logical3A_1329 = vector.broadcast %shift_right_logical3A_1328 : i32 to vector<16xi32>
    %shift_right_logical3A_1330 = arith.shrui %get3A_1327, %shift_right_logical3A_1329 : vector<16xi32>
    %shift_left3A_1331 = arith.constant 14 : i32
    %shift_left3A_1332 = vector.broadcast %shift_left3A_1331 : i32 to vector<16xi32>
    %shift_left3A_1333 = arith.shli %shift_right_logical3A_1330, %shift_left3A_1332 : vector<16xi32>
    %and3A_1334 = arith.constant 16383 : i32
    %and3A_1335 = vector.broadcast %and3A_1334 : i32 to vector<16xi32>
    %and3A_1336 = arith.andi %get3A_1327, %and3A_1335 : vector<16xi32>
    %or3A_1337 = arith.ori %shift_left3A_1333, %and3A_1336 : vector<16xi32>
    %swap3A_1338 = arith.constant 176 : index
    %swap3A_1339 = tpu.vector_load %arg10[%swap3A_1338] {strides = array<i32>} : memref<256xi32, #tpu.memory_space<vmem>>, vector<16xi32>,
    %swap3A_1340 = vector.shape_cast %swap3A_1339 : vector<16xi32> to vector<16xi32>
    %swap3A_1341 = vector.shape_cast %or3A_1337 : vector<16xi32> to vector<16xi32>
    tpu.vector_store %arg10[%swap3A_1338], %swap3A_1341 {strides = array<i32>} : memref<256xi32, #tpu.memory_space<vmem>>, vector<16xi32>,
    %get3A_1342 = arith.constant 192 : index
    %get3A_1343 = tpu.vector_load %arg10[%get3A_1342] {strides = array<i32>} : memref<256xi32, #tpu.memory_space<vmem>>, vector<16xi32>,
    %get3A_1344 = vector.shape_cast %get3A_1343 : vector<16xi32> to vector<16xi32>
    %shift_right_logical3A_1345 = arith.constant 15 : i32
    %shift_right_logical3A_1346 = vector.broadcast %shift_right_logical3A_1345 : i32 to vector<16xi32>
    %shift_right_logical3A_1347 = arith.shrui %get3A_1344, %shift_right_logical3A_1346 : vector<16xi32>
    %shift_left3A_1348 = arith.constant 14 : i32
    %shift_left3A_1349 = vector.broadcast %shift_left3A_1348 : i32 to vector<16xi32>
    %shift_left3A_1350 = arith.shli %shift_right_logical3A_1347, %shift_left3A_1349 : vector<16xi32>
    %and3A_1351 = arith.constant 16383 : i32
    %and3A_1352 = vector.broadcast %and3A_1351 : i32 to vector<16xi32>
    %and3A_1353 = arith.andi %get3A_1344, %and3A_1352 : vector<16xi32>
    %or3A_1354 = arith.ori %shift_left3A_1350, %and3A_1353 : vector<16xi32>
    %swap3A_1355 = arith.constant 192 : index
    %swap3A_1356 = tpu.vector_load %arg10[%swap3A_1355] {strides = array<i32>} : memref<256xi32, #tpu.memory_space<vmem>>, vector<16xi32>,
    %swap3A_1357 = vector.shape_cast %swap3A_1356 : vector<16xi32> to vector<16xi32>
    %swap3A_1358 = vector.shape_cast %or3A_1354 : vector<16xi32> to vector<16xi32>
    tpu.vector_store %arg10[%swap3A_1355], %swap3A_1358 {strides = array<i32>} : memref<256xi32, #tpu.memory_space<vmem>>, vector<16xi32>,
    %get3A_1359 = arith.constant 208 : index
    %get3A_1360 = tpu.vector_load %arg10[%get3A_1359] {strides = array<i32>} : memref<256xi32, #tpu.memory_space<vmem>>, vector<16xi32>,
    %get3A_1361 = vector.shape_cast %get3A_1360 : vector<16xi32> to vector<16xi32>
    %shift_right_logical3A_1362 = arith.constant 15 : i32
    %shift_right_logical3A_1363 = vector.broadcast %shift_right_logical3A_1362 : i32 to vector<16xi32>
    %shift_right_logical3A_1364 = arith.shrui %get3A_1361, %shift_right_logical3A_1363 : vector<16xi32>
    %shift_left3A_1365 = arith.constant 14 : i32
    %shift_left3A_1366 = vector.broadcast %shift_left3A_1365 : i32 to vector<16xi32>
    %shift_left3A_1367 = arith.shli %shift_right_logical3A_1364, %shift_left3A_1366 : vector<16xi32>
    %and3A_1368 = arith.constant 16383 : i32
    %and3A_1369 = vector.broadcast %and3A_1368 : i32 to vector<16xi32>
    %and3A_1370 = arith.andi %get3A_1361, %and3A_1369 : vector<16xi32>
    %or3A_1371 = arith.ori %shift_left3A_1367, %and3A_1370 : vector<16xi32>
    %swap3A_1372 = arith.constant 208 : index
    %swap3A_1373 = tpu.vector_load %arg10[%swap3A_1372] {strides = array<i32>} : memref<256xi32, #tpu.memory_space<vmem>>, vector<16xi32>,
    %swap3A_1374 = vector.shape_cast %swap3A_1373 : vector<16xi32> to vector<16xi32>
    %swap3A_1375 = vector.shape_cast %or3A_1371 : vector<16xi32> to vector<16xi32>
    tpu.vector_store %arg10[%swap3A_1372], %swap3A_1375 {strides = array<i32>} : memref<256xi32, #tpu.memory_space<vmem>>, vector<16xi32>,
    %get3A_1376 = arith.constant 224 : index
    %get3A_1377 = tpu.vector_load %arg10[%get3A_1376] {strides = array<i32>} : memref<256xi32, #tpu.memory_space<vmem>>, vector<16xi32>,
    %get3A_1378 = vector.shape_cast %get3A_1377 : vector<16xi32> to vector<16xi32>
    %shift_right_logical3A_1379 = arith.constant 15 : i32
    %shift_right_logical3A_1380 = vector.broadcast %shift_right_logical3A_1379 : i32 to vector<16xi32>
    %shift_right_logical3A_1381 = arith.shrui %get3A_1378, %shift_right_logical3A_1380 : vector<16xi32>
    %shift_left3A_1382 = arith.constant 14 : i32
    %shift_left3A_1383 = vector.broadcast %shift_left3A_1382 : i32 to vector<16xi32>
    %shift_left3A_1384 = arith.shli %shift_right_logical3A_1381, %shift_left3A_1383 : vector<16xi32>
    %and3A_1385 = arith.constant 16383 : i32
    %and3A_1386 = vector.broadcast %and3A_1385 : i32 to vector<16xi32>
    %and3A_1387 = arith.andi %get3A_1378, %and3A_1386 : vector<16xi32>
    %or3A_1388 = arith.ori %shift_left3A_1384, %and3A_1387 : vector<16xi32>
    %swap3A_1389 = arith.constant 224 : index
    %swap3A_1390 = tpu.vector_load %arg10[%swap3A_1389] {strides = array<i32>} : memref<256xi32, #tpu.memory_space<vmem>>, vector<16xi32>,
    %swap3A_1391 = vector.shape_cast %swap3A_1390 : vector<16xi32> to vector<16xi32>
    %swap3A_1392 = vector.shape_cast %or3A_1388 : vector<16xi32> to vector<16xi32>
    tpu.vector_store %arg10[%swap3A_1389], %swap3A_1392 {strides = array<i32>} : memref<256xi32, #tpu.memory_space<vmem>>, vector<16xi32>,
    %get3A_1393 = arith.constant 240 : index
    %get3A_1394 = tpu.vector_load %arg10[%get3A_1393] {strides = array<i32>} : memref<256xi32, #tpu.memory_space<vmem>>, vector<16xi32>,
    %get3A_1395 = vector.shape_cast %get3A_1394 : vector<16xi32> to vector<16xi32>
    %shift_right_logical3A_1396 = arith.constant 15 : i32
    %shift_right_logical3A_1397 = vector.broadcast %shift_right_logical3A_1396 : i32 to vector<16xi32>
    %shift_right_logical3A_1398 = arith.shrui %get3A_1395, %shift_right_logical3A_1397 : vector<16xi32>
    %shift_left3A_1399 = arith.constant 14 : i32
    %shift_left3A_1400 = vector.broadcast %shift_left3A_1399 : i32 to vector<16xi32>
    %shift_left3A_1401 = arith.shli %shift_right_logical3A_1398, %shift_left3A_1400 : vector<16xi32>
    %and3A_1402 = arith.constant 16383 : i32
    %and3A_1403 = vector.broadcast %and3A_1402 : i32 to vector<16xi32>
    %and3A_1404 = arith.andi %get3A_1395, %and3A_1403 : vector<16xi32>
    %or3A_1405 = arith.ori %shift_left3A_1401, %and3A_1404 : vector<16xi32>
    %swap3A_1406 = arith.constant 240 : index
    %swap3A_1407 = tpu.vector_load %arg10[%swap3A_1406] {strides = array<i32>} : memref<256xi32, #tpu.memory_space<vmem>>, vector<16xi32>,
    %swap3A_1408 = vector.shape_cast %swap3A_1407 : vector<16xi32> to vector<16xi32>
    %swap3A_1409 = vector.shape_cast %or3A_1405 : vector<16xi32> to vector<16xi32>
    tpu.vector_store %arg10[%swap3A_1406], %swap3A_1409 {strides = array<i32>} : memref<256xi32, #tpu.memory_space<vmem>>, vector<16xi32>,
    %dma_start3A_1410 = arith.constant 0 : i32
    %dma_start3A_1411 = arith.constant 0 : i32
    %dma_start3A_1412 = tpu.memref_slice %arg6[%dma_start3A_1410, %dma_start3A_1411] : memref<16384x128xf32, #tpu.memory_space<hbm>> -> memref<16384x128xf32, #tpu.memory_space<hbm>>
    tpu.enqueue_indirect_dma source(%dma_start3A_1412 : memref<16384x128xf32, #tpu.memory_space<hbm>>) target(%arg12 : memref<256x128xf32, #tpu.memory_space<vmem>>) offsets(%arg10 : memref<256xi32, #tpu.memory_space<vmem>>) semaphore(%arg14 : memref<!tpu.dma_semaphore, #tpu.memory_space<semaphore_mem>>)
    %dma_wait3A_1413 = arith.constant 0 : i32
    %dma_wait3A_1414 = arith.constant 0 : i32
    %dma_wait3A_1415 = tpu.memref_slice %arg6[%dma_wait3A_1413, %dma_wait3A_1414] : memref<16384x128xf32, #tpu.memory_space<hbm>> -> memref<16384x128xf32, #tpu.memory_space<hbm>>
    tpu.wait_indirect_dma semaphore(%arg15 : memref<!tpu.dma_semaphore, #tpu.memory_space<semaphore_mem>>) src(%dma_wait3A_1415 : memref<16384x128xf32, #tpu.memory_space<hbm>>) dst(%arg13 : memref<256x128xf32, #tpu.memory_space<vmem>>)
    %dma_start3A_1416 = arith.constant 0 : i32
    %dma_start3A_1417 = tpu.memref_slice %arg8[%add3A_849, %dma_start3A_1416] : memref<16384x128xf32, #tpu.memory_space<hbm>> -> memref<256x128xf32, #tpu.memory_space<hbm>>
    %dma_start3A_1418 = arith.constant 0 : i32
    %dma_start3A_1419 = tpu.memref_slice %arg8[%add3A_849, %dma_start3A_1418] : memref<16384x128xf32, #tpu.memory_space<hbm>> -> memref<256x128xf32, #tpu.memory_space<hbm>>
    tpu.enqueue_dma source(%arg13 : memref<256x128xf32, #tpu.memory_space<vmem>>) target(%dma_start3A_1419 : memref<256x128xf32, #tpu.memory_space<hbm>>) target_semaphore(%arg17 : memref<!tpu.dma_semaphore, #tpu.memory_space<semaphore_mem>>)
    %dma_wait3A_1420 = arith.constant 0 : i32
    %dma_wait3A_1421 = tpu.memref_slice %arg8[%add3A_849, %dma_wait3A_1420] : memref<16384x128xf32, #tpu.memory_space<hbm>> -> memref<256x128xf32, #tpu.memory_space<hbm>>
    %dma_wait3A_1422 = arith.constant 0 : i32
    %dma_wait3A_1423 = tpu.memref_slice %arg8[%add3A_849, %dma_wait3A_1422] : memref<16384x128xf32, #tpu.memory_space<hbm>> -> memref<256x128xf32, #tpu.memory_space<hbm>>
    tpu.wait_dma2 semaphore(%arg17 : memref<!tpu.dma_semaphore, #tpu.memory_space<semaphore_mem>>) src(%arg13 : memref<256x128xf32, #tpu.memory_space<vmem>>) dst(%dma_wait3A_1423 : memref<256x128xf32, #tpu.memory_space<hbm>>)
    %add3A_1424 = arith.constant 256 : i32
    %add3A_1425 = arith.addi %mul3A_2, %add3A_1424 : i32
    "tpu.region"() ({
      %run_scoped3A = tpu.sem_alloc : memref<!tpu.dma_semaphore, #tpu.memory_space<semaphore_mem>>
      %dma_start3A_1723 = tpu.memref_slice %arg4[%add3A_1425] : memref<16384xi32, #tpu.memory_space<hbm>> -> memref<256xi32, #tpu.memory_space<hbm>>
      %dma_start3A_1724 = tpu.memref_slice %arg4[%add3A_1425] : memref<16384xi32, #tpu.memory_space<hbm>> -> memref<256xi32, #tpu.memory_space<hbm>>
      tpu.enqueue_dma source(%dma_start3A_1724 : memref<256xi32, #tpu.memory_space<hbm>>) target(%arg11 : memref<256xi32, #tpu.memory_space<vmem>>) target_semaphore(%run_scoped3A : memref<!tpu.dma_semaphore, #tpu.memory_space<semaphore_mem>>)
      %dma_wait3A_1725 = tpu.memref_slice %arg4[%add3A_1425] : memref<16384xi32, #tpu.memory_space<hbm>> -> memref<256xi32, #tpu.memory_space<hbm>>
      %dma_wait3A_1726 = tpu.memref_slice %arg4[%add3A_1425] : memref<16384xi32, #tpu.memory_space<hbm>> -> memref<256xi32, #tpu.memory_space<hbm>>
      tpu.wait_dma2 semaphore(%run_scoped3A : memref<!tpu.dma_semaphore, #tpu.memory_space<semaphore_mem>>) src(%dma_wait3A_1726 : memref<256xi32, #tpu.memory_space<hbm>>) dst(%arg11 : memref<256xi32, #tpu.memory_space<vmem>>)
      tpu.yield
    }) : () -> ()
    %get3A_1426 = arith.constant 0 : index
    %get3A_1427 = tpu.vector_load %arg11[%get3A_1426] {strides = array<i32>} : memref<256xi32, #tpu.memory_space<vmem>>, vector<16xi32>,
    %get3A_1428 = vector.shape_cast %get3A_1427 : vector<16xi32> to vector<16xi32>
    %shift_right_logical3A_1429 = arith.constant 15 : i32
    %shift_right_logical3A_1430 = vector.broadcast %shift_right_logical3A_1429 : i32 to vector<16xi32>
    %shift_right_logical3A_1431 = arith.shrui %get3A_1428, %shift_right_logical3A_1430 : vector<16xi32>
    %shift_left3A_1432 = arith.constant 14 : i32
    %shift_left3A_1433 = vector.broadcast %shift_left3A_1432 : i32 to vector<16xi32>
    %shift_left3A_1434 = arith.shli %shift_right_logical3A_1431, %shift_left3A_1433 : vector<16xi32>
    %and3A_1435 = arith.constant 16383 : i32
    %and3A_1436 = vector.broadcast %and3A_1435 : i32 to vector<16xi32>
    %and3A_1437 = arith.andi %get3A_1428, %and3A_1436 : vector<16xi32>
    %or3A_1438 = arith.ori %shift_left3A_1434, %and3A_1437 : vector<16xi32>
    %swap3A_1439 = arith.constant 0 : index
    %swap3A_1440 = tpu.vector_load %arg11[%swap3A_1439] {strides = array<i32>} : memref<256xi32, #tpu.memory_space<vmem>>, vector<16xi32>,
    %swap3A_1441 = vector.shape_cast %swap3A_1440 : vector<16xi32> to vector<16xi32>
    %swap3A_1442 = vector.shape_cast %or3A_1438 : vector<16xi32> to vector<16xi32>
    tpu.vector_store %arg11[%swap3A_1439], %swap3A_1442 {strides = array<i32>} : memref<256xi32, #tpu.memory_space<vmem>>, vector<16xi32>,
    %get3A_1443 = arith.constant 16 : index
    %get3A_1444 = tpu.vector_load %arg11[%get3A_1443] {strides = array<i32>} : memref<256xi32, #tpu.memory_space<vmem>>, vector<16xi32>,
    %get3A_1445 = vector.shape_cast %get3A_1444 : vector<16xi32> to vector<16xi32>
    %shift_right_logical3A_1446 = arith.constant 15 : i32
    %shift_right_logical3A_1447 = vector.broadcast %shift_right_logical3A_1446 : i32 to vector<16xi32>
    %shift_right_logical3A_1448 = arith.shrui %get3A_1445, %shift_right_logical3A_1447 : vector<16xi32>
    %shift_left3A_1449 = arith.constant 14 : i32
    %shift_left3A_1450 = vector.broadcast %shift_left3A_1449 : i32 to vector<16xi32>
    %shift_left3A_1451 = arith.shli %shift_right_logical3A_1448, %shift_left3A_1450 : vector<16xi32>
    %and3A_1452 = arith.constant 16383 : i32
    %and3A_1453 = vector.broadcast %and3A_1452 : i32 to vector<16xi32>
    %and3A_1454 = arith.andi %get3A_1445, %and3A_1453 : vector<16xi32>
    %or3A_1455 = arith.ori %shift_left3A_1451, %and3A_1454 : vector<16xi32>
    %swap3A_1456 = arith.constant 16 : index
    %swap3A_1457 = tpu.vector_load %arg11[%swap3A_1456] {strides = array<i32>} : memref<256xi32, #tpu.memory_space<vmem>>, vector<16xi32>,
    %swap3A_1458 = vector.shape_cast %swap3A_1457 : vector<16xi32> to vector<16xi32>
    %swap3A_1459 = vector.shape_cast %or3A_1455 : vector<16xi32> to vector<16xi32>
    tpu.vector_store %arg11[%swap3A_1456], %swap3A_1459 {strides = array<i32>} : memref<256xi32, #tpu.memory_space<vmem>>, vector<16xi32>,
    %get3A_1460 = arith.constant 32 : index
    %get3A_1461 = tpu.vector_load %arg11[%get3A_1460] {strides = array<i32>} : memref<256xi32, #tpu.memory_space<vmem>>, vector<16xi32>,
    %get3A_1462 = vector.shape_cast %get3A_1461 : vector<16xi32> to vector<16xi32>
    %shift_right_logical3A_1463 = arith.constant 15 : i32
    %shift_right_logical3A_1464 = vector.broadcast %shift_right_logical3A_1463 : i32 to vector<16xi32>
    %shift_right_logical3A_1465 = arith.shrui %get3A_1462, %shift_right_logical3A_1464 : vector<16xi32>
    %shift_left3A_1466 = arith.constant 14 : i32
    %shift_left3A_1467 = vector.broadcast %shift_left3A_1466 : i32 to vector<16xi32>
    %shift_left3A_1468 = arith.shli %shift_right_logical3A_1465, %shift_left3A_1467 : vector<16xi32>
    %and3A_1469 = arith.constant 16383 : i32
    %and3A_1470 = vector.broadcast %and3A_1469 : i32 to vector<16xi32>
    %and3A_1471 = arith.andi %get3A_1462, %and3A_1470 : vector<16xi32>
    %or3A_1472 = arith.ori %shift_left3A_1468, %and3A_1471 : vector<16xi32>
    %swap3A_1473 = arith.constant 32 : index
    %swap3A_1474 = tpu.vector_load %arg11[%swap3A_1473] {strides = array<i32>} : memref<256xi32, #tpu.memory_space<vmem>>, vector<16xi32>,
    %swap3A_1475 = vector.shape_cast %swap3A_1474 : vector<16xi32> to vector<16xi32>
    %swap3A_1476 = vector.shape_cast %or3A_1472 : vector<16xi32> to vector<16xi32>
    tpu.vector_store %arg11[%swap3A_1473], %swap3A_1476 {strides = array<i32>} : memref<256xi32, #tpu.memory_space<vmem>>, vector<16xi32>,
    %get3A_1477 = arith.constant 48 : index
    %get3A_1478 = tpu.vector_load %arg11[%get3A_1477] {strides = array<i32>} : memref<256xi32, #tpu.memory_space<vmem>>, vector<16xi32>,
    %get3A_1479 = vector.shape_cast %get3A_1478 : vector<16xi32> to vector<16xi32>
    %shift_right_logical3A_1480 = arith.constant 15 : i32
    %shift_right_logical3A_1481 = vector.broadcast %shift_right_logical3A_1480 : i32 to vector<16xi32>
    %shift_right_logical3A_1482 = arith.shrui %get3A_1479, %shift_right_logical3A_1481 : vector<16xi32>
    %shift_left3A_1483 = arith.constant 14 : i32
    %shift_left3A_1484 = vector.broadcast %shift_left3A_1483 : i32 to vector<16xi32>
    %shift_left3A_1485 = arith.shli %shift_right_logical3A_1482, %shift_left3A_1484 : vector<16xi32>
    %and3A_1486 = arith.constant 16383 : i32
    %and3A_1487 = vector.broadcast %and3A_1486 : i32 to vector<16xi32>
    %and3A_1488 = arith.andi %get3A_1479, %and3A_1487 : vector<16xi32>
    %or3A_1489 = arith.ori %shift_left3A_1485, %and3A_1488 : vector<16xi32>
    %swap3A_1490 = arith.constant 48 : index
    %swap3A_1491 = tpu.vector_load %arg11[%swap3A_1490] {strides = array<i32>} : memref<256xi32, #tpu.memory_space<vmem>>, vector<16xi32>,
    %swap3A_1492 = vector.shape_cast %swap3A_1491 : vector<16xi32> to vector<16xi32>
    %swap3A_1493 = vector.shape_cast %or3A_1489 : vector<16xi32> to vector<16xi32>
    tpu.vector_store %arg11[%swap3A_1490], %swap3A_1493 {strides = array<i32>} : memref<256xi32, #tpu.memory_space<vmem>>, vector<16xi32>,
    %get3A_1494 = arith.constant 64 : index
    %get3A_1495 = tpu.vector_load %arg11[%get3A_1494] {strides = array<i32>} : memref<256xi32, #tpu.memory_space<vmem>>, vector<16xi32>,
    %get3A_1496 = vector.shape_cast %get3A_1495 : vector<16xi32> to vector<16xi32>
    %shift_right_logical3A_1497 = arith.constant 15 : i32
    %shift_right_logical3A_1498 = vector.broadcast %shift_right_logical3A_1497 : i32 to vector<16xi32>
    %shift_right_logical3A_1499 = arith.shrui %get3A_1496, %shift_right_logical3A_1498 : vector<16xi32>
    %shift_left3A_1500 = arith.constant 14 : i32
    %shift_left3A_1501 = vector.broadcast %shift_left3A_1500 : i32 to vector<16xi32>
    %shift_left3A_1502 = arith.shli %shift_right_logical3A_1499, %shift_left3A_1501 : vector<16xi32>
    %and3A_1503 = arith.constant 16383 : i32
    %and3A_1504 = vector.broadcast %and3A_1503 : i32 to vector<16xi32>
    %and3A_1505 = arith.andi %get3A_1496, %and3A_1504 : vector<16xi32>
    %or3A_1506 = arith.ori %shift_left3A_1502, %and3A_1505 : vector<16xi32>
    %swap3A_1507 = arith.constant 64 : index
    %swap3A_1508 = tpu.vector_load %arg11[%swap3A_1507] {strides = array<i32>} : memref<256xi32, #tpu.memory_space<vmem>>, vector<16xi32>,
    %swap3A_1509 = vector.shape_cast %swap3A_1508 : vector<16xi32> to vector<16xi32>
    %swap3A_1510 = vector.shape_cast %or3A_1506 : vector<16xi32> to vector<16xi32>
    tpu.vector_store %arg11[%swap3A_1507], %swap3A_1510 {strides = array<i32>} : memref<256xi32, #tpu.memory_space<vmem>>, vector<16xi32>,
    %get3A_1511 = arith.constant 80 : index
    %get3A_1512 = tpu.vector_load %arg11[%get3A_1511] {strides = array<i32>} : memref<256xi32, #tpu.memory_space<vmem>>, vector<16xi32>,
    %get3A_1513 = vector.shape_cast %get3A_1512 : vector<16xi32> to vector<16xi32>
    %shift_right_logical3A_1514 = arith.constant 15 : i32
    %shift_right_logical3A_1515 = vector.broadcast %shift_right_logical3A_1514 : i32 to vector<16xi32>
    %shift_right_logical3A_1516 = arith.shrui %get3A_1513, %shift_right_logical3A_1515 : vector<16xi32>
    %shift_left3A_1517 = arith.constant 14 : i32
    %shift_left3A_1518 = vector.broadcast %shift_left3A_1517 : i32 to vector<16xi32>
    %shift_left3A_1519 = arith.shli %shift_right_logical3A_1516, %shift_left3A_1518 : vector<16xi32>
    %and3A_1520 = arith.constant 16383 : i32
    %and3A_1521 = vector.broadcast %and3A_1520 : i32 to vector<16xi32>
    %and3A_1522 = arith.andi %get3A_1513, %and3A_1521 : vector<16xi32>
    %or3A_1523 = arith.ori %shift_left3A_1519, %and3A_1522 : vector<16xi32>
    %swap3A_1524 = arith.constant 80 : index
    %swap3A_1525 = tpu.vector_load %arg11[%swap3A_1524] {strides = array<i32>} : memref<256xi32, #tpu.memory_space<vmem>>, vector<16xi32>,
    %swap3A_1526 = vector.shape_cast %swap3A_1525 : vector<16xi32> to vector<16xi32>
    %swap3A_1527 = vector.shape_cast %or3A_1523 : vector<16xi32> to vector<16xi32>
    tpu.vector_store %arg11[%swap3A_1524], %swap3A_1527 {strides = array<i32>} : memref<256xi32, #tpu.memory_space<vmem>>, vector<16xi32>,
    %get3A_1528 = arith.constant 96 : index
    %get3A_1529 = tpu.vector_load %arg11[%get3A_1528] {strides = array<i32>} : memref<256xi32, #tpu.memory_space<vmem>>, vector<16xi32>,
    %get3A_1530 = vector.shape_cast %get3A_1529 : vector<16xi32> to vector<16xi32>
    %shift_right_logical3A_1531 = arith.constant 15 : i32
    %shift_right_logical3A_1532 = vector.broadcast %shift_right_logical3A_1531 : i32 to vector<16xi32>
    %shift_right_logical3A_1533 = arith.shrui %get3A_1530, %shift_right_logical3A_1532 : vector<16xi32>
    %shift_left3A_1534 = arith.constant 14 : i32
    %shift_left3A_1535 = vector.broadcast %shift_left3A_1534 : i32 to vector<16xi32>
    %shift_left3A_1536 = arith.shli %shift_right_logical3A_1533, %shift_left3A_1535 : vector<16xi32>
    %and3A_1537 = arith.constant 16383 : i32
    %and3A_1538 = vector.broadcast %and3A_1537 : i32 to vector<16xi32>
    %and3A_1539 = arith.andi %get3A_1530, %and3A_1538 : vector<16xi32>
    %or3A_1540 = arith.ori %shift_left3A_1536, %and3A_1539 : vector<16xi32>
    %swap3A_1541 = arith.constant 96 : index
    %swap3A_1542 = tpu.vector_load %arg11[%swap3A_1541] {strides = array<i32>} : memref<256xi32, #tpu.memory_space<vmem>>, vector<16xi32>,
    %swap3A_1543 = vector.shape_cast %swap3A_1542 : vector<16xi32> to vector<16xi32>
    %swap3A_1544 = vector.shape_cast %or3A_1540 : vector<16xi32> to vector<16xi32>
    tpu.vector_store %arg11[%swap3A_1541], %swap3A_1544 {strides = array<i32>} : memref<256xi32, #tpu.memory_space<vmem>>, vector<16xi32>,
    %get3A_1545 = arith.constant 112 : index
    %get3A_1546 = tpu.vector_load %arg11[%get3A_1545] {strides = array<i32>} : memref<256xi32, #tpu.memory_space<vmem>>, vector<16xi32>,
    %get3A_1547 = vector.shape_cast %get3A_1546 : vector<16xi32> to vector<16xi32>
    %shift_right_logical3A_1548 = arith.constant 15 : i32
    %shift_right_logical3A_1549 = vector.broadcast %shift_right_logical3A_1548 : i32 to vector<16xi32>
    %shift_right_logical3A_1550 = arith.shrui %get3A_1547, %shift_right_logical3A_1549 : vector<16xi32>
    %shift_left3A_1551 = arith.constant 14 : i32
    %shift_left3A_1552 = vector.broadcast %shift_left3A_1551 : i32 to vector<16xi32>
    %shift_left3A_1553 = arith.shli %shift_right_logical3A_1550, %shift_left3A_1552 : vector<16xi32>
    %and3A_1554 = arith.constant 16383 : i32
    %and3A_1555 = vector.broadcast %and3A_1554 : i32 to vector<16xi32>
    %and3A_1556 = arith.andi %get3A_1547, %and3A_1555 : vector<16xi32>
    %or3A_1557 = arith.ori %shift_left3A_1553, %and3A_1556 : vector<16xi32>
    %swap3A_1558 = arith.constant 112 : index
    %swap3A_1559 = tpu.vector_load %arg11[%swap3A_1558] {strides = array<i32>} : memref<256xi32, #tpu.memory_space<vmem>>, vector<16xi32>,
    %swap3A_1560 = vector.shape_cast %swap3A_1559 : vector<16xi32> to vector<16xi32>
    %swap3A_1561 = vector.shape_cast %or3A_1557 : vector<16xi32> to vector<16xi32>
    tpu.vector_store %arg11[%swap3A_1558], %swap3A_1561 {strides = array<i32>} : memref<256xi32, #tpu.memory_space<vmem>>, vector<16xi32>,
    %get3A_1562 = arith.constant 128 : index
    %get3A_1563 = tpu.vector_load %arg11[%get3A_1562] {strides = array<i32>} : memref<256xi32, #tpu.memory_space<vmem>>, vector<16xi32>,
    %get3A_1564 = vector.shape_cast %get3A_1563 : vector<16xi32> to vector<16xi32>
    %shift_right_logical3A_1565 = arith.constant 15 : i32
    %shift_right_logical3A_1566 = vector.broadcast %shift_right_logical3A_1565 : i32 to vector<16xi32>
    %shift_right_logical3A_1567 = arith.shrui %get3A_1564, %shift_right_logical3A_1566 : vector<16xi32>
    %shift_left3A_1568 = arith.constant 14 : i32
    %shift_left3A_1569 = vector.broadcast %shift_left3A_1568 : i32 to vector<16xi32>
    %shift_left3A_1570 = arith.shli %shift_right_logical3A_1567, %shift_left3A_1569 : vector<16xi32>
    %and3A_1571 = arith.constant 16383 : i32
    %and3A_1572 = vector.broadcast %and3A_1571 : i32 to vector<16xi32>
    %and3A_1573 = arith.andi %get3A_1564, %and3A_1572 : vector<16xi32>
    %or3A_1574 = arith.ori %shift_left3A_1570, %and3A_1573 : vector<16xi32>
    %swap3A_1575 = arith.constant 128 : index
    %swap3A_1576 = tpu.vector_load %arg11[%swap3A_1575] {strides = array<i32>} : memref<256xi32, #tpu.memory_space<vmem>>, vector<16xi32>,
    %swap3A_1577 = vector.shape_cast %swap3A_1576 : vector<16xi32> to vector<16xi32>
    %swap3A_1578 = vector.shape_cast %or3A_1574 : vector<16xi32> to vector<16xi32>
    tpu.vector_store %arg11[%swap3A_1575], %swap3A_1578 {strides = array<i32>} : memref<256xi32, #tpu.memory_space<vmem>>, vector<16xi32>,
    %get3A_1579 = arith.constant 144 : index
    %get3A_1580 = tpu.vector_load %arg11[%get3A_1579] {strides = array<i32>} : memref<256xi32, #tpu.memory_space<vmem>>, vector<16xi32>,
    %get3A_1581 = vector.shape_cast %get3A_1580 : vector<16xi32> to vector<16xi32>
    %shift_right_logical3A_1582 = arith.constant 15 : i32
    %shift_right_logical3A_1583 = vector.broadcast %shift_right_logical3A_1582 : i32 to vector<16xi32>
    %shift_right_logical3A_1584 = arith.shrui %get3A_1581, %shift_right_logical3A_1583 : vector<16xi32>
    %shift_left3A_1585 = arith.constant 14 : i32
    %shift_left3A_1586 = vector.broadcast %shift_left3A_1585 : i32 to vector<16xi32>
    %shift_left3A_1587 = arith.shli %shift_right_logical3A_1584, %shift_left3A_1586 : vector<16xi32>
    %and3A_1588 = arith.constant 16383 : i32
    %and3A_1589 = vector.broadcast %and3A_1588 : i32 to vector<16xi32>
    %and3A_1590 = arith.andi %get3A_1581, %and3A_1589 : vector<16xi32>
    %or3A_1591 = arith.ori %shift_left3A_1587, %and3A_1590 : vector<16xi32>
    %swap3A_1592 = arith.constant 144 : index
    %swap3A_1593 = tpu.vector_load %arg11[%swap3A_1592] {strides = array<i32>} : memref<256xi32, #tpu.memory_space<vmem>>, vector<16xi32>,
    %swap3A_1594 = vector.shape_cast %swap3A_1593 : vector<16xi32> to vector<16xi32>
    %swap3A_1595 = vector.shape_cast %or3A_1591 : vector<16xi32> to vector<16xi32>
    tpu.vector_store %arg11[%swap3A_1592], %swap3A_1595 {strides = array<i32>} : memref<256xi32, #tpu.memory_space<vmem>>, vector<16xi32>,
    %get3A_1596 = arith.constant 160 : index
    %get3A_1597 = tpu.vector_load %arg11[%get3A_1596] {strides = array<i32>} : memref<256xi32, #tpu.memory_space<vmem>>, vector<16xi32>,
    %get3A_1598 = vector.shape_cast %get3A_1597 : vector<16xi32> to vector<16xi32>
    %shift_right_logical3A_1599 = arith.constant 15 : i32
    %shift_right_logical3A_1600 = vector.broadcast %shift_right_logical3A_1599 : i32 to vector<16xi32>
    %shift_right_logical3A_1601 = arith.shrui %get3A_1598, %shift_right_logical3A_1600 : vector<16xi32>
    %shift_left3A_1602 = arith.constant 14 : i32
    %shift_left3A_1603 = vector.broadcast %shift_left3A_1602 : i32 to vector<16xi32>
    %shift_left3A_1604 = arith.shli %shift_right_logical3A_1601, %shift_left3A_1603 : vector<16xi32>
    %and3A_1605 = arith.constant 16383 : i32
    %and3A_1606 = vector.broadcast %and3A_1605 : i32 to vector<16xi32>
    %and3A_1607 = arith.andi %get3A_1598, %and3A_1606 : vector<16xi32>
    %or3A_1608 = arith.ori %shift_left3A_1604, %and3A_1607 : vector<16xi32>
    %swap3A_1609 = arith.constant 160 : index
    %swap3A_1610 = tpu.vector_load %arg11[%swap3A_1609] {strides = array<i32>} : memref<256xi32, #tpu.memory_space<vmem>>, vector<16xi32>,
    %swap3A_1611 = vector.shape_cast %swap3A_1610 : vector<16xi32> to vector<16xi32>
    %swap3A_1612 = vector.shape_cast %or3A_1608 : vector<16xi32> to vector<16xi32>
    tpu.vector_store %arg11[%swap3A_1609], %swap3A_1612 {strides = array<i32>} : memref<256xi32, #tpu.memory_space<vmem>>, vector<16xi32>,
    %get3A_1613 = arith.constant 176 : index
    %get3A_1614 = tpu.vector_load %arg11[%get3A_1613] {strides = array<i32>} : memref<256xi32, #tpu.memory_space<vmem>>, vector<16xi32>,
    %get3A_1615 = vector.shape_cast %get3A_1614 : vector<16xi32> to vector<16xi32>
    %shift_right_logical3A_1616 = arith.constant 15 : i32
    %shift_right_logical3A_1617 = vector.broadcast %shift_right_logical3A_1616 : i32 to vector<16xi32>
    %shift_right_logical3A_1618 = arith.shrui %get3A_1615, %shift_right_logical3A_1617 : vector<16xi32>
    %shift_left3A_1619 = arith.constant 14 : i32
    %shift_left3A_1620 = vector.broadcast %shift_left3A_1619 : i32 to vector<16xi32>
    %shift_left3A_1621 = arith.shli %shift_right_logical3A_1618, %shift_left3A_1620 : vector<16xi32>
    %and3A_1622 = arith.constant 16383 : i32
    %and3A_1623 = vector.broadcast %and3A_1622 : i32 to vector<16xi32>
    %and3A_1624 = arith.andi %get3A_1615, %and3A_1623 : vector<16xi32>
    %or3A_1625 = arith.ori %shift_left3A_1621, %and3A_1624 : vector<16xi32>
    %swap3A_1626 = arith.constant 176 : index
    %swap3A_1627 = tpu.vector_load %arg11[%swap3A_1626] {strides = array<i32>} : memref<256xi32, #tpu.memory_space<vmem>>, vector<16xi32>,
    %swap3A_1628 = vector.shape_cast %swap3A_1627 : vector<16xi32> to vector<16xi32>
    %swap3A_1629 = vector.shape_cast %or3A_1625 : vector<16xi32> to vector<16xi32>
    tpu.vector_store %arg11[%swap3A_1626], %swap3A_1629 {strides = array<i32>} : memref<256xi32, #tpu.memory_space<vmem>>, vector<16xi32>,
    %get3A_1630 = arith.constant 192 : index
    %get3A_1631 = tpu.vector_load %arg11[%get3A_1630] {strides = array<i32>} : memref<256xi32, #tpu.memory_space<vmem>>, vector<16xi32>,
    %get3A_1632 = vector.shape_cast %get3A_1631 : vector<16xi32> to vector<16xi32>
    %shift_right_logical3A_1633 = arith.constant 15 : i32
    %shift_right_logical3A_1634 = vector.broadcast %shift_right_logical3A_1633 : i32 to vector<16xi32>
    %shift_right_logical3A_1635 = arith.shrui %get3A_1632, %shift_right_logical3A_1634 : vector<16xi32>
    %shift_left3A_1636 = arith.constant 14 : i32
    %shift_left3A_1637 = vector.broadcast %shift_left3A_1636 : i32 to vector<16xi32>
    %shift_left3A_1638 = arith.shli %shift_right_logical3A_1635, %shift_left3A_1637 : vector<16xi32>
    %and3A_1639 = arith.constant 16383 : i32
    %and3A_1640 = vector.broadcast %and3A_1639 : i32 to vector<16xi32>
    %and3A_1641 = arith.andi %get3A_1632, %and3A_1640 : vector<16xi32>
    %or3A_1642 = arith.ori %shift_left3A_1638, %and3A_1641 : vector<16xi32>
    %swap3A_1643 = arith.constant 192 : index
    %swap3A_1644 = tpu.vector_load %arg11[%swap3A_1643] {strides = array<i32>} : memref<256xi32, #tpu.memory_space<vmem>>, vector<16xi32>,
    %swap3A_1645 = vector.shape_cast %swap3A_1644 : vector<16xi32> to vector<16xi32>
    %swap3A_1646 = vector.shape_cast %or3A_1642 : vector<16xi32> to vector<16xi32>
    tpu.vector_store %arg11[%swap3A_1643], %swap3A_1646 {strides = array<i32>} : memref<256xi32, #tpu.memory_space<vmem>>, vector<16xi32>,
    %get3A_1647 = arith.constant 208 : index
    %get3A_1648 = tpu.vector_load %arg11[%get3A_1647] {strides = array<i32>} : memref<256xi32, #tpu.memory_space<vmem>>, vector<16xi32>,
    %get3A_1649 = vector.shape_cast %get3A_1648 : vector<16xi32> to vector<16xi32>
    %shift_right_logical3A_1650 = arith.constant 15 : i32
    %shift_right_logical3A_1651 = vector.broadcast %shift_right_logical3A_1650 : i32 to vector<16xi32>
    %shift_right_logical3A_1652 = arith.shrui %get3A_1649, %shift_right_logical3A_1651 : vector<16xi32>
    %shift_left3A_1653 = arith.constant 14 : i32
    %shift_left3A_1654 = vector.broadcast %shift_left3A_1653 : i32 to vector<16xi32>
    %shift_left3A_1655 = arith.shli %shift_right_logical3A_1652, %shift_left3A_1654 : vector<16xi32>
    %and3A_1656 = arith.constant 16383 : i32
    %and3A_1657 = vector.broadcast %and3A_1656 : i32 to vector<16xi32>
    %and3A_1658 = arith.andi %get3A_1649, %and3A_1657 : vector<16xi32>
    %or3A_1659 = arith.ori %shift_left3A_1655, %and3A_1658 : vector<16xi32>
    %swap3A_1660 = arith.constant 208 : index
    %swap3A_1661 = tpu.vector_load %arg11[%swap3A_1660] {strides = array<i32>} : memref<256xi32, #tpu.memory_space<vmem>>, vector<16xi32>,
    %swap3A_1662 = vector.shape_cast %swap3A_1661 : vector<16xi32> to vector<16xi32>
    %swap3A_1663 = vector.shape_cast %or3A_1659 : vector<16xi32> to vector<16xi32>
    tpu.vector_store %arg11[%swap3A_1660], %swap3A_1663 {strides = array<i32>} : memref<256xi32, #tpu.memory_space<vmem>>, vector<16xi32>,
    %get3A_1664 = arith.constant 224 : index
    %get3A_1665 = tpu.vector_load %arg11[%get3A_1664] {strides = array<i32>} : memref<256xi32, #tpu.memory_space<vmem>>, vector<16xi32>,
    %get3A_1666 = vector.shape_cast %get3A_1665 : vector<16xi32> to vector<16xi32>
    %shift_right_logical3A_1667 = arith.constant 15 : i32
    %shift_right_logical3A_1668 = vector.broadcast %shift_right_logical3A_1667 : i32 to vector<16xi32>
    %shift_right_logical3A_1669 = arith.shrui %get3A_1666, %shift_right_logical3A_1668 : vector<16xi32>
    %shift_left3A_1670 = arith.constant 14 : i32
    %shift_left3A_1671 = vector.broadcast %shift_left3A_1670 : i32 to vector<16xi32>
    %shift_left3A_1672 = arith.shli %shift_right_logical3A_1669, %shift_left3A_1671 : vector<16xi32>
    %and3A_1673 = arith.constant 16383 : i32
    %and3A_1674 = vector.broadcast %and3A_1673 : i32 to vector<16xi32>
    %and3A_1675 = arith.andi %get3A_1666, %and3A_1674 : vector<16xi32>
    %or3A_1676 = arith.ori %shift_left3A_1672, %and3A_1675 : vector<16xi32>
    %swap3A_1677 = arith.constant 224 : index
    %swap3A_1678 = tpu.vector_load %arg11[%swap3A_1677] {strides = array<i32>} : memref<256xi32, #tpu.memory_space<vmem>>, vector<16xi32>,
    %swap3A_1679 = vector.shape_cast %swap3A_1678 : vector<16xi32> to vector<16xi32>
    %swap3A_1680 = vector.shape_cast %or3A_1676 : vector<16xi32> to vector<16xi32>
    tpu.vector_store %arg11[%swap3A_1677], %swap3A_1680 {strides = array<i32>} : memref<256xi32, #tpu.memory_space<vmem>>, vector<16xi32>,
    %get3A_1681 = arith.constant 240 : index
    %get3A_1682 = tpu.vector_load %arg11[%get3A_1681] {strides = array<i32>} : memref<256xi32, #tpu.memory_space<vmem>>, vector<16xi32>,
    %get3A_1683 = vector.shape_cast %get3A_1682 : vector<16xi32> to vector<16xi32>
    %shift_right_logical3A_1684 = arith.constant 15 : i32
    %shift_right_logical3A_1685 = vector.broadcast %shift_right_logical3A_1684 : i32 to vector<16xi32>
    %shift_right_logical3A_1686 = arith.shrui %get3A_1683, %shift_right_logical3A_1685 : vector<16xi32>
    %shift_left3A_1687 = arith.constant 14 : i32
    %shift_left3A_1688 = vector.broadcast %shift_left3A_1687 : i32 to vector<16xi32>
    %shift_left3A_1689 = arith.shli %shift_right_logical3A_1686, %shift_left3A_1688 : vector<16xi32>
    %and3A_1690 = arith.constant 16383 : i32
    %and3A_1691 = vector.broadcast %and3A_1690 : i32 to vector<16xi32>
    %and3A_1692 = arith.andi %get3A_1683, %and3A_1691 : vector<16xi32>
    %or3A_1693 = arith.ori %shift_left3A_1689, %and3A_1692 : vector<16xi32>
    %swap3A_1694 = arith.constant 240 : index
    %swap3A_1695 = tpu.vector_load %arg11[%swap3A_1694] {strides = array<i32>} : memref<256xi32, #tpu.memory_space<vmem>>, vector<16xi32>,
    %swap3A_1696 = vector.shape_cast %swap3A_1695 : vector<16xi32> to vector<16xi32>
    %swap3A_1697 = vector.shape_cast %or3A_1693 : vector<16xi32> to vector<16xi32>
    tpu.vector_store %arg11[%swap3A_1694], %swap3A_1697 {strides = array<i32>} : memref<256xi32, #tpu.memory_space<vmem>>, vector<16xi32>,
    %dma_start3A_1698 = arith.constant 0 : i32
    %dma_start3A_1699 = arith.constant 0 : i32
    %dma_start3A_1700 = tpu.memref_slice %arg6[%dma_start3A_1698, %dma_start3A_1699] : memref<16384x128xf32, #tpu.memory_space<hbm>> -> memref<16384x128xf32, #tpu.memory_space<hbm>>
    tpu.enqueue_indirect_dma source(%dma_start3A_1700 : memref<16384x128xf32, #tpu.memory_space<hbm>>) target(%arg13 : memref<256x128xf32, #tpu.memory_space<vmem>>) offsets(%arg11 : memref<256xi32, #tpu.memory_space<vmem>>) semaphore(%arg15 : memref<!tpu.dma_semaphore, #tpu.memory_space<semaphore_mem>>)
    %dma_wait3A_1701 = arith.constant 0 : i32
    %dma_wait3A_1702 = arith.constant 0 : i32
    %dma_wait3A_1703 = tpu.memref_slice %arg6[%dma_wait3A_1701, %dma_wait3A_1702] : memref<16384x128xf32, #tpu.memory_space<hbm>> -> memref<16384x128xf32, #tpu.memory_space<hbm>>
    tpu.wait_indirect_dma semaphore(%arg14 : memref<!tpu.dma_semaphore, #tpu.memory_space<semaphore_mem>>) src(%dma_wait3A_1703 : memref<16384x128xf32, #tpu.memory_space<hbm>>) dst(%arg12 : memref<256x128xf32, #tpu.memory_space<vmem>>)
    %dma_start3A_1704 = arith.constant 0 : i32
    %dma_start3A_1705 = tpu.memref_slice %arg9[%add3A_1137, %dma_start3A_1704] : memref<16384x128xf32, #tpu.memory_space<hbm>> -> memref<256x128xf32, #tpu.memory_space<hbm>>
    %dma_start3A_1706 = arith.constant 0 : i32
    %dma_start3A_1707 = tpu.memref_slice %arg9[%add3A_1137, %dma_start3A_1706] : memref<16384x128xf32, #tpu.memory_space<hbm>> -> memref<256x128xf32, #tpu.memory_space<hbm>>
    tpu.enqueue_dma source(%arg12 : memref<256x128xf32, #tpu.memory_space<vmem>>) target(%dma_start3A_1707 : memref<256x128xf32, #tpu.memory_space<hbm>>) target_semaphore(%arg16 : memref<!tpu.dma_semaphore, #tpu.memory_space<semaphore_mem>>)
    %dma_wait3A_1708 = arith.constant 0 : i32
    %dma_wait3A_1709 = arith.constant 0 : i32
    %dma_wait3A_1710 = tpu.memref_slice %arg6[%dma_wait3A_1708, %dma_wait3A_1709] : memref<16384x128xf32, #tpu.memory_space<hbm>> -> memref<16384x128xf32, #tpu.memory_space<hbm>>
    tpu.wait_indirect_dma semaphore(%arg15 : memref<!tpu.dma_semaphore, #tpu.memory_space<semaphore_mem>>) src(%dma_wait3A_1710 : memref<16384x128xf32, #tpu.memory_space<hbm>>) dst(%arg13 : memref<256x128xf32, #tpu.memory_space<vmem>>)
    %dma_start3A_1711 = arith.constant 0 : i32
    %dma_start3A_1712 = tpu.memref_slice %arg9[%add3A_1425, %dma_start3A_1711] : memref<16384x128xf32, #tpu.memory_space<hbm>> -> memref<256x128xf32, #tpu.memory_space<hbm>>
    %dma_start3A_1713 = arith.constant 0 : i32
    %dma_start3A_1714 = tpu.memref_slice %arg9[%add3A_1425, %dma_start3A_1713] : memref<16384x128xf32, #tpu.memory_space<hbm>> -> memref<256x128xf32, #tpu.memory_space<hbm>>
    tpu.enqueue_dma source(%arg13 : memref<256x128xf32, #tpu.memory_space<vmem>>) target(%dma_start3A_1714 : memref<256x128xf32, #tpu.memory_space<hbm>>) target_semaphore(%arg17 : memref<!tpu.dma_semaphore, #tpu.memory_space<semaphore_mem>>)
    %dma_wait3A_1715 = arith.constant 0 : i32
    %dma_wait3A_1716 = tpu.memref_slice %arg9[%add3A_1425, %dma_wait3A_1715] : memref<16384x128xf32, #tpu.memory_space<hbm>> -> memref<256x128xf32, #tpu.memory_space<hbm>>
    %dma_wait3A_1717 = arith.constant 0 : i32
    %dma_wait3A_1718 = tpu.memref_slice %arg9[%add3A_1425, %dma_wait3A_1717] : memref<16384x128xf32, #tpu.memory_space<hbm>> -> memref<256x128xf32, #tpu.memory_space<hbm>>
    tpu.wait_dma2 semaphore(%arg17 : memref<!tpu.dma_semaphore, #tpu.memory_space<semaphore_mem>>) src(%arg13 : memref<256x128xf32, #tpu.memory_space<vmem>>) dst(%dma_wait3A_1718 : memref<256x128xf32, #tpu.memory_space<hbm>>)
    %dma_wait3A_1719 = arith.constant 0 : i32
    %dma_wait3A_1720 = tpu.memref_slice %arg9[%add3A_1137, %dma_wait3A_1719] : memref<16384x128xf32, #tpu.memory_space<hbm>> -> memref<256x128xf32, #tpu.memory_space<hbm>>
    %dma_wait3A_1721 = arith.constant 0 : i32
    %dma_wait3A_1722 = tpu.memref_slice %arg9[%add3A_1137, %dma_wait3A_1721] : memref<16384x128xf32, #tpu.memory_space<hbm>> -> memref<256x128xf32, #tpu.memory_space<hbm>>
    tpu.wait_dma2 semaphore(%arg16 : memref<!tpu.dma_semaphore, #tpu.memory_space<semaphore_mem>>) src(%arg12 : memref<256x128xf32, #tpu.memory_space<vmem>>) dst(%dma_wait3A_1722 : memref<256x128xf32, #tpu.memory_space<hbm>>)
    return
  }
}

module attributes {stable_mosaic.version = 14 : i64} {
  func.func @_repack_body(%arg0: i32, %arg1: memref<64x32768xf32, #tpu.memory_space<vmem>>, %arg2: memref<16384x128xf32, #tpu.memory_space<vmem>>) attributes {dimension_semantics = [#tpu.dimension_semantics<arbitrary>], iteration_bounds = array<i64: 31>, scalar_prefetch = 0 : i64, scratch_operands = 0 : i64, tpu.core_type = #tpu.core_type<tc>, window_params = [{transform_indices = @transform_0, window_bounds = array<i64: 64, 32768>}, {transform_indices = @transform_1, window_bounds = array<i64: 16384, 128>}]} {
    %get3A = arith.constant 0 : index
    %get3A_0 = arith.constant 0 : index
    %get3A_1 = vector.load %arg1[%get3A, %get3A_0] : memref<64x32768xf32, #tpu.memory_space<vmem>>, vector<64x32768xf32>
    %slice3A = vector.extract_strided_slice %get3A_1 {offsets = [0, 0], sizes = [64, 16384], strides = [1, 1]} : vector<64x32768xf32> to vector<64x16384xf32>
    %slice3A_2 = vector.extract_strided_slice %get3A_1 {offsets = [0, 16384], sizes = [64, 16384], strides = [1, 1]} : vector<64x32768xf32> to vector<64x16384xf32>
    %concatenate3A = tpu.concatenate %slice3A, %slice3A_2 in 0 : vector<64x16384xf32>, vector<64x16384xf32> -> vector<128x16384xf32>
    %transpose3A = tpu.transpose %concatenate3A, [1, 0] : vector<128x16384xf32> -> vector<16384x128xf32>
    %swap3A = arith.constant 0 : index
    %swap3A_3 = arith.constant 0 : index
    %swap3A_4 = vector.load %arg2[%swap3A, %swap3A_3] : memref<16384x128xf32, #tpu.memory_space<vmem>>, vector<16384x128xf32>
    tpu.vector_store %arg2[%swap3A, %swap3A_3], %transpose3A {strides = array<i32>} : memref<16384x128xf32, #tpu.memory_space<vmem>>, vector<16384x128xf32>,
    return
  }
  func.func @transform_0(%arg0: i32) -> (i32, i32) {
    %c0_i32 = arith.constant 0 : i32
    %c0_i32_0 = arith.constant 0 : i32
    return %c0_i32, %arg0 : i32, i32
  }
  func.func @transform_1(%arg0: i32) -> (i32, i32) {
    %c0_i32 = arith.constant 0 : i32
    %c0_i32_0 = arith.constant 0 : i32
    return %arg0, %c0_i32 : i32, i32
  }
}

module attributes {stable_mosaic.version = 14 : i64} {
  func.func @_repack_body(%arg0: i32, %arg1: memref<64x32768xf32, #tpu.memory_space<vmem>>, %arg2: memref<16384x128xf32, #tpu.memory_space<vmem>>) attributes {dimension_semantics = [#tpu.dimension_semantics<arbitrary>], iteration_bounds = array<i64: 4>, scalar_prefetch = 0 : i64, scratch_operands = 0 : i64, tpu.core_type = #tpu.core_type<tc>, window_params = [{transform_indices = @transform_0, window_bounds = array<i64: 64, 32768>}, {transform_indices = @transform_1, window_bounds = array<i64: 16384, 128>}]} {
    %get3A = arith.constant 0 : index
    %get3A_0 = arith.constant 0 : index
    %get3A_1 = vector.load %arg1[%get3A, %get3A_0] : memref<64x32768xf32, #tpu.memory_space<vmem>>, vector<64x32768xf32>
    %slice3A = vector.extract_strided_slice %get3A_1 {offsets = [0, 0], sizes = [64, 16384], strides = [1, 1]} : vector<64x32768xf32> to vector<64x16384xf32>
    %slice3A_2 = vector.extract_strided_slice %get3A_1 {offsets = [0, 16384], sizes = [64, 16384], strides = [1, 1]} : vector<64x32768xf32> to vector<64x16384xf32>
    %concatenate3A = tpu.concatenate %slice3A, %slice3A_2 in 0 : vector<64x16384xf32>, vector<64x16384xf32> -> vector<128x16384xf32>
    %transpose3A = tpu.transpose %concatenate3A, [1, 0] : vector<128x16384xf32> -> vector<16384x128xf32>
    %swap3A = arith.constant 0 : index
    %swap3A_3 = arith.constant 0 : index
    %swap3A_4 = vector.load %arg2[%swap3A, %swap3A_3] : memref<16384x128xf32, #tpu.memory_space<vmem>>, vector<16384x128xf32>
    tpu.vector_store %arg2[%swap3A, %swap3A_3], %transpose3A {strides = array<i32>} : memref<16384x128xf32, #tpu.memory_space<vmem>>, vector<16384x128xf32>,
    return
  }
  func.func @transform_0(%arg0: i32) -> (i32, i32) {
    %c0_i32 = arith.constant 0 : i32
    %c0_i32_0 = arith.constant 0 : i32
    return %c0_i32, %arg0 : i32, i32
  }
  func.func @transform_1(%arg0: i32) -> (i32, i32) {
    %c0_i32 = arith.constant 0 : i32
    %c0_i32_0 = arith.constant 0 : i32
    return %arg0, %c0_i32 : i32, i32
  }
}

module attributes {stable_mosaic.version = 14 : i64} {
  func.func @_repack_body(%arg0: i32, %arg1: memref<64x32768xf32, #tpu.memory_space<vmem>>, %arg2: memref<16384x128xf32, #tpu.memory_space<vmem>>) attributes {dimension_semantics = [#tpu.dimension_semantics<arbitrary>], iteration_bounds = array<i64: 1>, scalar_prefetch = 0 : i64, scratch_operands = 0 : i64, tpu.core_type = #tpu.core_type<tc>, window_params = [{transform_indices = @transform_0, window_bounds = array<i64: 64, 32768>}, {transform_indices = @transform_1, window_bounds = array<i64: 16384, 128>}]} {
    %get3A = arith.constant 0 : index
    %get3A_0 = arith.constant 0 : index
    %get3A_1 = vector.load %arg1[%get3A, %get3A_0] : memref<64x32768xf32, #tpu.memory_space<vmem>>, vector<64x32768xf32>
    %slice3A = vector.extract_strided_slice %get3A_1 {offsets = [0, 0], sizes = [64, 16384], strides = [1, 1]} : vector<64x32768xf32> to vector<64x16384xf32>
    %slice3A_2 = vector.extract_strided_slice %get3A_1 {offsets = [0, 16384], sizes = [64, 16384], strides = [1, 1]} : vector<64x32768xf32> to vector<64x16384xf32>
    %concatenate3A = tpu.concatenate %slice3A, %slice3A_2 in 0 : vector<64x16384xf32>, vector<64x16384xf32> -> vector<128x16384xf32>
    %transpose3A = tpu.transpose %concatenate3A, [1, 0] : vector<128x16384xf32> -> vector<16384x128xf32>
    %swap3A = arith.constant 0 : index
    %swap3A_3 = arith.constant 0 : index
    %swap3A_4 = vector.load %arg2[%swap3A, %swap3A_3] : memref<16384x128xf32, #tpu.memory_space<vmem>>, vector<16384x128xf32>
    tpu.vector_store %arg2[%swap3A, %swap3A_3], %transpose3A {strides = array<i32>} : memref<16384x128xf32, #tpu.memory_space<vmem>>, vector<16384x128xf32>,
    return
  }
  func.func @transform_0(%arg0: i32) -> (i32, i32) {
    %c0_i32 = arith.constant 0 : i32
    %c0_i32_0 = arith.constant 0 : i32
    return %c0_i32, %arg0 : i32, i32
  }
  func.func @transform_1(%arg0: i32) -> (i32, i32) {
    %c0_i32 = arith.constant 0 : i32
    %c0_i32_0 = arith.constant 0 : i32
    return %arg0, %c0_i32 : i32, i32
  }
}

module attributes {stable_mosaic.version = 14 : i64} {
  func.func @_score_body(%arg0: i32, %arg1: memref<2048x128xf32, #tpu.memory_space<vmem>>, %arg2: memref<2048x128xf32, #tpu.memory_space<vmem>>, %arg3: memref<2048x128xf32, #tpu.memory_space<vmem>>, %arg4: memref<2048x128xf32, #tpu.memory_space<vmem>>, %arg5: memref<2048x1xi32, #tpu.memory_space<vmem>>, %arg6: memref<2048x1xi32, #tpu.memory_space<vmem>>, %arg7: memref<2048x1xi32, #tpu.memory_space<vmem>>, %arg8: memref<2048x1xi32, #tpu.memory_space<vmem>>, %arg9: memref<64x4096xbf16, #tpu.memory_space<vmem>>, %arg10: memref<4096x64xbf16, #tpu.memory_space<vmem>>, %arg11: memref<1x1xf32, #tpu.memory_space<smem>>) attributes {dimension_semantics = [#tpu.dimension_semantics<arbitrary>], iteration_bounds = array<i64: 8>, scalar_prefetch = 0 : i64, scratch_operands = 0 : i64, tpu.core_type = #tpu.core_type<tc>, window_params = [{transform_indices = @transform_0, window_bounds = array<i64: 2048, 128>}, {transform_indices = @transform_1, window_bounds = array<i64: 2048, 128>}, {transform_indices = @transform_2, window_bounds = array<i64: 2048, 128>}, {transform_indices = @transform_3, window_bounds = array<i64: 2048, 128>}, {transform_indices = @transform_4, window_bounds = array<i64: 2048, 1>}, {transform_indices = @transform_5, window_bounds = array<i64: 2048, 1>}, {transform_indices = @transform_6, window_bounds = array<i64: 2048, 1>}, {transform_indices = @transform_7, window_bounds = array<i64: 2048, 1>}, {pipeline_mode = #tpu.pipeline_mode<synchronous>, transform_indices = @transform_8, window_bounds = array<i64: 64, 4096>}, {pipeline_mode = #tpu.pipeline_mode<synchronous>, transform_indices = @transform_9, window_bounds = array<i64: 4096, 64>}, {transform_indices = @transform_10, window_bounds = array<i64: 1, 1>}]} {
    %get3A = arith.constant 0 : index
    %get3A_0 = arith.constant 0 : index
    %get3A_1 = vector.load %arg1[%get3A, %get3A_0] : memref<2048x128xf32, #tpu.memory_space<vmem>>, vector<2048x128xf32>
    %get3A_2 = arith.constant 0 : index
    %get3A_3 = arith.constant 0 : index
    %get3A_4 = vector.load %arg5[%get3A_2, %get3A_3] : memref<2048x1xi32, #tpu.memory_space<vmem>>, vector<2048x1xi32>
    %shift_right_logical3A = arith.constant 14 : i32
    %shift_right_logical3A_5 = vector.broadcast %shift_right_logical3A : i32 to vector<2048x1xi32>
    %shift_right_logical3A_6 = arith.shrui %get3A_4, %shift_right_logical3A_5 : vector<2048x1xi32>
    %and3A = arith.constant 1 : i32
    %and3A_7 = vector.broadcast %and3A : i32 to vector<2048x1xi32>
    %and3A_8 = arith.andi %shift_right_logical3A_6, %and3A_7 : vector<2048x1xi32>
    %eq3A = arith.constant 1 : i32
    %eq3A_9 = vector.broadcast %eq3A : i32 to vector<2048x1xi32>
    %eq3A_10 = arith.cmpi eq, %and3A_8, %eq3A_9 : vector<2048x1xi32>
    %slice3A = vector.extract_strided_slice %get3A_1 {offsets = [0, 64], sizes = [2048, 64], strides = [1, 1]} : vector<2048x128xf32> to vector<2048x64xf32>
    %slice3A_11 = vector.extract_strided_slice %get3A_1 {offsets = [0, 0], sizes = [2048, 64], strides = [1, 1]} : vector<2048x128xf32> to vector<2048x64xf32>
    %broadcast_in_dim3A = vector.shape_cast %eq3A_10 : vector<2048x1xi1> to vector<2048x1xi1>
    %broadcast_in_dim3A_12 = vector.broadcast %broadcast_in_dim3A : vector<2048x1xi1> to vector<2048x64xi1>
    %select_n3A = arith.select %broadcast_in_dim3A_12, %slice3A, %slice3A_11 : vector<2048x64xi1>, vector<2048x64xf32>
    %get3A_13 = arith.constant 0 : index
    %get3A_14 = arith.constant 0 : index
    %get3A_15 = vector.load %arg2[%get3A_13, %get3A_14] : memref<2048x128xf32, #tpu.memory_space<vmem>>, vector<2048x128xf32>
    %get3A_16 = arith.constant 0 : index
    %get3A_17 = arith.constant 0 : index
    %get3A_18 = vector.load %arg6[%get3A_16, %get3A_17] : memref<2048x1xi32, #tpu.memory_space<vmem>>, vector<2048x1xi32>
    %shift_right_logical3A_19 = arith.constant 14 : i32
    %shift_right_logical3A_20 = vector.broadcast %shift_right_logical3A_19 : i32 to vector<2048x1xi32>
    %shift_right_logical3A_21 = arith.shrui %get3A_18, %shift_right_logical3A_20 : vector<2048x1xi32>
    %and3A_22 = arith.constant 1 : i32
    %and3A_23 = vector.broadcast %and3A_22 : i32 to vector<2048x1xi32>
    %and3A_24 = arith.andi %shift_right_logical3A_21, %and3A_23 : vector<2048x1xi32>
    %eq3A_25 = arith.constant 1 : i32
    %eq3A_26 = vector.broadcast %eq3A_25 : i32 to vector<2048x1xi32>
    %eq3A_27 = arith.cmpi eq, %and3A_24, %eq3A_26 : vector<2048x1xi32>
    %slice3A_28 = vector.extract_strided_slice %get3A_15 {offsets = [0, 64], sizes = [2048, 64], strides = [1, 1]} : vector<2048x128xf32> to vector<2048x64xf32>
    %slice3A_29 = vector.extract_strided_slice %get3A_15 {offsets = [0, 0], sizes = [2048, 64], strides = [1, 1]} : vector<2048x128xf32> to vector<2048x64xf32>
    %broadcast_in_dim3A_30 = vector.shape_cast %eq3A_27 : vector<2048x1xi1> to vector<2048x1xi1>
    %broadcast_in_dim3A_31 = vector.broadcast %broadcast_in_dim3A_30 : vector<2048x1xi1> to vector<2048x64xi1>
    %select_n3A_32 = arith.select %broadcast_in_dim3A_31, %slice3A_28, %slice3A_29 : vector<2048x64xi1>, vector<2048x64xf32>
    %convert_element_type3A = arith.truncf %select_n3A : vector<2048x64xf32> to vector<2048x64xbf16>
    %convert_element_type3A_33 = arith.truncf %select_n3A_32 : vector<2048x64xf32> to vector<2048x64xbf16>
    %get3A_34 = arith.constant 0 : index
    %get3A_35 = arith.constant 0 : index
    %get3A_36 = vector.load %arg9[%get3A_34, %get3A_35] : memref<64x4096xbf16, #tpu.memory_space<vmem>>, vector<64x4096xbf16>
    %dot_general3A = arith.constant dense<0.000000e+00> : vector<2048x4096xf32>
    %dot_general3A_37 = tpu.matmul %convert_element_type3A, %get3A_36, %dot_general3A {dimension_numbers = #tpu.dot_dimension_numbers<[1], [0], [0], [1], [0, 0, 1, 1], [], []>, transpose_lhs_hint = false} : vector<2048x64xbf16>, vector<64x4096xbf16>, vector<2048x4096xf32> -> vector<2048x4096xf32>
    %convert_element_type3A_38 = arith.truncf %dot_general3A_37 : vector<2048x4096xf32> to vector<2048x4096xbf16>
    %tile3A = tpu.concatenate %convert_element_type3A_33, %convert_element_type3A_33, %convert_element_type3A_33, %convert_element_type3A_33, %convert_element_type3A_33, %convert_element_type3A_33, %convert_element_type3A_33, %convert_element_type3A_33, %convert_element_type3A_33, %convert_element_type3A_33, %convert_element_type3A_33, %convert_element_type3A_33, %convert_element_type3A_33, %convert_element_type3A_33, %convert_element_type3A_33, %convert_element_type3A_33, %convert_element_type3A_33, %convert_element_type3A_33, %convert_element_type3A_33, %convert_element_type3A_33, %convert_element_type3A_33, %convert_element_type3A_33, %convert_element_type3A_33, %convert_element_type3A_33, %convert_element_type3A_33, %convert_element_type3A_33, %convert_element_type3A_33, %convert_element_type3A_33, %convert_element_type3A_33, %convert_element_type3A_33, %convert_element_type3A_33, %convert_element_type3A_33, %convert_element_type3A_33, %convert_element_type3A_33, %convert_element_type3A_33, %convert_element_type3A_33, %convert_element_type3A_33, %convert_element_type3A_33, %convert_element_type3A_33, %convert_element_type3A_33, %convert_element_type3A_33, %convert_element_type3A_33, %convert_element_type3A_33, %convert_element_type3A_33, %convert_element_type3A_33, %convert_element_type3A_33, %convert_element_type3A_33, %convert_element_type3A_33, %convert_element_type3A_33, %convert_element_type3A_33, %convert_element_type3A_33, %convert_element_type3A_33, %convert_element_type3A_33, %convert_element_type3A_33, %convert_element_type3A_33, %convert_element_type3A_33, %convert_element_type3A_33, %convert_element_type3A_33, %convert_element_type3A_33, %convert_element_type3A_33, %convert_element_type3A_33, %convert_element_type3A_33, %convert_element_type3A_33, %convert_element_type3A_33 in 1 : vector<2048x64xbf16>, vector<2048x64xbf16>, vector<2048x64xbf16>, vector<2048x64xbf16>, vector<2048x64xbf16>, vector<2048x64xbf16>, vector<2048x64xbf16>, vector<2048x64xbf16>, vector<2048x64xbf16>, vector<2048x64xbf16>, vector<2048x64xbf16>, vector<2048x64xbf16>, vector<2048x64xbf16>, vector<2048x64xbf16>, vector<2048x64xbf16>, vector<2048x64xbf16>, vector<2048x64xbf16>, vector<2048x64xbf16>, vector<2048x64xbf16>, vector<2048x64xbf16>, vector<2048x64xbf16>, vector<2048x64xbf16>, vector<2048x64xbf16>, vector<2048x64xbf16>, vector<2048x64xbf16>, vector<2048x64xbf16>, vector<2048x64xbf16>, vector<2048x64xbf16>, vector<2048x64xbf16>, vector<2048x64xbf16>, vector<2048x64xbf16>, vector<2048x64xbf16>, vector<2048x64xbf16>, vector<2048x64xbf16>, vector<2048x64xbf16>, vector<2048x64xbf16>, vector<2048x64xbf16>, vector<2048x64xbf16>, vector<2048x64xbf16>, vector<2048x64xbf16>, vector<2048x64xbf16>, vector<2048x64xbf16>, vector<2048x64xbf16>, vector<2048x64xbf16>, vector<2048x64xbf16>, vector<2048x64xbf16>, vector<2048x64xbf16>, vector<2048x64xbf16>, vector<2048x64xbf16>, vector<2048x64xbf16>, vector<2048x64xbf16>, vector<2048x64xbf16>, vector<2048x64xbf16>, vector<2048x64xbf16>, vector<2048x64xbf16>, vector<2048x64xbf16>, vector<2048x64xbf16>, vector<2048x64xbf16>, vector<2048x64xbf16>, vector<2048x64xbf16>, vector<2048x64xbf16>, vector<2048x64xbf16>, vector<2048x64xbf16>, vector<2048x64xbf16> -> vector<2048x4096xbf16>
    %mul3A = arith.mulf %convert_element_type3A_38, %tile3A : vector<2048x4096xbf16>
    %get3A_39 = arith.constant 0 : index
    %get3A_40 = arith.constant 0 : index
    %get3A_41 = vector.load %arg10[%get3A_39, %get3A_40] : memref<4096x64xbf16, #tpu.memory_space<vmem>>, vector<4096x64xbf16>
    %dot_general3A_42 = arith.constant dense<0.000000e+00> : vector<2048x64xf32>
    %dot_general3A_43 = tpu.matmul %mul3A, %get3A_41, %dot_general3A_42 {dimension_numbers = #tpu.dot_dimension_numbers<[1], [0], [0], [1], [0, 0, 1, 1], [], []>, transpose_lhs_hint = false} : vector<2048x4096xbf16>, vector<4096x64xbf16>, vector<2048x64xf32> -> vector<2048x64xf32>
    %get3A_44 = arith.constant 0 : index
    %get3A_45 = arith.constant 0 : index
    %get3A_46 = vector.load %arg3[%get3A_44, %get3A_45] : memref<2048x128xf32, #tpu.memory_space<vmem>>, vector<2048x128xf32>
    %get3A_47 = arith.constant 0 : index
    %get3A_48 = arith.constant 0 : index
    %get3A_49 = vector.load %arg7[%get3A_47, %get3A_48] : memref<2048x1xi32, #tpu.memory_space<vmem>>, vector<2048x1xi32>
    %shift_right_logical3A_50 = arith.constant 14 : i32
    %shift_right_logical3A_51 = vector.broadcast %shift_right_logical3A_50 : i32 to vector<2048x1xi32>
    %shift_right_logical3A_52 = arith.shrui %get3A_49, %shift_right_logical3A_51 : vector<2048x1xi32>
    %and3A_53 = arith.constant 1 : i32
    %and3A_54 = vector.broadcast %and3A_53 : i32 to vector<2048x1xi32>
    %and3A_55 = arith.andi %shift_right_logical3A_52, %and3A_54 : vector<2048x1xi32>
    %eq3A_56 = arith.constant 1 : i32
    %eq3A_57 = vector.broadcast %eq3A_56 : i32 to vector<2048x1xi32>
    %eq3A_58 = arith.cmpi eq, %and3A_55, %eq3A_57 : vector<2048x1xi32>
    %slice3A_59 = vector.extract_strided_slice %get3A_46 {offsets = [0, 64], sizes = [2048, 64], strides = [1, 1]} : vector<2048x128xf32> to vector<2048x64xf32>
    %slice3A_60 = vector.extract_strided_slice %get3A_46 {offsets = [0, 0], sizes = [2048, 64], strides = [1, 1]} : vector<2048x128xf32> to vector<2048x64xf32>
    %broadcast_in_dim3A_61 = vector.shape_cast %eq3A_58 : vector<2048x1xi1> to vector<2048x1xi1>
    %broadcast_in_dim3A_62 = vector.broadcast %broadcast_in_dim3A_61 : vector<2048x1xi1> to vector<2048x64xi1>
    %select_n3A_63 = arith.select %broadcast_in_dim3A_62, %slice3A_59, %slice3A_60 : vector<2048x64xi1>, vector<2048x64xf32>
    %get3A_64 = arith.constant 0 : index
    %get3A_65 = arith.constant 0 : index
    %get3A_66 = vector.load %arg4[%get3A_64, %get3A_65] : memref<2048x128xf32, #tpu.memory_space<vmem>>, vector<2048x128xf32>
    %get3A_67 = arith.constant 0 : index
    %get3A_68 = arith.constant 0 : index
    %get3A_69 = vector.load %arg8[%get3A_67, %get3A_68] : memref<2048x1xi32, #tpu.memory_space<vmem>>, vector<2048x1xi32>
    %shift_right_logical3A_70 = arith.constant 14 : i32
    %shift_right_logical3A_71 = vector.broadcast %shift_right_logical3A_70 : i32 to vector<2048x1xi32>
    %shift_right_logical3A_72 = arith.shrui %get3A_69, %shift_right_logical3A_71 : vector<2048x1xi32>
    %and3A_73 = arith.constant 1 : i32
    %and3A_74 = vector.broadcast %and3A_73 : i32 to vector<2048x1xi32>
    %and3A_75 = arith.andi %shift_right_logical3A_72, %and3A_74 : vector<2048x1xi32>
    %eq3A_76 = arith.constant 1 : i32
    %eq3A_77 = vector.broadcast %eq3A_76 : i32 to vector<2048x1xi32>
    %eq3A_78 = arith.cmpi eq, %and3A_75, %eq3A_77 : vector<2048x1xi32>
    %slice3A_79 = vector.extract_strided_slice %get3A_66 {offsets = [0, 64], sizes = [2048, 64], strides = [1, 1]} : vector<2048x128xf32> to vector<2048x64xf32>
    %slice3A_80 = vector.extract_strided_slice %get3A_66 {offsets = [0, 0], sizes = [2048, 64], strides = [1, 1]} : vector<2048x128xf32> to vector<2048x64xf32>
    %broadcast_in_dim3A_81 = vector.shape_cast %eq3A_78 : vector<2048x1xi1> to vector<2048x1xi1>
    %broadcast_in_dim3A_82 = vector.broadcast %broadcast_in_dim3A_81 : vector<2048x1xi1> to vector<2048x64xi1>
    %select_n3A_83 = arith.select %broadcast_in_dim3A_82, %slice3A_79, %slice3A_80 : vector<2048x64xi1>, vector<2048x64xf32>
    %sub3A = arith.subf %select_n3A_63, %select_n3A_83 : vector<2048x64xf32>
    %mul3A_84 = arith.mulf %dot_general3A_43, %sub3A : vector<2048x64xf32>
    %reduce_sum3A = arith.constant dense<0.000000e+00> : vector<2048xf32>
    %reduce_sum3A_85 = vector.multi_reduction <add>, %mul3A_84, %reduce_sum3A [1] : vector<2048x64xf32> to vector<2048xf32>
    %min3A = arith.constant 0.000000e+00 : f32
    %min3A_86 = vector.broadcast %min3A : f32 to vector<2048xf32>
    %min3A_87 = arith.minimumf %reduce_sum3A_85, %min3A_86 : vector<2048xf32>
    %abs3A = math.absf %reduce_sum3A_85 : vector<2048xf32>
    %neg3A = arith.constant 0.000000e+00 : f32
    %neg3A_88 = vector.broadcast %neg3A : f32 to vector<2048xf32>
    %neg3A_89 = arith.subf %neg3A_88, %abs3A : vector<2048xf32>
    %exp3A = math.exp %neg3A_89 : vector<2048xf32>
    %add3A = arith.constant 1.000000e+00 : f32
    %add3A_90 = vector.broadcast %add3A : f32 to vector<2048xf32>
    %add3A_91 = arith.addf %add3A_90, %exp3A : vector<2048xf32>
    %log3A = math.log %add3A_91 : vector<2048xf32>
    %sub3A_92 = arith.subf %min3A_87, %log3A : vector<2048xf32>
    %reduce_sum3A_93 = vector.shape_cast %sub3A_92 : vector<2048xf32> to vector<1x2048xf32>
    %reduce_sum3A_94 = arith.constant dense<0.000000e+00> : vector<1xf32>
    %reduce_sum3A_95 = vector.multi_reduction <add>, %reduce_sum3A_93, %reduce_sum3A_94 [1] : vector<1x2048xf32> to vector<1xf32>
    %reduce_sum3A_96 = vector.shape_cast %reduce_sum3A_95 : vector<1xf32> to vector<1x1xf32>
    %reduce_sum3A_97 = vector.extract %reduce_sum3A_96[0, 0] : f32 from vector<1x1xf32>
    %eq3A_98 = arith.constant 0 : i32
    %eq3A_99 = arith.cmpi eq, %arg0, %eq3A_98 : i32
    %convert_element_type3A_100 = arith.extui %eq3A_99 : i1 to i32
    %cond3A = arith.constant 0 : i32
    %cond3A_101 = arith.cmpi ne, %convert_element_type3A_100, %cond3A : i32
    scf.if %cond3A_101 {
      %swap3A_113 = arith.constant 0.000000e+00 : f32
      %swap3A_114 = arith.constant 0 : index
      %swap3A_115 = arith.constant 0 : index
      %swap3A_116 = memref.load %arg11[%swap3A_114, %swap3A_115] : memref<1x1xf32, #tpu.memory_space<smem>>
      memref.store %swap3A_113, %arg11[%swap3A_114, %swap3A_115] : memref<1x1xf32, #tpu.memory_space<smem>>
    } else {
    }
    %get3A_102 = arith.constant 0 : index
    %get3A_103 = arith.constant 0 : index
    %get3A_104 = memref.load %arg11[%get3A_102, %get3A_103] : memref<1x1xf32, #tpu.memory_space<smem>>
    %add3A_105 = arith.addf %get3A_104, %reduce_sum3A_97 : f32
    %swap3A = arith.constant 0 : index
    %swap3A_106 = arith.constant 0 : index
    %swap3A_107 = memref.load %arg11[%swap3A, %swap3A_106] : memref<1x1xf32, #tpu.memory_space<smem>>
    memref.store %add3A_105, %arg11[%swap3A, %swap3A_106] : memref<1x1xf32, #tpu.memory_space<smem>>
    %eq3A_108 = arith.constant 7 : i32
    %eq3A_109 = arith.cmpi eq, %arg0, %eq3A_108 : i32
    %convert_element_type3A_110 = arith.extui %eq3A_109 : i1 to i32
    %cond3A_111 = arith.constant 0 : i32
    %cond3A_112 = arith.cmpi ne, %convert_element_type3A_110, %cond3A_111 : i32
    scf.if %cond3A_112 {
      %get3A_113 = arith.constant 0 : index
      %get3A_114 = arith.constant 0 : index
      %get3A_115 = memref.load %arg11[%get3A_113, %get3A_114] : memref<1x1xf32, #tpu.memory_space<smem>>
      %mul3A_116 = arith.constant -6.10351563E-5 : f32
      %mul3A_117 = arith.mulf %get3A_115, %mul3A_116 : f32
      %swap3A_118 = arith.constant 0 : index
      %swap3A_119 = arith.constant 0 : index
      %swap3A_120 = memref.load %arg11[%swap3A_118, %swap3A_119] : memref<1x1xf32, #tpu.memory_space<smem>>
      memref.store %mul3A_117, %arg11[%swap3A_118, %swap3A_119] : memref<1x1xf32, #tpu.memory_space<smem>>
    } else {
    }
    return
  }
  func.func @transform_0(%arg0: i32) -> (i32, i32) {
    %c0_i32 = arith.constant 0 : i32
    %c0_i32_0 = arith.constant 0 : i32
    return %arg0, %c0_i32 : i32, i32
  }
  func.func @transform_1(%arg0: i32) -> (i32, i32) {
    %c0_i32 = arith.constant 0 : i32
    %c0_i32_0 = arith.constant 0 : i32
    return %arg0, %c0_i32 : i32, i32
  }
  func.func @transform_2(%arg0: i32) -> (i32, i32) {
    %c0_i32 = arith.constant 0 : i32
    %c0_i32_0 = arith.constant 0 : i32
    return %arg0, %c0_i32 : i32, i32
  }
  func.func @transform_3(%arg0: i32) -> (i32, i32) {
    %c0_i32 = arith.constant 0 : i32
    %c0_i32_0 = arith.constant 0 : i32
    return %arg0, %c0_i32 : i32, i32
  }
  func.func @transform_4(%arg0: i32) -> (i32, i32) {
    %c0_i32 = arith.constant 0 : i32
    %c0_i32_0 = arith.constant 0 : i32
    return %arg0, %c0_i32 : i32, i32
  }
  func.func @transform_5(%arg0: i32) -> (i32, i32) {
    %c0_i32 = arith.constant 0 : i32
    %c0_i32_0 = arith.constant 0 : i32
    return %arg0, %c0_i32 : i32, i32
  }
  func.func @transform_6(%arg0: i32) -> (i32, i32) {
    %c0_i32 = arith.constant 0 : i32
    %c0_i32_0 = arith.constant 0 : i32
    return %arg0, %c0_i32 : i32, i32
  }
  func.func @transform_7(%arg0: i32) -> (i32, i32) {
    %c0_i32 = arith.constant 0 : i32
    %c0_i32_0 = arith.constant 0 : i32
    return %arg0, %c0_i32 : i32, i32
  }
  func.func @transform_8(%arg0: i32) -> (i32, i32) {
    %c0_i32 = arith.constant 0 : i32
    %c0_i32_0 = arith.constant 0 : i32
    %c0_i32_1 = arith.constant 0 : i32
    return %c0_i32, %c0_i32_0 : i32, i32
  }
  func.func @transform_9(%arg0: i32) -> (i32, i32) {
    %c0_i32 = arith.constant 0 : i32
    %c0_i32_0 = arith.constant 0 : i32
    %c0_i32_1 = arith.constant 0 : i32
    return %c0_i32, %c0_i32_0 : i32, i32
  }
  func.func @transform_10(%arg0: i32) -> (i32, i32) {
    %c0_i32 = arith.constant 0 : i32
    %c0_i32_0 = arith.constant 0 : i32
    %c0_i32_1 = arith.constant 0 : i32
    return %c0_i32, %c0_i32_0 : i32, i32
  }
}

</mosaic_0001>

<sc_bundles>
// kernel: kernel.11.cloned.1.call-start
scs
__scs_entry_jumppad:
0x0: {  	(pc) =	sbr.rel $0x88, $3  }
0x1: {  	(tag) =	ssettag $0x0;
	lr =	simm.s32 $0x1  }
0x2: {  	[smem:$0x3F99] =	sst lr;
	_ =	strace $0xD0000000  }
0x3: {  	_ = 	snop  }
0x4: {  	_ = 	snop  }
0x5: {  	_ = 	snop  }
0x6: {  	_ = 	snop  }
0x7: {  	_ = 	snop  }
__scs_overlays_trampoline_lowered:
0x8: {  	[smem:$0x3FA8] =	sst s0  }
0x9: {  	[smem:$0x3FA9] =	sst s1  }
0xa: {  	[smem:$0x3FAA] =	sst s2  }
0xb: {  	[smem:$0x3FAB] =	sst s3  }
0xc: {  	[smem:$0x3FAC] =	sst s4  }
0xd: {  	[smem:$0x3FAD] =	sst s5  }
0xe: {  	[smem:$0x3FAE] =	sst s6  }
0xf: {  	[smem:$0x3FAF] =	sst s7  }
0x10: {  	[smem:$0x3FB0] =	sst s8  }
0x11: {  	[smem:$0x3FB1] =	sst s9;
	s0 =	simm.s32 @!p0 $0x0  }
0x12: {  	s1 =	sld [smem:$0x3F97];
	s0 =	simm.s32 @p0 $0x1  }
0x13: {  	[smem:$0x3FB2] =	sst s0;
	s0 =	simm.s32 @!p1 $0x0  }
0x14: {  	s2 =	sld [smem:$0x3F96];
	s0 =	simm.s32 @p1 $0x1  }
0x15: {  	[smem:$0x3FB3] =	sst s0;
	s0 =	simm.s32 @!p2 $0x0  }
0x16: {  	s3 =	sld [smem:$0x3FDB];
	s0 =	simm.s32 @p2 $0x1  }
0x17: {  	s4 =	simm.s32 $0x1BF5;
	[smem:$0x3FB5] =	sst s0  }
0x18: {  	s0 =	sld [smem:$0x3F98];
	_ =	swait.ge [sflag:s4], $0x0  }
0x19: {  	s7 =	sld [smem:$0x3F99]  }
0x1a: {  	s8 =	sadd.s32 $0xFFFFE003, lr  }
0x1b: {  	s9 =	sadd.s32 $0xFFFFFEF7, lr;
	s5 =	simm.s32 $0xFFFFFFFF;
	p2 =	slt.u32 s8, $0xFFFFF086  }
0x1c: {  	p1 =	slt.u32 s9, $0xF7A;
	s5 =	simm.s32 @!p2 $0x0  }
0x1d: {  	s5 =	simm.s32 @p1 $0x1;
	p0 =	seq.s32 s7, s2  }
0x1e: {  	s7 =	smul.u32 @!p0 $0xF7A, s2;
	p2 =	seq.s32 @!p0 s5, $0x0  }
0x1f: {  	s9 =	smul.u32 $0xF7A, s1;
	s8 =	simm.s32 @!p0 $0x1BF5;
	p2 =	por !p2, p0  }
0x20: {  	[sflag:s8] =	ssyncset.s32 @!p0 $0xFFFFF086;
	s6 =	sadd.s32 @!p0 s3, s7;
	s7 =	simm.s32 @!p0 $0x108  }
0x21: {  	s3 =	sadd.s32 s3, s9;
	s6 =	sadd.s32 @!p0 $0x88, s6;
	s7 =	simm.s32 @p2 $0x1082  }
0x22: {  	[simem:s7], [sflag:s8] =	dma.local @!p0 [hbm:s6], $0xF7A  }
0x23: {  	s9 =	sor.u32 $0xD0000000, s2;
	s6 =	simm.s32 $0x108;
	_ =	swait.ge @!p0 [sflag:s8], $0x0  }
0x24: {  	s3 =	sadd.s32 $0x88, s3;
	s6 =	simm.s32 @!p1 $0x1082;
	[sflag:s4] =	ssyncset.s32 $0xFFFFF086  }
0x25: {  	[simem:s6], [sflag:s4] =	dma.local [hbm:s3], $0xF7A  }
0x26: {  	[smem:$0x3F99] =	sst s1;
	(tag) =	ssettag s2;
	_ =	strace s9  }
0x27: {  	s1 =	sld [smem:$0x3FA9]  }
0x28: {  	s2 =	sld [smem:$0x3FAA]  }
0x29: {  	s4 =	sld [smem:$0x3FAC]  }
0x2a: {  	p0 =	seq.s32 s5, $0x0;
	s5 =	sld [smem:$0x3FAD]  }
0x2b: {  	s6 =	sld [smem:$0x3FAE]  }
0x2c: {  	s7 =	sld [smem:$0x3FAF]  }
0x2d: {  	s3 =	simm.s32 $0x108;
	s8 =	sld [smem:$0x3FB0]  }
0x2e: {  	s3 =	simm.s32 @!p0 $0x1082;
	s9 =	sld [smem:$0x3FB1]  }
0x2f: {  	lr =	sadd.s32 s0, s3;
	s0 =	sld [smem:$0x3FA8]  }
0x30: {  	s3 =	sld [smem:$0x3FAB]  }
0x31: {  	[smem:$0x3FB4] =	sst s10  }
0x32: {  	s10 =	sld [smem:$0x3FB2];
	_ =	sdelay $0x3  }
0x33: {  	p0 =	seq.s32 s10, $0x1;
	s10 =	sld [smem:$0x3FB4];
	_ =	sdelay $0x3  }
0x34: {  	[smem:$0x3FB4] =	sst s10  }
0x35: {  	s10 =	sld [smem:$0x3FB3];
	_ =	sdelay $0x3  }
0x36: {  	p1 =	seq.s32 s10, $0x1;
	s10 =	sld [smem:$0x3FB4];
	_ =	sdelay $0x3  }
0x37: {  	[smem:$0x3FB4] =	sst s10  }
0x38: {  	s10 =	sld [smem:$0x3FB5]  }
0x39: {  	_ = 	snop;
	(pc) =	sbr.ind lr, $3  }
0x3a: {  	_ = 	snop  }
0x3b: {  	_ = 	snop  }
0x3c: {  	p2 =	seq.s32 s10, $0x1;
	s10 =	sld [smem:$0x3FB4]  }
0x3d: {  	_ =	shalt  }
0x3e: {  	_ =	shalt  }
0x3f: {  	_ =	shalt  }
0x40: {  	_ =	shalt  }
0x41: {  	_ =	shalt  }
0x42: {  	_ =	shalt  }
0x43: {  	_ =	shalt  }
0x44: {  	_ =	shalt  }
0x45: {  	_ =	shalt  }
0x46: {  	_ =	shalt  }
0x47: {  	_ =	shalt  }
0x48: {  	_ =	shalt  }
0x49: {  	_ =	shalt  }
0x4a: {  	_ =	shalt  }
0x4b: {  	_ =	shalt  }
0x4c: {  	_ =	shalt  }
0x4d: {  	_ =	shalt  }
0x4e: {  	_ =	shalt  }
0x4f: {  	_ =	shalt  }
0x50: {  	_ =	shalt  }
0x51: {  	_ =	shalt  }
0x52: {  	_ =	shalt  }
0x53: {  	_ =	shalt  }
0x54: {  	_ =	shalt  }
0x55: {  	_ =	shalt  }
0x56: {  	_ =	shalt  }
0x57: {  	_ =	shalt  }
0x58: {  	_ =	shalt  }
0x59: {  	_ =	shalt  }
0x5a: {  	_ =	shalt  }
0x5b: {  	_ =	shalt  }
0x5c: {  	_ =	shalt  }
0x5d: {  	_ =	shalt  }
0x5e: {  	_ =	shalt  }
0x5f: {  	_ =	shalt  }
0x60: {  	_ =	shalt  }
0x61: {  	_ =	shalt  }
0x62: {  	_ =	shalt  }
0x63: {  	_ =	shalt  }
0x64: {  	_ =	shalt  }
0x65: {  	_ =	shalt  }
0x66: {  	_ =	shalt  }
0x67: {  	_ =	shalt  }
0x68: {  	_ =	shalt  }
0x69: {  	_ =	shalt  }
0x6a: {  	_ =	shalt  }
0x6b: {  	_ =	shalt  }
0x6c: {  	_ =	shalt  }
0x6d: {  	_ =	shalt  }
0x6e: {  	_ =	shalt  }
0x6f: {  	_ =	shalt  }
0x70: {  	_ =	shalt  }
0x71: {  	_ =	shalt  }
0x72: {  	_ =	shalt  }
0x73: {  	_ =	shalt  }
0x74: {  	_ =	shalt  }
0x75: {  	_ =	shalt  }
0x76: {  	_ =	shalt  }
0x77: {  	_ =	shalt  }
0x78: {  	_ =	shalt  }
0x79: {  	_ =	shalt  }
0x7a: {  	_ =	shalt  }
0x7b: {  	_ =	shalt  }
0x7c: {  	_ =	shalt  }
0x7d: {  	_ =	shalt  }
0x7e: {  	_ =	shalt  }
0x7f: {  	_ =	shalt  }
0x80: {  	_ =	shalt  }
0x81: {  	_ =	shalt  }
0x82: {  	_ =	shalt  }
0x83: {  	_ =	shalt  }
0x84: {  	_ =	shalt  }
0x85: {  	_ =	shalt  }
0x86: {  	_ =	shalt  }
0x87: {  	_ =	shalt  }
.Lfunc_end0:
.L_simem_size_0:
called_computation.1_lowered:
.L_overlay_start_0:
0x88: {  	s2 =	sld [smem:$0x3FD9]  }
0x89: {  	s3 =	sld [smem:$0x3FFE];
	_ =	sdelay $0x1  }
0x8a: {  	s1 =	srdreg.scid  }
0x8b: {  	s0 =	sand.u32 $0x1, s1  }
0x8c: {  	s17 =	sshll.u32 s0, $0xA;
	s2 =	sadd.s32 s3, s2  }
0x8d: {  	s2 =	sadd.s32 s2, s17  }
0x8e: {  	[smem:$0x3FC0] =	sst s2  }
0x8f: {  	_ = 	snop  }
0x90: {  	s18 =	sld [smem:$0x3FC9];
	(tm) =	ssettm $0x1  }
0x91: {  	s19 =	sld [smem:$0x3FFB];
	_ =	sdelay $0x3  }
0x92: {  	_ =	strace s19  }
0x93: {  	s2 =	sld [smem:$0x3FFC];
	_ =	sdelay $0x3  }
0x94: {  	_ =	strace s2  }
0x95: {  	s2 =	sld [smem:$0x3FFD];
	_ =	sdelay $0x3  }
0x96: {  	_ =	strace s2  }
0x97: {  	_ =	strace $0x8FFFFFFF  }
0x98: {  	s20 =	sld [smem:$0x3FDB];
	_ =	sdelay $0x1  }
0x99: {  	s4 =	simm.s32 $_scs_section_size  }
0x9a: {  	s5 =	simm.s32 $_size__tile_overlayer_lowered;
	s6 =	simm.s32 $_tile_overlayer_lowered  }
0x9b: {  	s7 =	simm.s32 $0x1BFF;
	s21 =	sshll.u32 s6, $0x1;
	s4 =	sadd.s32 s4, s20  }
0x9c: {  	s22 =	simm.s32 $0x0;
	s5 =	sshll.u32 s5, $0x1;
	s6 =	sadd.s32 s21, s4  }
0x9d: {  	[timem:s22], [sflag:s7] =	dma.local [hbm:s6], s5  }
0x9e: {  	_ =	swait.ge [sflag:s7], s5  }
0x9f: {  	s5 =	ssub.s32 $0x0, s5;
	[sflag:s7] =	ssyncset.done $0x0  }
0xa0: {  	[sflag:s7] =	ssyncadd.s32 s5;
	_ =	sdelay $0x1  }
0xa1: {  	s23 =	simm.s32 $0x1B8B  }
0xa2: {  	_ =	swait.ge [sflag:s23], $0x1  }
0xa3: {  	[sflag:s23] =	ssyncset.done $0x0  }
0xa4: {  	[sflag:s23] =	ssyncadd.s32 $0xFFFFFFFF  }
0xa5: {  	s5 =	sld [smem:$0x0]  }
0xa6: {  	s6 =	sand.u32 $0xFFFFFFFE, s1  }
0xa7: {  	p0 =	sne.s32 s1, s6  }
0xa8: {  	s6 =	sshll.u32 @p0 s6, $0xE  }
0xa9: {  	s6 =	sadd.s32 @p0 $0x11B8D, s6;
	s7 =	sshll.u32 @p0 s5, $0x11  }
0xaa: {  	s6 =	sor.u32 @p0 s7, s6  }
0xab: {  	[sflag:s6] =	ssyncadd.remote.s32 @p0 $0x1;
	_ =	sdelay $0x1  }
0xac: {  	s6 =	simm.s32 @p0 $0x1B8D  }
0xad: {  	_ =	swait.eq @p0 [sflag:s6], $0x1  }
0xae: {  	[sflag:s6] =	ssyncadd.s32 @p0 $0xFFFFFFFF  }
0xaf: {  	s7 =	sshll.u32 @!p0 s1, $0xE  }
0xb0: {  	s7 =	sor.u32 @!p0 $0x4000, s7;
	s6 =	simm.s32 @!p0 $0x1B8D  }
0xb1: {  	s5 =	sshll.u32 @!p0 s5, $0x11;
	s7 =	sadd.s32 @!p0 $0x11B8D, s7;
	_ =	swait.eq @!p0 [sflag:s6], $0x1  }
0xb2: {  	s5 =	sor.u32 @!p0 s5, s7;
	[sflag:s6] =	ssyncadd.s32 @!p0 $0xFFFFFFFF  }
0xb3: {  	s25 =	simm.s32 $0x1B8E;
	s24 =	sld [smem:$0x3FFE];
	[sflag:s5] =	ssyncadd.remote.s32 @!p0 $0x1  }
0xb4: {  	s26 =	simm.s32 $execute0_lowered;
	[smem:$0x3FD2] =	sst s25  }
0xb5: {  	s6 =	sshll.u32 s26, $0x1;
	_ =	strace $0x80000049;
	[dreg:$0x1] =	wrdreg $0xFFFFFFFF  }
0xb6: {  	s28 =	simm.s32 $_size_execute0_lowered;
	s4 =	sadd.s32 s4, s6;
	[dreg:$0x0] =	wrdreg $0x0  }
0xb7: {  	s6 =	sshll.u32 s28, $0x1;
	[dreg:$0x2] =	wrdreg s4  }
0xb8: {  	[dreg:$0x3] =	wrdreg s6  }
0xb9: {  	[dreg:$0x4] =	wrdreg $0xC0  }
0xba: {  	_ =	task [dreg:s22], $0x5FFFF  }
0xbb: {  	[dreg:$0x1] =	wrdreg $0xFFFFFFFF  }
0xbc: {  	[dreg:$0x0] =	wrdreg $0x60  }
0xbd: {  	[dreg:$0x2] =	wrdreg s18  }
0xbe: {  	[dreg:$0x3] =	wrdreg s24  }
0xbf: {  	[dreg:$0x4] =	wrdreg $0xA  }
0xc0: {  	_ =	task.clear_ibuf [dreg:s22], $0x5FFFF;
	_ =	strace $0x90000049  }
0xc1: {  	s29 =	simm.s32 $0xA;
	_ =	strace $0x8000004B  }
0xc2: {  	_ =	swait.ge [sflag:s29], $0x1  }
0xc3: {  	[sflag:s29] =	ssyncadd.s32 $0xFFFFFFFF  }
0xc4: {  	_ =	strace $0x9000004B  }
0xc5: {  	_ =	sfence  }
0xc6: {  	s30 =	sld [smem:$0x0];
	_ =	sdelay $0x2  }
0xc7: {  	s31 =	sshll.u32 s1, $0xD;
	s1 =	sshrl.u32 s1, $0x2  }
0xc8: {  	s4 =	sand.u32 $0x4000, s31;
	s1 =	sadd.s32 s1, s30  }
0xc9: {  	s0 =	sor.u32 s4, s0;
	s1 =	sshll.u32 s1, $0x11  }
0xca: {  	s0 =	sor.u32 s1, s0  }
0xcb: {  	s0 =	sadd.s32 $0x8F2B, s0  }
0xcc: {  	[sflag:s0] =	ssyncadd.remote.s32 $0x1  }
0xcd: {  	_ =	sfence.sel $0xFFFF  }
0xce: {  	[dreg:$0x0] =	wrdreg $0xFFFFFFFF;
	(pc) =	sbr.abs _section_cstart, $3  }
0xcf: {  	[dreg:$0x1] =	wrdreg $0xFFFFFFFF  }
0xd0: {  	_ =	task.clear_ibuf [dreg:s22], $0x2FFFF;
	_ =	strace $0x9FFFFFFF  }
0xd1: {  	(tm) =	ssettm $0x7FFFFFFF  }
tec
execute0_lowered:
.L_overlay_start_1:
0x0: {  	(tag) =	ssettag $0x1  }
0x1: {  	s1 =	srdreg.scid  }
0x2: {  	s7 =	rddreg [dreg:$0x0];
	s0 =	stileid.u32;
	s3 =	sand.u32 $0x1, s1  }
0x3: {  	s6 =	rddreg [dreg:$0x1];
	s4 =	sshll.u32 s0, $0xA;
	s5 =	sshll.u32 s3, $0x9  }
0x4: {  	s2 =	simm.s32 $0x0;
	s1 =	rddreg [dreg:$0x2];
	s8 =	sor.u32 s5, s4  }
0x5: {  	[smem:$0x7FF] =	sst s2;
	s4 =	sshrl.u32 s8, $0x3  }
0x6: {  	_ =	strace $0x8000004A;
	s5 =	simm.s32 $0x5;
	s4 =	sadd.s32 s7, s4  }
0x7: {  	[tilespmem:s2], [sflag:$0x5] =	stream.linear.gather [hbm4b:s4+s2], $0x100, $0x38;
	[tilespmem:$0x10200] =	vst v63  }
0x8: {  	_ =	swait.ge [sflag:s5], $0x100  }
0x9: {  	[sflag:s5] =	ssyncset.done $0x0  }
0xa: {  	[sflag:s5] =	ssyncadd.s32 $0xFFFFFF00  }
0xb: {  	v0 =	vld [tilespmem:$0xF0]  }
0xc: {  	v1 =	vld [tilespmem:$0xB0]  }
0xd: {  	v2 =	vld [tilespmem:$0x90]  }
0xe: {  	v3 =	vld [tilespmem:$0x20]  }
0xf: {  	v4 =	vld [tilespmem:$0xC0]  }
0x10: {  	v5 =	vld [tilespmem:$0x70]  }
0x11: {  	v6 =	vld [tilespmem:$0x0]  }
0x12: {  	v9 =	vld [tilespmem:$0x60]  }
0x13: {  	v10 =	vld [tilespmem:$0x40]  }
0x14: {  	v50 =	vld [tilespmem:$0x30]  }
0x15: {  	v7 =	vshrl.u32 v0, $0x1;
	v8 =	vshrl.u32 v1, $0x1;
	v0 =	vand.u32 $0x3FFF, v0  }
0x16: {  	v1 =	vand.u32 $0x3FFF, v1;
	v11 =	vshrl.u32 v4, $0x1;
	v4 =	vand.u32 $0x3FFF, v4  }
0x17: {  	v53 =	vld [tilespmem:$0xD0];
	v12 =	vand.u32 $0x3FFF, v3;
	v13 =	vshrl.u32 v5, $0x1;
	v14 =	vshrl.u32 v6, $0x1  }
0x18: {  	v3 =	vshrl.u32 v3, $0x1;
	v15 =	vand.u32 $0x3FFF, v2;
	v16 =	vand.u32 $0x3FFF, v9  }
0x19: {  	v55 =	vld [tilespmem:$0x80];
	v2 =	vshrl.u32 v2, $0x1;
	v52 =	vand.u32 $0x3FFF, v10;
	v54 =	vshrl.u32 v50, $0x1  }
0x1a: {  	v51 =	vld [tilespmem:$0x10];
	v9 =	vshrl.u32 v9, $0x1;
	v10 =	vshrl.u32 v10, $0x1;
	v8 =	vand.u32 $0x7FFFC000, v8  }
0x1b: {  	v6 =	vand.u32 $0x3FFF, v6;
	v7 =	vand.u32 $0x7FFFC000, v7;
	v1 =	vor.u32 v1, v8  }
0x1c: {  	v57 =	vshrl.u32 v53, $0x1;
	v3 =	vand.u32 $0x7FFFC000, v3;
	v0 =	vor.u32 v0, v7;
	[tilespmem:$0xB0] =	vst v1  }
0x1d: {  	v5 =	vand.u32 $0x3FFF, v5;
	v58 =	vand.u32 $0x7FFFC000, v13;
	v3 =	vor.u32 v12, v3;
	[tilespmem:$0xF0] =	vst v0  }
0x1e: {  	v60 =	vshrl.u32 v55, $0x1;
	v11 =	vand.u32 $0x7FFFC000, v11;
	v5 =	vor.u32 v5, v58;
	[tilespmem:$0x20] =	vst v3;
	v3 =	vld [tilespmem:$0x50]  }
0x1f: {  	v1 =	vor.u32 v4, v11;
	v0 =	vand.u32 $0x7FFFC000, v2;
	v2 =	vshrl.u32 v51, $0x1;
	[tilespmem:$0x70] =	vst v5  }
0x20: {  	v56 =	vld [tilespmem:$0xA0];
	v7 =	vand.u32 $0x3FFF, v51;
	v0 =	vor.u32 v15, v0;
	v2 =	vand.u32 $0x7FFFC000, v2;
	[tilespmem:$0xC0] =	vst v1  }
0x21: {  	v14 =	vand.u32 $0x7FFFC000, v14;
	v2 =	vor.u32 v7, v2;
	[tilespmem:$0x90] =	vst v0;
	v0 =	vand.u32 $0x7FFFC000, v9  }
0x22: {  	v8 =	vand.u32 $0x3FFF, v50;
	v1 =	vld [tilespmem:$0xE0];
	[tilespmem:$0x10] =	vst v2;
	v2 =	vand.u32 $0x7FFFC000, v54;
	v0 =	vor.u32 v16, v0  }
0x23: {  	v6 =	vor.u32 v6, v14;
	v2 =	vor.u32 v8, v2;
	[tilespmem:$0x60] =	vst v0;
	v59 =	vshrl.u32 v3, $0x1  }
0x24: {  	v0 =	vand.u32 $0x7FFFC000, v10;
	[tilespmem:$0x30] =	vst v2;
	v3 =	vand.u32 $0x3FFF, v3;
	v2 =	vand.u32 $0x7FFFC000, v59  }
0x25: {  	[tilespmem:$0x0] =	vst v6;
	v0 =	vor.u32 v52, v0;
	v2 =	vor.u32 v3, v2;
	v3 =	vshrl.u32 v56, $0x1  }
0x26: {  	v62 =	vand.u32 $0x3FFF, v55;
	[tilespmem:$0x40] =	vst v0;
	v0 =	vand.u32 $0x7FFFC000, v3;
	v3 =	vand.u32 $0x3FFF, v56  }
0x27: {  	v61 =	vand.u32 $0x7FFFC000, v60;
	[tilespmem:$0x50] =	vst v2;
	v2 =	vshrl.u32 v1, $0x1;
	v0 =	vor.u32 v3, v0  }
0x28: {  	s12 =	sadd.s32 $0x9C1E00, s6;
	s9 =	ssub.s32 $0x2, s3;
	v1 =	vand.u32 $0x3FFF, v1;
	v3 =	vor.u32 v62, v61;
	[tilespmem:$0xA0] =	vst v0;
	v0 =	vand.u32 $0x7FFFC000, v2  }
0x29: {  	s3 =	sadd.s32 $0x201E00, s6;
	s6 =	simm.s32 $0x200;
	s10 =	sshrl.u32 s9, $0x1;
	v63 =	vand.u32 $0x7FFFC000, v57;
	v2 =	vand.u32 $0x3FFF, v53;
	[tilespmem:$0x80] =	vst v3;
	v0 =	vor.u32 v1, v0  }
0x2a: {  	s11 =	sor.u32 $0x100, s8;
	s10 =	ssub.s32 s9, s10;
	s13 =	sshll.u32 s8, $0x4;
	v1 =	vor.u32 v2, v63;
	[tilespmem:$0xE0] =	vst v0  }
0x2b: {  	s8 =	simm.s32 $0x100;
	s30 =	sshrl.u32 s11, $0x3;
	s16 =	smax.u32 s10, $0x1;
	[tilespmem:$0xD0] =	vst v1  }
0x2c: {  	[tilespmem:s6], [sflag:$0x1] =	stream.indirect.gather [hbm4b:s3+s8], $0x80, s2, s8, $0xb8;
	[tilespmem:$0x10200] =	vst v63  }
0x2d: {  	s15 =	sadd.s32 s7, s30;
	p0 =	sne.s32 s16, $0x1  }
0x2e: {  	[tilespmem:s8], [sflag:$0x5] =	stream.linear.gather [hbm4b:s15+s2], $0x100, $0x38;
	[tilespmem:$0x10200] =	vst v63  }
.Ltmp0:
0x2f: {  	_ = 	snop;
	(pc) =	sbr.rel @!p0 .LBB2_2-.Ltmp0, $4  }
0x30: {  	s14 =	simm.s32 $0x1;
	s9 =	sadd.s32 s12, s13;
	_ =	swait.ge [sflag:s5], $0x100  }
0x31: {  	s31 =	sshll.u32 s11, $0x4;
	s10 =	simm.s32 $0x8200;
	[sflag:s5] =	ssyncset.done $0x0  }
0x32: {  	s13 =	simm.s32 $0x2;
	s11 =	simm.s32 $0x3;
	[sflag:s5] =	ssyncadd.s32 $0xFFFFFF00  }
0x33: {  	s7 =	sadd.s32 s12, s31;
	s12 =	simm.s32 $0x4;
	s16 =	sadd.s32 $0xFFFFFFFF, s16;
	v0 =	vld [tilespmem:$0x1D0]  }
.LBB2_1:
0x34: {  	p0 =	sne.s32 s16, $0x1;
	s16 =	sadd.s32 $0xFFFFFFFF, s16;
	v1 =	vld [tilespmem:$0x110]  }
0x35: {  	v2 =	vld [tilespmem:$0x130]  }
0x36: {  	v3 =	vld [tilespmem:$0x160]  }
0x37: {  	v4 =	vld [tilespmem:$0x120]  }
0x38: {  	v5 =	vld [tilespmem:$0x100];
	v6 =	vshrl.u32 v0, $0x1  }
0x39: {  	v0 =	vand.u32 $0x3FFF, v0;
	v7 =	vshrl.u32 v1, $0x1;
	v8 =	vld [tilespmem:$0x140];
	v6 =	vand.u32 $0x7FFFC000, v6  }
0x3a: {  	v1 =	vand.u32 $0x3FFF, v1;
	v7 =	vand.u32 $0x7FFFC000, v7;
	v9 =	vshrl.u32 v2, $0x1;
	v10 =	vld [tilespmem:$0x180]  }
0x3b: {  	v2 =	vand.u32 $0x3FFF, v2;
	v1 =	vor.u32 v1, v7;
	v7 =	vand.u32 $0x7FFFC000, v9;
	v9 =	vld [tilespmem:$0x1B0]  }
0x3c: {  	v0 =	vor.u32 v0, v6;
	v11 =	vshrl.u32 v4, $0x1;
	v2 =	vor.u32 v2, v7;
	v7 =	vld [tilespmem:$0x1C0]  }
0x3d: {  	v4 =	vand.u32 $0x3FFF, v4;
	v6 =	vand.u32 $0x3FFF, v5;
	v11 =	vand.u32 $0x7FFFC000, v11;
	[tilespmem:$0x130] =	vst v2;
	v2 =	vld [tilespmem:$0x150]  }
0x3e: {  	v4 =	vor.u32 v4, v11;
	v11 =	vshrl.u32 v8, $0x1;
	v8 =	vand.u32 $0x3FFF, v8;
	v12 =	vld [tilespmem:$0x170];
	[tilespmem:$0x1D0] =	vst v0  }
0x3f: {  	[tilespmem:$0x120] =	vst v4;
	v0 =	vand.u32 $0x7FFFC000, v11;
	v4 =	vshrl.u32 v10, $0x1;
	v10 =	vand.u32 $0x3FFF, v10;
	v11 =	vld [tilespmem:$0x190]  }
0x40: {  	v13 =	vshrl.u32 v3, $0x1;
	v4 =	vand.u32 $0x7FFFC000, v4;
	v14 =	vld [tilespmem:$0x1A0];
	v15 =	vshrl.u32 v9, $0x1  }
0x41: {  	v5 =	vshrl.u32 v5, $0x1;
	v15 =	vand.u32 $0x7FFFC000, v15;
	v16 =	vshrl.u32 v7, $0x1;
	v17 =	vld [tilespmem:$0x1E0]  }
0x42: {  	v3 =	vand.u32 $0x3FFF, v3;
	v5 =	vand.u32 $0x7FFFC000, v5;
	v16 =	vand.u32 $0x7FFFC000, v16;
	v18 =	vld [tilespmem:$0x1F0]  }
0x43: {  	v0 =	vor.u32 v8, v0;
	v7 =	vand.u32 $0x3FFF, v7;
	v8 =	vshrl.u32 v12, $0x1  }
0x44: {  	v13 =	vand.u32 $0x7FFFC000, v13;
	v4 =	vor.u32 v10, v4;
	v10 =	vand.u32 $0x3FFF, v11  }
0x45: {  	v11 =	vshrl.u32 v11, $0x1;
	[tilespmem:$0x110] =	vst v1;
	v1 =	vshrl.u32 v2, $0x1;
	v2 =	vand.u32 $0x3FFF, v2  }
0x46: {  	v9 =	vand.u32 $0x3FFF, v9;
	v1 =	vand.u32 $0x7FFFC000, v1;
	[tilespmem:$0x180] =	vst v4;
	v4 =	vshrl.u32 v14, $0x1  }
0x47: {  	[tilespmem:$0x140] =	vst v0;
	v0 =	vor.u32 v2, v1;
	v1 =	vand.u32 $0x3FFF, v14;
	v2 =	vor.u32 v9, v15  }
0x48: {  	v9 =	vand.u32 $0x7FFFC000, v11;
	v4 =	vand.u32 $0x7FFFC000, v4;
	[tilespmem:$0x1B0] =	vst v2;
	v2 =	vshrl.u32 v18, $0x1  }
0x49: {  	v8 =	vand.u32 $0x7FFFC000, v8;
	v11 =	vand.u32 $0x3FFF, v12;
	v9 =	vor.u32 v10, v9  }
0x4a: {  	v5 =	vor.u32 v6, v5;
	[tilespmem:$0x150] =	vst v0;
	v0 =	vor.u32 v3, v13;
	v3 =	vor.u32 v11, v8  }
0x4b: {  	v6 =	vshrl.u32 v17, $0x1;
	[tilespmem:$0x160] =	vst v0;
	v0 =	vor.u32 v7, v16;
	v7 =	vand.u32 $0x3FFF, v18  }
0x4c: {  	v2 =	vand.u32 $0x7FFFC000, v2;
	[tilespmem:$0x1C0] =	vst v0;
	v0 =	vand.u32 $0x7FFFC000, v6;
	v6 =	vand.u32 $0x3FFF, v17  }
0x4d: {  	v1 =	vor.u32 v1, v4;
	v2 =	vor.u32 v7, v2;
	[tilespmem:$0x100] =	vst v5;
	v0 =	vor.u32 v6, v0  }
0x4e: {  	[tilespmem:$0x1A0] =	vst v1  }
0x4f: {  	[tilespmem:$0x170] =	vst v3  }
0x50: {  	[tilespmem:$0x1E0] =	vst v0  }
0x51: {  	[tilespmem:$0x190] =	vst v9  }
0x52: {  	[tilespmem:$0x1F0] =	vst v2  }
0x53: {  	[tilespmem:s10], [sflag:$0x2] =	stream.indirect.gather [hbm4b:s3+s8], $0x80, s8, s8, $0xb8;
	[tilespmem:$0x10200] =	vst v63  }
0x54: {  	_ =	swait.ge [sflag:s14], $0x8000  }
0x55: {  	[sflag:s14] =	ssyncset.done $0x0  }
0x56: {  	[sflag:s14] =	ssyncadd.s32 $0xFFFF8000  }
0x57: {  	[hbm4b:s9+s2] =	stream.linear.scatter [tilespmem:s6], [sflag:$0x3], $0x8000, $0x38;
	[tilespmem:$0x10200] =	vst v63  }
0x58: {  	_ =	swait.ge [sflag:s13], $0x8000  }
0x59: {  	[sflag:s13] =	ssyncset.done $0x0  }
0x5a: {  	[sflag:s13] =	ssyncadd.s32 $0xFFFF8000  }
0x5b: {  	[hbm4b:s7+s2] =	stream.linear.scatter [tilespmem:s10], [sflag:$0x4], $0x8000, $0x38;
	[tilespmem:$0x10200] =	vst v63  }
0x5c: {  	_ =	swait.ge [sflag:s12], $0x8000  }
0x5d: {  	[sflag:s12] =	ssyncset.done $0x0  }
0x5e: {  	[sflag:s12] =	ssyncadd.s32 $0xFFFF8000  }
0x5f: {  	_ =	swait.ge [sflag:s11], $0x8000  }
0x60: {  	[sflag:s11] =	ssyncset.done $0x0  }
0x61: {  	[sflag:s11] =	ssyncadd.s32 $0xFFFF8000  }
0x62: {  	[tilespmem:s2], [sflag:$0x5] =	stream.linear.gather [hbm4b:s4+s2], $0x100, $0x38;
	[tilespmem:$0x10200] =	vst v63  }
0x63: {  	_ =	swait.ge [sflag:s5], $0x100  }
0x64: {  	[sflag:s5] =	ssyncset.done $0x0  }
0x65: {  	[sflag:s5] =	ssyncadd.s32 $0xFFFFFF00  }
0x66: {  	v0 =	vld [tilespmem:$0xF0]  }
0x67: {  	v1 =	vld [tilespmem:$0xB0]  }
0x68: {  	v2 =	vld [tilespmem:$0x90]  }
0x69: {  	v3 =	vld [tilespmem:$0x20]  }
0x6a: {  	v4 =	vld [tilespmem:$0xC0]  }
0x6b: {  	v5 =	vld [tilespmem:$0x70];
	v6 =	vshrl.u32 v0, $0x1  }
0x6c: {  	v0 =	vand.u32 $0x3FFF, v0;
	v7 =	vld [tilespmem:$0x0];
	v8 =	vshrl.u32 v1, $0x1  }
0x6d: {  	v1 =	vand.u32 $0x3FFF, v1;
	v6 =	vand.u32 $0x7FFFC000, v6;
	v9 =	vld [tilespmem:$0x60];
	v8 =	vand.u32 $0x7FFFC000, v8  }
0x6e: {  	v10 =	vld [tilespmem:$0x40];
	v1 =	vor.u32 v1, v8  }
0x6f: {  	v0 =	vor.u32 v0, v6;
	v8 =	vld [tilespmem:$0x30];
	[tilespmem:$0xB0] =	vst v1;
	v1 =	vshrl.u32 v4, $0x1;
	v4 =	vand.u32 $0x3FFF, v4  }
0x70: {  	v11 =	vand.u32 $0x3FFF, v3;
	v6 =	vld [tilespmem:$0x10];
	v12 =	vshrl.u32 v5, $0x1;
	v1 =	vand.u32 $0x7FFFC000, v1;
	[tilespmem:$0xF0] =	vst v0  }
0x71: {  	v13 =	vand.u32 $0x3FFF, v2;
	v3 =	vshrl.u32 v3, $0x1;
	v0 =	vshrl.u32 v7, $0x1  }
0x72: {  	v2 =	vshrl.u32 v2, $0x1;
	v3 =	vand.u32 $0x7FFFC000, v3;
	v14 =	vand.u32 $0x3FFF, v9  }
0x73: {  	v3 =	vor.u32 v11, v3;
	v1 =	vor.u32 v4, v1;
	v11 =	vand.u32 $0x3FFF, v10;
	v4 =	vld [tilespmem:$0xD0]  }
0x74: {  	v2 =	vand.u32 $0x7FFFC000, v2;
	v9 =	vshrl.u32 v9, $0x1;
	v15 =	vshrl.u32 v8, $0x1;
	v16 =	vld [tilespmem:$0xA0]  }
0x75: {  	v2 =	vor.u32 v13, v2;
	v10 =	vshrl.u32 v10, $0x1;
	v17 =	vshrl.u32 v6, $0x1;
	v18 =	vld [tilespmem:$0x80]  }
0x76: {  	v0 =	vand.u32 $0x7FFFC000, v0;
	v6 =	vand.u32 $0x3FFF, v6;
	v13 =	vand.u32 $0x7FFFC000, v17;
	[tilespmem:$0x20] =	vst v3;
	v3 =	vld [tilespmem:$0x50]  }
0x77: {  	v7 =	vand.u32 $0x3FFF, v7;
	v8 =	vand.u32 $0x3FFF, v8;
	v6 =	vor.u32 v6, v13;
	[tilespmem:$0x90] =	vst v2  }
0x78: {  	v2 =	vand.u32 $0x7FFFC000, v15;
	[tilespmem:$0x10] =	vst v6;
	v6 =	vand.u32 $0x7FFFC000, v9;
	v9 =	vand.u32 $0x3FFF, v4  }
0x79: {  	v2 =	vor.u32 v8, v2;
	v4 =	vshrl.u32 v4, $0x1;
	v6 =	vor.u32 v14, v6  }
0x7a: {  	v5 =	vand.u32 $0x3FFF, v5;
	v8 =	vand.u32 $0x7FFFC000, v10;
	[tilespmem:$0x60] =	vst v6;
	v6 =	vand.u32 $0x7FFFC000, v12  }
0x7b: {  	v0 =	vor.u32 v7, v0;
	v7 =	vshrl.u32 v3, $0x1;
	v5 =	vor.u32 v5, v6;
	[tilespmem:$0xC0] =	vst v1;
	v1 =	vld [tilespmem:$0xE0]  }
0x7c: {  	v3 =	vand.u32 $0x3FFF, v3;
	v6 =	vshrl.u32 v18, $0x1;
	[tilespmem:$0x30] =	vst v2;
	v2 =	vand.u32 $0x7FFFC000, v7  }
0x7d: {  	v2 =	vor.u32 v3, v2;
	[tilespmem:$0x70] =	vst v5;
	v3 =	vand.u32 $0x7FFFC000, v6;
	v5 =	vand.u32 $0x3FFF, v18  }
0x7e: {  	v4 =	vand.u32 $0x7FFFC000, v4;
	v6 =	vshrl.u32 v16, $0x1;
	[tilespmem:$0x0] =	vst v0;
	v0 =	vor.u32 v11, v8  }
0x7f: {  	[tilespmem:$0x40] =	vst v0;
	v0 =	vor.u32 v5, v3;
	v3 =	vand.u32 $0x7FFFC000, v6;
	v5 =	vand.u32 $0x3FFF, v16  }
0x80: {  	[tilespmem:$0x50] =	vst v2;
	v2 =	vor.u32 v5, v3;
	v3 =	vor.u32 v9, v4;
	v4 =	vshrl.u32 v1, $0x1  }
0x81: {  	v1 =	vand.u32 $0x3FFF, v1;
	[tilespmem:$0xA0] =	vst v2;
	v2 =	vand.u32 $0x7FFFC000, v4  }
0x82: {  	[tilespmem:$0x80] =	vst v0;
	v0 =	vor.u32 v1, v2  }
0x83: {  	[tilespmem:$0xE0] =	vst v0  }
0x84: {  	[tilespmem:$0xD0] =	vst v3  }
0x85: {  	[tilespmem:s6], [sflag:$0x1] =	stream.indirect.gather [hbm4b:s3+s8], $0x80, s2, s8, $0xb8;
	[tilespmem:$0x10200] =	vst v63  }
0x86: {  	_ = 	snop  }
0x87: {  	[tilespmem:s8], [sflag:$0x5] =	stream.linear.gather [hbm4b:s15+s2], $0x100, $0x38;
	[tilespmem:$0x10200] =	vst v63  }
.Ltmp1:
0x88: {  	_ = 	snop;
	(pc) =	sbr.rel @p0 .LBB2_1-.Ltmp1, $4  }
0x89: {  	_ =	swait.ge [sflag:s5], $0x100  }
0x8a: {  	[sflag:s5] =	ssyncset.done $0x0  }
0x8b: {  	[sflag:s5] =	ssyncadd.s32 $0xFFFFFF00  }
0x8c: {  	v0 =	vld [tilespmem:$0x1D0]  }
.LBB2_2:
0x8d: {  	v1 =	vld [tilespmem:$0x110]  }
0x8e: {  	v2 =	vld [tilespmem:$0x130]  }
0x8f: {  	v3 =	vld [tilespmem:$0x160]  }
0x90: {  	v4 =	vld [tilespmem:$0x120]  }
0x91: {  	v5 =	vld [tilespmem:$0x100]  }
0x92: {  	v8 =	vld [tilespmem:$0x140]  }
0x93: {  	v10 =	vld [tilespmem:$0x180]  }
0x94: {  	v11 =	vld [tilespmem:$0x1B0]  }
0x95: {  	v33 =	vld [tilespmem:$0x1C0];
	v6 =	vshrl.u32 v0, $0x1;
	v31 =	vand.u32 $0x3FFF, v0;
	v7 =	vshrl.u32 v1, $0x1  }
0x96: {  	v6 =	vand.u32 $0x7FFFC000, v6;
	v9 =	vshrl.u32 v2, $0x1;
	v1 =	vand.u32 $0x3FFF, v1  }
0x97: {  	v13 =	vld [tilespmem:$0x170];
	v2 =	vand.u32 $0x3FFF, v2;
	v32 =	vshrl.u32 v4, $0x1;
	v4 =	vand.u32 $0x3FFF, v4  }
0x98: {  	v12 =	vld [tilespmem:$0x150];
	v35 =	vand.u32 $0x3FFF, v5;
	v36 =	vshrl.u32 v8, $0x1;
	v8 =	vand.u32 $0x3FFF, v8  }
0x99: {  	v14 =	vshrl.u32 v10, $0x1;
	v37 =	vand.u32 $0x3FFF, v10;
	v38 =	vshrl.u32 v3, $0x1  }
0x9a: {  	v15 =	vshrl.u32 v11, $0x1;
	v5 =	vshrl.u32 v5, $0x1;
	v42 =	vshrl.u32 v33, $0x1  }
0x9b: {  	v3 =	vand.u32 $0x3FFF, v3;
	v9 =	vand.u32 $0x7FFFC000, v9;
	v0 =	vor.u32 v31, v6  }
0x9c: {  	v43 =	vshrl.u32 v13, $0x1;
	v34 =	vand.u32 $0x7FFFC000, v32;
	v2 =	vor.u32 v2, v9;
	[tilespmem:$0x1D0] =	vst v0  }
0x9d: {  	v41 =	vld [tilespmem:$0x190];
	v44 =	vshrl.u32 v12, $0x1;
	v7 =	vand.u32 $0x7FFFC000, v7;
	v4 =	vor.u32 v4, v34;
	[tilespmem:$0x130] =	vst v2  }
0x9e: {  	v16 =	vld [tilespmem:$0x1A0];
	v45 =	vand.u32 $0x3FFF, v11;
	v39 =	vand.u32 $0x7FFFC000, v14;
	v1 =	vor.u32 v1, v7;
	[tilespmem:$0x120] =	vst v4  }
0x9f: {  	v47 =	vand.u32 $0x3FFF, v12;
	v6 =	vand.u32 $0x7FFFC000, v36;
	v0 =	vor.u32 v37, v39;
	[tilespmem:$0x110] =	vst v1  }
0xa0: {  	v46 =	vld [tilespmem:$0x1E0];
	v48 =	vand.u32 $0x3FFF, v33;
	v49 =	vand.u32 $0x7FFFC000, v38;
	v6 =	vor.u32 v8, v6;
	[tilespmem:$0x180] =	vst v0  }
0xa1: {  	v40 =	vand.u32 $0x7FFFC000, v15;
	v15 =	vand.u32 $0x7FFFC000, v42;
	v52 =	vor.u32 v3, v49;
	[tilespmem:$0x140] =	vst v6  }
0xa2: {  	v51 =	vand.u32 $0x3FFF, v41;
	v5 =	vand.u32 $0x7FFFC000, v5;
	v55 =	vor.u32 v48, v15;
	[tilespmem:$0x160] =	vst v52  }
0xa3: {  	v50 =	vld [tilespmem:$0x1F0];
	v53 =	vshrl.u32 v16, $0x1;
	v54 =	vand.u32 $0x3FFF, v16;
	v5 =	vor.u32 v35, v5;
	[tilespmem:$0x1C0] =	vst v55  }
0xa4: {  	v56 =	vand.u32 $0x3FFF, v13;
	v3 =	vand.u32 $0x7FFFC000, v53;
	v0 =	vor.u32 v45, v40;
	[tilespmem:$0x100] =	vst v5  }
0xa5: {  	v57 =	vshrl.u32 v46, $0x1;
	v2 =	vand.u32 $0x7FFFC000, v44;
	v3 =	vor.u32 v54, v3;
	[tilespmem:$0x1B0] =	vst v0  }
0xa6: {  	v59 =	vand.u32 $0x3FFF, v46;
	v1 =	vand.u32 $0x7FFFC000, v43;
	v2 =	vor.u32 v47, v2;
	[tilespmem:$0x1A0] =	vst v3  }
0xa7: {  	v58 =	vand.u32 $0x7FFFC000, v57;
	v4 =	vshrl.u32 v41, $0x1;
	v1 =	vor.u32 v56, v1;
	[tilespmem:$0x150] =	vst v2  }
0xa8: {  	v61 =	vshrl.u32 v50, $0x1;
	v60 =	vand.u32 $0x7FFFC000, v4;
	v2 =	vor.u32 v59, v58;
	[tilespmem:$0x170] =	vst v1  }
0xa9: {  	v63 =	vand.u32 $0x7FFFC000, v61;
	v0 =	vand.u32 $0x3FFF, v50;
	v62 =	vor.u32 v51, v60;
	[tilespmem:$0x1E0] =	vst v2  }
0xaa: {  	v0 =	vor.u32 v0, v63;
	[tilespmem:$0x190] =	vst v62  }
0xab: {  	[tilespmem:$0x1F0] =	vst v0  }
0xac: {  	[tilespmem:s10], [sflag:$0x2] =	stream.indirect.gather [hbm4b:s3+s8], $0x80, s8, s8, $0xb8;
	[tilespmem:$0x10200] =	vst v63  }
0xad: {  	_ =	swait.ge [sflag:s14], $0x8000  }
0xae: {  	[sflag:s14] =	ssyncset.done $0x0  }
0xaf: {  	[sflag:s14] =	ssyncadd.s32 $0xFFFF8000  }
0xb0: {  	[hbm4b:s9+s2] =	stream.linear.scatter [tilespmem:s6], [sflag:$0x3], $0x8000, $0x38;
	[tilespmem:$0x10200] =	vst v63  }
0xb1: {  	_ =	swait.ge [sflag:s13], $0x8000  }
0xb2: {  	[sflag:s13] =	ssyncset.done $0x0  }
0xb3: {  	[sflag:s13] =	ssyncadd.s32 $0xFFFF8000  }
0xb4: {  	[hbm4b:s7+s2] =	stream.linear.scatter [tilespmem:s10], [sflag:$0x4], $0x8000, $0x38;
	[tilespmem:$0x10200] =	vst v63  }
0xb5: {  	_ =	swait.ge [sflag:s12], $0x8000  }
0xb6: {  	[sflag:s12] =	ssyncset.done $0x0  }
0xb7: {  	[sflag:s12] =	ssyncadd.s32 $0xFFFF8000  }
0xb8: {  	_ =	swait.ge [sflag:s11], $0x8000  }
0xb9: {  	[sflag:s11] =	ssyncset.done $0x0  }
0xba: {  	[sflag:s11] =	ssyncadd.s32 $0xFFFF8000  }
0xbb: {  	_ =	sfence.sel $0x180000  }
0xbc: {  	[bflag:$0x0] =	sbarrier.arrive $0xFFFF  }
0xbd: {  	p0 =	sne.s32 s0, $0x0;
	_ =	strace $0x9000004A  }
0xbe: {  	s0 =	sadd.s32 @!p0 $0x100000, s1;
	[bflag:$0x2] =	sbarrier.arrive $0xFFFF  }
0xbf: {  	[sflag:s0] =	ssyncadd.tile.s32 @!p0 $0x1;
	_ =	shalt  }
.Lfunc_end2:
_tile_overlayer_lowered:
.L_overlay_start_2:
0xc0: {  	(tag) =	ssettag $0x2  }
0xc1: {  	s0 =	rddreg [dreg:$0x0];
	s2 =	stileid.u32  }
0xc2: {  	s1 =	rddreg [dreg:$0x1];
	p0 =	sne.s32 s2, $0x0  }
0xc3: {  	s3 =	rddreg [dreg:$0x2];
	[bflag:$0x3] =	sbarrier.arrive $0xFFFF;
	s2 =	simm.s32 @!p0 $0x1C05  }
0xc4: {  	[timem:s3], [sflag:s2] =	dma.local @!p0 [hbm:s0], s1  }
0xc5: {  	s0 =	simm.s32 @!p0 $0x5  }
0xc6: {  	_ =	swait.ge @!p0 [sflag:s0], s1  }
0xc7: {  	s1 =	ssub.s32 @!p0 $0x0, s1;
	[sflag:s0] =	ssyncset.done @!p0 $0x0  }
0xc8: {  	[sflag:s0] =	ssyncadd.s32 @!p0 s1  }
0xc9: {  	[bflag:$0x3] =	sbarrier.arrive $0xFFFF  }
0xca: {  	_ =	shalt  }

// kernel: kernel.8.cloned.1.call-start
scs
__scs_entry_jumppad:
0x0: {  	(pc) =	sbr.rel $0x88, $3  }
0x1: {  	(tag) =	ssettag $0x0;
	lr =	simm.s32 $0x1  }
0x2: {  	[smem:$0x3F99] =	sst lr;
	_ =	strace $0xD0000000  }
0x3: {  	_ = 	snop  }
0x4: {  	_ = 	snop  }
0x5: {  	_ = 	snop  }
0x6: {  	_ = 	snop  }
0x7: {  	_ = 	snop  }
__scs_overlays_trampoline_lowered:
0x8: {  	[smem:$0x3FA8] =	sst s0  }
0x9: {  	[smem:$0x3FA9] =	sst s1  }
0xa: {  	[smem:$0x3FAA] =	sst s2  }
0xb: {  	[smem:$0x3FAB] =	sst s3  }
0xc: {  	[smem:$0x3FAC] =	sst s4  }
0xd: {  	[smem:$0x3FAD] =	sst s5  }
0xe: {  	[smem:$0x3FAE] =	sst s6  }
0xf: {  	[smem:$0x3FAF] =	sst s7  }
0x10: {  	[smem:$0x3FB0] =	sst s8  }
0x11: {  	[smem:$0x3FB1] =	sst s9;
	s0 =	simm.s32 @!p0 $0x0  }
0x12: {  	s1 =	sld [smem:$0x3F97];
	s0 =	simm.s32 @p0 $0x1  }
0x13: {  	[smem:$0x3FB2] =	sst s0;
	s0 =	simm.s32 @!p1 $0x0  }
0x14: {  	s2 =	sld [smem:$0x3F96];
	s0 =	simm.s32 @p1 $0x1  }
0x15: {  	[smem:$0x3FB3] =	sst s0;
	s0 =	simm.s32 @!p2 $0x0  }
0x16: {  	s3 =	sld [smem:$0x3FDB];
	s0 =	simm.s32 @p2 $0x1  }
0x17: {  	s4 =	simm.s32 $0x1BF5;
	[smem:$0x3FB5] =	sst s0  }
0x18: {  	s0 =	sld [smem:$0x3F98];
	_ =	swait.ge [sflag:s4], $0x0  }
0x19: {  	s7 =	sld [smem:$0x3F99]  }
0x1a: {  	s8 =	sadd.s32 $0xFFFFE003, lr  }
0x1b: {  	s9 =	sadd.s32 $0xFFFFFEF7, lr;
	s5 =	simm.s32 $0xFFFFFFFF;
	p2 =	slt.u32 s8, $0xFFFFF086  }
0x1c: {  	p1 =	slt.u32 s9, $0xF7A;
	s5 =	simm.s32 @!p2 $0x0  }
0x1d: {  	s5 =	simm.s32 @p1 $0x1;
	p0 =	seq.s32 s7, s2  }
0x1e: {  	s7 =	smul.u32 @!p0 $0xF7A, s2;
	p2 =	seq.s32 @!p0 s5, $0x0  }
0x1f: {  	s9 =	smul.u32 $0xF7A, s1;
	s8 =	simm.s32 @!p0 $0x1BF5;
	p2 =	por !p2, p0  }
0x20: {  	[sflag:s8] =	ssyncset.s32 @!p0 $0xFFFFF086;
	s6 =	sadd.s32 @!p0 s3, s7;
	s7 =	simm.s32 @!p0 $0x108  }
0x21: {  	s3 =	sadd.s32 s3, s9;
	s6 =	sadd.s32 @!p0 $0x88, s6;
	s7 =	simm.s32 @p2 $0x1082  }
0x22: {  	[simem:s7], [sflag:s8] =	dma.local @!p0 [hbm:s6], $0xF7A  }
0x23: {  	s9 =	sor.u32 $0xD0000000, s2;
	s6 =	simm.s32 $0x108;
	_ =	swait.ge @!p0 [sflag:s8], $0x0  }
0x24: {  	s3 =	sadd.s32 $0x88, s3;
	s6 =	simm.s32 @!p1 $0x1082;
	[sflag:s4] =	ssyncset.s32 $0xFFFFF086  }
0x25: {  	[simem:s6], [sflag:s4] =	dma.local [hbm:s3], $0xF7A  }
0x26: {  	[smem:$0x3F99] =	sst s1;
	(tag) =	ssettag s2;
	_ =	strace s9  }
0x27: {  	s1 =	sld [smem:$0x3FA9]  }
0x28: {  	s2 =	sld [smem:$0x3FAA]  }
0x29: {  	s4 =	sld [smem:$0x3FAC]  }
0x2a: {  	p0 =	seq.s32 s5, $0x0;
	s5 =	sld [smem:$0x3FAD]  }
0x2b: {  	s6 =	sld [smem:$0x3FAE]  }
0x2c: {  	s7 =	sld [smem:$0x3FAF]  }
0x2d: {  	s3 =	simm.s32 $0x108;
	s8 =	sld [smem:$0x3FB0]  }
0x2e: {  	s3 =	simm.s32 @!p0 $0x1082;
	s9 =	sld [smem:$0x3FB1]  }
0x2f: {  	lr =	sadd.s32 s0, s3;
	s0 =	sld [smem:$0x3FA8]  }
0x30: {  	s3 =	sld [smem:$0x3FAB]  }
0x31: {  	[smem:$0x3FB4] =	sst s10  }
0x32: {  	s10 =	sld [smem:$0x3FB2];
	_ =	sdelay $0x3  }
0x33: {  	p0 =	seq.s32 s10, $0x1;
	s10 =	sld [smem:$0x3FB4];
	_ =	sdelay $0x3  }
0x34: {  	[smem:$0x3FB4] =	sst s10  }
0x35: {  	s10 =	sld [smem:$0x3FB3];
	_ =	sdelay $0x3  }
0x36: {  	p1 =	seq.s32 s10, $0x1;
	s10 =	sld [smem:$0x3FB4];
	_ =	sdelay $0x3  }
0x37: {  	[smem:$0x3FB4] =	sst s10  }
0x38: {  	s10 =	sld [smem:$0x3FB5]  }
0x39: {  	_ = 	snop;
	(pc) =	sbr.ind lr, $3  }
0x3a: {  	_ = 	snop  }
0x3b: {  	_ = 	snop  }
0x3c: {  	p2 =	seq.s32 s10, $0x1;
	s10 =	sld [smem:$0x3FB4]  }
0x3d: {  	_ =	shalt  }
0x3e: {  	_ =	shalt  }
0x3f: {  	_ =	shalt  }
0x40: {  	_ =	shalt  }
0x41: {  	_ =	shalt  }
0x42: {  	_ =	shalt  }
0x43: {  	_ =	shalt  }
0x44: {  	_ =	shalt  }
0x45: {  	_ =	shalt  }
0x46: {  	_ =	shalt  }
0x47: {  	_ =	shalt  }
0x48: {  	_ =	shalt  }
0x49: {  	_ =	shalt  }
0x4a: {  	_ =	shalt  }
0x4b: {  	_ =	shalt  }
0x4c: {  	_ =	shalt  }
0x4d: {  	_ =	shalt  }
0x4e: {  	_ =	shalt  }
0x4f: {  	_ =	shalt  }
0x50: {  	_ =	shalt  }
0x51: {  	_ =	shalt  }
0x52: {  	_ =	shalt  }
0x53: {  	_ =	shalt  }
0x54: {  	_ =	shalt  }
0x55: {  	_ =	shalt  }
0x56: {  	_ =	shalt  }
0x57: {  	_ =	shalt  }
0x58: {  	_ =	shalt  }
0x59: {  	_ =	shalt  }
0x5a: {  	_ =	shalt  }
0x5b: {  	_ =	shalt  }
0x5c: {  	_ =	shalt  }
0x5d: {  	_ =	shalt  }
0x5e: {  	_ =	shalt  }
0x5f: {  	_ =	shalt  }
0x60: {  	_ =	shalt  }
0x61: {  	_ =	shalt  }
0x62: {  	_ =	shalt  }
0x63: {  	_ =	shalt  }
0x64: {  	_ =	shalt  }
0x65: {  	_ =	shalt  }
0x66: {  	_ =	shalt  }
0x67: {  	_ =	shalt  }
0x68: {  	_ =	shalt  }
0x69: {  	_ =	shalt  }
0x6a: {  	_ =	shalt  }
0x6b: {  	_ =	shalt  }
0x6c: {  	_ =	shalt  }
0x6d: {  	_ =	shalt  }
0x6e: {  	_ =	shalt  }
0x6f: {  	_ =	shalt  }
0x70: {  	_ =	shalt  }
0x71: {  	_ =	shalt  }
0x72: {  	_ =	shalt  }
0x73: {  	_ =	shalt  }
0x74: {  	_ =	shalt  }
0x75: {  	_ =	shalt  }
0x76: {  	_ =	shalt  }
0x77: {  	_ =	shalt  }
0x78: {  	_ =	shalt  }
0x79: {  	_ =	shalt  }
0x7a: {  	_ =	shalt  }
0x7b: {  	_ =	shalt  }
0x7c: {  	_ =	shalt  }
0x7d: {  	_ =	shalt  }
0x7e: {  	_ =	shalt  }
0x7f: {  	_ =	shalt  }
0x80: {  	_ =	shalt  }
0x81: {  	_ =	shalt  }
0x82: {  	_ =	shalt  }
0x83: {  	_ =	shalt  }
0x84: {  	_ =	shalt  }
0x85: {  	_ =	shalt  }
0x86: {  	_ =	shalt  }
0x87: {  	_ =	shalt  }
.Lfunc_end0:
.L_simem_size_0:
called_computation_lowered:
.L_overlay_start_0:
0x88: {  	s2 =	sld [smem:$0x3FD9]  }
0x89: {  	s3 =	sld [smem:$0x3FFE];
	_ =	sdelay $0x1  }
0x8a: {  	s1 =	srdreg.scid  }
0x8b: {  	s0 =	sand.u32 $0x1, s1  }
0x8c: {  	s17 =	sshll.u32 s0, $0xA;
	s2 =	sadd.s32 s3, s2  }
0x8d: {  	s2 =	sadd.s32 s2, s17  }
0x8e: {  	[smem:$0x3FC0] =	sst s2  }
0x8f: {  	_ = 	snop  }
0x90: {  	s2 =	sld [smem:$0x3FC8]  }
0x91: {  	s18 =	sld [smem:$0x3FC7]  }
0x92: {  	s4 =	sld [smem:$0x3FC6];
	(tm) =	ssettm $0x1  }
0x93: {  	s5 =	sld [smem:$0x3FFB];
	_ =	sdelay $0x3  }
0x94: {  	_ =	strace s5  }
0x95: {  	s5 =	sld [smem:$0x3FFC];
	_ =	sdelay $0x3  }
0x96: {  	_ =	strace s5  }
0x97: {  	s5 =	sld [smem:$0x3FFD];
	_ =	sdelay $0x3  }
0x98: {  	_ =	strace s5  }
0x99: {  	_ =	strace $0x8FFFFFFF  }
0x9a: {  	s19 =	sld [smem:$0x3FDB];
	_ =	sdelay $0x1  }
0x9b: {  	s6 =	simm.s32 $_scs_section_size  }
0x9c: {  	s7 =	simm.s32 $_size__tile_overlayer_lowered;
	s8 =	simm.s32 $_tile_overlayer_lowered  }
0x9d: {  	s22 =	simm.s32 $0x1BFF;
	s21 =	sshll.u32 s8, $0x1;
	s5 =	sadd.s32 s6, s19  }
0x9e: {  	s9 =	simm.s32 $0x0;
	s20 =	sshll.u32 s7, $0x1;
	s7 =	sadd.s32 s21, s5  }
0x9f: {  	[timem:s9], [sflag:s22] =	dma.local [hbm:s7], s20  }
0xa0: {  	_ =	swait.ge [sflag:s22], s20  }
0xa1: {  	s6 =	ssub.s32 $0x0, s20;
	[sflag:s22] =	ssyncset.done $0x0  }
0xa2: {  	[sflag:s22] =	ssyncadd.s32 s6;
	_ =	sdelay $0x1  }
0xa3: {  	s23 =	simm.s32 $0x1B8B  }
0xa4: {  	_ =	swait.ge [sflag:s23], $0x1  }
0xa5: {  	[sflag:s23] =	ssyncset.done $0x0  }
0xa6: {  	s25 =	simm.s32 $0x1B8E;
	s24 =	sld [smem:$0x3FFE];
	[sflag:s23] =	ssyncadd.s32 $0xFFFFFFFF  }
0xa7: {  	s26 =	simm.s32 $execute0_lowered;
	[smem:$0x3FD2] =	sst s25  }
0xa8: {  	s7 =	sshll.u32 s26, $0x1;
	_ =	strace $0x80000046;
	[dreg:$0x1] =	wrdreg $0xFFFFFFFF  }
0xa9: {  	s28 =	simm.s32 $_size_execute0_lowered;
	s5 =	sadd.s32 s5, s7;
	[dreg:$0x0] =	wrdreg $0x0  }
0xaa: {  	s7 =	sshll.u32 s28, $0x1;
	[dreg:$0x2] =	wrdreg s5  }
0xab: {  	[dreg:$0x3] =	wrdreg s7  }
0xac: {  	[dreg:$0x4] =	wrdreg $0xC0  }
0xad: {  	_ =	task [dreg:s9], $0x5FFFF  }
0xae: {  	[dreg:$0x1] =	wrdreg $0xFFFFFFFF  }
0xaf: {  	[dreg:$0x0] =	wrdreg $0x60  }
0xb0: {  	[dreg:$0x2] =	wrdreg s2  }
0xb1: {  	[dreg:$0x3] =	wrdreg s18  }
0xb2: {  	[dreg:$0x4] =	wrdreg s4  }
0xb3: {  	[dreg:$0x5] =	wrdreg s24  }
0xb4: {  	[dreg:$0x6] =	wrdreg $0x9  }
0xb5: {  	_ =	task.clear_ibuf [dreg:s9], $0x7FFFF;
	_ =	strace $0x90000046  }
0xb6: {  	s29 =	simm.s32 $0x9;
	_ =	strace $0x80000048  }
0xb7: {  	_ =	swait.ge [sflag:s29], $0x1  }
0xb8: {  	[sflag:s29] =	ssyncadd.s32 $0xFFFFFFFF  }
0xb9: {  	_ =	strace $0x90000048  }
0xba: {  	_ =	sfence  }
0xbb: {  	s30 =	sld [smem:$0x0];
	_ =	sdelay $0x2  }
0xbc: {  	s31 =	sshll.u32 s1, $0xD;
	s1 =	sshrl.u32 s1, $0x2  }
0xbd: {  	s3 =	sand.u32 $0x4000, s31;
	s1 =	sadd.s32 s1, s30  }
0xbe: {  	s0 =	sor.u32 s3, s0;
	s1 =	sshll.u32 s1, $0x11  }
0xbf: {  	s0 =	sor.u32 s1, s0  }
0xc0: {  	s0 =	sadd.s32 $0x8F2B, s0  }
0xc1: {  	[sflag:s0] =	ssyncadd.remote.s32 $0x1  }
0xc2: {  	_ =	sfence.sel $0xFFFF  }
0xc3: {  	[dreg:$0x0] =	wrdreg $0xFFFFFFFF;
	(pc) =	sbr.abs _section_cstart, $3  }
0xc4: {  	[dreg:$0x1] =	wrdreg $0xFFFFFFFF  }
0xc5: {  	_ =	task.clear_ibuf [dreg:s9], $0x2FFFF;
	_ =	strace $0x9FFFFFFF  }
0xc6: {  	(tm) =	ssettm $0x7FFFFFFF  }
0xc7: {  	_ =	shalt  }
tec
execute0_lowered:
.L_overlay_start_1:
0x0: {  	(tag) =	ssettag $0x1  }
0x1: {  	s6 =	rddreg [dreg:$0x0]  }
0x2: {  	s10 =	rddreg [dreg:$0x1]  }
0x3: {  	s14 =	rddreg [dreg:$0x2]  }
0x4: {  	s5 =	rddreg [dreg:$0x3]  }
0x5: {  	s0 =	rddreg [dreg:$0x4];
	s1 =	simm.s32 $0x0  }
0x6: {  	s7 =	srdreg.scid;
	s3 =	stileid.u32;
	s20 =	simm.s32 $0x200  }
0x7: {  	s21 =	simm.s32 $0x8200;
	s22 =	simm.s32 $0x1;
	s23 =	simm.s32 $0x3  }
0x8: {  	s24 =	simm.s32 $0x2;
	s25 =	simm.s32 $0x4;
	[smem:$0x7FF] =	sst s1  }
0x9: {  	s2 =	sadd.s32 $0x1E00, s5;
	s4 =	sadd.s32 $0x101E00, s5;
	s9 =	sadd.s32 $0x141E00, s5  }
0xa: {  	s13 =	sadd.s32 $0x181E00, s5;
	s7 =	sand.u32 $0x1, s7;
	s11 =	sshll.u32 s3, $0xA  }
0xb: {  	s16 =	sadd.s32 $0x1C1E00, s5;
	s8 =	ssub.s32 $0x2, s7;
	s7 =	sshll.u32 s7, $0x9  }
0xc: {  	_ =	strace $0x80000047;
	s30 =	sshrl.u32 s8, $0x1;
	s7 =	sor.u32 s7, s11  }
0xd: {  	s17 =	ssub.s32 s8, s30;
	s12 =	sshrl.u32 s7, $0x3;
	s31 =	sor.u32 $0x100, s7  }
0xe: {  	s18 =	sshll.u32 s7, $0x4;
	s5 =	sadd.s32 s6, s12;
	s15 =	sshrl.u32 s31, $0x3  }
0xf: {  	s7 =	sadd.s32 s9, s18;
	s19 =	sshll.u32 s31, $0x4;
	s8 =	sadd.s32 s10, s12  }
0x10: {  	s11 =	sadd.s32 s13, s18;
	s12 =	sadd.s32 s14, s12;
	s17 =	smax.u32 s17, $0x1  }
0x11: {  	s6 =	sadd.s32 s6, s15;
	s9 =	sadd.s32 s9, s19;
	s10 =	sadd.s32 s10, s15  }
0x12: {  	s13 =	sadd.s32 s13, s19;
	s14 =	sadd.s32 s14, s15;
	s15 =	sadd.s32 s16, s18  }
0x13: {  	s16 =	sadd.s32 s16, s19;
	s18 =	simm.s32 $0x5;
	s19 =	simm.s32 $0x100  }
.LBB2_1:
0x14: {  	[tilespmem:s1], [sflag:$0x5] =	stream.linear.gather [hbm4b:s5+s1], $0x100, $0x38;
	[tilespmem:$0x10200] =	vst v63  }
0x15: {  	_ =	swait.ge [sflag:s18], $0x100  }
0x16: {  	[sflag:s18] =	ssyncset.done $0x0  }
0x17: {  	[sflag:s18] =	ssyncadd.s32 $0xFFFFFF00  }
0x18: {  	v0 =	vld [tilespmem:$0x0]  }
0x19: {  	v1 =	vld [tilespmem:$0x10]  }
0x1a: {  	v2 =	vld [tilespmem:$0x20]  }
0x1b: {  	v3 =	vld [tilespmem:$0x30]  }
0x1c: {  	v5 =	vld [tilespmem:$0x40]  }
0x1d: {  	v7 =	vld [tilespmem:$0x50]  }
0x1e: {  	v42 =	vld [tilespmem:$0x60]  }
0x1f: {  	v9 =	vld [tilespmem:$0x70]  }
0x20: {  	v10 =	vld [tilespmem:$0x80];
	v4 =	vshrl.u32 v0, $0x1;
	v6 =	vshrl.u32 v1, $0x1;
	v0 =	vand.u32 $0x3FFF, v0  }
0x21: {  	v1 =	vand.u32 $0x3FFF, v1;
	v41 =	vshrl.u32 v2, $0x1;
	v2 =	vand.u32 $0x3FFF, v2  }
0x22: {  	v58 =	vld [tilespmem:$0xC0];
	v8 =	vshrl.u32 v3, $0x1;
	v44 =	vshrl.u32 v5, $0x1;
	v3 =	vand.u32 $0x3FFF, v3  }
0x23: {  	v5 =	vand.u32 $0x3FFF, v5;
	v46 =	vshrl.u32 v7, $0x1;
	v49 =	vand.u32 $0x3FFF, v7  }
0x24: {  	v17 =	vld [tilespmem:$0xF0];
	v50 =	vshrl.u32 v42, $0x1;
	v52 =	vshrl.u32 v9, $0x1;
	v53 =	vand.u32 $0x3FFF, v42  }
0x25: {  	v54 =	vand.u32 $0x3FFF, v9;
	v57 =	vshrl.u32 v10, $0x1;
	v4 =	vand.u32 $0x7FFFC000, v4  }
0x26: {  	v47 =	vld [tilespmem:$0x90];
	v59 =	vand.u32 $0x3FFF, v10;
	v6 =	vand.u32 $0x7FFFC000, v6;
	v0 =	vor.u32 v0, v4  }
0x27: {  	v11 =	vld [tilespmem:$0xA0];
	v20 =	vshrl.u32 v58, $0x1;
	v43 =	vand.u32 $0x7FFFC000, v8;
	v1 =	vor.u32 v1, v6;
	[tilespmem:$0x0] =	vst v0  }
0x28: {  	v23 =	vand.u32 $0x3FFF, v58;
	v8 =	vand.u32 $0x7FFFC000, v44;
	v3 =	vor.u32 v3, v43;
	[tilespmem:$0x10] =	vst v1  }
0x29: {  	v30 =	vshrl.u32 v17, $0x1;
	v21 =	vand.u32 $0x7FFFC000, v20;
	v45 =	vor.u32 v5, v8;
	[tilespmem:$0x30] =	vst v3  }
0x2a: {  	v55 =	vld [tilespmem:$0xB0];
	v32 =	vand.u32 $0x3FFF, v17;
	v31 =	vand.u32 $0x7FFFC000, v30;
	v25 =	vor.u32 v23, v21;
	[tilespmem:$0x40] =	vst v45  }
0x2b: {  	v60 =	vshrl.u32 v47, $0x1;
	v4 =	vand.u32 $0x7FFFC000, v41;
	v33 =	vor.u32 v32, v31;
	[tilespmem:$0xC0] =	vst v25  }
0x2c: {  	v61 =	vld [tilespmem:$0xD0];
	v10 =	vshrl.u32 v11, $0x1;
	v48 =	vand.u32 $0x7FFFC000, v46;
	v2 =	vor.u32 v2, v4;
	[tilespmem:$0xF0] =	vst v33  }
0x2d: {  	v12 =	vand.u32 $0x3FFF, v47;
	v51 =	vand.u32 $0x7FFFC000, v50;
	v0 =	vor.u32 v49, v48;
	[tilespmem:$0x20] =	vst v2  }
0x2e: {  	v14 =	vld [tilespmem:$0xE0];
	v13 =	vand.u32 $0x3FFF, v11;
	v5 =	vand.u32 $0x7FFFC000, v52;
	v1 =	vor.u32 v53, v51;
	[tilespmem:$0x50] =	vst v0  }
0x2f: {  	v16 =	vshrl.u32 v55, $0x1;
	v56 =	vor.u32 v54, v5;
	v3 =	vand.u32 $0x7FFFC000, v57;
	[tilespmem:$0x60] =	vst v1  }
0x30: {  	v19 =	vand.u32 $0x3FFF, v55;
	v63 =	vand.u32 $0x7FFFC000, v60;
	v62 =	vor.u32 v59, v3;
	[tilespmem:$0x70] =	vst v56  }
0x31: {  	v22 =	vshrl.u32 v61, $0x1;
	v4 =	vand.u32 $0x7FFFC000, v10;
	v1 =	vor.u32 v12, v63;
	[tilespmem:$0x80] =	vst v62  }
0x32: {  	v24 =	vand.u32 $0x3FFF, v61;
	v18 =	vand.u32 $0x7FFFC000, v16;
	v15 =	vor.u32 v13, v4;
	[tilespmem:$0x90] =	vst v1  }
0x33: {  	v27 =	vshrl.u32 v14, $0x1;
	v0 =	vor.u32 v19, v18;
	v3 =	vand.u32 $0x7FFFC000, v22;
	[tilespmem:$0xA0] =	vst v15  }
0x34: {  	v29 =	vand.u32 $0x3FFF, v14;
	v28 =	vand.u32 $0x7FFFC000, v27;
	[tilespmem:$0xB0] =	vst v0;
	v26 =	vor.u32 v24, v3  }
0x35: {  	v0 =	vor.u32 v29, v28;
	[tilespmem:$0xD0] =	vst v26  }
0x36: {  	[tilespmem:$0xE0] =	vst v0  }
0x37: {  	[tilespmem:s20], [sflag:$0x1] =	stream.indirect.gather [hbm4b:s2+s19], $0x80, s1, s19, $0xb8;
	[tilespmem:$0x10200] =	vst v63  }
0x38: {  	_ = 	snop  }
0x39: {  	[tilespmem:s19], [sflag:$0x5] =	stream.linear.gather [hbm4b:s6+s1], $0x100, $0x38;
	[tilespmem:$0x10200] =	vst v63  }
0x3a: {  	_ =	swait.ge [sflag:s18], $0x100  }
0x3b: {  	[sflag:s18] =	ssyncset.done $0x0  }
0x3c: {  	[sflag:s18] =	ssyncadd.s32 $0xFFFFFF00  }
0x3d: {  	v34 =	vld [tilespmem:$0x100]  }
0x3e: {  	v35 =	vld [tilespmem:$0x110]  }
0x3f: {  	v36 =	vld [tilespmem:$0x120]  }
0x40: {  	v37 =	vld [tilespmem:$0x130]  }
0x41: {  	v39 =	vld [tilespmem:$0x140]  }
0x42: {  	v41 =	vld [tilespmem:$0x150]  }
0x43: {  	v43 =	vld [tilespmem:$0x160]  }
0x44: {  	v45 =	vld [tilespmem:$0x170]  }
0x45: {  	v48 =	vld [tilespmem:$0x180];
	v38 =	vshrl.u32 v34, $0x1;
	v40 =	vshrl.u32 v35, $0x1;
	v0 =	vand.u32 $0x3FFF, v34  }
0x46: {  	v1 =	vand.u32 $0x3FFF, v35;
	v42 =	vshrl.u32 v36, $0x1;
	v2 =	vand.u32 $0x3FFF, v36  }
0x47: {  	v63 =	vld [tilespmem:$0x1C0];
	v44 =	vshrl.u32 v37, $0x1;
	v47 =	vshrl.u32 v39, $0x1;
	v3 =	vand.u32 $0x3FFF, v37  }
0x48: {  	v5 =	vand.u32 $0x3FFF, v39;
	v50 =	vshrl.u32 v41, $0x1;
	v53 =	vand.u32 $0x3FFF, v41  }
0x49: {  	v23 =	vld [tilespmem:$0x1F0];
	v54 =	vshrl.u32 v43, $0x1;
	v57 =	vshrl.u32 v45, $0x1;
	v58 =	vand.u32 $0x3FFF, v43  }
0x4a: {  	v59 =	vand.u32 $0x3FFF, v45;
	v62 =	vshrl.u32 v48, $0x1;
	v4 =	vand.u32 $0x7FFFC000, v38  }
0x4b: {  	v51 =	vld [tilespmem:$0x190];
	v12 =	vand.u32 $0x3FFF, v48;
	v6 =	vand.u32 $0x7FFFC000, v40;
	v0 =	vor.u32 v0, v4  }
0x4c: {  	v55 =	vld [tilespmem:$0x1A0];
	v26 =	vshrl.u32 v63, $0x1;
	v46 =	vand.u32 $0x7FFFC000, v44;
	v1 =	vor.u32 v1, v6;
	[tilespmem:$0x100] =	vst v0  }
0x4d: {  	v29 =	vand.u32 $0x3FFF, v63;
	v8 =	vand.u32 $0x7FFFC000, v47;
	v3 =	vor.u32 v3, v46;
	[tilespmem:$0x110] =	vst v1  }
0x4e: {  	v36 =	vshrl.u32 v23, $0x1;
	v27 =	vand.u32 $0x7FFFC000, v26;
	v49 =	vor.u32 v5, v8;
	[tilespmem:$0x130] =	vst v3  }
0x4f: {  	v60 =	vld [tilespmem:$0x1B0];
	v37 =	vand.u32 $0x7FFFC000, v36;
	v38 =	vand.u32 $0x3FFF, v23;
	v31 =	vor.u32 v29, v27;
	[tilespmem:$0x140] =	vst v49  }
0x50: {  	v13 =	vshrl.u32 v51, $0x1;
	v4 =	vand.u32 $0x7FFFC000, v42;
	v39 =	vor.u32 v38, v37;
	[tilespmem:$0x1C0] =	vst v31  }
0x51: {  	v14 =	vld [tilespmem:$0x1D0];
	v17 =	vshrl.u32 v55, $0x1;
	v52 =	vand.u32 $0x7FFFC000, v50;
	v2 =	vor.u32 v2, v4;
	[tilespmem:$0x1F0] =	vst v39  }
0x52: {  	v18 =	vand.u32 $0x3FFF, v51;
	v56 =	vand.u32 $0x7FFFC000, v54;
	v0 =	vor.u32 v53, v52;
	[tilespmem:$0x120] =	vst v2  }
0x53: {  	v20 =	vld [tilespmem:$0x1E0];
	v19 =	vand.u32 $0x3FFF, v55;
	v5 =	vand.u32 $0x7FFFC000, v57;
	v1 =	vor.u32 v58, v56;
	[tilespmem:$0x150] =	vst v0  }
0x54: {  	v22 =	vshrl.u32 v60, $0x1;
	v61 =	vor.u32 v59, v5;
	v3 =	vand.u32 $0x7FFFC000, v62;
	[tilespmem:$0x160] =	vst v1  }
0x55: {  	v25 =	vand.u32 $0x3FFF, v60;
	v16 =	vand.u32 $0x7FFFC000, v13;
	v15 =	vor.u32 v12, v3;
	[tilespmem:$0x170] =	vst v61  }
0x56: {  	v28 =	vshrl.u32 v14, $0x1;
	v4 =	vand.u32 $0x7FFFC000, v17;
	v1 =	vor.u32 v18, v16;
	[tilespmem:$0x180] =	vst v15  }
0x57: {  	v30 =	vand.u32 $0x3FFF, v14;
	v24 =	vand.u32 $0x7FFFC000, v22;
	v21 =	vor.u32 v19, v4;
	[tilespmem:$0x190] =	vst v1  }
0x58: {  	v33 =	vshrl.u32 v20, $0x1;
	v0 =	vor.u32 v25, v24;
	v3 =	vand.u32 $0x7FFFC000, v28;
	[tilespmem:$0x1A0] =	vst v21  }
0x59: {  	v35 =	vand.u32 $0x3FFF, v20;
	v34 =	vand.u32 $0x7FFFC000, v33;
	[tilespmem:$0x1B0] =	vst v0;
	v32 =	vor.u32 v30, v3  }
0x5a: {  	v0 =	vor.u32 v35, v34;
	[tilespmem:$0x1D0] =	vst v32  }
0x5b: {  	[tilespmem:$0x1E0] =	vst v0  }
0x5c: {  	[tilespmem:s21], [sflag:$0x2] =	stream.indirect.gather [hbm4b:s2+s19], $0x80, s19, s19, $0xb8;
	[tilespmem:$0x10200] =	vst v63  }
0x5d: {  	_ =	swait.ge [sflag:s22], $0x8000  }
0x5e: {  	[sflag:s22] =	ssyncset.done $0x0  }
0x5f: {  	[sflag:s22] =	ssyncadd.s32 $0xFFFF8000  }
0x60: {  	[hbm4b:s7+s1] =	stream.linear.scatter [tilespmem:s20], [sflag:$0x3], $0x8000, $0x38;
	[tilespmem:$0x10200] =	vst v63  }
0x61: {  	_ =	swait.ge [sflag:s23], $0x8000  }
0x62: {  	[sflag:s23] =	ssyncset.done $0x0  }
0x63: {  	[sflag:s23] =	ssyncadd.s32 $0xFFFF8000  }
0x64: {  	[tilespmem:s1], [sflag:$0x5] =	stream.linear.gather [hbm4b:s8+s1], $0x100, $0x38;
	[tilespmem:$0x10200] =	vst v63  }
0x65: {  	_ =	swait.ge [sflag:s18], $0x100  }
0x66: {  	[sflag:s18] =	ssyncset.done $0x0  }
0x67: {  	[sflag:s18] =	ssyncadd.s32 $0xFFFFFF00  }
0x68: {  	v40 =	vld [tilespmem:$0x0]  }
0x69: {  	v41 =	vld [tilespmem:$0x10]  }
0x6a: {  	v42 =	vld [tilespmem:$0x20]  }
0x6b: {  	v43 =	vld [tilespmem:$0x30]  }
0x6c: {  	v45 =	vld [tilespmem:$0x40]  }
0x6d: {  	v47 =	vld [tilespmem:$0x50]  }
0x6e: {  	v49 =	vld [tilespmem:$0x60]  }
0x6f: {  	v51 =	vld [tilespmem:$0x70]  }
0x70: {  	v54 =	vld [tilespmem:$0x80];
	v44 =	vshrl.u32 v40, $0x1;
	v46 =	vshrl.u32 v41, $0x1;
	v0 =	vand.u32 $0x3FFF, v40  }
0x71: {  	v1 =	vand.u32 $0x3FFF, v41;
	v48 =	vshrl.u32 v42, $0x1;
	v2 =	vand.u32 $0x3FFF, v42  }
0x72: {  	v17 =	vld [tilespmem:$0xC0];
	v50 =	vshrl.u32 v43, $0x1;
	v53 =	vshrl.u32 v45, $0x1;
	v3 =	vand.u32 $0x3FFF, v43  }
0x73: {  	v5 =	vand.u32 $0x3FFF, v45;
	v56 =	vshrl.u32 v47, $0x1;
	v59 =	vand.u32 $0x3FFF, v47  }
0x74: {  	v29 =	vld [tilespmem:$0xF0];
	v60 =	vshrl.u32 v49, $0x1;
	v63 =	vshrl.u32 v51, $0x1;
	v12 =	vand.u32 $0x3FFF, v49  }
0x75: {  	v13 =	vand.u32 $0x3FFF, v51;
	v16 =	vshrl.u32 v54, $0x1;
	v4 =	vand.u32 $0x7FFFC000, v44  }
0x76: {  	v57 =	vld [tilespmem:$0x90];
	v18 =	vand.u32 $0x3FFF, v54;
	v6 =	vand.u32 $0x7FFFC000, v46;
	v0 =	vor.u32 v0, v4  }
0x77: {  	v61 =	vld [tilespmem:$0xA0];
	v32 =	vshrl.u32 v17, $0x1;
	v52 =	vand.u32 $0x7FFFC000, v50;
	v1 =	vor.u32 v1, v6;
	[tilespmem:$0x0] =	vst v0  }
0x78: {  	v35 =	vand.u32 $0x3FFF, v17;
	v8 =	vand.u32 $0x7FFFC000, v53;
	v3 =	vor.u32 v3, v52;
	[tilespmem:$0x10] =	vst v1  }
0x79: {  	v42 =	vshrl.u32 v29, $0x1;
	v33 =	vand.u32 $0x7FFFC000, v32;
	v55 =	vor.u32 v5, v8;
	[tilespmem:$0x30] =	vst v3  }
0x7a: {  	v14 =	vld [tilespmem:$0xB0];
	v43 =	vand.u32 $0x7FFFC000, v42;
	v44 =	vand.u32 $0x3FFF, v29;
	v37 =	vor.u32 v35, v33;
	[tilespmem:$0x40] =	vst v55  }
0x7b: {  	v19 =	vshrl.u32 v57, $0x1;
	v4 =	vand.u32 $0x7FFFC000, v48;
	v45 =	vor.u32 v44, v43;
	[tilespmem:$0xC0] =	vst v37  }
0x7c: {  	v20 =	vld [tilespmem:$0xD0];
	v23 =	vshrl.u32 v61, $0x1;
	v58 =	vand.u32 $0x7FFFC000, v56;
	v2 =	vor.u32 v2, v4;
	[tilespmem:$0xF0] =	vst v45  }
0x7d: {  	v24 =	vand.u32 $0x3FFF, v57;
	v62 =	vand.u32 $0x7FFFC000, v60;
	v0 =	vor.u32 v59, v58;
	[tilespmem:$0x20] =	vst v2  }
0x7e: {  	v26 =	vld [tilespmem:$0xE0];
	v25 =	vand.u32 $0x3FFF, v61;
	v5 =	vand.u32 $0x7FFFC000, v63;
	v1 =	vor.u32 v12, v62;
	[tilespmem:$0x50] =	vst v0  }
0x7f: {  	v28 =	vshrl.u32 v14, $0x1;
	v15 =	vor.u32 v13, v5;
	v3 =	vand.u32 $0x7FFFC000, v16;
	[tilespmem:$0x60] =	vst v1  }
0x80: {  	v31 =	vand.u32 $0x3FFF, v14;
	v22 =	vand.u32 $0x7FFFC000, v19;
	v21 =	vor.u32 v18, v3;
	[tilespmem:$0x70] =	vst v15  }
0x81: {  	v34 =	vshrl.u32 v20, $0x1;
	v4 =	vand.u32 $0x7FFFC000, v23;
	v1 =	vor.u32 v24, v22;
	[tilespmem:$0x80] =	vst v21  }
0x82: {  	v36 =	vand.u32 $0x3FFF, v20;
	v30 =	vand.u32 $0x7FFFC000, v28;
	v27 =	vor.u32 v25, v4;
	[tilespmem:$0x90] =	vst v1  }
0x83: {  	v39 =	vshrl.u32 v26, $0x1;
	v0 =	vor.u32 v31, v30;
	v3 =	vand.u32 $0x7FFFC000, v34;
	[tilespmem:$0xA0] =	vst v27  }
0x84: {  	v41 =	vand.u32 $0x3FFF, v26;
	v40 =	vand.u32 $0x7FFFC000, v39;
	[tilespmem:$0xB0] =	vst v0;
	v38 =	vor.u32 v36, v3  }
0x85: {  	v0 =	vor.u32 v41, v40;
	[tilespmem:$0xD0] =	vst v38  }
0x86: {  	[tilespmem:$0xE0] =	vst v0  }
0x87: {  	[tilespmem:s20], [sflag:$0x1] =	stream.indirect.gather [hbm4b:s4+s19], $0x80, s1, s19, $0xb8;
	[tilespmem:$0x10200] =	vst v63  }
0x88: {  	_ =	swait.ge [sflag:s24], $0x8000  }
0x89: {  	[sflag:s24] =	ssyncset.done $0x0  }
0x8a: {  	[sflag:s24] =	ssyncadd.s32 $0xFFFF8000  }
0x8b: {  	[hbm4b:s9+s1] =	stream.linear.scatter [tilespmem:s21], [sflag:$0x4], $0x8000, $0x38;
	[tilespmem:$0x10200] =	vst v63  }
0x8c: {  	_ =	swait.ge [sflag:s25], $0x8000  }
0x8d: {  	[sflag:s25] =	ssyncset.done $0x0  }
0x8e: {  	[sflag:s25] =	ssyncadd.s32 $0xFFFF8000  }
0x8f: {  	[tilespmem:s19], [sflag:$0x5] =	stream.linear.gather [hbm4b:s10+s1], $0x100, $0x38;
	[tilespmem:$0x10200] =	vst v63  }
0x90: {  	_ =	swait.ge [sflag:s18], $0x100  }
0x91: {  	[sflag:s18] =	ssyncset.done $0x0  }
0x92: {  	[sflag:s18] =	ssyncadd.s32 $0xFFFFFF00  }
0x93: {  	v46 =	vld [tilespmem:$0x100]  }
0x94: {  	v47 =	vld [tilespmem:$0x110]  }
0x95: {  	v48 =	vld [tilespmem:$0x120]  }
0x96: {  	v49 =	vld [tilespmem:$0x130]  }
0x97: {  	v51 =	vld [tilespmem:$0x140]  }
0x98: {  	v53 =	vld [tilespmem:$0x150]  }
0x99: {  	v55 =	vld [tilespmem:$0x160]  }
0x9a: {  	v57 =	vld [tilespmem:$0x170]  }
0x9b: {  	v60 =	vld [tilespmem:$0x180];
	v50 =	vshrl.u32 v46, $0x1;
	v52 =	vshrl.u32 v47, $0x1;
	v0 =	vand.u32 $0x3FFF, v46  }
0x9c: {  	v1 =	vand.u32 $0x3FFF, v47;
	v54 =	vshrl.u32 v48, $0x1;
	v2 =	vand.u32 $0x3FFF, v48  }
0x9d: {  	v23 =	vld [tilespmem:$0x1C0];
	v56 =	vshrl.u32 v49, $0x1;
	v59 =	vshrl.u32 v51, $0x1;
	v3 =	vand.u32 $0x3FFF, v49  }
0x9e: {  	v5 =	vand.u32 $0x3FFF, v51;
	v62 =	vshrl.u32 v53, $0x1;
	v13 =	vand.u32 $0x3FFF, v53  }
0x9f: {  	v35 =	vld [tilespmem:$0x1F0];
	v14 =	vshrl.u32 v55, $0x1;
	v17 =	vshrl.u32 v57, $0x1;
	v18 =	vand.u32 $0x3FFF, v55  }
0xa0: {  	v19 =	vand.u32 $0x3FFF, v57;
	v22 =	vshrl.u32 v60, $0x1;
	v4 =	vand.u32 $0x7FFFC000, v50  }
0xa1: {  	v63 =	vld [tilespmem:$0x190];
	v24 =	vand.u32 $0x3FFF, v60;
	v6 =	vand.u32 $0x7FFFC000, v52;
	v0 =	vor.u32 v0, v4  }
0xa2: {  	v15 =	vld [tilespmem:$0x1A0];
	v38 =	vshrl.u32 v23, $0x1;
	v58 =	vand.u32 $0x7FFFC000, v56;
	v1 =	vor.u32 v1, v6;
	[tilespmem:$0x100] =	vst v0  }
0xa3: {  	v41 =	vand.u32 $0x3FFF, v23;
	v8 =	vand.u32 $0x7FFFC000, v59;
	v3 =	vor.u32 v3, v58;
	[tilespmem:$0x110] =	vst v1  }
0xa4: {  	v48 =	vshrl.u32 v35, $0x1;
	v39 =	vand.u32 $0x7FFFC000, v38;
	v61 =	vor.u32 v5, v8;
	[tilespmem:$0x130] =	vst v3  }
0xa5: {  	v20 =	vld [tilespmem:$0x1B0];
	v49 =	vand.u32 $0x7FFFC000, v48;
	v50 =	vand.u32 $0x3FFF, v35;
	v43 =	vor.u32 v41, v39;
	[tilespmem:$0x140] =	vst v61  }
0xa6: {  	v25 =	vshrl.u32 v63, $0x1;
	v4 =	vand.u32 $0x7FFFC000, v54;
	v51 =	vor.u32 v50, v49;
	[tilespmem:$0x1C0] =	vst v43  }
0xa7: {  	v26 =	vld [tilespmem:$0x1D0];
	v29 =	vshrl.u32 v15, $0x1;
	v12 =	vand.u32 $0x7FFFC000, v62;
	v2 =	vor.u32 v2, v4;
	[tilespmem:$0x1F0] =	vst v51  }
0xa8: {  	v30 =	vand.u32 $0x3FFF, v63;
	v16 =	vand.u32 $0x7FFFC000, v14;
	v0 =	vor.u32 v13, v12;
	[tilespmem:$0x120] =	vst v2  }
0xa9: {  	v32 =	vld [tilespmem:$0x1E0];
	v31 =	vand.u32 $0x3FFF, v15;
	v5 =	vand.u32 $0x7FFFC000, v17;
	v1 =	vor.u32 v18, v16;
	[tilespmem:$0x150] =	vst v0  }
0xaa: {  	v34 =	vshrl.u32 v20, $0x1;
	v21 =	vor.u32 v19, v5;
	v3 =	vand.u32 $0x7FFFC000, v22;
	[tilespmem:$0x160] =	vst v1  }
0xab: {  	v37 =	vand.u32 $0x3FFF, v20;
	v28 =	vand.u32 $0x7FFFC000, v25;
	v27 =	vor.u32 v24, v3;
	[tilespmem:$0x170] =	vst v21  }
0xac: {  	v40 =	vshrl.u32 v26, $0x1;
	v4 =	vand.u32 $0x7FFFC000, v29;
	v1 =	vor.u32 v30, v28;
	[tilespmem:$0x180] =	vst v27  }
0xad: {  	v42 =	vand.u32 $0x3FFF, v26;
	v36 =	vand.u32 $0x7FFFC000, v34;
	v33 =	vor.u32 v31, v4;
	[tilespmem:$0x190] =	vst v1  }
0xae: {  	v45 =	vshrl.u32 v32, $0x1;
	v0 =	vor.u32 v37, v36;
	v3 =	vand.u32 $0x7FFFC000, v40;
	[tilespmem:$0x1A0] =	vst v33  }
0xaf: {  	v47 =	vand.u32 $0x3FFF, v32;
	v46 =	vand.u32 $0x7FFFC000, v45;
	[tilespmem:$0x1B0] =	vst v0;
	v44 =	vor.u32 v42, v3  }
0xb0: {  	v0 =	vor.u32 v47, v46;
	[tilespmem:$0x1D0] =	vst v44  }
0xb1: {  	[tilespmem:$0x1E0] =	vst v0  }
0xb2: {  	[tilespmem:s21], [sflag:$0x2] =	stream.indirect.gather [hbm4b:s4+s19], $0x80, s19, s19, $0xb8;
	[tilespmem:$0x10200] =	vst v63  }
0xb3: {  	_ =	swait.ge [sflag:s22], $0x8000  }
0xb4: {  	[sflag:s22] =	ssyncset.done $0x0  }
0xb5: {  	[sflag:s22] =	ssyncadd.s32 $0xFFFF8000  }
0xb6: {  	[hbm4b:s11+s1] =	stream.linear.scatter [tilespmem:s20], [sflag:$0x3], $0x8000, $0x38;
	[tilespmem:$0x10200] =	vst v63  }
0xb7: {  	_ =	swait.ge [sflag:s23], $0x8000  }
0xb8: {  	[sflag:s23] =	ssyncset.done $0x0  }
0xb9: {  	[sflag:s23] =	ssyncadd.s32 $0xFFFF8000  }
0xba: {  	[tilespmem:s1], [sflag:$0x5] =	stream.linear.gather [hbm4b:s12+s1], $0x100, $0x38;
	[tilespmem:$0x10200] =	vst v63  }
0xbb: {  	_ =	swait.ge [sflag:s18], $0x100  }
0xbc: {  	[sflag:s18] =	ssyncset.done $0x0  }
0xbd: {  	[sflag:s18] =	ssyncadd.s32 $0xFFFFFF00  }
0xbe: {  	v52 =	vld [tilespmem:$0x0]  }
0xbf: {  	v53 =	vld [tilespmem:$0x10]  }
0xc0: {  	v54 =	vld [tilespmem:$0x20]  }
0xc1: {  	v55 =	vld [tilespmem:$0x30]  }
0xc2: {  	v57 =	vld [tilespmem:$0x40]  }
0xc3: {  	v59 =	vld [tilespmem:$0x50]  }
0xc4: {  	v61 =	vld [tilespmem:$0x60]  }
0xc5: {  	v63 =	vld [tilespmem:$0x70]  }
0xc6: {  	v14 =	vld [tilespmem:$0x80];
	v56 =	vshrl.u32 v52, $0x1;
	v58 =	vshrl.u32 v53, $0x1;
	v0 =	vand.u32 $0x3FFF, v52  }
0xc7: {  	v1 =	vand.u32 $0x3FFF, v53;
	v60 =	vshrl.u32 v54, $0x1;
	v2 =	vand.u32 $0x3FFF, v54  }
0xc8: {  	v29 =	vld [tilespmem:$0xC0];
	v62 =	vshrl.u32 v55, $0x1;
	v13 =	vshrl.u32 v57, $0x1;
	v3 =	vand.u32 $0x3FFF, v55  }
0xc9: {  	v5 =	vand.u32 $0x3FFF, v57;
	v16 =	vshrl.u32 v59, $0x1;
	v19 =	vand.u32 $0x3FFF, v59  }
0xca: {  	v41 =	vld [tilespmem:$0xF0];
	v20 =	vshrl.u32 v61, $0x1;
	v23 =	vshrl.u32 v63, $0x1;
	v24 =	vand.u32 $0x3FFF, v61  }
0xcb: {  	v25 =	vand.u32 $0x3FFF, v63;
	v28 =	vshrl.u32 v14, $0x1;
	v4 =	vand.u32 $0x7FFFC000, v56  }
0xcc: {  	v17 =	vld [tilespmem:$0x90];
	v30 =	vand.u32 $0x3FFF, v14;
	v6 =	vand.u32 $0x7FFFC000, v58;
	v0 =	vor.u32 v0, v4  }
0xcd: {  	v21 =	vld [tilespmem:$0xA0];
	v44 =	vshrl.u32 v29, $0x1;
	v12 =	vand.u32 $0x7FFFC000, v62;
	v1 =	vor.u32 v1, v6;
	[tilespmem:$0x0] =	vst v0  }
0xce: {  	v47 =	vand.u32 $0x3FFF, v29;
	v8 =	vand.u32 $0x7FFFC000, v13;
	v3 =	vor.u32 v3, v12;
	[tilespmem:$0x10] =	vst v1  }
0xcf: {  	v54 =	vshrl.u32 v41, $0x1;
	v45 =	vand.u32 $0x7FFFC000, v44;
	v15 =	vor.u32 v5, v8;
	[tilespmem:$0x30] =	vst v3  }
0xd0: {  	v26 =	vld [tilespmem:$0xB0];
	v55 =	vand.u32 $0x7FFFC000, v54;
	v56 =	vand.u32 $0x3FFF, v41;
	v49 =	vor.u32 v47, v45;
	[tilespmem:$0x40] =	vst v15  }
0xd1: {  	v31 =	vshrl.u32 v17, $0x1;
	v4 =	vand.u32 $0x7FFFC000, v60;
	v57 =	vor.u32 v56, v55;
	[tilespmem:$0xC0] =	vst v49  }
0xd2: {  	v32 =	vld [tilespmem:$0xD0];
	v35 =	vshrl.u32 v21, $0x1;
	v18 =	vand.u32 $0x7FFFC000, v16;
	v2 =	vor.u32 v2, v4;
	[tilespmem:$0xF0] =	vst v57  }
0xd3: {  	v36 =	vand.u32 $0x3FFF, v17;
	v22 =	vand.u32 $0x7FFFC000, v20;
	v0 =	vor.u32 v19, v18;
	[tilespmem:$0x20] =	vst v2  }
0xd4: {  	v38 =	vld [tilespmem:$0xE0];
	v37 =	vand.u32 $0x3FFF, v21;
	v5 =	vand.u32 $0x7FFFC000, v23;
	v1 =	vor.u32 v24, v22;
	[tilespmem:$0x50] =	vst v0  }
0xd5: {  	v40 =	vshrl.u32 v26, $0x1;
	v27 =	vor.u32 v25, v5;
	v3 =	vand.u32 $0x7FFFC000, v28;
	[tilespmem:$0x60] =	vst v1  }
0xd6: {  	v43 =	vand.u32 $0x3FFF, v26;
	v34 =	vand.u32 $0x7FFFC000, v31;
	v33 =	vor.u32 v30, v3;
	[tilespmem:$0x70] =	vst v27  }
0xd7: {  	v46 =	vshrl.u32 v32, $0x1;
	v4 =	vand.u32 $0x7FFFC000, v35;
	v1 =	vor.u32 v36, v34;
	[tilespmem:$0x80] =	vst v33  }
0xd8: {  	v48 =	vand.u32 $0x3FFF, v32;
	v42 =	vand.u32 $0x7FFFC000, v40;
	v39 =	vor.u32 v37, v4;
	[tilespmem:$0x90] =	vst v1  }
0xd9: {  	v51 =	vshrl.u32 v38, $0x1;
	v0 =	vor.u32 v43, v42;
	v3 =	vand.u32 $0x7FFFC000, v46;
	[tilespmem:$0xA0] =	vst v39  }
0xda: {  	v53 =	vand.u32 $0x3FFF, v38;
	v52 =	vand.u32 $0x7FFFC000, v51;
	[tilespmem:$0xB0] =	vst v0;
	v50 =	vor.u32 v48, v3  }
0xdb: {  	v0 =	vor.u32 v53, v52;
	[tilespmem:$0xD0] =	vst v50  }
0xdc: {  	[tilespmem:$0xE0] =	vst v0  }
0xdd: {  	[tilespmem:s20], [sflag:$0x1] =	stream.indirect.gather [hbm4b:s4+s19], $0x80, s1, s19, $0xb8;
	[tilespmem:$0x10200] =	vst v63  }
0xde: {  	_ =	swait.ge [sflag:s24], $0x8000  }
0xdf: {  	[sflag:s24] =	ssyncset.done $0x0  }
0xe0: {  	[sflag:s24] =	ssyncadd.s32 $0xFFFF8000  }
0xe1: {  	[hbm4b:s13+s1] =	stream.linear.scatter [tilespmem:s21], [sflag:$0x4], $0x8000, $0x38;
	[tilespmem:$0x10200] =	vst v63  }
0xe2: {  	_ =	swait.ge [sflag:s25], $0x8000  }
0xe3: {  	[sflag:s25] =	ssyncset.done $0x0  }
0xe4: {  	[sflag:s25] =	ssyncadd.s32 $0xFFFF8000  }
0xe5: {  	[tilespmem:s19], [sflag:$0x5] =	stream.linear.gather [hbm4b:s14+s1], $0x100, $0x38;
	[tilespmem:$0x10200] =	vst v63  }
0xe6: {  	_ =	swait.ge [sflag:s18], $0x100  }
0xe7: {  	[sflag:s18] =	ssyncset.done $0x0  }
0xe8: {  	[sflag:s18] =	ssyncadd.s32 $0xFFFFFF00  }
0xe9: {  	v58 =	vld [tilespmem:$0x100]  }
0xea: {  	v59 =	vld [tilespmem:$0x110]  }
0xeb: {  	v60 =	vld [tilespmem:$0x120]  }
0xec: {  	v61 =	vld [tilespmem:$0x130]  }
0xed: {  	v63 =	vld [tilespmem:$0x140]  }
0xee: {  	v13 =	vld [tilespmem:$0x150]  }
0xef: {  	v15 =	vld [tilespmem:$0x160]  }
0xf0: {  	v17 =	vld [tilespmem:$0x170]  }
0xf1: {  	v20 =	vld [tilespmem:$0x180];
	v62 =	vshrl.u32 v58, $0x1;
	v12 =	vshrl.u32 v59, $0x1;
	v0 =	vand.u32 $0x3FFF, v58  }
0xf2: {  	v1 =	vand.u32 $0x3FFF, v59;
	v14 =	vshrl.u32 v60, $0x1;
	v2 =	vand.u32 $0x3FFF, v60  }
0xf3: {  	v35 =	vld [tilespmem:$0x1C0];
	v16 =	vshrl.u32 v61, $0x1;
	v19 =	vshrl.u32 v63, $0x1;
	v3 =	vand.u32 $0x3FFF, v61  }
0xf4: {  	v5 =	vand.u32 $0x3FFF, v63;
	v22 =	vshrl.u32 v13, $0x1;
	v25 =	vand.u32 $0x3FFF, v13  }
0xf5: {  	v47 =	vld [tilespmem:$0x1F0];
	v26 =	vshrl.u32 v15, $0x1;
	v29 =	vshrl.u32 v17, $0x1;
	v30 =	vand.u32 $0x3FFF, v15  }
0xf6: {  	v31 =	vand.u32 $0x3FFF, v17;
	v34 =	vshrl.u32 v20, $0x1;
	v4 =	vand.u32 $0x7FFFC000, v62  }
0xf7: {  	v23 =	vld [tilespmem:$0x190];
	v36 =	vand.u32 $0x3FFF, v20;
	v6 =	vand.u32 $0x7FFFC000, v12;
	v0 =	vor.u32 v0, v4  }
0xf8: {  	v27 =	vld [tilespmem:$0x1A0];
	v50 =	vshrl.u32 v35, $0x1;
	v18 =	vand.u32 $0x7FFFC000, v16;
	v1 =	vor.u32 v1, v6;
	[tilespmem:$0x100] =	vst v0  }
0xf9: {  	v53 =	vand.u32 $0x3FFF, v35;
	v8 =	vand.u32 $0x7FFFC000, v19;
	v3 =	vor.u32 v3, v18;
	[tilespmem:$0x110] =	vst v1  }
0xfa: {  	v60 =	vshrl.u32 v47, $0x1;
	v51 =	vand.u32 $0x7FFFC000, v50;
	v21 =	vor.u32 v5, v8;
	[tilespmem:$0x130] =	vst v3  }
0xfb: {  	v32 =	vld [tilespmem:$0x1B0];
	v61 =	vand.u32 $0x7FFFC000, v60;
	v62 =	vand.u32 $0x3FFF, v47;
	v55 =	vor.u32 v53, v51;
	[tilespmem:$0x140] =	vst v21  }
0xfc: {  	v37 =	vshrl.u32 v23, $0x1;
	v4 =	vand.u32 $0x7FFFC000, v14;
	v63 =	vor.u32 v62, v61;
	[tilespmem:$0x1C0] =	vst v55  }
0xfd: {  	v38 =	vld [tilespmem:$0x1D0];
	v41 =	vshrl.u32 v27, $0x1;
	v24 =	vand.u32 $0x7FFFC000, v22;
	v2 =	vor.u32 v2, v4;
	[tilespmem:$0x1F0] =	vst v63  }
0xfe: {  	v42 =	vand.u32 $0x3FFF, v23;
	v28 =	vand.u32 $0x7FFFC000, v26;
	v0 =	vor.u32 v25, v24;
	[tilespmem:$0x120] =	vst v2  }
0xff: {  	v44 =	vld [tilespmem:$0x1E0];
	v43 =	vand.u32 $0x3FFF, v27;
	v5 =	vand.u32 $0x7FFFC000, v29;
	v1 =	vor.u32 v30, v28;
	[tilespmem:$0x150] =	vst v0  }
0x100: {  	v46 =	vshrl.u32 v32, $0x1;
	v33 =	vor.u32 v31, v5;
	v3 =	vand.u32 $0x7FFFC000, v34;
	[tilespmem:$0x160] =	vst v1  }
0x101: {  	v49 =	vand.u32 $0x3FFF, v32;
	v40 =	vand.u32 $0x7FFFC000, v37;
	v39 =	vor.u32 v36, v3;
	[tilespmem:$0x170] =	vst v33  }
0x102: {  	v52 =	vshrl.u32 v38, $0x1;
	v4 =	vand.u32 $0x7FFFC000, v41;
	v1 =	vor.u32 v42, v40;
	[tilespmem:$0x180] =	vst v39  }
0x103: {  	v54 =	vand.u32 $0x3FFF, v38;
	v48 =	vand.u32 $0x7FFFC000, v46;
	v45 =	vor.u32 v43, v4;
	[tilespmem:$0x190] =	vst v1  }
0x104: {  	v57 =	vshrl.u32 v44, $0x1;
	v0 =	vor.u32 v49, v48;
	v3 =	vand.u32 $0x7FFFC000, v52;
	[tilespmem:$0x1A0] =	vst v45  }
0x105: {  	v59 =	vand.u32 $0x3FFF, v44;
	v58 =	vand.u32 $0x7FFFC000, v57;
	[tilespmem:$0x1B0] =	vst v0;
	v56 =	vor.u32 v54, v3  }
0x106: {  	v0 =	vor.u32 v59, v58;
	[tilespmem:$0x1D0] =	vst v56  }
0x107: {  	[tilespmem:$0x1E0] =	vst v0  }
0x108: {  	[tilespmem:s21], [sflag:$0x2] =	stream.indirect.gather [hbm4b:s4+s19], $0x80, s19, s19, $0xb8;
	[tilespmem:$0x10200] =	vst v63  }
0x109: {  	_ =	swait.ge [sflag:s22], $0x8000  }
0x10a: {  	[sflag:s22] =	ssyncset.done $0x0  }
0x10b: {  	[sflag:s22] =	ssyncadd.s32 $0xFFFF8000  }
0x10c: {  	[hbm4b:s15+s1] =	stream.linear.scatter [tilespmem:s20], [sflag:$0x3], $0x8000, $0x38;
	[tilespmem:$0x10200] =	vst v63  }
0x10d: {  	_ =	swait.ge [sflag:s24], $0x8000  }
0x10e: {  	[sflag:s24] =	ssyncset.done $0x0  }
0x10f: {  	[sflag:s24] =	ssyncadd.s32 $0xFFFF8000  }
0x110: {  	[hbm4b:s16+s1] =	stream.linear.scatter [tilespmem:s21], [sflag:$0x4], $0x8000, $0x38;
	[tilespmem:$0x10200] =	vst v63  }
0x111: {  	p0 =	sne.s32 s17, $0x1;
	_ =	swait.ge [sflag:s25], $0x8000  }
.Ltmp0:
0x112: {  	[sflag:s25] =	ssyncset.done $0x0;
	(pc) =	sbr.rel @p0 .LBB2_1-.Ltmp0, $4  }
0x113: {  	[sflag:s25] =	ssyncadd.s32 $0xFFFF8000  }
0x114: {  	_ =	swait.ge [sflag:s23], $0x8000  }
0x115: {  	[sflag:s23] =	ssyncset.done $0x0  }
0x116: {  	s17 =	sadd.s32 $0xFFFFFFFF, s17;
	[sflag:s23] =	ssyncadd.s32 $0xFFFF8000  }
0x117: {  	_ =	sfence.sel $0x180000  }
0x118: {  	[bflag:$0x0] =	sbarrier.arrive $0xFFFF  }
0x119: {  	p0 =	sne.s32 s3, $0x0;
	_ =	strace $0x90000047  }
0x11a: {  	s0 =	sadd.s32 @!p0 $0x100000, s0;
	[bflag:$0x2] =	sbarrier.arrive $0xFFFF  }
0x11b: {  	[sflag:s0] =	ssyncadd.tile.s32 @!p0 $0x1;
	_ =	shalt  }
.Lfunc_end2:
_tile_overlayer_lowered:
.L_overlay_start_2:
0x11c: {  	(tag) =	ssettag $0x2  }
0x11d: {  	s0 =	rddreg [dreg:$0x0];
	s2 =	stileid.u32  }
0x11e: {  	s1 =	rddreg [dreg:$0x1];
	p0 =	sne.s32 s2, $0x0  }
0x11f: {  	s3 =	rddreg [dreg:$0x2];
	[bflag:$0x3] =	sbarrier.arrive $0xFFFF;
	s2 =	simm.s32 @!p0 $0x1C05  }
0x120: {  	[timem:s3], [sflag:s2] =	dma.local @!p0 [hbm:s0], s1  }
0x121: {  	s0 =	simm.s32 @!p0 $0x5  }
0x122: {  	_ =	swait.ge @!p0 [sflag:s0], s1  }
0x123: {  	s1 =	ssub.s32 @!p0 $0x0, s1;
	[sflag:s0] =	ssyncset.done @!p0 $0x0  }
0x124: {  	[sflag:s0] =	ssyncadd.s32 @!p0 s1  }
0x125: {  	[bflag:$0x3] =	sbarrier.arrive $0xFFFF  }
0x126: {  	_ =	shalt  }

</sc_bundles>
